<compile_context>
chip_gen: v7x
topology: tpu7x:2x2x1
jax: 0.10.2.dev20260603
libtpu: 0.0.44.dev20260713+nightly
codegen_flags: <defaults>
</compile_context>

<pallas_src>
import functools

import jax
import jax.numpy as jnp
from jax import lax
from jax.experimental import pallas as pl
from jax.experimental.pallas import tpu as pltpu
from jax.experimental.pallas import tpu_sc as plsc

NC, NS, LANES = 2, 16, 16
NW = NC * NS

B, TL, AL, D = 4096, 200, 20, 64
BPW = B // NW
DC = D // LANES
RB = 2
NBLK = BPW // RB
TUNROLL = 8


def _sc_features(tflat, aflat, table, atable):
  mesh = plsc.VectorSubcoreMesh(
      core_axis_name="c", subcore_axis_name="s", num_cores=NC, num_subcores=NS)

  @functools.partial(
      pl.kernel,
      out_type=jax.ShapeDtypeStruct((B, 2 * D), jnp.float32),
      mesh=mesh,
      scratch_types=[
          pltpu.VMEM((BPW * TL,), jnp.int32),
          pltpu.VMEM((BPW * AL + LANES,), jnp.int32),
          pltpu.VMEM((RB * TL, D), jnp.float32),
          pltpu.VMEM((RB * TL, D), jnp.float32),
          pltpu.VMEM((RB * AL, D), jnp.float32),
          pltpu.VMEM((RB * AL, D), jnp.float32),
          pltpu.VMEM((BPW, 2 * D), jnp.float32),
          pltpu.SemaphoreType.DMA,
          pltpu.SemaphoreType.DMA,
      ],
      compiler_params=pltpu.CompilerParams(
          use_tc_tiling_on_sc=False, needs_layout_passes=False),
  )
  def k(tidx_hbm, aidx_hbm, tab_hbm, atab_hbm, out_hbm,
        idxt, idxa, rt0, rt1, ra0, ra1, outb, sem0, sem1):
    wid = lax.axis_index("s") * NC + lax.axis_index("c")
    base = wid * BPW
    zi = jnp.zeros((LANES,), jnp.int32)
    zf = jnp.zeros((LANES,), jnp.float32)
    lane = lax.iota(jnp.int32, LANES)

    pltpu.sync_copy(tidx_hbm.at[pl.ds(base * TL, BPW * TL)], idxt)
    pltpu.sync_copy(aidx_hbm.at[pl.ds(base * AL, BPW * AL)],
                    idxa.at[pl.ds(0, BPW * AL)])

    def _remap(v):
      return ((v & jnp.int32(-TCH)) | ((v & (TCH // 2 - 1)) << 1)
              | ((v >> TSH) & 1))

    def _rloop(buf, nwords):
      def st(j, c):
        off = pl.multiple_of(j * LANES, LANES)
        buf[pl.ds(off, LANES)] = _remap(buf[pl.ds(off, LANES)])
        return c
      lax.fori_loop(0, nwords // LANES, st, 0)

    _rloop(idxt, BPW * TL)
    _rloop(idxa, BPW * AL)

    def issue(blk, rt, ra, sem):
      ot = pl.multiple_of(blk * (RB * TL), RB * TL)
      oa = pl.multiple_of(blk * (RB * AL), RB * AL)
      pltpu.async_copy(tab_hbm.at[idxt.at[pl.ds(ot, RB * TL)]], rt, sem)
      pltpu.async_copy(atab_hbm.at[idxa.at[pl.ds(oa, RB * AL)]], ra, sem)

    def drain(rt, ra, sem):
      pltpu.make_async_copy(
          tab_hbm.at[idxt.at[pl.ds(0, RB * TL)]], rt, sem).wait()
      pltpu.make_async_copy(
          atab_hbm.at[idxa.at[pl.ds(0, RB * AL)]], ra, sem).wait()

    def nzcount(v, m=None):
      nz = v != 0
      if m is not None:
        nz = jnp.logical_and(nz, m)
      return plsc.all_reduce_population_count(nz)

    def compute(blk, rt, ra):
      oa = pl.multiple_of(blk * (RB * AL), RB * AL)
      a0 = idxa[pl.ds(oa, LANES)]
      a1 = idxa[pl.ds(oa + 16, LANES)]
      a2 = idxa[pl.ds(oa + 32, LANES)]
      la_r = (nzcount(a0) + nzcount(a1, lane < 4),
              nzcount(a1, lane >= 4) + nzcount(a2, lane < 8))

      for r in range(RB):
        b = blk * RB + r
        ot = pl.multiple_of(b * TL, TL)
        lt = zi
        for c in range(TL // LANES):
          lt = lt + nzcount(idxt[pl.ds(ot + c * LANES, LANES)])
        lt = lt + nzcount(idxt[pl.ds(ot + TL - LANES, LANES)], lane >= 8)
        la = la_r[r]

        def tstep(j, accs):
          accs = list(accs)
          for u in range(TUNROLL):
            p = j * TUNROLL + u
            m = lt > p
            for d in range(DC):
              v = rt[r * TL + p, pl.ds(d * LANES, LANES)]
              accs[d] = accs[d] + jnp.where(m, v, 0.0)
          return tuple(accs)
        acc_t = list(lax.fori_loop(0, TL // TUNROLL, tstep, (zf,) * DC))

        acc_a = [zf] * DC
        for p in range(AL):
          m = la > p
          for d in range(DC):
            v = ra[r * AL + p, pl.ds(d * LANES, LANES)]
            acc_a[d] = acc_a[d] + jnp.where(m, v, 0.0)

        inv_t = 1.0 / jnp.maximum(lt.astype(jnp.float32), 1.0)
        inv_a = 1.0 / jnp.maximum(la.astype(jnp.float32), 1.0)
        for d in range(DC):
          outb[b, pl.ds(d * LANES, LANES)] = acc_t[d] * inv_t
          outb[b, pl.ds(D + d * LANES, LANES)] = acc_a[d] * inv_a

    issue(0, rt0, ra0, sem0)

    def body(i, carry):
      blk = 2 * i
      drain(rt0, ra0, sem0)
      issue(blk + 1, rt1, ra1, sem1)
      compute(blk, rt0, ra0)
      drain(rt1, ra1, sem1)

      @pl.when(blk + 2 < NBLK)
      def _():
        issue(blk + 2, rt0, ra0, sem0)
      compute(blk + 1, rt1, ra1)
      return carry

    lax.fori_loop(0, NBLK // 2, body, 0)
    pltpu.sync_copy(outb, out_hbm.at[pl.ds(base, BPW)])

  return k(tflat, aflat, table, atable)


TCH = 16384
TSH = 13


def _tc_transpose(t_view):
  v = t_view.shape[1]
  nblk = (v + TCH - 1) // TCH

  def body(in_ref, out_ref):
    t = in_ref[...].T
    out_ref[...] = jnp.concatenate([t[:TCH // 2], t[TCH // 2:]], axis=-1)

  out = pl.pallas_call(
      body,
      grid=(nblk,),
      in_specs=[pl.BlockSpec((D, TCH), lambda g: (0, g))],
      out_specs=pl.BlockSpec((TCH // 2, 2 * D), lambda g: (g, 0)),
      out_shape=jax.ShapeDtypeStruct((nblk * TCH // 2, 2 * D), jnp.float32),
  )(t_view)
  return out.reshape(nblk * TCH, D)


def _tc_logits(feat, w, bias):
  def body(f_ref, w_ref, b_ref, o_ref):
    o_ref[...] = lax.dot_general(
        f_ref[...], w_ref[...], (((1,), (1,)), ((), ())),
        preferred_element_type=jnp.float32,
        precision=lax.Precision.HIGHEST) + b_ref[...]

  return pl.pallas_call(
      body,
      out_shape=jax.ShapeDtypeStruct((B, w.shape[0]), jnp.float32),
  )(feat, w, bias.reshape(1, -1))


def kernel(text_raw_indices, aspect_indices, embedding_matrix,
           aspect_embedding_matrix, W, b):
  tflat = text_raw_indices.astype(jnp.int32).reshape(-1)
  aflat = aspect_indices.astype(jnp.int32).reshape(-1)
  table = _tc_transpose(embedding_matrix.T)
  atable = _tc_transpose(aspect_embedding_matrix.T)
  feat = _sc_features(tflat, aflat, table, atable)
  return _tc_logits(feat, W, b)

# --- scband reference (transcript-rebuilt; emitter-appended) ---
"""Pipeline reference for scband-aecontext-avg-54958401519964 (READ-ONLY COPY).

The authoritative reference and input builder live on the scoring server;
editing this copy changes nothing except your own understanding.
"""

import jax, jax.numpy as jnp
import numpy as np

VOCAB = 1000000
EMBED_DIM = 64
POLARITIES = 3
BATCH = 4096
TEXT_LEN = 200
ASPECT_LEN = 20


def setup_inputs(seed: int = 0) -> dict:
    key = jax.random.key(seed)
    k1, k2, k3, k4, k5, k6 = jax.random.split(key, 6)
    text_raw_indices = jax.random.randint(k1, (BATCH, TEXT_LEN), 0, VOCAB, dtype=jnp.int64 if jax.config.jax_enable_x64 else jnp.int32)
    aspect_indices = jax.random.randint(k2, (BATCH, ASPECT_LEN), 0, VOCAB, dtype=jnp.int64 if jax.config.jax_enable_x64 else jnp.int32)
    embedding_matrix = jax.random.normal(k3, (VOCAB, EMBED_DIM), dtype=jnp.float32) * 0.02
    aspect_embedding_matrix = jax.random.normal(k4, (VOCAB, EMBED_DIM), dtype=jnp.float32) * 0.02
    W = jax.random.normal(k5, (POLARITIES, EMBED_DIM * 2), dtype=jnp.float32) * 0.02
    b = jax.random.normal(k6, (POLARITIES,), dtype=jnp.float32) * 0.02
    return {
        "text_raw_indices": text_raw_indices,
        "aspect_indices": aspect_indices,
        "embedding_matrix": embedding_matrix,
        "aspect_embedding_matrix": aspect_embedding_matrix,
        "W": W,
        "b": b,
    }


def _masked_avg(table, indices):
    # embedding gather (SparseCore-friendly)
    x = jnp.take(table, indices, axis=0)  # [B, L, D]
    x_len = jnp.sum(indices != 0, axis=-1)  # [B]
    L = indices.shape[1]
    # SqueezeEmbedding packs first x_len tokens and zero-pads the rest:
    mask = (jnp.arange(L)[None, :] < x_len[:, None]).astype(x.dtype)  # [B, L]
    summed = jnp.sum(x * mask[:, :, None], axis=1)  # [B, D]
    return summed / jnp.maximum(x_len, 1)[:, None].astype(jnp.float32)


def reference(text_raw_indices, aspect_indices, embedding_matrix, aspect_embedding_matrix, W, b):
    output = _masked_avg(embedding_matrix, text_raw_indices)  # [B, D]
    aspect_emb = _masked_avg(aspect_embedding_matrix, aspect_indices)  # [B, D]
    cat = jnp.concatenate([output, aspect_emb], axis=1)  # [B, 2D]
    # dropout is identity in eval; args.softmax == False so no softmax
    logits = cat @ W.T + b  # [B, polarities]
    return logits

if __name__ == "__main__":
    import jax
    _d = setup_inputs()
    print(jax.jit(kernel)(*tuple(_d.values())))

</pallas_src>

<mosaic_0001>
#map = affine_map<(d0, d1) -> (0)>
#map1 = affine_map<(d0, d1) -> (0, 0)>
module attributes {stable_mosaic.version = 14 : i64} {
  func.func @k(%arg0: i32, %arg1: i32, %arg2: memref<819200xi32, #tpu.memory_space<hbm>>, %arg3: memref<81920xi32, #tpu.memory_space<hbm>>, %arg4: memref<1015808x64xf32, #tpu.memory_space<hbm>>, %arg5: memref<1015808x64xf32, #tpu.memory_space<hbm>>, %arg6: memref<4096x128xf32, #tpu.memory_space<hbm>>, %arg7: memref<25600xi32, #tpu.memory_space<vmem>>, %arg8: memref<2576xi32, #tpu.memory_space<vmem>>, %arg9: memref<400x64xf32, #tpu.memory_space<vmem>>, %arg10: memref<400x64xf32, #tpu.memory_space<vmem>>, %arg11: memref<40x64xf32, #tpu.memory_space<vmem>>, %arg12: memref<40x64xf32, #tpu.memory_space<vmem>>, %arg13: memref<128x128xf32, #tpu.memory_space<vmem>>, %arg14: memref<!tpu.dma_semaphore, #tpu.memory_space<semaphore_mem>>, %arg15: memref<!tpu.dma_semaphore, #tpu.memory_space<semaphore_mem>>) attributes {dimension_semantics = [#tpu.dimension_semantics<core_parallel>, #tpu.dimension_semantics<subcore_parallel>], iteration_bounds = array<i64: 2, 16>, scalar_prefetch = 0 : i64, scratch_operands = 9 : i64, tpu.core_type = #tpu.core_type<sc_vector_subcore>, window_params = [{transform_indices = #map}, {transform_indices = #map}, {transform_indices = #map1}, {transform_indices = #map1}, {transform_indices = #map1}]} {
    %mul3A = arith.constant 2 : i32
    %mul3A_0 = arith.muli %arg1, %mul3A : i32
    %add3A = arith.addi %mul3A_0, %arg0 : i32
    %mul3A_1 = arith.constant 128 : i32
    %mul3A_2 = arith.muli %add3A, %mul3A_1 : i32
    %broadcast_in_dim3A = arith.constant 0 : i32
    %broadcast_in_dim3A_3 = vector.broadcast %broadcast_in_dim3A : i32 to vector<16xi32>
    %broadcast_in_dim3A_4 = arith.constant 0.000000e+00 : f32
    %broadcast_in_dim3A_5 = vector.broadcast %broadcast_in_dim3A_4 : f32 to vector<16xf32>
    %iota3A = tpu.iota {dimensions = array<i32: 0>} : vector<16xi32>
    %mul3A_6 = arith.constant 200 : i32
    %mul3A_7 = arith.muli %mul3A_2, %mul3A_6 : i32
    "tpu.region"() ({
      %run_scoped3A = tpu.sem_alloc : memref<!tpu.dma_semaphore, #tpu.memory_space<semaphore_mem>>
      %dma_start3A_37 = tpu.memref_slice %arg2[%mul3A_7] : memref<819200xi32, #tpu.memory_space<hbm>> -> memref<25600xi32, #tpu.memory_space<hbm>>
      %dma_start3A_38 = tpu.memref_slice %arg2[%mul3A_7] : memref<819200xi32, #tpu.memory_space<hbm>> -> memref<25600xi32, #tpu.memory_space<hbm>>
      tpu.enqueue_dma source(%dma_start3A_38 : memref<25600xi32, #tpu.memory_space<hbm>>) target(%arg7 : memref<25600xi32, #tpu.memory_space<vmem>>) target_semaphore(%run_scoped3A : memref<!tpu.dma_semaphore, #tpu.memory_space<semaphore_mem>>)
      %dma_wait3A = tpu.memref_slice %arg2[%mul3A_7] : memref<819200xi32, #tpu.memory_space<hbm>> -> memref<25600xi32, #tpu.memory_space<hbm>>
      %dma_wait3A_39 = tpu.memref_slice %arg2[%mul3A_7] : memref<819200xi32, #tpu.memory_space<hbm>> -> memref<25600xi32, #tpu.memory_space<hbm>>
      tpu.wait_dma2 semaphore(%run_scoped3A : memref<!tpu.dma_semaphore, #tpu.memory_space<semaphore_mem>>) src(%dma_wait3A_39 : memref<25600xi32, #tpu.memory_space<hbm>>) dst(%arg7 : memref<25600xi32, #tpu.memory_space<vmem>>)
      tpu.yield
    }) : () -> ()
    %mul3A_8 = arith.constant 20 : i32
    %mul3A_9 = arith.muli %mul3A_2, %mul3A_8 : i32
    "tpu.region"() ({
      %run_scoped3A = tpu.sem_alloc : memref<!tpu.dma_semaphore, #tpu.memory_space<semaphore_mem>>
      %dma_start3A_37 = arith.constant 0 : i32
      %dma_start3A_38 = tpu.memref_slice %arg8[%dma_start3A_37] : memref<2576xi32, #tpu.memory_space<vmem>> -> memref<2560xi32, #tpu.memory_space<vmem>>
      %dma_start3A_39 = tpu.memref_slice %arg3[%mul3A_9] : memref<81920xi32, #tpu.memory_space<hbm>> -> memref<2560xi32, #tpu.memory_space<hbm>>
      %dma_start3A_40 = arith.constant 0 : i32
      %dma_start3A_41 = tpu.memref_slice %arg8[%dma_start3A_40] : memref<2576xi32, #tpu.memory_space<vmem>> -> memref<2560xi32, #tpu.memory_space<vmem>>
      %dma_start3A_42 = tpu.memref_slice %arg3[%mul3A_9] : memref<81920xi32, #tpu.memory_space<hbm>> -> memref<2560xi32, #tpu.memory_space<hbm>>
      tpu.enqueue_dma source(%dma_start3A_42 : memref<2560xi32, #tpu.memory_space<hbm>>) target(%dma_start3A_41 : memref<2560xi32, #tpu.memory_space<vmem>>) target_semaphore(%run_scoped3A : memref<!tpu.dma_semaphore, #tpu.memory_space<semaphore_mem>>)
      %dma_wait3A = arith.constant 0 : i32
      %dma_wait3A_43 = tpu.memref_slice %arg8[%dma_wait3A] : memref<2576xi32, #tpu.memory_space<vmem>> -> memref<2560xi32, #tpu.memory_space<vmem>>
      %dma_wait3A_44 = tpu.memref_slice %arg3[%mul3A_9] : memref<81920xi32, #tpu.memory_space<hbm>> -> memref<2560xi32, #tpu.memory_space<hbm>>
      %dma_wait3A_45 = arith.constant 0 : i32
      %dma_wait3A_46 = tpu.memref_slice %arg8[%dma_wait3A_45] : memref<2576xi32, #tpu.memory_space<vmem>> -> memref<2560xi32, #tpu.memory_space<vmem>>
      %dma_wait3A_47 = tpu.memref_slice %arg3[%mul3A_9] : memref<81920xi32, #tpu.memory_space<hbm>> -> memref<2560xi32, #tpu.memory_space<hbm>>
      tpu.wait_dma2 semaphore(%run_scoped3A : memref<!tpu.dma_semaphore, #tpu.memory_space<semaphore_mem>>) src(%dma_wait3A_47 : memref<2560xi32, #tpu.memory_space<hbm>>) dst(%dma_wait3A_46 : memref<2560xi32, #tpu.memory_space<vmem>>)
      tpu.yield
    }) : () -> ()
    %scan3A = arith.constant 0 : i32
    %scan3A_10 = arith.constant 0 : i32
    %scan3A_11 = arith.constant 1600 : i32
    %scan3A_12 = arith.addi %scan3A_10, %scan3A_11 : i32
    %scan3A_13 = arith.constant 1 : i32
    scf.for %scan3A_37 = %scan3A_10 to %scan3A_12 step %scan3A_13  : i32 {
      %mul3A_38 = arith.constant 16 : i32
      %mul3A_39 = arith.muli %scan3A_37, %mul3A_38 : i32
      %multiple_of3A_40 = tpu.assume_multiple %mul3A_39, 16 : i32
      %get3A = arith.index_cast %multiple_of3A_40 : i32 to index
      %get3A_41 = tpu.vector_load %arg7[%get3A] {strides = array<i32>} : memref<25600xi32, #tpu.memory_space<vmem>>, vector<16xi32>,
      %and3A = arith.constant -16384 : i32
      %and3A_42 = vector.broadcast %and3A : i32 to vector<16xi32>
      %and3A_43 = arith.andi %get3A_41, %and3A_42 : vector<16xi32>
      %and3A_44 = arith.constant 8191 : i32
      %and3A_45 = vector.broadcast %and3A_44 : i32 to vector<16xi32>
      %and3A_46 = arith.andi %get3A_41, %and3A_45 : vector<16xi32>
      %shift_left3A = arith.constant 1 : i32
      %shift_left3A_47 = vector.broadcast %shift_left3A : i32 to vector<16xi32>
      %shift_left3A_48 = arith.shli %and3A_46, %shift_left3A_47 : vector<16xi32>
      %or3A = arith.ori %and3A_43, %shift_left3A_48 : vector<16xi32>
      %shift_right_arithmetic3A = arith.constant 13 : i32
      %shift_right_arithmetic3A_49 = vector.broadcast %shift_right_arithmetic3A : i32 to vector<16xi32>
      %shift_right_arithmetic3A_50 = arith.shrsi %get3A_41, %shift_right_arithmetic3A_49 : vector<16xi32>
      %and3A_51 = arith.constant 1 : i32
      %and3A_52 = vector.broadcast %and3A_51 : i32 to vector<16xi32>
      %and3A_53 = arith.andi %shift_right_arithmetic3A_50, %and3A_52 : vector<16xi32>
      %or3A_54 = arith.ori %or3A, %and3A_53 : vector<16xi32>
      %swap3A = arith.index_cast %multiple_of3A_40 : i32 to index
      %swap3A_55 = tpu.vector_load %arg7[%swap3A] {strides = array<i32>} : memref<25600xi32, #tpu.memory_space<vmem>>, vector<16xi32>,
      tpu.vector_store %arg7[%swap3A], %or3A_54 {strides = array<i32>} : memref<25600xi32, #tpu.memory_space<vmem>>, vector<16xi32>,
    }
    %scan3A_14 = arith.constant 1600 : i32
    %scan3A_15 = arith.constant 0 : i32
    %scan3A_16 = arith.constant 0 : i32
    %scan3A_17 = arith.constant 160 : i32
    %scan3A_18 = arith.addi %scan3A_16, %scan3A_17 : i32
    %scan3A_19 = arith.constant 1 : i32
    scf.for %scan3A_37 = %scan3A_16 to %scan3A_18 step %scan3A_19  : i32 {
      %mul3A_38 = arith.constant 16 : i32
      %mul3A_39 = arith.muli %scan3A_37, %mul3A_38 : i32
      %multiple_of3A_40 = tpu.assume_multiple %mul3A_39, 16 : i32
      %get3A = arith.index_cast %multiple_of3A_40 : i32 to index
      %get3A_41 = tpu.vector_load %arg8[%get3A] {strides = array<i32>} : memref<2576xi32, #tpu.memory_space<vmem>>, vector<16xi32>,
      %and3A = arith.constant -16384 : i32
      %and3A_42 = vector.broadcast %and3A : i32 to vector<16xi32>
      %and3A_43 = arith.andi %get3A_41, %and3A_42 : vector<16xi32>
      %and3A_44 = arith.constant 8191 : i32
      %and3A_45 = vector.broadcast %and3A_44 : i32 to vector<16xi32>
      %and3A_46 = arith.andi %get3A_41, %and3A_45 : vector<16xi32>
      %shift_left3A = arith.constant 1 : i32
      %shift_left3A_47 = vector.broadcast %shift_left3A : i32 to vector<16xi32>
      %shift_left3A_48 = arith.shli %and3A_46, %shift_left3A_47 : vector<16xi32>
      %or3A = arith.ori %and3A_43, %shift_left3A_48 : vector<16xi32>
      %shift_right_arithmetic3A = arith.constant 13 : i32
      %shift_right_arithmetic3A_49 = vector.broadcast %shift_right_arithmetic3A : i32 to vector<16xi32>
      %shift_right_arithmetic3A_50 = arith.shrsi %get3A_41, %shift_right_arithmetic3A_49 : vector<16xi32>
      %and3A_51 = arith.constant 1 : i32
      %and3A_52 = vector.broadcast %and3A_51 : i32 to vector<16xi32>
      %and3A_53 = arith.andi %shift_right_arithmetic3A_50, %and3A_52 : vector<16xi32>
      %or3A_54 = arith.ori %or3A, %and3A_53 : vector<16xi32>
      %swap3A = arith.index_cast %multiple_of3A_40 : i32 to index
      %swap3A_55 = tpu.vector_load %arg8[%swap3A] {strides = array<i32>} : memref<2576xi32, #tpu.memory_space<vmem>>, vector<16xi32>,
      tpu.vector_store %arg8[%swap3A], %or3A_54 {strides = array<i32>} : memref<2576xi32, #tpu.memory_space<vmem>>, vector<16xi32>,
    }
    %scan3A_20 = arith.constant 160 : i32
    %multiple_of3A = arith.constant 0 : i32
    %multiple_of3A_21 = tpu.assume_multiple %multiple_of3A, 400 : i32
    %multiple_of3A_22 = arith.constant 0 : i32
    %multiple_of3A_23 = tpu.assume_multiple %multiple_of3A_22, 40 : i32
    %dma_start3A = tpu.memref_slice %arg7[%multiple_of3A_21] : memref<25600xi32, #tpu.memory_space<vmem>> -> memref<400xi32, #tpu.memory_space<vmem>>
    %dma_start3A_24 = arith.constant 0 : i32
    %dma_start3A_25 = arith.constant 0 : i32
    %dma_start3A_26 = tpu.memref_slice %arg4[%dma_start3A_24, %dma_start3A_25] : memref<1015808x64xf32, #tpu.memory_space<hbm>> -> memref<1015808x64xf32, #tpu.memory_space<hbm>>
    tpu.enqueue_indirect_dma source(%dma_start3A_26 : memref<1015808x64xf32, #tpu.memory_space<hbm>>) target(%arg9 : memref<400x64xf32, #tpu.memory_space<vmem>>) offsets(%dma_start3A : memref<400xi32, #tpu.memory_space<vmem>>) semaphore(%arg14 : memref<!tpu.dma_semaphore, #tpu.memory_space<semaphore_mem>>)
    %dma_start3A_27 = tpu.memref_slice %arg8[%multiple_of3A_23] : memref<2576xi32, #tpu.memory_space<vmem>> -> memref<40xi32, #tpu.memory_space<vmem>>
    %dma_start3A_28 = arith.constant 0 : i32
    %dma_start3A_29 = arith.constant 0 : i32
    %dma_start3A_30 = tpu.memref_slice %arg5[%dma_start3A_28, %dma_start3A_29] : memref<1015808x64xf32, #tpu.memory_space<hbm>> -> memref<1015808x64xf32, #tpu.memory_space<hbm>>
    tpu.enqueue_indirect_dma source(%dma_start3A_30 : memref<1015808x64xf32, #tpu.memory_space<hbm>>) target(%arg11 : memref<40x64xf32, #tpu.memory_space<vmem>>) offsets(%dma_start3A_27 : memref<40xi32, #tpu.memory_space<vmem>>) semaphore(%arg14 : memref<!tpu.dma_semaphore, #tpu.memory_space<semaphore_mem>>)
    %scan3A_31 = arith.constant 0 : i32
    %scan3A_32 = arith.constant 0 : i32
    %scan3A_33 = arith.constant 32 : i32
    %scan3A_34 = arith.addi %scan3A_32, %scan3A_33 : i32
    %scan3A_35 = arith.constant 1 : i32
    scf.for %scan3A_37 = %scan3A_32 to %scan3A_34 step %scan3A_35  : i32 {
      %mul3A_38 = arith.constant 2 : i32
      %mul3A_39 = arith.muli %mul3A_38, %scan3A_37 : i32
      %dma_wait3A = arith.constant 0 : i32
      %dma_wait3A_40 = tpu.memref_slice %arg7[%dma_wait3A] : memref<25600xi32, #tpu.memory_space<vmem>> -> memref<400xi32, #tpu.memory_space<vmem>>
      %dma_wait3A_41 = arith.constant 0 : i32
      %dma_wait3A_42 = arith.constant 0 : i32
      %dma_wait3A_43 = tpu.memref_slice %arg4[%dma_wait3A_41, %dma_wait3A_42] : memref<1015808x64xf32, #tpu.memory_space<hbm>> -> memref<1015808x64xf32, #tpu.memory_space<hbm>>
      tpu.wait_indirect_dma semaphore(%arg14 : memref<!tpu.dma_semaphore, #tpu.memory_space<semaphore_mem>>) src(%dma_wait3A_43 : memref<1015808x64xf32, #tpu.memory_space<hbm>>) dst(%arg9 : memref<400x64xf32, #tpu.memory_space<vmem>>)
      %dma_wait3A_44 = arith.constant 0 : i32
      %dma_wait3A_45 = tpu.memref_slice %arg8[%dma_wait3A_44] : memref<2576xi32, #tpu.memory_space<vmem>> -> memref<40xi32, #tpu.memory_space<vmem>>
      %dma_wait3A_46 = arith.constant 0 : i32
      %dma_wait3A_47 = arith.constant 0 : i32
      %dma_wait3A_48 = tpu.memref_slice %arg5[%dma_wait3A_46, %dma_wait3A_47] : memref<1015808x64xf32, #tpu.memory_space<hbm>> -> memref<1015808x64xf32, #tpu.memory_space<hbm>>
      tpu.wait_indirect_dma semaphore(%arg14 : memref<!tpu.dma_semaphore, #tpu.memory_space<semaphore_mem>>) src(%dma_wait3A_48 : memref<1015808x64xf32, #tpu.memory_space<hbm>>) dst(%arg11 : memref<40x64xf32, #tpu.memory_space<vmem>>)
      %add3A_49 = arith.constant 1 : i32
      %add3A_50 = arith.addi %mul3A_39, %add3A_49 : i32
      %mul3A_51 = arith.constant 400 : i32
      %mul3A_52 = arith.muli %add3A_50, %mul3A_51 : i32
      %multiple_of3A_53 = tpu.assume_multiple %mul3A_52, 400 : i32
      %mul3A_54 = arith.constant 40 : i32
      %mul3A_55 = arith.muli %add3A_50, %mul3A_54 : i32
      %multiple_of3A_56 = tpu.assume_multiple %mul3A_55, 40 : i32
      %dma_start3A_57 = tpu.memref_slice %arg7[%multiple_of3A_53] : memref<25600xi32, #tpu.memory_space<vmem>> -> memref<400xi32, #tpu.memory_space<vmem>>
      %dma_start3A_58 = arith.constant 0 : i32
      %dma_start3A_59 = arith.constant 0 : i32
      %dma_start3A_60 = tpu.memref_slice %arg4[%dma_start3A_58, %dma_start3A_59] : memref<1015808x64xf32, #tpu.memory_space<hbm>> -> memref<1015808x64xf32, #tpu.memory_space<hbm>>
      tpu.enqueue_indirect_dma source(%dma_start3A_60 : memref<1015808x64xf32, #tpu.memory_space<hbm>>) target(%arg10 : memref<400x64xf32, #tpu.memory_space<vmem>>) offsets(%dma_start3A_57 : memref<400xi32, #tpu.memory_space<vmem>>) semaphore(%arg15 : memref<!tpu.dma_semaphore, #tpu.memory_space<semaphore_mem>>)
      %dma_start3A_61 = tpu.memref_slice %arg8[%multiple_of3A_56] : memref<2576xi32, #tpu.memory_space<vmem>> -> memref<40xi32, #tpu.memory_space<vmem>>
      %dma_start3A_62 = arith.constant 0 : i32
      %dma_start3A_63 = arith.constant 0 : i32
      %dma_start3A_64 = tpu.memref_slice %arg5[%dma_start3A_62, %dma_start3A_63] : memref<1015808x64xf32, #tpu.memory_space<hbm>> -> memref<1015808x64xf32, #tpu.memory_space<hbm>>
      tpu.enqueue_indirect_dma source(%dma_start3A_64 : memref<1015808x64xf32, #tpu.memory_space<hbm>>) target(%arg12 : memref<40x64xf32, #tpu.memory_space<vmem>>) offsets(%dma_start3A_61 : memref<40xi32, #tpu.memory_space<vmem>>) semaphore(%arg15 : memref<!tpu.dma_semaphore, #tpu.memory_space<semaphore_mem>>)
      %mul3A_65 = arith.constant 40 : i32
      %mul3A_66 = arith.muli %mul3A_39, %mul3A_65 : i32
      %multiple_of3A_67 = tpu.assume_multiple %mul3A_66, 40 : i32
      %get3A = arith.index_cast %multiple_of3A_67 : i32 to index
      %get3A_68 = tpu.vector_load %arg8[%get3A] {strides = array<i32>} : memref<2576xi32, #tpu.memory_space<vmem>>, vector<16xi32>,
      %add3A_69 = arith.constant 16 : i32
      %add3A_70 = arith.addi %multiple_of3A_67, %add3A_69 : i32
      %get3A_71 = arith.index_cast %add3A_70 : i32 to index
      %get3A_72 = tpu.vector_load %arg8[%get3A_71] {strides = array<i32>} : memref<2576xi32, #tpu.memory_space<vmem>>, vector<16xi32>,
      %add3A_73 = arith.constant 32 : i32
      %add3A_74 = arith.addi %multiple_of3A_67, %add3A_73 : i32
      %get3A_75 = arith.index_cast %add3A_74 : i32 to index
      %get3A_76 = tpu.vector_load %arg8[%get3A_75] {strides = array<i32>} : memref<2576xi32, #tpu.memory_space<vmem>>, vector<16xi32>,
      %ne3A = arith.constant 0 : i32
      %ne3A_77 = vector.broadcast %ne3A : i32 to vector<16xi32>
      %ne3A_78 = arith.cmpi ne, %get3A_68, %ne3A_77 : vector<16xi32>
      %all_reduce_population_count3A = tpu.all_reduce %ne3A_78 {dim = 0 : i64, kind = #tpu.reduction_kind<sum>} : vector<16xi1> -> vector<16xi32>
      %lt3A = arith.constant 4 : i32
      %lt3A_79 = vector.broadcast %lt3A : i32 to vector<16xi32>
      %lt3A_80 = arith.cmpi slt, %iota3A, %lt3A_79 : vector<16xi32>
      %ne3A_81 = arith.constant 0 : i32
      %ne3A_82 = vector.broadcast %ne3A_81 : i32 to vector<16xi32>
      %ne3A_83 = arith.cmpi ne, %get3A_72, %ne3A_82 : vector<16xi32>
      %and3A = arith.andi %ne3A_83, %lt3A_80 : vector<16xi1>
      %all_reduce_population_count3A_84 = tpu.all_reduce %and3A {dim = 0 : i64, kind = #tpu.reduction_kind<sum>} : vector<16xi1> -> vector<16xi32>
      %add3A_85 = arith.addi %all_reduce_population_count3A, %all_reduce_population_count3A_84 : vector<16xi32>
      %ge3A = arith.constant 4 : i32
      %ge3A_86 = vector.broadcast %ge3A : i32 to vector<16xi32>
      %ge3A_87 = arith.cmpi sge, %iota3A, %ge3A_86 : vector<16xi32>
      %ne3A_88 = arith.constant 0 : i32
      %ne3A_89 = vector.broadcast %ne3A_88 : i32 to vector<16xi32>
      %ne3A_90 = arith.cmpi ne, %get3A_72, %ne3A_89 : vector<16xi32>
      %and3A_91 = arith.andi %ne3A_90, %ge3A_87 : vector<16xi1>
      %all_reduce_population_count3A_92 = tpu.all_reduce %and3A_91 {dim = 0 : i64, kind = #tpu.reduction_kind<sum>} : vector<16xi1> -> vector<16xi32>
      %lt3A_93 = arith.constant 8 : i32
      %lt3A_94 = vector.broadcast %lt3A_93 : i32 to vector<16xi32>
      %lt3A_95 = arith.cmpi slt, %iota3A, %lt3A_94 : vector<16xi32>
      %ne3A_96 = arith.constant 0 : i32
      %ne3A_97 = vector.broadcast %ne3A_96 : i32 to vector<16xi32>
      %ne3A_98 = arith.cmpi ne, %get3A_76, %ne3A_97 : vector<16xi32>
      %and3A_99 = arith.andi %ne3A_98, %lt3A_95 : vector<16xi1>
      %all_reduce_population_count3A_100 = tpu.all_reduce %and3A_99 {dim = 0 : i64, kind = #tpu.reduction_kind<sum>} : vector<16xi1> -> vector<16xi32>
      %add3A_101 = arith.addi %all_reduce_population_count3A_92, %all_reduce_population_count3A_100 : vector<16xi32>
      %mul3A_102 = arith.constant 2 : i32
      %mul3A_103 = arith.muli %mul3A_39, %mul3A_102 : i32
      %add3A_104 = arith.constant 0 : i32
      %add3A_105 = arith.addi %mul3A_103, %add3A_104 : i32
      %mul3A_106 = arith.constant 200 : i32
      %mul3A_107 = arith.muli %add3A_105, %mul3A_106 : i32
      %multiple_of3A_108 = tpu.assume_multiple %mul3A_107, 200 : i32
      %add3A_109 = arith.constant 0 : i32
      %add3A_110 = arith.addi %multiple_of3A_108, %add3A_109 : i32
      %get3A_111 = arith.index_cast %add3A_110 : i32 to index
      %get3A_112 = tpu.vector_load %arg7[%get3A_111] {strides = array<i32>} : memref<25600xi32, #tpu.memory_space<vmem>>, vector<16xi32>,
      %ne3A_113 = arith.constant 0 : i32
      %ne3A_114 = vector.broadcast %ne3A_113 : i32 to vector<16xi32>
      %ne3A_115 = arith.cmpi ne, %get3A_112, %ne3A_114 : vector<16xi32>
      %all_reduce_population_count3A_116 = tpu.all_reduce %ne3A_115 {dim = 0 : i64, kind = #tpu.reduction_kind<sum>} : vector<16xi1> -> vector<16xi32>
      %add3A_117 = arith.addi %broadcast_in_dim3A_3, %all_reduce_population_count3A_116 : vector<16xi32>
      %add3A_118 = arith.constant 16 : i32
      %add3A_119 = arith.addi %multiple_of3A_108, %add3A_118 : i32
      %get3A_120 = arith.index_cast %add3A_119 : i32 to index
      %get3A_121 = tpu.vector_load %arg7[%get3A_120] {strides = array<i32>} : memref<25600xi32, #tpu.memory_space<vmem>>, vector<16xi32>,
      %ne3A_122 = arith.constant 0 : i32
      %ne3A_123 = vector.broadcast %ne3A_122 : i32 to vector<16xi32>
      %ne3A_124 = arith.cmpi ne, %get3A_121, %ne3A_123 : vector<16xi32>
      %all_reduce_population_count3A_125 = tpu.all_reduce %ne3A_124 {dim = 0 : i64, kind = #tpu.reduction_kind<sum>} : vector<16xi1> -> vector<16xi32>
      %add3A_126 = arith.addi %add3A_117, %all_reduce_population_count3A_125 : vector<16xi32>
      %add3A_127 = arith.constant 32 : i32
      %add3A_128 = arith.addi %multiple_of3A_108, %add3A_127 : i32
      %get3A_129 = arith.index_cast %add3A_128 : i32 to index
      %get3A_130 = tpu.vector_load %arg7[%get3A_129] {strides = array<i32>} : memref<25600xi32, #tpu.memory_space<vmem>>, vector<16xi32>,
      %ne3A_131 = arith.constant 0 : i32
      %ne3A_132 = vector.broadcast %ne3A_131 : i32 to vector<16xi32>
      %ne3A_133 = arith.cmpi ne, %get3A_130, %ne3A_132 : vector<16xi32>
      %all_reduce_population_count3A_134 = tpu.all_reduce %ne3A_133 {dim = 0 : i64, kind = #tpu.reduction_kind<sum>} : vector<16xi1> -> vector<16xi32>
      %add3A_135 = arith.addi %add3A_126, %all_reduce_population_count3A_134 : vector<16xi32>
      %add3A_136 = arith.constant 48 : i32
      %add3A_137 = arith.addi %multiple_of3A_108, %add3A_136 : i32
      %get3A_138 = arith.index_cast %add3A_137 : i32 to index
      %get3A_139 = tpu.vector_load %arg7[%get3A_138] {strides = array<i32>} : memref<25600xi32, #tpu.memory_space<vmem>>, vector<16xi32>,
      %ne3A_140 = arith.constant 0 : i32
      %ne3A_141 = vector.broadcast %ne3A_140 : i32 to vector<16xi32>
      %ne3A_142 = arith.cmpi ne, %get3A_139, %ne3A_141 : vector<16xi32>
      %all_reduce_population_count3A_143 = tpu.all_reduce %ne3A_142 {dim = 0 : i64, kind = #tpu.reduction_kind<sum>} : vector<16xi1> -> vector<16xi32>
      %add3A_144 = arith.addi %add3A_135, %all_reduce_population_count3A_143 : vector<16xi32>
      %add3A_145 = arith.constant 64 : i32
      %add3A_146 = arith.addi %multiple_of3A_108, %add3A_145 : i32
      %get3A_147 = arith.index_cast %add3A_146 : i32 to index
      %get3A_148 = tpu.vector_load %arg7[%get3A_147] {strides = array<i32>} : memref<25600xi32, #tpu.memory_space<vmem>>, vector<16xi32>,
      %ne3A_149 = arith.constant 0 : i32
      %ne3A_150 = vector.broadcast %ne3A_149 : i32 to vector<16xi32>
      %ne3A_151 = arith.cmpi ne, %get3A_148, %ne3A_150 : vector<16xi32>
      %all_reduce_population_count3A_152 = tpu.all_reduce %ne3A_151 {dim = 0 : i64, kind = #tpu.reduction_kind<sum>} : vector<16xi1> -> vector<16xi32>
      %add3A_153 = arith.addi %add3A_144, %all_reduce_population_count3A_152 : vector<16xi32>
      %add3A_154 = arith.constant 80 : i32
      %add3A_155 = arith.addi %multiple_of3A_108, %add3A_154 : i32
      %get3A_156 = arith.index_cast %add3A_155 : i32 to index
      %get3A_157 = tpu.vector_load %arg7[%get3A_156] {strides = array<i32>} : memref<25600xi32, #tpu.memory_space<vmem>>, vector<16xi32>,
      %ne3A_158 = arith.constant 0 : i32
      %ne3A_159 = vector.broadcast %ne3A_158 : i32 to vector<16xi32>
      %ne3A_160 = arith.cmpi ne, %get3A_157, %ne3A_159 : vector<16xi32>
      %all_reduce_population_count3A_161 = tpu.all_reduce %ne3A_160 {dim = 0 : i64, kind = #tpu.reduction_kind<sum>} : vector<16xi1> -> vector<16xi32>
      %add3A_162 = arith.addi %add3A_153, %all_reduce_population_count3A_161 : vector<16xi32>
      %add3A_163 = arith.constant 96 : i32
      %add3A_164 = arith.addi %multiple_of3A_108, %add3A_163 : i32
      %get3A_165 = arith.index_cast %add3A_164 : i32 to index
      %get3A_166 = tpu.vector_load %arg7[%get3A_165] {strides = array<i32>} : memref<25600xi32, #tpu.memory_space<vmem>>, vector<16xi32>,
      %ne3A_167 = arith.constant 0 : i32
      %ne3A_168 = vector.broadcast %ne3A_167 : i32 to vector<16xi32>
      %ne3A_169 = arith.cmpi ne, %get3A_166, %ne3A_168 : vector<16xi32>
      %all_reduce_population_count3A_170 = tpu.all_reduce %ne3A_169 {dim = 0 : i64, kind = #tpu.reduction_kind<sum>} : vector<16xi1> -> vector<16xi32>
      %add3A_171 = arith.addi %add3A_162, %all_reduce_population_count3A_170 : vector<16xi32>
      %add3A_172 = arith.constant 112 : i32
      %add3A_173 = arith.addi %multiple_of3A_108, %add3A_172 : i32
      %get3A_174 = arith.index_cast %add3A_173 : i32 to index
      %get3A_175 = tpu.vector_load %arg7[%get3A_174] {strides = array<i32>} : memref<25600xi32, #tpu.memory_space<vmem>>, vector<16xi32>,
      %ne3A_176 = arith.constant 0 : i32
      %ne3A_177 = vector.broadcast %ne3A_176 : i32 to vector<16xi32>
      %ne3A_178 = arith.cmpi ne, %get3A_175, %ne3A_177 : vector<16xi32>
      %all_reduce_population_count3A_179 = tpu.all_reduce %ne3A_178 {dim = 0 : i64, kind = #tpu.reduction_kind<sum>} : vector<16xi1> -> vector<16xi32>
      %add3A_180 = arith.addi %add3A_171, %all_reduce_population_count3A_179 : vector<16xi32>
      %add3A_181 = arith.constant 128 : i32
      %add3A_182 = arith.addi %multiple_of3A_108, %add3A_181 : i32
      %get3A_183 = arith.index_cast %add3A_182 : i32 to index
      %get3A_184 = tpu.vector_load %arg7[%get3A_183] {strides = array<i32>} : memref<25600xi32, #tpu.memory_space<vmem>>, vector<16xi32>,
      %ne3A_185 = arith.constant 0 : i32
      %ne3A_186 = vector.broadcast %ne3A_185 : i32 to vector<16xi32>
      %ne3A_187 = arith.cmpi ne, %get3A_184, %ne3A_186 : vector<16xi32>
      %all_reduce_population_count3A_188 = tpu.all_reduce %ne3A_187 {dim = 0 : i64, kind = #tpu.reduction_kind<sum>} : vector<16xi1> -> vector<16xi32>
      %add3A_189 = arith.addi %add3A_180, %all_reduce_population_count3A_188 : vector<16xi32>
      %add3A_190 = arith.constant 144 : i32
      %add3A_191 = arith.addi %multiple_of3A_108, %add3A_190 : i32
      %get3A_192 = arith.index_cast %add3A_191 : i32 to index
      %get3A_193 = tpu.vector_load %arg7[%get3A_192] {strides = array<i32>} : memref<25600xi32, #tpu.memory_space<vmem>>, vector<16xi32>,
      %ne3A_194 = arith.constant 0 : i32
      %ne3A_195 = vector.broadcast %ne3A_194 : i32 to vector<16xi32>
      %ne3A_196 = arith.cmpi ne, %get3A_193, %ne3A_195 : vector<16xi32>
      %all_reduce_population_count3A_197 = tpu.all_reduce %ne3A_196 {dim = 0 : i64, kind = #tpu.reduction_kind<sum>} : vector<16xi1> -> vector<16xi32>
      %add3A_198 = arith.addi %add3A_189, %all_reduce_population_count3A_197 : vector<16xi32>
      %add3A_199 = arith.constant 160 : i32
      %add3A_200 = arith.addi %multiple_of3A_108, %add3A_199 : i32
      %get3A_201 = arith.index_cast %add3A_200 : i32 to index
      %get3A_202 = tpu.vector_load %arg7[%get3A_201] {strides = array<i32>} : memref<25600xi32, #tpu.memory_space<vmem>>, vector<16xi32>,
      %ne3A_203 = arith.constant 0 : i32
      %ne3A_204 = vector.broadcast %ne3A_203 : i32 to vector<16xi32>
      %ne3A_205 = arith.cmpi ne, %get3A_202, %ne3A_204 : vector<16xi32>
      %all_reduce_population_count3A_206 = tpu.all_reduce %ne3A_205 {dim = 0 : i64, kind = #tpu.reduction_kind<sum>} : vector<16xi1> -> vector<16xi32>
      %add3A_207 = arith.addi %add3A_198, %all_reduce_population_count3A_206 : vector<16xi32>
      %add3A_208 = arith.constant 176 : i32
      %add3A_209 = arith.addi %multiple_of3A_108, %add3A_208 : i32
      %get3A_210 = arith.index_cast %add3A_209 : i32 to index
      %get3A_211 = tpu.vector_load %arg7[%get3A_210] {strides = array<i32>} : memref<25600xi32, #tpu.memory_space<vmem>>, vector<16xi32>,
      %ne3A_212 = arith.constant 0 : i32
      %ne3A_213 = vector.broadcast %ne3A_212 : i32 to vector<16xi32>
      %ne3A_214 = arith.cmpi ne, %get3A_211, %ne3A_213 : vector<16xi32>
      %all_reduce_population_count3A_215 = tpu.all_reduce %ne3A_214 {dim = 0 : i64, kind = #tpu.reduction_kind<sum>} : vector<16xi1> -> vector<16xi32>
      %add3A_216 = arith.addi %add3A_207, %all_reduce_population_count3A_215 : vector<16xi32>
      %add3A_217 = arith.constant 200 : i32
      %add3A_218 = arith.addi %multiple_of3A_108, %add3A_217 : i32
      %sub3A = arith.constant 16 : i32
      %sub3A_219 = arith.subi %add3A_218, %sub3A : i32
      %get3A_220 = arith.index_cast %sub3A_219 : i32 to index
      %get3A_221 = tpu.vector_load %arg7[%get3A_220] {strides = array<i32>} : memref<25600xi32, #tpu.memory_space<vmem>>, vector<16xi32>,
      %ge3A_222 = arith.constant 8 : i32
      %ge3A_223 = vector.broadcast %ge3A_222 : i32 to vector<16xi32>
      %ge3A_224 = arith.cmpi sge, %iota3A, %ge3A_223 : vector<16xi32>
      %ne3A_225 = arith.constant 0 : i32
      %ne3A_226 = vector.broadcast %ne3A_225 : i32 to vector<16xi32>
      %ne3A_227 = arith.cmpi ne, %get3A_221, %ne3A_226 : vector<16xi32>
      %and3A_228 = arith.andi %ne3A_227, %ge3A_224 : vector<16xi1>
      %all_reduce_population_count3A_229 = tpu.all_reduce %and3A_228 {dim = 0 : i64, kind = #tpu.reduction_kind<sum>} : vector<16xi1> -> vector<16xi32>
      %add3A_230 = arith.addi %add3A_216, %all_reduce_population_count3A_229 : vector<16xi32>
      %scan3A_231 = arith.constant 0 : i32
      %scan3A_232 = arith.constant 25 : i32
      %scan3A_233 = arith.addi %scan3A_231, %scan3A_232 : i32
      %scan3A_234 = arith.constant 1 : i32
      %scan3A_235:4 = scf.for %scan3A_3683 = %scan3A_231 to %scan3A_233 step %scan3A_234 iter_args(%scan3A_3684 = %broadcast_in_dim3A_5, %scan3A_3685 = %broadcast_in_dim3A_5, %scan3A_3686 = %broadcast_in_dim3A_5, %scan3A_3687 = %broadcast_in_dim3A_5) -> (vector<16xf32>, vector<16xf32>, vector<16xf32>, vector<16xf32>)  : i32 {
        %mul3A_3688 = arith.constant 8 : i32
        %mul3A_3689 = arith.muli %scan3A_3683, %mul3A_3688 : i32
        %add3A_3690 = arith.constant 0 : i32
        %add3A_3691 = arith.addi %mul3A_3689, %add3A_3690 : i32
        %gt3A_3692 = vector.broadcast %add3A_3691 : i32 to vector<16xi32>
        %gt3A_3693 = arith.cmpi sgt, %add3A_230, %gt3A_3692 : vector<16xi32>
        %add3A_3694 = arith.constant 0 : i32
        %add3A_3695 = arith.addi %add3A_3694, %add3A_3691 : i32
        %get3A_3696 = arith.index_cast %add3A_3695 : i32 to index
        %get3A_3697 = arith.constant 0 : index
        %get3A_3698 = tpu.vector_load %arg9[%get3A_3696, %get3A_3697] {strides = array<i32>} : memref<400x64xf32, #tpu.memory_space<vmem>>, vector<16xf32>,
        %jit3A_3699 = arith.constant 0.000000e+00 : f32
        %broadcast_in_dim3A_3700 = vector.broadcast %jit3A_3699 : f32 to vector<16xf32>
        %select_n3A_3701 = arith.select %gt3A_3693, %get3A_3698, %broadcast_in_dim3A_3700 : vector<16xi1>, vector<16xf32>
        %add3A_3702 = arith.addf %scan3A_3684, %select_n3A_3701 : vector<16xf32>
        %add3A_3703 = arith.constant 0 : i32
        %add3A_3704 = arith.addi %add3A_3703, %add3A_3691 : i32
        %get3A_3705 = arith.index_cast %add3A_3704 : i32 to index
        %get3A_3706 = arith.constant 16 : index
        %get3A_3707 = tpu.vector_load %arg9[%get3A_3705, %get3A_3706] {strides = array<i32>} : memref<400x64xf32, #tpu.memory_space<vmem>>, vector<16xf32>,
        %jit3A_3708 = arith.constant 0.000000e+00 : f32
        %broadcast_in_dim3A_3709 = vector.broadcast %jit3A_3708 : f32 to vector<16xf32>
        %select_n3A_3710 = arith.select %gt3A_3693, %get3A_3707, %broadcast_in_dim3A_3709 : vector<16xi1>, vector<16xf32>
        %add3A_3711 = arith.addf %scan3A_3685, %select_n3A_3710 : vector<16xf32>
        %add3A_3712 = arith.constant 0 : i32
        %add3A_3713 = arith.addi %add3A_3712, %add3A_3691 : i32
        %get3A_3714 = arith.index_cast %add3A_3713 : i32 to index
        %get3A_3715 = arith.constant 32 : index
        %get3A_3716 = tpu.vector_load %arg9[%get3A_3714, %get3A_3715] {strides = array<i32>} : memref<400x64xf32, #tpu.memory_space<vmem>>, vector<16xf32>,
        %jit3A_3717 = arith.constant 0.000000e+00 : f32
        %broadcast_in_dim3A_3718 = vector.broadcast %jit3A_3717 : f32 to vector<16xf32>
        %select_n3A_3719 = arith.select %gt3A_3693, %get3A_3716, %broadcast_in_dim3A_3718 : vector<16xi1>, vector<16xf32>
        %add3A_3720 = arith.addf %scan3A_3686, %select_n3A_3719 : vector<16xf32>
        %add3A_3721 = arith.constant 0 : i32
        %add3A_3722 = arith.addi %add3A_3721, %add3A_3691 : i32
        %get3A_3723 = arith.index_cast %add3A_3722 : i32 to index
        %get3A_3724 = arith.constant 48 : index
        %get3A_3725 = tpu.vector_load %arg9[%get3A_3723, %get3A_3724] {strides = array<i32>} : memref<400x64xf32, #tpu.memory_space<vmem>>, vector<16xf32>,
        %jit3A_3726 = arith.constant 0.000000e+00 : f32
        %broadcast_in_dim3A_3727 = vector.broadcast %jit3A_3726 : f32 to vector<16xf32>
        %select_n3A_3728 = arith.select %gt3A_3693, %get3A_3725, %broadcast_in_dim3A_3727 : vector<16xi1>, vector<16xf32>
        %add3A_3729 = arith.addf %scan3A_3687, %select_n3A_3728 : vector<16xf32>
        %mul3A_3730 = arith.constant 8 : i32
        %mul3A_3731 = arith.muli %scan3A_3683, %mul3A_3730 : i32
        %add3A_3732 = arith.constant 1 : i32
        %add3A_3733 = arith.addi %mul3A_3731, %add3A_3732 : i32
        %gt3A_3734 = vector.broadcast %add3A_3733 : i32 to vector<16xi32>
        %gt3A_3735 = arith.cmpi sgt, %add3A_230, %gt3A_3734 : vector<16xi32>
        %add3A_3736 = arith.constant 0 : i32
        %add3A_3737 = arith.addi %add3A_3736, %add3A_3733 : i32
        %get3A_3738 = arith.index_cast %add3A_3737 : i32 to index
        %get3A_3739 = arith.constant 0 : index
        %get3A_3740 = tpu.vector_load %arg9[%get3A_3738, %get3A_3739] {strides = array<i32>} : memref<400x64xf32, #tpu.memory_space<vmem>>, vector<16xf32>,
        %jit3A_3741 = arith.constant 0.000000e+00 : f32
        %broadcast_in_dim3A_3742 = vector.broadcast %jit3A_3741 : f32 to vector<16xf32>
        %select_n3A_3743 = arith.select %gt3A_3735, %get3A_3740, %broadcast_in_dim3A_3742 : vector<16xi1>, vector<16xf32>
        %add3A_3744 = arith.addf %add3A_3702, %select_n3A_3743 : vector<16xf32>
        %add3A_3745 = arith.constant 0 : i32
        %add3A_3746 = arith.addi %add3A_3745, %add3A_3733 : i32
        %get3A_3747 = arith.index_cast %add3A_3746 : i32 to index
        %get3A_3748 = arith.constant 16 : index
        %get3A_3749 = tpu.vector_load %arg9[%get3A_3747, %get3A_3748] {strides = array<i32>} : memref<400x64xf32, #tpu.memory_space<vmem>>, vector<16xf32>,
        %jit3A_3750 = arith.constant 0.000000e+00 : f32
        %broadcast_in_dim3A_3751 = vector.broadcast %jit3A_3750 : f32 to vector<16xf32>
        %select_n3A_3752 = arith.select %gt3A_3735, %get3A_3749, %broadcast_in_dim3A_3751 : vector<16xi1>, vector<16xf32>
        %add3A_3753 = arith.addf %add3A_3711, %select_n3A_3752 : vector<16xf32>
        %add3A_3754 = arith.constant 0 : i32
        %add3A_3755 = arith.addi %add3A_3754, %add3A_3733 : i32
        %get3A_3756 = arith.index_cast %add3A_3755 : i32 to index
        %get3A_3757 = arith.constant 32 : index
        %get3A_3758 = tpu.vector_load %arg9[%get3A_3756, %get3A_3757] {strides = array<i32>} : memref<400x64xf32, #tpu.memory_space<vmem>>, vector<16xf32>,
        %jit3A_3759 = arith.constant 0.000000e+00 : f32
        %broadcast_in_dim3A_3760 = vector.broadcast %jit3A_3759 : f32 to vector<16xf32>
        %select_n3A_3761 = arith.select %gt3A_3735, %get3A_3758, %broadcast_in_dim3A_3760 : vector<16xi1>, vector<16xf32>
        %add3A_3762 = arith.addf %add3A_3720, %select_n3A_3761 : vector<16xf32>
        %add3A_3763 = arith.constant 0 : i32
        %add3A_3764 = arith.addi %add3A_3763, %add3A_3733 : i32
        %get3A_3765 = arith.index_cast %add3A_3764 : i32 to index
        %get3A_3766 = arith.constant 48 : index
        %get3A_3767 = tpu.vector_load %arg9[%get3A_3765, %get3A_3766] {strides = array<i32>} : memref<400x64xf32, #tpu.memory_space<vmem>>, vector<16xf32>,
        %jit3A_3768 = arith.constant 0.000000e+00 : f32
        %broadcast_in_dim3A_3769 = vector.broadcast %jit3A_3768 : f32 to vector<16xf32>
        %select_n3A_3770 = arith.select %gt3A_3735, %get3A_3767, %broadcast_in_dim3A_3769 : vector<16xi1>, vector<16xf32>
        %add3A_3771 = arith.addf %add3A_3729, %select_n3A_3770 : vector<16xf32>
        %mul3A_3772 = arith.constant 8 : i32
        %mul3A_3773 = arith.muli %scan3A_3683, %mul3A_3772 : i32
        %add3A_3774 = arith.constant 2 : i32
        %add3A_3775 = arith.addi %mul3A_3773, %add3A_3774 : i32
        %gt3A_3776 = vector.broadcast %add3A_3775 : i32 to vector<16xi32>
        %gt3A_3777 = arith.cmpi sgt, %add3A_230, %gt3A_3776 : vector<16xi32>
        %add3A_3778 = arith.constant 0 : i32
        %add3A_3779 = arith.addi %add3A_3778, %add3A_3775 : i32
        %get3A_3780 = arith.index_cast %add3A_3779 : i32 to index
        %get3A_3781 = arith.constant 0 : index
        %get3A_3782 = tpu.vector_load %arg9[%get3A_3780, %get3A_3781] {strides = array<i32>} : memref<400x64xf32, #tpu.memory_space<vmem>>, vector<16xf32>,
        %jit3A_3783 = arith.constant 0.000000e+00 : f32
        %broadcast_in_dim3A_3784 = vector.broadcast %jit3A_3783 : f32 to vector<16xf32>
        %select_n3A_3785 = arith.select %gt3A_3777, %get3A_3782, %broadcast_in_dim3A_3784 : vector<16xi1>, vector<16xf32>
        %add3A_3786 = arith.addf %add3A_3744, %select_n3A_3785 : vector<16xf32>
        %add3A_3787 = arith.constant 0 : i32
        %add3A_3788 = arith.addi %add3A_3787, %add3A_3775 : i32
        %get3A_3789 = arith.index_cast %add3A_3788 : i32 to index
        %get3A_3790 = arith.constant 16 : index
        %get3A_3791 = tpu.vector_load %arg9[%get3A_3789, %get3A_3790] {strides = array<i32>} : memref<400x64xf32, #tpu.memory_space<vmem>>, vector<16xf32>,
        %jit3A_3792 = arith.constant 0.000000e+00 : f32
        %broadcast_in_dim3A_3793 = vector.broadcast %jit3A_3792 : f32 to vector<16xf32>
        %select_n3A_3794 = arith.select %gt3A_3777, %get3A_3791, %broadcast_in_dim3A_3793 : vector<16xi1>, vector<16xf32>
        %add3A_3795 = arith.addf %add3A_3753, %select_n3A_3794 : vector<16xf32>
        %add3A_3796 = arith.constant 0 : i32
        %add3A_3797 = arith.addi %add3A_3796, %add3A_3775 : i32
        %get3A_3798 = arith.index_cast %add3A_3797 : i32 to index
        %get3A_3799 = arith.constant 32 : index
        %get3A_3800 = tpu.vector_load %arg9[%get3A_3798, %get3A_3799] {strides = array<i32>} : memref<400x64xf32, #tpu.memory_space<vmem>>, vector<16xf32>,
        %jit3A_3801 = arith.constant 0.000000e+00 : f32
        %broadcast_in_dim3A_3802 = vector.broadcast %jit3A_3801 : f32 to vector<16xf32>
        %select_n3A_3803 = arith.select %gt3A_3777, %get3A_3800, %broadcast_in_dim3A_3802 : vector<16xi1>, vector<16xf32>
        %add3A_3804 = arith.addf %add3A_3762, %select_n3A_3803 : vector<16xf32>
        %add3A_3805 = arith.constant 0 : i32
        %add3A_3806 = arith.addi %add3A_3805, %add3A_3775 : i32
        %get3A_3807 = arith.index_cast %add3A_3806 : i32 to index
        %get3A_3808 = arith.constant 48 : index
        %get3A_3809 = tpu.vector_load %arg9[%get3A_3807, %get3A_3808] {strides = array<i32>} : memref<400x64xf32, #tpu.memory_space<vmem>>, vector<16xf32>,
        %jit3A_3810 = arith.constant 0.000000e+00 : f32
        %broadcast_in_dim3A_3811 = vector.broadcast %jit3A_3810 : f32 to vector<16xf32>
        %select_n3A_3812 = arith.select %gt3A_3777, %get3A_3809, %broadcast_in_dim3A_3811 : vector<16xi1>, vector<16xf32>
        %add3A_3813 = arith.addf %add3A_3771, %select_n3A_3812 : vector<16xf32>
        %mul3A_3814 = arith.constant 8 : i32
        %mul3A_3815 = arith.muli %scan3A_3683, %mul3A_3814 : i32
        %add3A_3816 = arith.constant 3 : i32
        %add3A_3817 = arith.addi %mul3A_3815, %add3A_3816 : i32
        %gt3A_3818 = vector.broadcast %add3A_3817 : i32 to vector<16xi32>
        %gt3A_3819 = arith.cmpi sgt, %add3A_230, %gt3A_3818 : vector<16xi32>
        %add3A_3820 = arith.constant 0 : i32
        %add3A_3821 = arith.addi %add3A_3820, %add3A_3817 : i32
        %get3A_3822 = arith.index_cast %add3A_3821 : i32 to index
        %get3A_3823 = arith.constant 0 : index
        %get3A_3824 = tpu.vector_load %arg9[%get3A_3822, %get3A_3823] {strides = array<i32>} : memref<400x64xf32, #tpu.memory_space<vmem>>, vector<16xf32>,
        %jit3A_3825 = arith.constant 0.000000e+00 : f32
        %broadcast_in_dim3A_3826 = vector.broadcast %jit3A_3825 : f32 to vector<16xf32>
        %select_n3A_3827 = arith.select %gt3A_3819, %get3A_3824, %broadcast_in_dim3A_3826 : vector<16xi1>, vector<16xf32>
        %add3A_3828 = arith.addf %add3A_3786, %select_n3A_3827 : vector<16xf32>
        %add3A_3829 = arith.constant 0 : i32
        %add3A_3830 = arith.addi %add3A_3829, %add3A_3817 : i32
        %get3A_3831 = arith.index_cast %add3A_3830 : i32 to index
        %get3A_3832 = arith.constant 16 : index
        %get3A_3833 = tpu.vector_load %arg9[%get3A_3831, %get3A_3832] {strides = array<i32>} : memref<400x64xf32, #tpu.memory_space<vmem>>, vector<16xf32>,
        %jit3A_3834 = arith.constant 0.000000e+00 : f32
        %broadcast_in_dim3A_3835 = vector.broadcast %jit3A_3834 : f32 to vector<16xf32>
        %select_n3A_3836 = arith.select %gt3A_3819, %get3A_3833, %broadcast_in_dim3A_3835 : vector<16xi1>, vector<16xf32>
        %add3A_3837 = arith.addf %add3A_3795, %select_n3A_3836 : vector<16xf32>
        %add3A_3838 = arith.constant 0 : i32
        %add3A_3839 = arith.addi %add3A_3838, %add3A_3817 : i32
        %get3A_3840 = arith.index_cast %add3A_3839 : i32 to index
        %get3A_3841 = arith.constant 32 : index
        %get3A_3842 = tpu.vector_load %arg9[%get3A_3840, %get3A_3841] {strides = array<i32>} : memref<400x64xf32, #tpu.memory_space<vmem>>, vector<16xf32>,
        %jit3A_3843 = arith.constant 0.000000e+00 : f32
        %broadcast_in_dim3A_3844 = vector.broadcast %jit3A_3843 : f32 to vector<16xf32>
        %select_n3A_3845 = arith.select %gt3A_3819, %get3A_3842, %broadcast_in_dim3A_3844 : vector<16xi1>, vector<16xf32>
        %add3A_3846 = arith.addf %add3A_3804, %select_n3A_3845 : vector<16xf32>
        %add3A_3847 = arith.constant 0 : i32
        %add3A_3848 = arith.addi %add3A_3847, %add3A_3817 : i32
        %get3A_3849 = arith.index_cast %add3A_3848 : i32 to index
        %get3A_3850 = arith.constant 48 : index
        %get3A_3851 = tpu.vector_load %arg9[%get3A_3849, %get3A_3850] {strides = array<i32>} : memref<400x64xf32, #tpu.memory_space<vmem>>, vector<16xf32>,
        %jit3A_3852 = arith.constant 0.000000e+00 : f32
        %broadcast_in_dim3A_3853 = vector.broadcast %jit3A_3852 : f32 to vector<16xf32>
        %select_n3A_3854 = arith.select %gt3A_3819, %get3A_3851, %broadcast_in_dim3A_3853 : vector<16xi1>, vector<16xf32>
        %add3A_3855 = arith.addf %add3A_3813, %select_n3A_3854 : vector<16xf32>
        %mul3A_3856 = arith.constant 8 : i32
        %mul3A_3857 = arith.muli %scan3A_3683, %mul3A_3856 : i32
        %add3A_3858 = arith.constant 4 : i32
        %add3A_3859 = arith.addi %mul3A_3857, %add3A_3858 : i32
        %gt3A_3860 = vector.broadcast %add3A_3859 : i32 to vector<16xi32>
        %gt3A_3861 = arith.cmpi sgt, %add3A_230, %gt3A_3860 : vector<16xi32>
        %add3A_3862 = arith.constant 0 : i32
        %add3A_3863 = arith.addi %add3A_3862, %add3A_3859 : i32
        %get3A_3864 = arith.index_cast %add3A_3863 : i32 to index
        %get3A_3865 = arith.constant 0 : index
        %get3A_3866 = tpu.vector_load %arg9[%get3A_3864, %get3A_3865] {strides = array<i32>} : memref<400x64xf32, #tpu.memory_space<vmem>>, vector<16xf32>,
        %jit3A_3867 = arith.constant 0.000000e+00 : f32
        %broadcast_in_dim3A_3868 = vector.broadcast %jit3A_3867 : f32 to vector<16xf32>
        %select_n3A_3869 = arith.select %gt3A_3861, %get3A_3866, %broadcast_in_dim3A_3868 : vector<16xi1>, vector<16xf32>
        %add3A_3870 = arith.addf %add3A_3828, %select_n3A_3869 : vector<16xf32>
        %add3A_3871 = arith.constant 0 : i32
        %add3A_3872 = arith.addi %add3A_3871, %add3A_3859 : i32
        %get3A_3873 = arith.index_cast %add3A_3872 : i32 to index
        %get3A_3874 = arith.constant 16 : index
        %get3A_3875 = tpu.vector_load %arg9[%get3A_3873, %get3A_3874] {strides = array<i32>} : memref<400x64xf32, #tpu.memory_space<vmem>>, vector<16xf32>,
        %jit3A_3876 = arith.constant 0.000000e+00 : f32
        %broadcast_in_dim3A_3877 = vector.broadcast %jit3A_3876 : f32 to vector<16xf32>
        %select_n3A_3878 = arith.select %gt3A_3861, %get3A_3875, %broadcast_in_dim3A_3877 : vector<16xi1>, vector<16xf32>
        %add3A_3879 = arith.addf %add3A_3837, %select_n3A_3878 : vector<16xf32>
        %add3A_3880 = arith.constant 0 : i32
        %add3A_3881 = arith.addi %add3A_3880, %add3A_3859 : i32
        %get3A_3882 = arith.index_cast %add3A_3881 : i32 to index
        %get3A_3883 = arith.constant 32 : index
        %get3A_3884 = tpu.vector_load %arg9[%get3A_3882, %get3A_3883] {strides = array<i32>} : memref<400x64xf32, #tpu.memory_space<vmem>>, vector<16xf32>,
        %jit3A_3885 = arith.constant 0.000000e+00 : f32
        %broadcast_in_dim3A_3886 = vector.broadcast %jit3A_3885 : f32 to vector<16xf32>
        %select_n3A_3887 = arith.select %gt3A_3861, %get3A_3884, %broadcast_in_dim3A_3886 : vector<16xi1>, vector<16xf32>
        %add3A_3888 = arith.addf %add3A_3846, %select_n3A_3887 : vector<16xf32>
        %add3A_3889 = arith.constant 0 : i32
        %add3A_3890 = arith.addi %add3A_3889, %add3A_3859 : i32
        %get3A_3891 = arith.index_cast %add3A_3890 : i32 to index
        %get3A_3892 = arith.constant 48 : index
        %get3A_3893 = tpu.vector_load %arg9[%get3A_3891, %get3A_3892] {strides = array<i32>} : memref<400x64xf32, #tpu.memory_space<vmem>>, vector<16xf32>,
        %jit3A_3894 = arith.constant 0.000000e+00 : f32
        %broadcast_in_dim3A_3895 = vector.broadcast %jit3A_3894 : f32 to vector<16xf32>
        %select_n3A_3896 = arith.select %gt3A_3861, %get3A_3893, %broadcast_in_dim3A_3895 : vector<16xi1>, vector<16xf32>
        %add3A_3897 = arith.addf %add3A_3855, %select_n3A_3896 : vector<16xf32>
        %mul3A_3898 = arith.constant 8 : i32
        %mul3A_3899 = arith.muli %scan3A_3683, %mul3A_3898 : i32
        %add3A_3900 = arith.constant 5 : i32
        %add3A_3901 = arith.addi %mul3A_3899, %add3A_3900 : i32
        %gt3A_3902 = vector.broadcast %add3A_3901 : i32 to vector<16xi32>
        %gt3A_3903 = arith.cmpi sgt, %add3A_230, %gt3A_3902 : vector<16xi32>
        %add3A_3904 = arith.constant 0 : i32
        %add3A_3905 = arith.addi %add3A_3904, %add3A_3901 : i32
        %get3A_3906 = arith.index_cast %add3A_3905 : i32 to index
        %get3A_3907 = arith.constant 0 : index
        %get3A_3908 = tpu.vector_load %arg9[%get3A_3906, %get3A_3907] {strides = array<i32>} : memref<400x64xf32, #tpu.memory_space<vmem>>, vector<16xf32>,
        %jit3A_3909 = arith.constant 0.000000e+00 : f32
        %broadcast_in_dim3A_3910 = vector.broadcast %jit3A_3909 : f32 to vector<16xf32>
        %select_n3A_3911 = arith.select %gt3A_3903, %get3A_3908, %broadcast_in_dim3A_3910 : vector<16xi1>, vector<16xf32>
        %add3A_3912 = arith.addf %add3A_3870, %select_n3A_3911 : vector<16xf32>
        %add3A_3913 = arith.constant 0 : i32
        %add3A_3914 = arith.addi %add3A_3913, %add3A_3901 : i32
        %get3A_3915 = arith.index_cast %add3A_3914 : i32 to index
        %get3A_3916 = arith.constant 16 : index
        %get3A_3917 = tpu.vector_load %arg9[%get3A_3915, %get3A_3916] {strides = array<i32>} : memref<400x64xf32, #tpu.memory_space<vmem>>, vector<16xf32>,
        %jit3A_3918 = arith.constant 0.000000e+00 : f32
        %broadcast_in_dim3A_3919 = vector.broadcast %jit3A_3918 : f32 to vector<16xf32>
        %select_n3A_3920 = arith.select %gt3A_3903, %get3A_3917, %broadcast_in_dim3A_3919 : vector<16xi1>, vector<16xf32>
        %add3A_3921 = arith.addf %add3A_3879, %select_n3A_3920 : vector<16xf32>
        %add3A_3922 = arith.constant 0 : i32
        %add3A_3923 = arith.addi %add3A_3922, %add3A_3901 : i32
        %get3A_3924 = arith.index_cast %add3A_3923 : i32 to index
        %get3A_3925 = arith.constant 32 : index
        %get3A_3926 = tpu.vector_load %arg9[%get3A_3924, %get3A_3925] {strides = array<i32>} : memref<400x64xf32, #tpu.memory_space<vmem>>, vector<16xf32>,
        %jit3A_3927 = arith.constant 0.000000e+00 : f32
        %broadcast_in_dim3A_3928 = vector.broadcast %jit3A_3927 : f32 to vector<16xf32>
        %select_n3A_3929 = arith.select %gt3A_3903, %get3A_3926, %broadcast_in_dim3A_3928 : vector<16xi1>, vector<16xf32>
        %add3A_3930 = arith.addf %add3A_3888, %select_n3A_3929 : vector<16xf32>
        %add3A_3931 = arith.constant 0 : i32
        %add3A_3932 = arith.addi %add3A_3931, %add3A_3901 : i32
        %get3A_3933 = arith.index_cast %add3A_3932 : i32 to index
        %get3A_3934 = arith.constant 48 : index
        %get3A_3935 = tpu.vector_load %arg9[%get3A_3933, %get3A_3934] {strides = array<i32>} : memref<400x64xf32, #tpu.memory_space<vmem>>, vector<16xf32>,
        %jit3A_3936 = arith.constant 0.000000e+00 : f32
        %broadcast_in_dim3A_3937 = vector.broadcast %jit3A_3936 : f32 to vector<16xf32>
        %select_n3A_3938 = arith.select %gt3A_3903, %get3A_3935, %broadcast_in_dim3A_3937 : vector<16xi1>, vector<16xf32>
        %add3A_3939 = arith.addf %add3A_3897, %select_n3A_3938 : vector<16xf32>
        %mul3A_3940 = arith.constant 8 : i32
        %mul3A_3941 = arith.muli %scan3A_3683, %mul3A_3940 : i32
        %add3A_3942 = arith.constant 6 : i32
        %add3A_3943 = arith.addi %mul3A_3941, %add3A_3942 : i32
        %gt3A_3944 = vector.broadcast %add3A_3943 : i32 to vector<16xi32>
        %gt3A_3945 = arith.cmpi sgt, %add3A_230, %gt3A_3944 : vector<16xi32>
        %add3A_3946 = arith.constant 0 : i32
        %add3A_3947 = arith.addi %add3A_3946, %add3A_3943 : i32
        %get3A_3948 = arith.index_cast %add3A_3947 : i32 to index
        %get3A_3949 = arith.constant 0 : index
        %get3A_3950 = tpu.vector_load %arg9[%get3A_3948, %get3A_3949] {strides = array<i32>} : memref<400x64xf32, #tpu.memory_space<vmem>>, vector<16xf32>,
        %jit3A_3951 = arith.constant 0.000000e+00 : f32
        %broadcast_in_dim3A_3952 = vector.broadcast %jit3A_3951 : f32 to vector<16xf32>
        %select_n3A_3953 = arith.select %gt3A_3945, %get3A_3950, %broadcast_in_dim3A_3952 : vector<16xi1>, vector<16xf32>
        %add3A_3954 = arith.addf %add3A_3912, %select_n3A_3953 : vector<16xf32>
        %add3A_3955 = arith.constant 0 : i32
        %add3A_3956 = arith.addi %add3A_3955, %add3A_3943 : i32
        %get3A_3957 = arith.index_cast %add3A_3956 : i32 to index
        %get3A_3958 = arith.constant 16 : index
        %get3A_3959 = tpu.vector_load %arg9[%get3A_3957, %get3A_3958] {strides = array<i32>} : memref<400x64xf32, #tpu.memory_space<vmem>>, vector<16xf32>,
        %jit3A_3960 = arith.constant 0.000000e+00 : f32
        %broadcast_in_dim3A_3961 = vector.broadcast %jit3A_3960 : f32 to vector<16xf32>
        %select_n3A_3962 = arith.select %gt3A_3945, %get3A_3959, %broadcast_in_dim3A_3961 : vector<16xi1>, vector<16xf32>
        %add3A_3963 = arith.addf %add3A_3921, %select_n3A_3962 : vector<16xf32>
        %add3A_3964 = arith.constant 0 : i32
        %add3A_3965 = arith.addi %add3A_3964, %add3A_3943 : i32
        %get3A_3966 = arith.index_cast %add3A_3965 : i32 to index
        %get3A_3967 = arith.constant 32 : index
        %get3A_3968 = tpu.vector_load %arg9[%get3A_3966, %get3A_3967] {strides = array<i32>} : memref<400x64xf32, #tpu.memory_space<vmem>>, vector<16xf32>,
        %jit3A_3969 = arith.constant 0.000000e+00 : f32
        %broadcast_in_dim3A_3970 = vector.broadcast %jit3A_3969 : f32 to vector<16xf32>
        %select_n3A_3971 = arith.select %gt3A_3945, %get3A_3968, %broadcast_in_dim3A_3970 : vector<16xi1>, vector<16xf32>
        %add3A_3972 = arith.addf %add3A_3930, %select_n3A_3971 : vector<16xf32>
        %add3A_3973 = arith.constant 0 : i32
        %add3A_3974 = arith.addi %add3A_3973, %add3A_3943 : i32
        %get3A_3975 = arith.index_cast %add3A_3974 : i32 to index
        %get3A_3976 = arith.constant 48 : index
        %get3A_3977 = tpu.vector_load %arg9[%get3A_3975, %get3A_3976] {strides = array<i32>} : memref<400x64xf32, #tpu.memory_space<vmem>>, vector<16xf32>,
        %jit3A_3978 = arith.constant 0.000000e+00 : f32
        %broadcast_in_dim3A_3979 = vector.broadcast %jit3A_3978 : f32 to vector<16xf32>
        %select_n3A_3980 = arith.select %gt3A_3945, %get3A_3977, %broadcast_in_dim3A_3979 : vector<16xi1>, vector<16xf32>
        %add3A_3981 = arith.addf %add3A_3939, %select_n3A_3980 : vector<16xf32>
        %mul3A_3982 = arith.constant 8 : i32
        %mul3A_3983 = arith.muli %scan3A_3683, %mul3A_3982 : i32
        %add3A_3984 = arith.constant 7 : i32
        %add3A_3985 = arith.addi %mul3A_3983, %add3A_3984 : i32
        %gt3A_3986 = vector.broadcast %add3A_3985 : i32 to vector<16xi32>
        %gt3A_3987 = arith.cmpi sgt, %add3A_230, %gt3A_3986 : vector<16xi32>
        %add3A_3988 = arith.constant 0 : i32
        %add3A_3989 = arith.addi %add3A_3988, %add3A_3985 : i32
        %get3A_3990 = arith.index_cast %add3A_3989 : i32 to index
        %get3A_3991 = arith.constant 0 : index
        %get3A_3992 = tpu.vector_load %arg9[%get3A_3990, %get3A_3991] {strides = array<i32>} : memref<400x64xf32, #tpu.memory_space<vmem>>, vector<16xf32>,
        %jit3A_3993 = arith.constant 0.000000e+00 : f32
        %broadcast_in_dim3A_3994 = vector.broadcast %jit3A_3993 : f32 to vector<16xf32>
        %select_n3A_3995 = arith.select %gt3A_3987, %get3A_3992, %broadcast_in_dim3A_3994 : vector<16xi1>, vector<16xf32>
        %add3A_3996 = arith.addf %add3A_3954, %select_n3A_3995 : vector<16xf32>
        %add3A_3997 = arith.constant 0 : i32
        %add3A_3998 = arith.addi %add3A_3997, %add3A_3985 : i32
        %get3A_3999 = arith.index_cast %add3A_3998 : i32 to index
        %get3A_4000 = arith.constant 16 : index
        %get3A_4001 = tpu.vector_load %arg9[%get3A_3999, %get3A_4000] {strides = array<i32>} : memref<400x64xf32, #tpu.memory_space<vmem>>, vector<16xf32>,
        %jit3A_4002 = arith.constant 0.000000e+00 : f32
        %broadcast_in_dim3A_4003 = vector.broadcast %jit3A_4002 : f32 to vector<16xf32>
        %select_n3A_4004 = arith.select %gt3A_3987, %get3A_4001, %broadcast_in_dim3A_4003 : vector<16xi1>, vector<16xf32>
        %add3A_4005 = arith.addf %add3A_3963, %select_n3A_4004 : vector<16xf32>
        %add3A_4006 = arith.constant 0 : i32
        %add3A_4007 = arith.addi %add3A_4006, %add3A_3985 : i32
        %get3A_4008 = arith.index_cast %add3A_4007 : i32 to index
        %get3A_4009 = arith.constant 32 : index
        %get3A_4010 = tpu.vector_load %arg9[%get3A_4008, %get3A_4009] {strides = array<i32>} : memref<400x64xf32, #tpu.memory_space<vmem>>, vector<16xf32>,
        %jit3A_4011 = arith.constant 0.000000e+00 : f32
        %broadcast_in_dim3A_4012 = vector.broadcast %jit3A_4011 : f32 to vector<16xf32>
        %select_n3A_4013 = arith.select %gt3A_3987, %get3A_4010, %broadcast_in_dim3A_4012 : vector<16xi1>, vector<16xf32>
        %add3A_4014 = arith.addf %add3A_3972, %select_n3A_4013 : vector<16xf32>
        %add3A_4015 = arith.constant 0 : i32
        %add3A_4016 = arith.addi %add3A_4015, %add3A_3985 : i32
        %get3A_4017 = arith.index_cast %add3A_4016 : i32 to index
        %get3A_4018 = arith.constant 48 : index
        %get3A_4019 = tpu.vector_load %arg9[%get3A_4017, %get3A_4018] {strides = array<i32>} : memref<400x64xf32, #tpu.memory_space<vmem>>, vector<16xf32>,
        %jit3A_4020 = arith.constant 0.000000e+00 : f32
        %broadcast_in_dim3A_4021 = vector.broadcast %jit3A_4020 : f32 to vector<16xf32>
        %select_n3A_4022 = arith.select %gt3A_3987, %get3A_4019, %broadcast_in_dim3A_4021 : vector<16xi1>, vector<16xf32>
        %add3A_4023 = arith.addf %add3A_3981, %select_n3A_4022 : vector<16xf32>
        scf.yield %add3A_3996, %add3A_4005, %add3A_4014, %add3A_4023 : vector<16xf32>, vector<16xf32>, vector<16xf32>, vector<16xf32>
      }
      %scan3A_236 = arith.constant 25 : i32
      %gt3A = arith.constant 0 : i32
      %gt3A_237 = vector.broadcast %gt3A : i32 to vector<16xi32>
      %gt3A_238 = arith.cmpi sgt, %add3A_85, %gt3A_237 : vector<16xi32>
      %get3A_239 = arith.constant 0 : i32
      %get3A_240 = arith.index_cast %get3A_239 : i32 to index
      %get3A_241 = arith.constant 0 : index
      %get3A_242 = tpu.vector_load %arg11[%get3A_240, %get3A_241] {strides = array<i32>} : memref<40x64xf32, #tpu.memory_space<vmem>>, vector<16xf32>,
      %jit3A = arith.constant 0.000000e+00 : f32
      %broadcast_in_dim3A_243 = vector.broadcast %jit3A : f32 to vector<16xf32>
      %select_n3A = arith.select %gt3A_238, %get3A_242, %broadcast_in_dim3A_243 : vector<16xi1>, vector<16xf32>
      %add3A_244 = arith.addf %broadcast_in_dim3A_5, %select_n3A : vector<16xf32>
      %get3A_245 = arith.constant 0 : i32
      %get3A_246 = arith.index_cast %get3A_245 : i32 to index
      %get3A_247 = arith.constant 16 : index
      %get3A_248 = tpu.vector_load %arg11[%get3A_246, %get3A_247] {strides = array<i32>} : memref<40x64xf32, #tpu.memory_space<vmem>>, vector<16xf32>,
      %jit3A_249 = arith.constant 0.000000e+00 : f32
      %broadcast_in_dim3A_250 = vector.broadcast %jit3A_249 : f32 to vector<16xf32>
      %select_n3A_251 = arith.select %gt3A_238, %get3A_248, %broadcast_in_dim3A_250 : vector<16xi1>, vector<16xf32>
      %add3A_252 = arith.addf %broadcast_in_dim3A_5, %select_n3A_251 : vector<16xf32>
      %get3A_253 = arith.constant 0 : i32
      %get3A_254 = arith.index_cast %get3A_253 : i32 to index
      %get3A_255 = arith.constant 32 : index
      %get3A_256 = tpu.vector_load %arg11[%get3A_254, %get3A_255] {strides = array<i32>} : memref<40x64xf32, #tpu.memory_space<vmem>>, vector<16xf32>,
      %jit3A_257 = arith.constant 0.000000e+00 : f32
      %broadcast_in_dim3A_258 = vector.broadcast %jit3A_257 : f32 to vector<16xf32>
      %select_n3A_259 = arith.select %gt3A_238, %get3A_256, %broadcast_in_dim3A_258 : vector<16xi1>, vector<16xf32>
      %add3A_260 = arith.addf %broadcast_in_dim3A_5, %select_n3A_259 : vector<16xf32>
      %get3A_261 = arith.constant 0 : i32
      %get3A_262 = arith.index_cast %get3A_261 : i32 to index
      %get3A_263 = arith.constant 48 : index
      %get3A_264 = tpu.vector_load %arg11[%get3A_262, %get3A_263] {strides = array<i32>} : memref<40x64xf32, #tpu.memory_space<vmem>>, vector<16xf32>,
      %jit3A_265 = arith.constant 0.000000e+00 : f32
      %broadcast_in_dim3A_266 = vector.broadcast %jit3A_265 : f32 to vector<16xf32>
      %select_n3A_267 = arith.select %gt3A_238, %get3A_264, %broadcast_in_dim3A_266 : vector<16xi1>, vector<16xf32>
      %add3A_268 = arith.addf %broadcast_in_dim3A_5, %select_n3A_267 : vector<16xf32>
      %gt3A_269 = arith.constant 1 : i32
      %gt3A_270 = vector.broadcast %gt3A_269 : i32 to vector<16xi32>
      %gt3A_271 = arith.cmpi sgt, %add3A_85, %gt3A_270 : vector<16xi32>
      %get3A_272 = arith.constant 1 : i32
      %get3A_273 = arith.index_cast %get3A_272 : i32 to index
      %get3A_274 = arith.constant 0 : index
      %get3A_275 = tpu.vector_load %arg11[%get3A_273, %get3A_274] {strides = array<i32>} : memref<40x64xf32, #tpu.memory_space<vmem>>, vector<16xf32>,
      %jit3A_276 = arith.constant 0.000000e+00 : f32
      %broadcast_in_dim3A_277 = vector.broadcast %jit3A_276 : f32 to vector<16xf32>
      %select_n3A_278 = arith.select %gt3A_271, %get3A_275, %broadcast_in_dim3A_277 : vector<16xi1>, vector<16xf32>
      %add3A_279 = arith.addf %add3A_244, %select_n3A_278 : vector<16xf32>
      %get3A_280 = arith.constant 1 : i32
      %get3A_281 = arith.index_cast %get3A_280 : i32 to index
      %get3A_282 = arith.constant 16 : index
      %get3A_283 = tpu.vector_load %arg11[%get3A_281, %get3A_282] {strides = array<i32>} : memref<40x64xf32, #tpu.memory_space<vmem>>, vector<16xf32>,
      %jit3A_284 = arith.constant 0.000000e+00 : f32
      %broadcast_in_dim3A_285 = vector.broadcast %jit3A_284 : f32 to vector<16xf32>
      %select_n3A_286 = arith.select %gt3A_271, %get3A_283, %broadcast_in_dim3A_285 : vector<16xi1>, vector<16xf32>
      %add3A_287 = arith.addf %add3A_252, %select_n3A_286 : vector<16xf32>
      %get3A_288 = arith.constant 1 : i32
      %get3A_289 = arith.index_cast %get3A_288 : i32 to index
      %get3A_290 = arith.constant 32 : index
      %get3A_291 = tpu.vector_load %arg11[%get3A_289, %get3A_290] {strides = array<i32>} : memref<40x64xf32, #tpu.memory_space<vmem>>, vector<16xf32>,
      %jit3A_292 = arith.constant 0.000000e+00 : f32
      %broadcast_in_dim3A_293 = vector.broadcast %jit3A_292 : f32 to vector<16xf32>
      %select_n3A_294 = arith.select %gt3A_271, %get3A_291, %broadcast_in_dim3A_293 : vector<16xi1>, vector<16xf32>
      %add3A_295 = arith.addf %add3A_260, %select_n3A_294 : vector<16xf32>
      %get3A_296 = arith.constant 1 : i32
      %get3A_297 = arith.index_cast %get3A_296 : i32 to index
      %get3A_298 = arith.constant 48 : index
      %get3A_299 = tpu.vector_load %arg11[%get3A_297, %get3A_298] {strides = array<i32>} : memref<40x64xf32, #tpu.memory_space<vmem>>, vector<16xf32>,
      %jit3A_300 = arith.constant 0.000000e+00 : f32
      %broadcast_in_dim3A_301 = vector.broadcast %jit3A_300 : f32 to vector<16xf32>
      %select_n3A_302 = arith.select %gt3A_271, %get3A_299, %broadcast_in_dim3A_301 : vector<16xi1>, vector<16xf32>
      %add3A_303 = arith.addf %add3A_268, %select_n3A_302 : vector<16xf32>
      %gt3A_304 = arith.constant 2 : i32
      %gt3A_305 = vector.broadcast %gt3A_304 : i32 to vector<16xi32>
      %gt3A_306 = arith.cmpi sgt, %add3A_85, %gt3A_305 : vector<16xi32>
      %get3A_307 = arith.constant 2 : i32
      %get3A_308 = arith.index_cast %get3A_307 : i32 to index
      %get3A_309 = arith.constant 0 : index
      %get3A_310 = tpu.vector_load %arg11[%get3A_308, %get3A_309] {strides = array<i32>} : memref<40x64xf32, #tpu.memory_space<vmem>>, vector<16xf32>,
      %jit3A_311 = arith.constant 0.000000e+00 : f32
      %broadcast_in_dim3A_312 = vector.broadcast %jit3A_311 : f32 to vector<16xf32>
      %select_n3A_313 = arith.select %gt3A_306, %get3A_310, %broadcast_in_dim3A_312 : vector<16xi1>, vector<16xf32>
      %add3A_314 = arith.addf %add3A_279, %select_n3A_313 : vector<16xf32>
      %get3A_315 = arith.constant 2 : i32
      %get3A_316 = arith.index_cast %get3A_315 : i32 to index
      %get3A_317 = arith.constant 16 : index
      %get3A_318 = tpu.vector_load %arg11[%get3A_316, %get3A_317] {strides = array<i32>} : memref<40x64xf32, #tpu.memory_space<vmem>>, vector<16xf32>,
      %jit3A_319 = arith.constant 0.000000e+00 : f32
      %broadcast_in_dim3A_320 = vector.broadcast %jit3A_319 : f32 to vector<16xf32>
      %select_n3A_321 = arith.select %gt3A_306, %get3A_318, %broadcast_in_dim3A_320 : vector<16xi1>, vector<16xf32>
      %add3A_322 = arith.addf %add3A_287, %select_n3A_321 : vector<16xf32>
      %get3A_323 = arith.constant 2 : i32
      %get3A_324 = arith.index_cast %get3A_323 : i32 to index
      %get3A_325 = arith.constant 32 : index
      %get3A_326 = tpu.vector_load %arg11[%get3A_324, %get3A_325] {strides = array<i32>} : memref<40x64xf32, #tpu.memory_space<vmem>>, vector<16xf32>,
      %jit3A_327 = arith.constant 0.000000e+00 : f32
      %broadcast_in_dim3A_328 = vector.broadcast %jit3A_327 : f32 to vector<16xf32>
      %select_n3A_329 = arith.select %gt3A_306, %get3A_326, %broadcast_in_dim3A_328 : vector<16xi1>, vector<16xf32>
      %add3A_330 = arith.addf %add3A_295, %select_n3A_329 : vector<16xf32>
      %get3A_331 = arith.constant 2 : i32
      %get3A_332 = arith.index_cast %get3A_331 : i32 to index
      %get3A_333 = arith.constant 48 : index
      %get3A_334 = tpu.vector_load %arg11[%get3A_332, %get3A_333] {strides = array<i32>} : memref<40x64xf32, #tpu.memory_space<vmem>>, vector<16xf32>,
      %jit3A_335 = arith.constant 0.000000e+00 : f32
      %broadcast_in_dim3A_336 = vector.broadcast %jit3A_335 : f32 to vector<16xf32>
      %select_n3A_337 = arith.select %gt3A_306, %get3A_334, %broadcast_in_dim3A_336 : vector<16xi1>, vector<16xf32>
      %add3A_338 = arith.addf %add3A_303, %select_n3A_337 : vector<16xf32>
      %gt3A_339 = arith.constant 3 : i32
      %gt3A_340 = vector.broadcast %gt3A_339 : i32 to vector<16xi32>
      %gt3A_341 = arith.cmpi sgt, %add3A_85, %gt3A_340 : vector<16xi32>
      %get3A_342 = arith.constant 3 : i32
      %get3A_343 = arith.index_cast %get3A_342 : i32 to index
      %get3A_344 = arith.constant 0 : index
      %get3A_345 = tpu.vector_load %arg11[%get3A_343, %get3A_344] {strides = array<i32>} : memref<40x64xf32, #tpu.memory_space<vmem>>, vector<16xf32>,
      %jit3A_346 = arith.constant 0.000000e+00 : f32
      %broadcast_in_dim3A_347 = vector.broadcast %jit3A_346 : f32 to vector<16xf32>
      %select_n3A_348 = arith.select %gt3A_341, %get3A_345, %broadcast_in_dim3A_347 : vector<16xi1>, vector<16xf32>
      %add3A_349 = arith.addf %add3A_314, %select_n3A_348 : vector<16xf32>
      %get3A_350 = arith.constant 3 : i32
      %get3A_351 = arith.index_cast %get3A_350 : i32 to index
      %get3A_352 = arith.constant 16 : index
      %get3A_353 = tpu.vector_load %arg11[%get3A_351, %get3A_352] {strides = array<i32>} : memref<40x64xf32, #tpu.memory_space<vmem>>, vector<16xf32>,
      %jit3A_354 = arith.constant 0.000000e+00 : f32
      %broadcast_in_dim3A_355 = vector.broadcast %jit3A_354 : f32 to vector<16xf32>
      %select_n3A_356 = arith.select %gt3A_341, %get3A_353, %broadcast_in_dim3A_355 : vector<16xi1>, vector<16xf32>
      %add3A_357 = arith.addf %add3A_322, %select_n3A_356 : vector<16xf32>
      %get3A_358 = arith.constant 3 : i32
      %get3A_359 = arith.index_cast %get3A_358 : i32 to index
      %get3A_360 = arith.constant 32 : index
      %get3A_361 = tpu.vector_load %arg11[%get3A_359, %get3A_360] {strides = array<i32>} : memref<40x64xf32, #tpu.memory_space<vmem>>, vector<16xf32>,
      %jit3A_362 = arith.constant 0.000000e+00 : f32
      %broadcast_in_dim3A_363 = vector.broadcast %jit3A_362 : f32 to vector<16xf32>
      %select_n3A_364 = arith.select %gt3A_341, %get3A_361, %broadcast_in_dim3A_363 : vector<16xi1>, vector<16xf32>
      %add3A_365 = arith.addf %add3A_330, %select_n3A_364 : vector<16xf32>
      %get3A_366 = arith.constant 3 : i32
      %get3A_367 = arith.index_cast %get3A_366 : i32 to index
      %get3A_368 = arith.constant 48 : index
      %get3A_369 = tpu.vector_load %arg11[%get3A_367, %get3A_368] {strides = array<i32>} : memref<40x64xf32, #tpu.memory_space<vmem>>, vector<16xf32>,
      %jit3A_370 = arith.constant 0.000000e+00 : f32
      %broadcast_in_dim3A_371 = vector.broadcast %jit3A_370 : f32 to vector<16xf32>
      %select_n3A_372 = arith.select %gt3A_341, %get3A_369, %broadcast_in_dim3A_371 : vector<16xi1>, vector<16xf32>
      %add3A_373 = arith.addf %add3A_338, %select_n3A_372 : vector<16xf32>
      %gt3A_374 = arith.constant 4 : i32
      %gt3A_375 = vector.broadcast %gt3A_374 : i32 to vector<16xi32>
      %gt3A_376 = arith.cmpi sgt, %add3A_85, %gt3A_375 : vector<16xi32>
      %get3A_377 = arith.constant 4 : i32
      %get3A_378 = arith.index_cast %get3A_377 : i32 to index
      %get3A_379 = arith.constant 0 : index
      %get3A_380 = tpu.vector_load %arg11[%get3A_378, %get3A_379] {strides = array<i32>} : memref<40x64xf32, #tpu.memory_space<vmem>>, vector<16xf32>,
      %jit3A_381 = arith.constant 0.000000e+00 : f32
      %broadcast_in_dim3A_382 = vector.broadcast %jit3A_381 : f32 to vector<16xf32>
      %select_n3A_383 = arith.select %gt3A_376, %get3A_380, %broadcast_in_dim3A_382 : vector<16xi1>, vector<16xf32>
      %add3A_384 = arith.addf %add3A_349, %select_n3A_383 : vector<16xf32>
      %get3A_385 = arith.constant 4 : i32
      %get3A_386 = arith.index_cast %get3A_385 : i32 to index
      %get3A_387 = arith.constant 16 : index
      %get3A_388 = tpu.vector_load %arg11[%get3A_386, %get3A_387] {strides = array<i32>} : memref<40x64xf32, #tpu.memory_space<vmem>>, vector<16xf32>,
      %jit3A_389 = arith.constant 0.000000e+00 : f32
      %broadcast_in_dim3A_390 = vector.broadcast %jit3A_389 : f32 to vector<16xf32>
      %select_n3A_391 = arith.select %gt3A_376, %get3A_388, %broadcast_in_dim3A_390 : vector<16xi1>, vector<16xf32>
      %add3A_392 = arith.addf %add3A_357, %select_n3A_391 : vector<16xf32>
      %get3A_393 = arith.constant 4 : i32
      %get3A_394 = arith.index_cast %get3A_393 : i32 to index
      %get3A_395 = arith.constant 32 : index
      %get3A_396 = tpu.vector_load %arg11[%get3A_394, %get3A_395] {strides = array<i32>} : memref<40x64xf32, #tpu.memory_space<vmem>>, vector<16xf32>,
      %jit3A_397 = arith.constant 0.000000e+00 : f32
      %broadcast_in_dim3A_398 = vector.broadcast %jit3A_397 : f32 to vector<16xf32>
      %select_n3A_399 = arith.select %gt3A_376, %get3A_396, %broadcast_in_dim3A_398 : vector<16xi1>, vector<16xf32>
      %add3A_400 = arith.addf %add3A_365, %select_n3A_399 : vector<16xf32>
      %get3A_401 = arith.constant 4 : i32
      %get3A_402 = arith.index_cast %get3A_401 : i32 to index
      %get3A_403 = arith.constant 48 : index
      %get3A_404 = tpu.vector_load %arg11[%get3A_402, %get3A_403] {strides = array<i32>} : memref<40x64xf32, #tpu.memory_space<vmem>>, vector<16xf32>,
      %jit3A_405 = arith.constant 0.000000e+00 : f32
      %broadcast_in_dim3A_406 = vector.broadcast %jit3A_405 : f32 to vector<16xf32>
      %select_n3A_407 = arith.select %gt3A_376, %get3A_404, %broadcast_in_dim3A_406 : vector<16xi1>, vector<16xf32>
      %add3A_408 = arith.addf %add3A_373, %select_n3A_407 : vector<16xf32>
      %gt3A_409 = arith.constant 5 : i32
      %gt3A_410 = vector.broadcast %gt3A_409 : i32 to vector<16xi32>
      %gt3A_411 = arith.cmpi sgt, %add3A_85, %gt3A_410 : vector<16xi32>
      %get3A_412 = arith.constant 5 : i32
      %get3A_413 = arith.index_cast %get3A_412 : i32 to index
      %get3A_414 = arith.constant 0 : index
      %get3A_415 = tpu.vector_load %arg11[%get3A_413, %get3A_414] {strides = array<i32>} : memref<40x64xf32, #tpu.memory_space<vmem>>, vector<16xf32>,
      %jit3A_416 = arith.constant 0.000000e+00 : f32
      %broadcast_in_dim3A_417 = vector.broadcast %jit3A_416 : f32 to vector<16xf32>
      %select_n3A_418 = arith.select %gt3A_411, %get3A_415, %broadcast_in_dim3A_417 : vector<16xi1>, vector<16xf32>
      %add3A_419 = arith.addf %add3A_384, %select_n3A_418 : vector<16xf32>
      %get3A_420 = arith.constant 5 : i32
      %get3A_421 = arith.index_cast %get3A_420 : i32 to index
      %get3A_422 = arith.constant 16 : index
      %get3A_423 = tpu.vector_load %arg11[%get3A_421, %get3A_422] {strides = array<i32>} : memref<40x64xf32, #tpu.memory_space<vmem>>, vector<16xf32>,
      %jit3A_424 = arith.constant 0.000000e+00 : f32
      %broadcast_in_dim3A_425 = vector.broadcast %jit3A_424 : f32 to vector<16xf32>
      %select_n3A_426 = arith.select %gt3A_411, %get3A_423, %broadcast_in_dim3A_425 : vector<16xi1>, vector<16xf32>
      %add3A_427 = arith.addf %add3A_392, %select_n3A_426 : vector<16xf32>
      %get3A_428 = arith.constant 5 : i32
      %get3A_429 = arith.index_cast %get3A_428 : i32 to index
      %get3A_430 = arith.constant 32 : index
      %get3A_431 = tpu.vector_load %arg11[%get3A_429, %get3A_430] {strides = array<i32>} : memref<40x64xf32, #tpu.memory_space<vmem>>, vector<16xf32>,
      %jit3A_432 = arith.constant 0.000000e+00 : f32
      %broadcast_in_dim3A_433 = vector.broadcast %jit3A_432 : f32 to vector<16xf32>
      %select_n3A_434 = arith.select %gt3A_411, %get3A_431, %broadcast_in_dim3A_433 : vector<16xi1>, vector<16xf32>
      %add3A_435 = arith.addf %add3A_400, %select_n3A_434 : vector<16xf32>
      %get3A_436 = arith.constant 5 : i32
      %get3A_437 = arith.index_cast %get3A_436 : i32 to index
      %get3A_438 = arith.constant 48 : index
      %get3A_439 = tpu.vector_load %arg11[%get3A_437, %get3A_438] {strides = array<i32>} : memref<40x64xf32, #tpu.memory_space<vmem>>, vector<16xf32>,
      %jit3A_440 = arith.constant 0.000000e+00 : f32
      %broadcast_in_dim3A_441 = vector.broadcast %jit3A_440 : f32 to vector<16xf32>
      %select_n3A_442 = arith.select %gt3A_411, %get3A_439, %broadcast_in_dim3A_441 : vector<16xi1>, vector<16xf32>
      %add3A_443 = arith.addf %add3A_408, %select_n3A_442 : vector<16xf32>
      %gt3A_444 = arith.constant 6 : i32
      %gt3A_445 = vector.broadcast %gt3A_444 : i32 to vector<16xi32>
      %gt3A_446 = arith.cmpi sgt, %add3A_85, %gt3A_445 : vector<16xi32>
      %get3A_447 = arith.constant 6 : i32
      %get3A_448 = arith.index_cast %get3A_447 : i32 to index
      %get3A_449 = arith.constant 0 : index
      %get3A_450 = tpu.vector_load %arg11[%get3A_448, %get3A_449] {strides = array<i32>} : memref<40x64xf32, #tpu.memory_space<vmem>>, vector<16xf32>,
      %jit3A_451 = arith.constant 0.000000e+00 : f32
      %broadcast_in_dim3A_452 = vector.broadcast %jit3A_451 : f32 to vector<16xf32>
      %select_n3A_453 = arith.select %gt3A_446, %get3A_450, %broadcast_in_dim3A_452 : vector<16xi1>, vector<16xf32>
      %add3A_454 = arith.addf %add3A_419, %select_n3A_453 : vector<16xf32>
      %get3A_455 = arith.constant 6 : i32
      %get3A_456 = arith.index_cast %get3A_455 : i32 to index
      %get3A_457 = arith.constant 16 : index
      %get3A_458 = tpu.vector_load %arg11[%get3A_456, %get3A_457] {strides = array<i32>} : memref<40x64xf32, #tpu.memory_space<vmem>>, vector<16xf32>,
      %jit3A_459 = arith.constant 0.000000e+00 : f32
      %broadcast_in_dim3A_460 = vector.broadcast %jit3A_459 : f32 to vector<16xf32>
      %select_n3A_461 = arith.select %gt3A_446, %get3A_458, %broadcast_in_dim3A_460 : vector<16xi1>, vector<16xf32>
      %add3A_462 = arith.addf %add3A_427, %select_n3A_461 : vector<16xf32>
      %get3A_463 = arith.constant 6 : i32
      %get3A_464 = arith.index_cast %get3A_463 : i32 to index
      %get3A_465 = arith.constant 32 : index
      %get3A_466 = tpu.vector_load %arg11[%get3A_464, %get3A_465] {strides = array<i32>} : memref<40x64xf32, #tpu.memory_space<vmem>>, vector<16xf32>,
      %jit3A_467 = arith.constant 0.000000e+00 : f32
      %broadcast_in_dim3A_468 = vector.broadcast %jit3A_467 : f32 to vector<16xf32>
      %select_n3A_469 = arith.select %gt3A_446, %get3A_466, %broadcast_in_dim3A_468 : vector<16xi1>, vector<16xf32>
      %add3A_470 = arith.addf %add3A_435, %select_n3A_469 : vector<16xf32>
      %get3A_471 = arith.constant 6 : i32
      %get3A_472 = arith.index_cast %get3A_471 : i32 to index
      %get3A_473 = arith.constant 48 : index
      %get3A_474 = tpu.vector_load %arg11[%get3A_472, %get3A_473] {strides = array<i32>} : memref<40x64xf32, #tpu.memory_space<vmem>>, vector<16xf32>,
      %jit3A_475 = arith.constant 0.000000e+00 : f32
      %broadcast_in_dim3A_476 = vector.broadcast %jit3A_475 : f32 to vector<16xf32>
      %select_n3A_477 = arith.select %gt3A_446, %get3A_474, %broadcast_in_dim3A_476 : vector<16xi1>, vector<16xf32>
      %add3A_478 = arith.addf %add3A_443, %select_n3A_477 : vector<16xf32>
      %gt3A_479 = arith.constant 7 : i32
      %gt3A_480 = vector.broadcast %gt3A_479 : i32 to vector<16xi32>
      %gt3A_481 = arith.cmpi sgt, %add3A_85, %gt3A_480 : vector<16xi32>
      %get3A_482 = arith.constant 7 : i32
      %get3A_483 = arith.index_cast %get3A_482 : i32 to index
      %get3A_484 = arith.constant 0 : index
      %get3A_485 = tpu.vector_load %arg11[%get3A_483, %get3A_484] {strides = array<i32>} : memref<40x64xf32, #tpu.memory_space<vmem>>, vector<16xf32>,
      %jit3A_486 = arith.constant 0.000000e+00 : f32
      %broadcast_in_dim3A_487 = vector.broadcast %jit3A_486 : f32 to vector<16xf32>
      %select_n3A_488 = arith.select %gt3A_481, %get3A_485, %broadcast_in_dim3A_487 : vector<16xi1>, vector<16xf32>
      %add3A_489 = arith.addf %add3A_454, %select_n3A_488 : vector<16xf32>
      %get3A_490 = arith.constant 7 : i32
      %get3A_491 = arith.index_cast %get3A_490 : i32 to index
      %get3A_492 = arith.constant 16 : index
      %get3A_493 = tpu.vector_load %arg11[%get3A_491, %get3A_492] {strides = array<i32>} : memref<40x64xf32, #tpu.memory_space<vmem>>, vector<16xf32>,
      %jit3A_494 = arith.constant 0.000000e+00 : f32
      %broadcast_in_dim3A_495 = vector.broadcast %jit3A_494 : f32 to vector<16xf32>
      %select_n3A_496 = arith.select %gt3A_481, %get3A_493, %broadcast_in_dim3A_495 : vector<16xi1>, vector<16xf32>
      %add3A_497 = arith.addf %add3A_462, %select_n3A_496 : vector<16xf32>
      %get3A_498 = arith.constant 7 : i32
      %get3A_499 = arith.index_cast %get3A_498 : i32 to index
      %get3A_500 = arith.constant 32 : index
      %get3A_501 = tpu.vector_load %arg11[%get3A_499, %get3A_500] {strides = array<i32>} : memref<40x64xf32, #tpu.memory_space<vmem>>, vector<16xf32>,
      %jit3A_502 = arith.constant 0.000000e+00 : f32
      %broadcast_in_dim3A_503 = vector.broadcast %jit3A_502 : f32 to vector<16xf32>
      %select_n3A_504 = arith.select %gt3A_481, %get3A_501, %broadcast_in_dim3A_503 : vector<16xi1>, vector<16xf32>
      %add3A_505 = arith.addf %add3A_470, %select_n3A_504 : vector<16xf32>
      %get3A_506 = arith.constant 7 : i32
      %get3A_507 = arith.index_cast %get3A_506 : i32 to index
      %get3A_508 = arith.constant 48 : index
      %get3A_509 = tpu.vector_load %arg11[%get3A_507, %get3A_508] {strides = array<i32>} : memref<40x64xf32, #tpu.memory_space<vmem>>, vector<16xf32>,
      %jit3A_510 = arith.constant 0.000000e+00 : f32
      %broadcast_in_dim3A_511 = vector.broadcast %jit3A_510 : f32 to vector<16xf32>
      %select_n3A_512 = arith.select %gt3A_481, %get3A_509, %broadcast_in_dim3A_511 : vector<16xi1>, vector<16xf32>
      %add3A_513 = arith.addf %add3A_478, %select_n3A_512 : vector<16xf32>
      %gt3A_514 = arith.constant 8 : i32
      %gt3A_515 = vector.broadcast %gt3A_514 : i32 to vector<16xi32>
      %gt3A_516 = arith.cmpi sgt, %add3A_85, %gt3A_515 : vector<16xi32>
      %get3A_517 = arith.constant 8 : i32
      %get3A_518 = arith.index_cast %get3A_517 : i32 to index
      %get3A_519 = arith.constant 0 : index
      %get3A_520 = tpu.vector_load %arg11[%get3A_518, %get3A_519] {strides = array<i32>} : memref<40x64xf32, #tpu.memory_space<vmem>>, vector<16xf32>,
      %jit3A_521 = arith.constant 0.000000e+00 : f32
      %broadcast_in_dim3A_522 = vector.broadcast %jit3A_521 : f32 to vector<16xf32>
      %select_n3A_523 = arith.select %gt3A_516, %get3A_520, %broadcast_in_dim3A_522 : vector<16xi1>, vector<16xf32>
      %add3A_524 = arith.addf %add3A_489, %select_n3A_523 : vector<16xf32>
      %get3A_525 = arith.constant 8 : i32
      %get3A_526 = arith.index_cast %get3A_525 : i32 to index
      %get3A_527 = arith.constant 16 : index
      %get3A_528 = tpu.vector_load %arg11[%get3A_526, %get3A_527] {strides = array<i32>} : memref<40x64xf32, #tpu.memory_space<vmem>>, vector<16xf32>,
      %jit3A_529 = arith.constant 0.000000e+00 : f32
      %broadcast_in_dim3A_530 = vector.broadcast %jit3A_529 : f32 to vector<16xf32>
      %select_n3A_531 = arith.select %gt3A_516, %get3A_528, %broadcast_in_dim3A_530 : vector<16xi1>, vector<16xf32>
      %add3A_532 = arith.addf %add3A_497, %select_n3A_531 : vector<16xf32>
      %get3A_533 = arith.constant 8 : i32
      %get3A_534 = arith.index_cast %get3A_533 : i32 to index
      %get3A_535 = arith.constant 32 : index
      %get3A_536 = tpu.vector_load %arg11[%get3A_534, %get3A_535] {strides = array<i32>} : memref<40x64xf32, #tpu.memory_space<vmem>>, vector<16xf32>,
      %jit3A_537 = arith.constant 0.000000e+00 : f32
      %broadcast_in_dim3A_538 = vector.broadcast %jit3A_537 : f32 to vector<16xf32>
      %select_n3A_539 = arith.select %gt3A_516, %get3A_536, %broadcast_in_dim3A_538 : vector<16xi1>, vector<16xf32>
      %add3A_540 = arith.addf %add3A_505, %select_n3A_539 : vector<16xf32>
      %get3A_541 = arith.constant 8 : i32
      %get3A_542 = arith.index_cast %get3A_541 : i32 to index
      %get3A_543 = arith.constant 48 : index
      %get3A_544 = tpu.vector_load %arg11[%get3A_542, %get3A_543] {strides = array<i32>} : memref<40x64xf32, #tpu.memory_space<vmem>>, vector<16xf32>,
      %jit3A_545 = arith.constant 0.000000e+00 : f32
      %broadcast_in_dim3A_546 = vector.broadcast %jit3A_545 : f32 to vector<16xf32>
      %select_n3A_547 = arith.select %gt3A_516, %get3A_544, %broadcast_in_dim3A_546 : vector<16xi1>, vector<16xf32>
      %add3A_548 = arith.addf %add3A_513, %select_n3A_547 : vector<16xf32>
      %gt3A_549 = arith.constant 9 : i32
      %gt3A_550 = vector.broadcast %gt3A_549 : i32 to vector<16xi32>
      %gt3A_551 = arith.cmpi sgt, %add3A_85, %gt3A_550 : vector<16xi32>
      %get3A_552 = arith.constant 9 : i32
      %get3A_553 = arith.index_cast %get3A_552 : i32 to index
      %get3A_554 = arith.constant 0 : index
      %get3A_555 = tpu.vector_load %arg11[%get3A_553, %get3A_554] {strides = array<i32>} : memref<40x64xf32, #tpu.memory_space<vmem>>, vector<16xf32>,
      %jit3A_556 = arith.constant 0.000000e+00 : f32
      %broadcast_in_dim3A_557 = vector.broadcast %jit3A_556 : f32 to vector<16xf32>
      %select_n3A_558 = arith.select %gt3A_551, %get3A_555, %broadcast_in_dim3A_557 : vector<16xi1>, vector<16xf32>
      %add3A_559 = arith.addf %add3A_524, %select_n3A_558 : vector<16xf32>
      %get3A_560 = arith.constant 9 : i32
      %get3A_561 = arith.index_cast %get3A_560 : i32 to index
      %get3A_562 = arith.constant 16 : index
      %get3A_563 = tpu.vector_load %arg11[%get3A_561, %get3A_562] {strides = array<i32>} : memref<40x64xf32, #tpu.memory_space<vmem>>, vector<16xf32>,
      %jit3A_564 = arith.constant 0.000000e+00 : f32
      %broadcast_in_dim3A_565 = vector.broadcast %jit3A_564 : f32 to vector<16xf32>
      %select_n3A_566 = arith.select %gt3A_551, %get3A_563, %broadcast_in_dim3A_565 : vector<16xi1>, vector<16xf32>
      %add3A_567 = arith.addf %add3A_532, %select_n3A_566 : vector<16xf32>
      %get3A_568 = arith.constant 9 : i32
      %get3A_569 = arith.index_cast %get3A_568 : i32 to index
      %get3A_570 = arith.constant 32 : index
      %get3A_571 = tpu.vector_load %arg11[%get3A_569, %get3A_570] {strides = array<i32>} : memref<40x64xf32, #tpu.memory_space<vmem>>, vector<16xf32>,
      %jit3A_572 = arith.constant 0.000000e+00 : f32
      %broadcast_in_dim3A_573 = vector.broadcast %jit3A_572 : f32 to vector<16xf32>
      %select_n3A_574 = arith.select %gt3A_551, %get3A_571, %broadcast_in_dim3A_573 : vector<16xi1>, vector<16xf32>
      %add3A_575 = arith.addf %add3A_540, %select_n3A_574 : vector<16xf32>
      %get3A_576 = arith.constant 9 : i32
      %get3A_577 = arith.index_cast %get3A_576 : i32 to index
      %get3A_578 = arith.constant 48 : index
      %get3A_579 = tpu.vector_load %arg11[%get3A_577, %get3A_578] {strides = array<i32>} : memref<40x64xf32, #tpu.memory_space<vmem>>, vector<16xf32>,
      %jit3A_580 = arith.constant 0.000000e+00 : f32
      %broadcast_in_dim3A_581 = vector.broadcast %jit3A_580 : f32 to vector<16xf32>
      %select_n3A_582 = arith.select %gt3A_551, %get3A_579, %broadcast_in_dim3A_581 : vector<16xi1>, vector<16xf32>
      %add3A_583 = arith.addf %add3A_548, %select_n3A_582 : vector<16xf32>
      %gt3A_584 = arith.constant 10 : i32
      %gt3A_585 = vector.broadcast %gt3A_584 : i32 to vector<16xi32>
      %gt3A_586 = arith.cmpi sgt, %add3A_85, %gt3A_585 : vector<16xi32>
      %get3A_587 = arith.constant 10 : i32
      %get3A_588 = arith.index_cast %get3A_587 : i32 to index
      %get3A_589 = arith.constant 0 : index
      %get3A_590 = tpu.vector_load %arg11[%get3A_588, %get3A_589] {strides = array<i32>} : memref<40x64xf32, #tpu.memory_space<vmem>>, vector<16xf32>,
      %jit3A_591 = arith.constant 0.000000e+00 : f32
      %broadcast_in_dim3A_592 = vector.broadcast %jit3A_591 : f32 to vector<16xf32>
      %select_n3A_593 = arith.select %gt3A_586, %get3A_590, %broadcast_in_dim3A_592 : vector<16xi1>, vector<16xf32>
      %add3A_594 = arith.addf %add3A_559, %select_n3A_593 : vector<16xf32>
      %get3A_595 = arith.constant 10 : i32
      %get3A_596 = arith.index_cast %get3A_595 : i32 to index
      %get3A_597 = arith.constant 16 : index
      %get3A_598 = tpu.vector_load %arg11[%get3A_596, %get3A_597] {strides = array<i32>} : memref<40x64xf32, #tpu.memory_space<vmem>>, vector<16xf32>,
      %jit3A_599 = arith.constant 0.000000e+00 : f32
      %broadcast_in_dim3A_600 = vector.broadcast %jit3A_599 : f32 to vector<16xf32>
      %select_n3A_601 = arith.select %gt3A_586, %get3A_598, %broadcast_in_dim3A_600 : vector<16xi1>, vector<16xf32>
      %add3A_602 = arith.addf %add3A_567, %select_n3A_601 : vector<16xf32>
      %get3A_603 = arith.constant 10 : i32
      %get3A_604 = arith.index_cast %get3A_603 : i32 to index
      %get3A_605 = arith.constant 32 : index
      %get3A_606 = tpu.vector_load %arg11[%get3A_604, %get3A_605] {strides = array<i32>} : memref<40x64xf32, #tpu.memory_space<vmem>>, vector<16xf32>,
      %jit3A_607 = arith.constant 0.000000e+00 : f32
      %broadcast_in_dim3A_608 = vector.broadcast %jit3A_607 : f32 to vector<16xf32>
      %select_n3A_609 = arith.select %gt3A_586, %get3A_606, %broadcast_in_dim3A_608 : vector<16xi1>, vector<16xf32>
      %add3A_610 = arith.addf %add3A_575, %select_n3A_609 : vector<16xf32>
      %get3A_611 = arith.constant 10 : i32
      %get3A_612 = arith.index_cast %get3A_611 : i32 to index
      %get3A_613 = arith.constant 48 : index
      %get3A_614 = tpu.vector_load %arg11[%get3A_612, %get3A_613] {strides = array<i32>} : memref<40x64xf32, #tpu.memory_space<vmem>>, vector<16xf32>,
      %jit3A_615 = arith.constant 0.000000e+00 : f32
      %broadcast_in_dim3A_616 = vector.broadcast %jit3A_615 : f32 to vector<16xf32>
      %select_n3A_617 = arith.select %gt3A_586, %get3A_614, %broadcast_in_dim3A_616 : vector<16xi1>, vector<16xf32>
      %add3A_618 = arith.addf %add3A_583, %select_n3A_617 : vector<16xf32>
      %gt3A_619 = arith.constant 11 : i32
      %gt3A_620 = vector.broadcast %gt3A_619 : i32 to vector<16xi32>
      %gt3A_621 = arith.cmpi sgt, %add3A_85, %gt3A_620 : vector<16xi32>
      %get3A_622 = arith.constant 11 : i32
      %get3A_623 = arith.index_cast %get3A_622 : i32 to index
      %get3A_624 = arith.constant 0 : index
      %get3A_625 = tpu.vector_load %arg11[%get3A_623, %get3A_624] {strides = array<i32>} : memref<40x64xf32, #tpu.memory_space<vmem>>, vector<16xf32>,
      %jit3A_626 = arith.constant 0.000000e+00 : f32
      %broadcast_in_dim3A_627 = vector.broadcast %jit3A_626 : f32 to vector<16xf32>
      %select_n3A_628 = arith.select %gt3A_621, %get3A_625, %broadcast_in_dim3A_627 : vector<16xi1>, vector<16xf32>
      %add3A_629 = arith.addf %add3A_594, %select_n3A_628 : vector<16xf32>
      %get3A_630 = arith.constant 11 : i32
      %get3A_631 = arith.index_cast %get3A_630 : i32 to index
      %get3A_632 = arith.constant 16 : index
      %get3A_633 = tpu.vector_load %arg11[%get3A_631, %get3A_632] {strides = array<i32>} : memref<40x64xf32, #tpu.memory_space<vmem>>, vector<16xf32>,
      %jit3A_634 = arith.constant 0.000000e+00 : f32
      %broadcast_in_dim3A_635 = vector.broadcast %jit3A_634 : f32 to vector<16xf32>
      %select_n3A_636 = arith.select %gt3A_621, %get3A_633, %broadcast_in_dim3A_635 : vector<16xi1>, vector<16xf32>
      %add3A_637 = arith.addf %add3A_602, %select_n3A_636 : vector<16xf32>
      %get3A_638 = arith.constant 11 : i32
      %get3A_639 = arith.index_cast %get3A_638 : i32 to index
      %get3A_640 = arith.constant 32 : index
      %get3A_641 = tpu.vector_load %arg11[%get3A_639, %get3A_640] {strides = array<i32>} : memref<40x64xf32, #tpu.memory_space<vmem>>, vector<16xf32>,
      %jit3A_642 = arith.constant 0.000000e+00 : f32
      %broadcast_in_dim3A_643 = vector.broadcast %jit3A_642 : f32 to vector<16xf32>
      %select_n3A_644 = arith.select %gt3A_621, %get3A_641, %broadcast_in_dim3A_643 : vector<16xi1>, vector<16xf32>
      %add3A_645 = arith.addf %add3A_610, %select_n3A_644 : vector<16xf32>
      %get3A_646 = arith.constant 11 : i32
      %get3A_647 = arith.index_cast %get3A_646 : i32 to index
      %get3A_648 = arith.constant 48 : index
      %get3A_649 = tpu.vector_load %arg11[%get3A_647, %get3A_648] {strides = array<i32>} : memref<40x64xf32, #tpu.memory_space<vmem>>, vector<16xf32>,
      %jit3A_650 = arith.constant 0.000000e+00 : f32
      %broadcast_in_dim3A_651 = vector.broadcast %jit3A_650 : f32 to vector<16xf32>
      %select_n3A_652 = arith.select %gt3A_621, %get3A_649, %broadcast_in_dim3A_651 : vector<16xi1>, vector<16xf32>
      %add3A_653 = arith.addf %add3A_618, %select_n3A_652 : vector<16xf32>
      %gt3A_654 = arith.constant 12 : i32
      %gt3A_655 = vector.broadcast %gt3A_654 : i32 to vector<16xi32>
      %gt3A_656 = arith.cmpi sgt, %add3A_85, %gt3A_655 : vector<16xi32>
      %get3A_657 = arith.constant 12 : i32
      %get3A_658 = arith.index_cast %get3A_657 : i32 to index
      %get3A_659 = arith.constant 0 : index
      %get3A_660 = tpu.vector_load %arg11[%get3A_658, %get3A_659] {strides = array<i32>} : memref<40x64xf32, #tpu.memory_space<vmem>>, vector<16xf32>,
      %jit3A_661 = arith.constant 0.000000e+00 : f32
      %broadcast_in_dim3A_662 = vector.broadcast %jit3A_661 : f32 to vector<16xf32>
      %select_n3A_663 = arith.select %gt3A_656, %get3A_660, %broadcast_in_dim3A_662 : vector<16xi1>, vector<16xf32>
      %add3A_664 = arith.addf %add3A_629, %select_n3A_663 : vector<16xf32>
      %get3A_665 = arith.constant 12 : i32
      %get3A_666 = arith.index_cast %get3A_665 : i32 to index
      %get3A_667 = arith.constant 16 : index
      %get3A_668 = tpu.vector_load %arg11[%get3A_666, %get3A_667] {strides = array<i32>} : memref<40x64xf32, #tpu.memory_space<vmem>>, vector<16xf32>,
      %jit3A_669 = arith.constant 0.000000e+00 : f32
      %broadcast_in_dim3A_670 = vector.broadcast %jit3A_669 : f32 to vector<16xf32>
      %select_n3A_671 = arith.select %gt3A_656, %get3A_668, %broadcast_in_dim3A_670 : vector<16xi1>, vector<16xf32>
      %add3A_672 = arith.addf %add3A_637, %select_n3A_671 : vector<16xf32>
      %get3A_673 = arith.constant 12 : i32
      %get3A_674 = arith.index_cast %get3A_673 : i32 to index
      %get3A_675 = arith.constant 32 : index
      %get3A_676 = tpu.vector_load %arg11[%get3A_674, %get3A_675] {strides = array<i32>} : memref<40x64xf32, #tpu.memory_space<vmem>>, vector<16xf32>,
      %jit3A_677 = arith.constant 0.000000e+00 : f32
      %broadcast_in_dim3A_678 = vector.broadcast %jit3A_677 : f32 to vector<16xf32>
      %select_n3A_679 = arith.select %gt3A_656, %get3A_676, %broadcast_in_dim3A_678 : vector<16xi1>, vector<16xf32>
      %add3A_680 = arith.addf %add3A_645, %select_n3A_679 : vector<16xf32>
      %get3A_681 = arith.constant 12 : i32
      %get3A_682 = arith.index_cast %get3A_681 : i32 to index
      %get3A_683 = arith.constant 48 : index
      %get3A_684 = tpu.vector_load %arg11[%get3A_682, %get3A_683] {strides = array<i32>} : memref<40x64xf32, #tpu.memory_space<vmem>>, vector<16xf32>,
      %jit3A_685 = arith.constant 0.000000e+00 : f32
      %broadcast_in_dim3A_686 = vector.broadcast %jit3A_685 : f32 to vector<16xf32>
      %select_n3A_687 = arith.select %gt3A_656, %get3A_684, %broadcast_in_dim3A_686 : vector<16xi1>, vector<16xf32>
      %add3A_688 = arith.addf %add3A_653, %select_n3A_687 : vector<16xf32>
      %gt3A_689 = arith.constant 13 : i32
      %gt3A_690 = vector.broadcast %gt3A_689 : i32 to vector<16xi32>
      %gt3A_691 = arith.cmpi sgt, %add3A_85, %gt3A_690 : vector<16xi32>
      %get3A_692 = arith.constant 13 : i32
      %get3A_693 = arith.index_cast %get3A_692 : i32 to index
      %get3A_694 = arith.constant 0 : index
      %get3A_695 = tpu.vector_load %arg11[%get3A_693, %get3A_694] {strides = array<i32>} : memref<40x64xf32, #tpu.memory_space<vmem>>, vector<16xf32>,
      %jit3A_696 = arith.constant 0.000000e+00 : f32
      %broadcast_in_dim3A_697 = vector.broadcast %jit3A_696 : f32 to vector<16xf32>
      %select_n3A_698 = arith.select %gt3A_691, %get3A_695, %broadcast_in_dim3A_697 : vector<16xi1>, vector<16xf32>
      %add3A_699 = arith.addf %add3A_664, %select_n3A_698 : vector<16xf32>
      %get3A_700 = arith.constant 13 : i32
      %get3A_701 = arith.index_cast %get3A_700 : i32 to index
      %get3A_702 = arith.constant 16 : index
      %get3A_703 = tpu.vector_load %arg11[%get3A_701, %get3A_702] {strides = array<i32>} : memref<40x64xf32, #tpu.memory_space<vmem>>, vector<16xf32>,
      %jit3A_704 = arith.constant 0.000000e+00 : f32
      %broadcast_in_dim3A_705 = vector.broadcast %jit3A_704 : f32 to vector<16xf32>
      %select_n3A_706 = arith.select %gt3A_691, %get3A_703, %broadcast_in_dim3A_705 : vector<16xi1>, vector<16xf32>
      %add3A_707 = arith.addf %add3A_672, %select_n3A_706 : vector<16xf32>
      %get3A_708 = arith.constant 13 : i32
      %get3A_709 = arith.index_cast %get3A_708 : i32 to index
      %get3A_710 = arith.constant 32 : index
      %get3A_711 = tpu.vector_load %arg11[%get3A_709, %get3A_710] {strides = array<i32>} : memref<40x64xf32, #tpu.memory_space<vmem>>, vector<16xf32>,
      %jit3A_712 = arith.constant 0.000000e+00 : f32
      %broadcast_in_dim3A_713 = vector.broadcast %jit3A_712 : f32 to vector<16xf32>
      %select_n3A_714 = arith.select %gt3A_691, %get3A_711, %broadcast_in_dim3A_713 : vector<16xi1>, vector<16xf32>
      %add3A_715 = arith.addf %add3A_680, %select_n3A_714 : vector<16xf32>
      %get3A_716 = arith.constant 13 : i32
      %get3A_717 = arith.index_cast %get3A_716 : i32 to index
      %get3A_718 = arith.constant 48 : index
      %get3A_719 = tpu.vector_load %arg11[%get3A_717, %get3A_718] {strides = array<i32>} : memref<40x64xf32, #tpu.memory_space<vmem>>, vector<16xf32>,
      %jit3A_720 = arith.constant 0.000000e+00 : f32
      %broadcast_in_dim3A_721 = vector.broadcast %jit3A_720 : f32 to vector<16xf32>
      %select_n3A_722 = arith.select %gt3A_691, %get3A_719, %broadcast_in_dim3A_721 : vector<16xi1>, vector<16xf32>
      %add3A_723 = arith.addf %add3A_688, %select_n3A_722 : vector<16xf32>
      %gt3A_724 = arith.constant 14 : i32
      %gt3A_725 = vector.broadcast %gt3A_724 : i32 to vector<16xi32>
      %gt3A_726 = arith.cmpi sgt, %add3A_85, %gt3A_725 : vector<16xi32>
      %get3A_727 = arith.constant 14 : i32
      %get3A_728 = arith.index_cast %get3A_727 : i32 to index
      %get3A_729 = arith.constant 0 : index
      %get3A_730 = tpu.vector_load %arg11[%get3A_728, %get3A_729] {strides = array<i32>} : memref<40x64xf32, #tpu.memory_space<vmem>>, vector<16xf32>,
      %jit3A_731 = arith.constant 0.000000e+00 : f32
      %broadcast_in_dim3A_732 = vector.broadcast %jit3A_731 : f32 to vector<16xf32>
      %select_n3A_733 = arith.select %gt3A_726, %get3A_730, %broadcast_in_dim3A_732 : vector<16xi1>, vector<16xf32>
      %add3A_734 = arith.addf %add3A_699, %select_n3A_733 : vector<16xf32>
      %get3A_735 = arith.constant 14 : i32
      %get3A_736 = arith.index_cast %get3A_735 : i32 to index
      %get3A_737 = arith.constant 16 : index
      %get3A_738 = tpu.vector_load %arg11[%get3A_736, %get3A_737] {strides = array<i32>} : memref<40x64xf32, #tpu.memory_space<vmem>>, vector<16xf32>,
      %jit3A_739 = arith.constant 0.000000e+00 : f32
      %broadcast_in_dim3A_740 = vector.broadcast %jit3A_739 : f32 to vector<16xf32>
      %select_n3A_741 = arith.select %gt3A_726, %get3A_738, %broadcast_in_dim3A_740 : vector<16xi1>, vector<16xf32>
      %add3A_742 = arith.addf %add3A_707, %select_n3A_741 : vector<16xf32>
      %get3A_743 = arith.constant 14 : i32
      %get3A_744 = arith.index_cast %get3A_743 : i32 to index
      %get3A_745 = arith.constant 32 : index
      %get3A_746 = tpu.vector_load %arg11[%get3A_744, %get3A_745] {strides = array<i32>} : memref<40x64xf32, #tpu.memory_space<vmem>>, vector<16xf32>,
      %jit3A_747 = arith.constant 0.000000e+00 : f32
      %broadcast_in_dim3A_748 = vector.broadcast %jit3A_747 : f32 to vector<16xf32>
      %select_n3A_749 = arith.select %gt3A_726, %get3A_746, %broadcast_in_dim3A_748 : vector<16xi1>, vector<16xf32>
      %add3A_750 = arith.addf %add3A_715, %select_n3A_749 : vector<16xf32>
      %get3A_751 = arith.constant 14 : i32
      %get3A_752 = arith.index_cast %get3A_751 : i32 to index
      %get3A_753 = arith.constant 48 : index
      %get3A_754 = tpu.vector_load %arg11[%get3A_752, %get3A_753] {strides = array<i32>} : memref<40x64xf32, #tpu.memory_space<vmem>>, vector<16xf32>,
      %jit3A_755 = arith.constant 0.000000e+00 : f32
      %broadcast_in_dim3A_756 = vector.broadcast %jit3A_755 : f32 to vector<16xf32>
      %select_n3A_757 = arith.select %gt3A_726, %get3A_754, %broadcast_in_dim3A_756 : vector<16xi1>, vector<16xf32>
      %add3A_758 = arith.addf %add3A_723, %select_n3A_757 : vector<16xf32>
      %gt3A_759 = arith.constant 15 : i32
      %gt3A_760 = vector.broadcast %gt3A_759 : i32 to vector<16xi32>
      %gt3A_761 = arith.cmpi sgt, %add3A_85, %gt3A_760 : vector<16xi32>
      %get3A_762 = arith.constant 15 : i32
      %get3A_763 = arith.index_cast %get3A_762 : i32 to index
      %get3A_764 = arith.constant 0 : index
      %get3A_765 = tpu.vector_load %arg11[%get3A_763, %get3A_764] {strides = array<i32>} : memref<40x64xf32, #tpu.memory_space<vmem>>, vector<16xf32>,
      %jit3A_766 = arith.constant 0.000000e+00 : f32
      %broadcast_in_dim3A_767 = vector.broadcast %jit3A_766 : f32 to vector<16xf32>
      %select_n3A_768 = arith.select %gt3A_761, %get3A_765, %broadcast_in_dim3A_767 : vector<16xi1>, vector<16xf32>
      %add3A_769 = arith.addf %add3A_734, %select_n3A_768 : vector<16xf32>
      %get3A_770 = arith.constant 15 : i32
      %get3A_771 = arith.index_cast %get3A_770 : i32 to index
      %get3A_772 = arith.constant 16 : index
      %get3A_773 = tpu.vector_load %arg11[%get3A_771, %get3A_772] {strides = array<i32>} : memref<40x64xf32, #tpu.memory_space<vmem>>, vector<16xf32>,
      %jit3A_774 = arith.constant 0.000000e+00 : f32
      %broadcast_in_dim3A_775 = vector.broadcast %jit3A_774 : f32 to vector<16xf32>
      %select_n3A_776 = arith.select %gt3A_761, %get3A_773, %broadcast_in_dim3A_775 : vector<16xi1>, vector<16xf32>
      %add3A_777 = arith.addf %add3A_742, %select_n3A_776 : vector<16xf32>
      %get3A_778 = arith.constant 15 : i32
      %get3A_779 = arith.index_cast %get3A_778 : i32 to index
      %get3A_780 = arith.constant 32 : index
      %get3A_781 = tpu.vector_load %arg11[%get3A_779, %get3A_780] {strides = array<i32>} : memref<40x64xf32, #tpu.memory_space<vmem>>, vector<16xf32>,
      %jit3A_782 = arith.constant 0.000000e+00 : f32
      %broadcast_in_dim3A_783 = vector.broadcast %jit3A_782 : f32 to vector<16xf32>
      %select_n3A_784 = arith.select %gt3A_761, %get3A_781, %broadcast_in_dim3A_783 : vector<16xi1>, vector<16xf32>
      %add3A_785 = arith.addf %add3A_750, %select_n3A_784 : vector<16xf32>
      %get3A_786 = arith.constant 15 : i32
      %get3A_787 = arith.index_cast %get3A_786 : i32 to index
      %get3A_788 = arith.constant 48 : index
      %get3A_789 = tpu.vector_load %arg11[%get3A_787, %get3A_788] {strides = array<i32>} : memref<40x64xf32, #tpu.memory_space<vmem>>, vector<16xf32>,
      %jit3A_790 = arith.constant 0.000000e+00 : f32
      %broadcast_in_dim3A_791 = vector.broadcast %jit3A_790 : f32 to vector<16xf32>
      %select_n3A_792 = arith.select %gt3A_761, %get3A_789, %broadcast_in_dim3A_791 : vector<16xi1>, vector<16xf32>
      %add3A_793 = arith.addf %add3A_758, %select_n3A_792 : vector<16xf32>
      %gt3A_794 = arith.constant 16 : i32
      %gt3A_795 = vector.broadcast %gt3A_794 : i32 to vector<16xi32>
      %gt3A_796 = arith.cmpi sgt, %add3A_85, %gt3A_795 : vector<16xi32>
      %get3A_797 = arith.constant 16 : i32
      %get3A_798 = arith.index_cast %get3A_797 : i32 to index
      %get3A_799 = arith.constant 0 : index
      %get3A_800 = tpu.vector_load %arg11[%get3A_798, %get3A_799] {strides = array<i32>} : memref<40x64xf32, #tpu.memory_space<vmem>>, vector<16xf32>,
      %jit3A_801 = arith.constant 0.000000e+00 : f32
      %broadcast_in_dim3A_802 = vector.broadcast %jit3A_801 : f32 to vector<16xf32>
      %select_n3A_803 = arith.select %gt3A_796, %get3A_800, %broadcast_in_dim3A_802 : vector<16xi1>, vector<16xf32>
      %add3A_804 = arith.addf %add3A_769, %select_n3A_803 : vector<16xf32>
      %get3A_805 = arith.constant 16 : i32
      %get3A_806 = arith.index_cast %get3A_805 : i32 to index
      %get3A_807 = arith.constant 16 : index
      %get3A_808 = tpu.vector_load %arg11[%get3A_806, %get3A_807] {strides = array<i32>} : memref<40x64xf32, #tpu.memory_space<vmem>>, vector<16xf32>,
      %jit3A_809 = arith.constant 0.000000e+00 : f32
      %broadcast_in_dim3A_810 = vector.broadcast %jit3A_809 : f32 to vector<16xf32>
      %select_n3A_811 = arith.select %gt3A_796, %get3A_808, %broadcast_in_dim3A_810 : vector<16xi1>, vector<16xf32>
      %add3A_812 = arith.addf %add3A_777, %select_n3A_811 : vector<16xf32>
      %get3A_813 = arith.constant 16 : i32
      %get3A_814 = arith.index_cast %get3A_813 : i32 to index
      %get3A_815 = arith.constant 32 : index
      %get3A_816 = tpu.vector_load %arg11[%get3A_814, %get3A_815] {strides = array<i32>} : memref<40x64xf32, #tpu.memory_space<vmem>>, vector<16xf32>,
      %jit3A_817 = arith.constant 0.000000e+00 : f32
      %broadcast_in_dim3A_818 = vector.broadcast %jit3A_817 : f32 to vector<16xf32>
      %select_n3A_819 = arith.select %gt3A_796, %get3A_816, %broadcast_in_dim3A_818 : vector<16xi1>, vector<16xf32>
      %add3A_820 = arith.addf %add3A_785, %select_n3A_819 : vector<16xf32>
      %get3A_821 = arith.constant 16 : i32
      %get3A_822 = arith.index_cast %get3A_821 : i32 to index
      %get3A_823 = arith.constant 48 : index
      %get3A_824 = tpu.vector_load %arg11[%get3A_822, %get3A_823] {strides = array<i32>} : memref<40x64xf32, #tpu.memory_space<vmem>>, vector<16xf32>,
      %jit3A_825 = arith.constant 0.000000e+00 : f32
      %broadcast_in_dim3A_826 = vector.broadcast %jit3A_825 : f32 to vector<16xf32>
      %select_n3A_827 = arith.select %gt3A_796, %get3A_824, %broadcast_in_dim3A_826 : vector<16xi1>, vector<16xf32>
      %add3A_828 = arith.addf %add3A_793, %select_n3A_827 : vector<16xf32>
      %gt3A_829 = arith.constant 17 : i32
      %gt3A_830 = vector.broadcast %gt3A_829 : i32 to vector<16xi32>
      %gt3A_831 = arith.cmpi sgt, %add3A_85, %gt3A_830 : vector<16xi32>
      %get3A_832 = arith.constant 17 : i32
      %get3A_833 = arith.index_cast %get3A_832 : i32 to index
      %get3A_834 = arith.constant 0 : index
      %get3A_835 = tpu.vector_load %arg11[%get3A_833, %get3A_834] {strides = array<i32>} : memref<40x64xf32, #tpu.memory_space<vmem>>, vector<16xf32>,
      %jit3A_836 = arith.constant 0.000000e+00 : f32
      %broadcast_in_dim3A_837 = vector.broadcast %jit3A_836 : f32 to vector<16xf32>
      %select_n3A_838 = arith.select %gt3A_831, %get3A_835, %broadcast_in_dim3A_837 : vector<16xi1>, vector<16xf32>
      %add3A_839 = arith.addf %add3A_804, %select_n3A_838 : vector<16xf32>
      %get3A_840 = arith.constant 17 : i32
      %get3A_841 = arith.index_cast %get3A_840 : i32 to index
      %get3A_842 = arith.constant 16 : index
      %get3A_843 = tpu.vector_load %arg11[%get3A_841, %get3A_842] {strides = array<i32>} : memref<40x64xf32, #tpu.memory_space<vmem>>, vector<16xf32>,
      %jit3A_844 = arith.constant 0.000000e+00 : f32
      %broadcast_in_dim3A_845 = vector.broadcast %jit3A_844 : f32 to vector<16xf32>
      %select_n3A_846 = arith.select %gt3A_831, %get3A_843, %broadcast_in_dim3A_845 : vector<16xi1>, vector<16xf32>
      %add3A_847 = arith.addf %add3A_812, %select_n3A_846 : vector<16xf32>
      %get3A_848 = arith.constant 17 : i32
      %get3A_849 = arith.index_cast %get3A_848 : i32 to index
      %get3A_850 = arith.constant 32 : index
      %get3A_851 = tpu.vector_load %arg11[%get3A_849, %get3A_850] {strides = array<i32>} : memref<40x64xf32, #tpu.memory_space<vmem>>, vector<16xf32>,
      %jit3A_852 = arith.constant 0.000000e+00 : f32
      %broadcast_in_dim3A_853 = vector.broadcast %jit3A_852 : f32 to vector<16xf32>
      %select_n3A_854 = arith.select %gt3A_831, %get3A_851, %broadcast_in_dim3A_853 : vector<16xi1>, vector<16xf32>
      %add3A_855 = arith.addf %add3A_820, %select_n3A_854 : vector<16xf32>
      %get3A_856 = arith.constant 17 : i32
      %get3A_857 = arith.index_cast %get3A_856 : i32 to index
      %get3A_858 = arith.constant 48 : index
      %get3A_859 = tpu.vector_load %arg11[%get3A_857, %get3A_858] {strides = array<i32>} : memref<40x64xf32, #tpu.memory_space<vmem>>, vector<16xf32>,
      %jit3A_860 = arith.constant 0.000000e+00 : f32
      %broadcast_in_dim3A_861 = vector.broadcast %jit3A_860 : f32 to vector<16xf32>
      %select_n3A_862 = arith.select %gt3A_831, %get3A_859, %broadcast_in_dim3A_861 : vector<16xi1>, vector<16xf32>
      %add3A_863 = arith.addf %add3A_828, %select_n3A_862 : vector<16xf32>
      %gt3A_864 = arith.constant 18 : i32
      %gt3A_865 = vector.broadcast %gt3A_864 : i32 to vector<16xi32>
      %gt3A_866 = arith.cmpi sgt, %add3A_85, %gt3A_865 : vector<16xi32>
      %get3A_867 = arith.constant 18 : i32
      %get3A_868 = arith.index_cast %get3A_867 : i32 to index
      %get3A_869 = arith.constant 0 : index
      %get3A_870 = tpu.vector_load %arg11[%get3A_868, %get3A_869] {strides = array<i32>} : memref<40x64xf32, #tpu.memory_space<vmem>>, vector<16xf32>,
      %jit3A_871 = arith.constant 0.000000e+00 : f32
      %broadcast_in_dim3A_872 = vector.broadcast %jit3A_871 : f32 to vector<16xf32>
      %select_n3A_873 = arith.select %gt3A_866, %get3A_870, %broadcast_in_dim3A_872 : vector<16xi1>, vector<16xf32>
      %add3A_874 = arith.addf %add3A_839, %select_n3A_873 : vector<16xf32>
      %get3A_875 = arith.constant 18 : i32
      %get3A_876 = arith.index_cast %get3A_875 : i32 to index
      %get3A_877 = arith.constant 16 : index
      %get3A_878 = tpu.vector_load %arg11[%get3A_876, %get3A_877] {strides = array<i32>} : memref<40x64xf32, #tpu.memory_space<vmem>>, vector<16xf32>,
      %jit3A_879 = arith.constant 0.000000e+00 : f32
      %broadcast_in_dim3A_880 = vector.broadcast %jit3A_879 : f32 to vector<16xf32>
      %select_n3A_881 = arith.select %gt3A_866, %get3A_878, %broadcast_in_dim3A_880 : vector<16xi1>, vector<16xf32>
      %add3A_882 = arith.addf %add3A_847, %select_n3A_881 : vector<16xf32>
      %get3A_883 = arith.constant 18 : i32
      %get3A_884 = arith.index_cast %get3A_883 : i32 to index
      %get3A_885 = arith.constant 32 : index
      %get3A_886 = tpu.vector_load %arg11[%get3A_884, %get3A_885] {strides = array<i32>} : memref<40x64xf32, #tpu.memory_space<vmem>>, vector<16xf32>,
      %jit3A_887 = arith.constant 0.000000e+00 : f32
      %broadcast_in_dim3A_888 = vector.broadcast %jit3A_887 : f32 to vector<16xf32>
      %select_n3A_889 = arith.select %gt3A_866, %get3A_886, %broadcast_in_dim3A_888 : vector<16xi1>, vector<16xf32>
      %add3A_890 = arith.addf %add3A_855, %select_n3A_889 : vector<16xf32>
      %get3A_891 = arith.constant 18 : i32
      %get3A_892 = arith.index_cast %get3A_891 : i32 to index
      %get3A_893 = arith.constant 48 : index
      %get3A_894 = tpu.vector_load %arg11[%get3A_892, %get3A_893] {strides = array<i32>} : memref<40x64xf32, #tpu.memory_space<vmem>>, vector<16xf32>,
      %jit3A_895 = arith.constant 0.000000e+00 : f32
      %broadcast_in_dim3A_896 = vector.broadcast %jit3A_895 : f32 to vector<16xf32>
      %select_n3A_897 = arith.select %gt3A_866, %get3A_894, %broadcast_in_dim3A_896 : vector<16xi1>, vector<16xf32>
      %add3A_898 = arith.addf %add3A_863, %select_n3A_897 : vector<16xf32>
      %gt3A_899 = arith.constant 19 : i32
      %gt3A_900 = vector.broadcast %gt3A_899 : i32 to vector<16xi32>
      %gt3A_901 = arith.cmpi sgt, %add3A_85, %gt3A_900 : vector<16xi32>
      %get3A_902 = arith.constant 19 : i32
      %get3A_903 = arith.index_cast %get3A_902 : i32 to index
      %get3A_904 = arith.constant 0 : index
      %get3A_905 = tpu.vector_load %arg11[%get3A_903, %get3A_904] {strides = array<i32>} : memref<40x64xf32, #tpu.memory_space<vmem>>, vector<16xf32>,
      %jit3A_906 = arith.constant 0.000000e+00 : f32
      %broadcast_in_dim3A_907 = vector.broadcast %jit3A_906 : f32 to vector<16xf32>
      %select_n3A_908 = arith.select %gt3A_901, %get3A_905, %broadcast_in_dim3A_907 : vector<16xi1>, vector<16xf32>
      %add3A_909 = arith.addf %add3A_874, %select_n3A_908 : vector<16xf32>
      %get3A_910 = arith.constant 19 : i32
      %get3A_911 = arith.index_cast %get3A_910 : i32 to index
      %get3A_912 = arith.constant 16 : index
      %get3A_913 = tpu.vector_load %arg11[%get3A_911, %get3A_912] {strides = array<i32>} : memref<40x64xf32, #tpu.memory_space<vmem>>, vector<16xf32>,
      %jit3A_914 = arith.constant 0.000000e+00 : f32
      %broadcast_in_dim3A_915 = vector.broadcast %jit3A_914 : f32 to vector<16xf32>
      %select_n3A_916 = arith.select %gt3A_901, %get3A_913, %broadcast_in_dim3A_915 : vector<16xi1>, vector<16xf32>
      %add3A_917 = arith.addf %add3A_882, %select_n3A_916 : vector<16xf32>
      %get3A_918 = arith.constant 19 : i32
      %get3A_919 = arith.index_cast %get3A_918 : i32 to index
      %get3A_920 = arith.constant 32 : index
      %get3A_921 = tpu.vector_load %arg11[%get3A_919, %get3A_920] {strides = array<i32>} : memref<40x64xf32, #tpu.memory_space<vmem>>, vector<16xf32>,
      %jit3A_922 = arith.constant 0.000000e+00 : f32
      %broadcast_in_dim3A_923 = vector.broadcast %jit3A_922 : f32 to vector<16xf32>
      %select_n3A_924 = arith.select %gt3A_901, %get3A_921, %broadcast_in_dim3A_923 : vector<16xi1>, vector<16xf32>
      %add3A_925 = arith.addf %add3A_890, %select_n3A_924 : vector<16xf32>
      %get3A_926 = arith.constant 19 : i32
      %get3A_927 = arith.index_cast %get3A_926 : i32 to index
      %get3A_928 = arith.constant 48 : index
      %get3A_929 = tpu.vector_load %arg11[%get3A_927, %get3A_928] {strides = array<i32>} : memref<40x64xf32, #tpu.memory_space<vmem>>, vector<16xf32>,
      %jit3A_930 = arith.constant 0.000000e+00 : f32
      %broadcast_in_dim3A_931 = vector.broadcast %jit3A_930 : f32 to vector<16xf32>
      %select_n3A_932 = arith.select %gt3A_901, %get3A_929, %broadcast_in_dim3A_931 : vector<16xi1>, vector<16xf32>
      %add3A_933 = arith.addf %add3A_898, %select_n3A_932 : vector<16xf32>
      %convert_element_type3A = arith.sitofp %add3A_230 : vector<16xi32> to vector<16xf32>
      %max3A = arith.constant 1.000000e+00 : f32
      %max3A_934 = vector.broadcast %max3A : f32 to vector<16xf32>
      %max3A_935 = arith.maximumf %convert_element_type3A, %max3A_934 : vector<16xf32>
      %div3A = arith.constant 1.000000e+00 : f32
      %div3A_936 = vector.broadcast %div3A : f32 to vector<16xf32>
      %div3A_937 = arith.divf %div3A_936, %max3A_935 : vector<16xf32>
      %convert_element_type3A_938 = arith.sitofp %add3A_85 : vector<16xi32> to vector<16xf32>
      %max3A_939 = arith.constant 1.000000e+00 : f32
      %max3A_940 = vector.broadcast %max3A_939 : f32 to vector<16xf32>
      %max3A_941 = arith.maximumf %convert_element_type3A_938, %max3A_940 : vector<16xf32>
      %div3A_942 = arith.constant 1.000000e+00 : f32
      %div3A_943 = vector.broadcast %div3A_942 : f32 to vector<16xf32>
      %div3A_944 = arith.divf %div3A_943, %max3A_941 : vector<16xf32>
      %mul3A_945 = arith.mulf %scan3A_235#0, %div3A_937 : vector<16xf32>
      %swap3A = arith.index_cast %add3A_105 : i32 to index
      %swap3A_946 = arith.constant 0 : index
      %swap3A_947 = tpu.vector_load %arg13[%swap3A, %swap3A_946] {strides = array<i32>} : memref<128x128xf32, #tpu.memory_space<vmem>>, vector<16xf32>,
      tpu.vector_store %arg13[%swap3A, %swap3A_946], %mul3A_945 {strides = array<i32>} : memref<128x128xf32, #tpu.memory_space<vmem>>, vector<16xf32>,
      %mul3A_948 = arith.mulf %add3A_909, %div3A_944 : vector<16xf32>
      %swap3A_949 = arith.index_cast %add3A_105 : i32 to index
      %swap3A_950 = arith.constant 64 : index
      %swap3A_951 = tpu.vector_load %arg13[%swap3A_949, %swap3A_950] {strides = array<i32>} : memref<128x128xf32, #tpu.memory_space<vmem>>, vector<16xf32>,
      tpu.vector_store %arg13[%swap3A_949, %swap3A_950], %mul3A_948 {strides = array<i32>} : memref<128x128xf32, #tpu.memory_space<vmem>>, vector<16xf32>,
      %mul3A_952 = arith.mulf %scan3A_235#1, %div3A_937 : vector<16xf32>
      %swap3A_953 = arith.index_cast %add3A_105 : i32 to index
      %swap3A_954 = arith.constant 16 : index
      %swap3A_955 = tpu.vector_load %arg13[%swap3A_953, %swap3A_954] {strides = array<i32>} : memref<128x128xf32, #tpu.memory_space<vmem>>, vector<16xf32>,
      tpu.vector_store %arg13[%swap3A_953, %swap3A_954], %mul3A_952 {strides = array<i32>} : memref<128x128xf32, #tpu.memory_space<vmem>>, vector<16xf32>,
      %mul3A_956 = arith.mulf %add3A_917, %div3A_944 : vector<16xf32>
      %swap3A_957 = arith.index_cast %add3A_105 : i32 to index
      %swap3A_958 = arith.constant 80 : index
      %swap3A_959 = tpu.vector_load %arg13[%swap3A_957, %swap3A_958] {strides = array<i32>} : memref<128x128xf32, #tpu.memory_space<vmem>>, vector<16xf32>,
      tpu.vector_store %arg13[%swap3A_957, %swap3A_958], %mul3A_956 {strides = array<i32>} : memref<128x128xf32, #tpu.memory_space<vmem>>, vector<16xf32>,
      %mul3A_960 = arith.mulf %scan3A_235#2, %div3A_937 : vector<16xf32>
      %swap3A_961 = arith.index_cast %add3A_105 : i32 to index
      %swap3A_962 = arith.constant 32 : index
      %swap3A_963 = tpu.vector_load %arg13[%swap3A_961, %swap3A_962] {strides = array<i32>} : memref<128x128xf32, #tpu.memory_space<vmem>>, vector<16xf32>,
      tpu.vector_store %arg13[%swap3A_961, %swap3A_962], %mul3A_960 {strides = array<i32>} : memref<128x128xf32, #tpu.memory_space<vmem>>, vector<16xf32>,
      %mul3A_964 = arith.mulf %add3A_925, %div3A_944 : vector<16xf32>
      %swap3A_965 = arith.index_cast %add3A_105 : i32 to index
      %swap3A_966 = arith.constant 96 : index
      %swap3A_967 = tpu.vector_load %arg13[%swap3A_965, %swap3A_966] {strides = array<i32>} : memref<128x128xf32, #tpu.memory_space<vmem>>, vector<16xf32>,
      tpu.vector_store %arg13[%swap3A_965, %swap3A_966], %mul3A_964 {strides = array<i32>} : memref<128x128xf32, #tpu.memory_space<vmem>>, vector<16xf32>,
      %mul3A_968 = arith.mulf %scan3A_235#3, %div3A_937 : vector<16xf32>
      %swap3A_969 = arith.index_cast %add3A_105 : i32 to index
      %swap3A_970 = arith.constant 48 : index
      %swap3A_971 = tpu.vector_load %arg13[%swap3A_969, %swap3A_970] {strides = array<i32>} : memref<128x128xf32, #tpu.memory_space<vmem>>, vector<16xf32>,
      tpu.vector_store %arg13[%swap3A_969, %swap3A_970], %mul3A_968 {strides = array<i32>} : memref<128x128xf32, #tpu.memory_space<vmem>>, vector<16xf32>,
      %mul3A_972 = arith.mulf %add3A_933, %div3A_944 : vector<16xf32>
      %swap3A_973 = arith.index_cast %add3A_105 : i32 to index
      %swap3A_974 = arith.constant 112 : index
      %swap3A_975 = tpu.vector_load %arg13[%swap3A_973, %swap3A_974] {strides = array<i32>} : memref<128x128xf32, #tpu.memory_space<vmem>>, vector<16xf32>,
      tpu.vector_store %arg13[%swap3A_973, %swap3A_974], %mul3A_972 {strides = array<i32>} : memref<128x128xf32, #tpu.memory_space<vmem>>, vector<16xf32>,
      %mul3A_976 = arith.constant 2 : i32
      %mul3A_977 = arith.muli %mul3A_39, %mul3A_976 : i32
      %add3A_978 = arith.constant 1 : i32
      %add3A_979 = arith.addi %mul3A_977, %add3A_978 : i32
      %mul3A_980 = arith.constant 200 : i32
      %mul3A_981 = arith.muli %add3A_979, %mul3A_980 : i32
      %multiple_of3A_982 = tpu.assume_multiple %mul3A_981, 200 : i32
      %add3A_983 = arith.constant 0 : i32
      %add3A_984 = arith.addi %multiple_of3A_982, %add3A_983 : i32
      %get3A_985 = arith.index_cast %add3A_984 : i32 to index
      %get3A_986 = tpu.vector_load %arg7[%get3A_985] {strides = array<i32>} : memref<25600xi32, #tpu.memory_space<vmem>>, vector<16xi32>,
      %ne3A_987 = arith.constant 0 : i32
      %ne3A_988 = vector.broadcast %ne3A_987 : i32 to vector<16xi32>
      %ne3A_989 = arith.cmpi ne, %get3A_986, %ne3A_988 : vector<16xi32>
      %all_reduce_population_count3A_990 = tpu.all_reduce %ne3A_989 {dim = 0 : i64, kind = #tpu.reduction_kind<sum>} : vector<16xi1> -> vector<16xi32>
      %add3A_991 = arith.addi %broadcast_in_dim3A_3, %all_reduce_population_count3A_990 : vector<16xi32>
      %add3A_992 = arith.constant 16 : i32
      %add3A_993 = arith.addi %multiple_of3A_982, %add3A_992 : i32
      %get3A_994 = arith.index_cast %add3A_993 : i32 to index
      %get3A_995 = tpu.vector_load %arg7[%get3A_994] {strides = array<i32>} : memref<25600xi32, #tpu.memory_space<vmem>>, vector<16xi32>,
      %ne3A_996 = arith.constant 0 : i32
      %ne3A_997 = vector.broadcast %ne3A_996 : i32 to vector<16xi32>
      %ne3A_998 = arith.cmpi ne, %get3A_995, %ne3A_997 : vector<16xi32>
      %all_reduce_population_count3A_999 = tpu.all_reduce %ne3A_998 {dim = 0 : i64, kind = #tpu.reduction_kind<sum>} : vector<16xi1> -> vector<16xi32>
      %add3A_1000 = arith.addi %add3A_991, %all_reduce_population_count3A_999 : vector<16xi32>
      %add3A_1001 = arith.constant 32 : i32
      %add3A_1002 = arith.addi %multiple_of3A_982, %add3A_1001 : i32
      %get3A_1003 = arith.index_cast %add3A_1002 : i32 to index
      %get3A_1004 = tpu.vector_load %arg7[%get3A_1003] {strides = array<i32>} : memref<25600xi32, #tpu.memory_space<vmem>>, vector<16xi32>,
      %ne3A_1005 = arith.constant 0 : i32
      %ne3A_1006 = vector.broadcast %ne3A_1005 : i32 to vector<16xi32>
      %ne3A_1007 = arith.cmpi ne, %get3A_1004, %ne3A_1006 : vector<16xi32>
      %all_reduce_population_count3A_1008 = tpu.all_reduce %ne3A_1007 {dim = 0 : i64, kind = #tpu.reduction_kind<sum>} : vector<16xi1> -> vector<16xi32>
      %add3A_1009 = arith.addi %add3A_1000, %all_reduce_population_count3A_1008 : vector<16xi32>
      %add3A_1010 = arith.constant 48 : i32
      %add3A_1011 = arith.addi %multiple_of3A_982, %add3A_1010 : i32
      %get3A_1012 = arith.index_cast %add3A_1011 : i32 to index
      %get3A_1013 = tpu.vector_load %arg7[%get3A_1012] {strides = array<i32>} : memref<25600xi32, #tpu.memory_space<vmem>>, vector<16xi32>,
      %ne3A_1014 = arith.constant 0 : i32
      %ne3A_1015 = vector.broadcast %ne3A_1014 : i32 to vector<16xi32>
      %ne3A_1016 = arith.cmpi ne, %get3A_1013, %ne3A_1015 : vector<16xi32>
      %all_reduce_population_count3A_1017 = tpu.all_reduce %ne3A_1016 {dim = 0 : i64, kind = #tpu.reduction_kind<sum>} : vector<16xi1> -> vector<16xi32>
      %add3A_1018 = arith.addi %add3A_1009, %all_reduce_population_count3A_1017 : vector<16xi32>
      %add3A_1019 = arith.constant 64 : i32
      %add3A_1020 = arith.addi %multiple_of3A_982, %add3A_1019 : i32
      %get3A_1021 = arith.index_cast %add3A_1020 : i32 to index
      %get3A_1022 = tpu.vector_load %arg7[%get3A_1021] {strides = array<i32>} : memref<25600xi32, #tpu.memory_space<vmem>>, vector<16xi32>,
      %ne3A_1023 = arith.constant 0 : i32
      %ne3A_1024 = vector.broadcast %ne3A_1023 : i32 to vector<16xi32>
      %ne3A_1025 = arith.cmpi ne, %get3A_1022, %ne3A_1024 : vector<16xi32>
      %all_reduce_population_count3A_1026 = tpu.all_reduce %ne3A_1025 {dim = 0 : i64, kind = #tpu.reduction_kind<sum>} : vector<16xi1> -> vector<16xi32>
      %add3A_1027 = arith.addi %add3A_1018, %all_reduce_population_count3A_1026 : vector<16xi32>
      %add3A_1028 = arith.constant 80 : i32
      %add3A_1029 = arith.addi %multiple_of3A_982, %add3A_1028 : i32
      %get3A_1030 = arith.index_cast %add3A_1029 : i32 to index
      %get3A_1031 = tpu.vector_load %arg7[%get3A_1030] {strides = array<i32>} : memref<25600xi32, #tpu.memory_space<vmem>>, vector<16xi32>,
      %ne3A_1032 = arith.constant 0 : i32
      %ne3A_1033 = vector.broadcast %ne3A_1032 : i32 to vector<16xi32>
      %ne3A_1034 = arith.cmpi ne, %get3A_1031, %ne3A_1033 : vector<16xi32>
      %all_reduce_population_count3A_1035 = tpu.all_reduce %ne3A_1034 {dim = 0 : i64, kind = #tpu.reduction_kind<sum>} : vector<16xi1> -> vector<16xi32>
      %add3A_1036 = arith.addi %add3A_1027, %all_reduce_population_count3A_1035 : vector<16xi32>
      %add3A_1037 = arith.constant 96 : i32
      %add3A_1038 = arith.addi %multiple_of3A_982, %add3A_1037 : i32
      %get3A_1039 = arith.index_cast %add3A_1038 : i32 to index
      %get3A_1040 = tpu.vector_load %arg7[%get3A_1039] {strides = array<i32>} : memref<25600xi32, #tpu.memory_space<vmem>>, vector<16xi32>,
      %ne3A_1041 = arith.constant 0 : i32
      %ne3A_1042 = vector.broadcast %ne3A_1041 : i32 to vector<16xi32>
      %ne3A_1043 = arith.cmpi ne, %get3A_1040, %ne3A_1042 : vector<16xi32>
      %all_reduce_population_count3A_1044 = tpu.all_reduce %ne3A_1043 {dim = 0 : i64, kind = #tpu.reduction_kind<sum>} : vector<16xi1> -> vector<16xi32>
      %add3A_1045 = arith.addi %add3A_1036, %all_reduce_population_count3A_1044 : vector<16xi32>
      %add3A_1046 = arith.constant 112 : i32
      %add3A_1047 = arith.addi %multiple_of3A_982, %add3A_1046 : i32
      %get3A_1048 = arith.index_cast %add3A_1047 : i32 to index
      %get3A_1049 = tpu.vector_load %arg7[%get3A_1048] {strides = array<i32>} : memref<25600xi32, #tpu.memory_space<vmem>>, vector<16xi32>,
      %ne3A_1050 = arith.constant 0 : i32
      %ne3A_1051 = vector.broadcast %ne3A_1050 : i32 to vector<16xi32>
      %ne3A_1052 = arith.cmpi ne, %get3A_1049, %ne3A_1051 : vector<16xi32>
      %all_reduce_population_count3A_1053 = tpu.all_reduce %ne3A_1052 {dim = 0 : i64, kind = #tpu.reduction_kind<sum>} : vector<16xi1> -> vector<16xi32>
      %add3A_1054 = arith.addi %add3A_1045, %all_reduce_population_count3A_1053 : vector<16xi32>
      %add3A_1055 = arith.constant 128 : i32
      %add3A_1056 = arith.addi %multiple_of3A_982, %add3A_1055 : i32
      %get3A_1057 = arith.index_cast %add3A_1056 : i32 to index
      %get3A_1058 = tpu.vector_load %arg7[%get3A_1057] {strides = array<i32>} : memref<25600xi32, #tpu.memory_space<vmem>>, vector<16xi32>,
      %ne3A_1059 = arith.constant 0 : i32
      %ne3A_1060 = vector.broadcast %ne3A_1059 : i32 to vector<16xi32>
      %ne3A_1061 = arith.cmpi ne, %get3A_1058, %ne3A_1060 : vector<16xi32>
      %all_reduce_population_count3A_1062 = tpu.all_reduce %ne3A_1061 {dim = 0 : i64, kind = #tpu.reduction_kind<sum>} : vector<16xi1> -> vector<16xi32>
      %add3A_1063 = arith.addi %add3A_1054, %all_reduce_population_count3A_1062 : vector<16xi32>
      %add3A_1064 = arith.constant 144 : i32
      %add3A_1065 = arith.addi %multiple_of3A_982, %add3A_1064 : i32
      %get3A_1066 = arith.index_cast %add3A_1065 : i32 to index
      %get3A_1067 = tpu.vector_load %arg7[%get3A_1066] {strides = array<i32>} : memref<25600xi32, #tpu.memory_space<vmem>>, vector<16xi32>,
      %ne3A_1068 = arith.constant 0 : i32
      %ne3A_1069 = vector.broadcast %ne3A_1068 : i32 to vector<16xi32>
      %ne3A_1070 = arith.cmpi ne, %get3A_1067, %ne3A_1069 : vector<16xi32>
      %all_reduce_population_count3A_1071 = tpu.all_reduce %ne3A_1070 {dim = 0 : i64, kind = #tpu.reduction_kind<sum>} : vector<16xi1> -> vector<16xi32>
      %add3A_1072 = arith.addi %add3A_1063, %all_reduce_population_count3A_1071 : vector<16xi32>
      %add3A_1073 = arith.constant 160 : i32
      %add3A_1074 = arith.addi %multiple_of3A_982, %add3A_1073 : i32
      %get3A_1075 = arith.index_cast %add3A_1074 : i32 to index
      %get3A_1076 = tpu.vector_load %arg7[%get3A_1075] {strides = array<i32>} : memref<25600xi32, #tpu.memory_space<vmem>>, vector<16xi32>,
      %ne3A_1077 = arith.constant 0 : i32
      %ne3A_1078 = vector.broadcast %ne3A_1077 : i32 to vector<16xi32>
      %ne3A_1079 = arith.cmpi ne, %get3A_1076, %ne3A_1078 : vector<16xi32>
      %all_reduce_population_count3A_1080 = tpu.all_reduce %ne3A_1079 {dim = 0 : i64, kind = #tpu.reduction_kind<sum>} : vector<16xi1> -> vector<16xi32>
      %add3A_1081 = arith.addi %add3A_1072, %all_reduce_population_count3A_1080 : vector<16xi32>
      %add3A_1082 = arith.constant 176 : i32
      %add3A_1083 = arith.addi %multiple_of3A_982, %add3A_1082 : i32
      %get3A_1084 = arith.index_cast %add3A_1083 : i32 to index
      %get3A_1085 = tpu.vector_load %arg7[%get3A_1084] {strides = array<i32>} : memref<25600xi32, #tpu.memory_space<vmem>>, vector<16xi32>,
      %ne3A_1086 = arith.constant 0 : i32
      %ne3A_1087 = vector.broadcast %ne3A_1086 : i32 to vector<16xi32>
      %ne3A_1088 = arith.cmpi ne, %get3A_1085, %ne3A_1087 : vector<16xi32>
      %all_reduce_population_count3A_1089 = tpu.all_reduce %ne3A_1088 {dim = 0 : i64, kind = #tpu.reduction_kind<sum>} : vector<16xi1> -> vector<16xi32>
      %add3A_1090 = arith.addi %add3A_1081, %all_reduce_population_count3A_1089 : vector<16xi32>
      %add3A_1091 = arith.constant 200 : i32
      %add3A_1092 = arith.addi %multiple_of3A_982, %add3A_1091 : i32
      %sub3A_1093 = arith.constant 16 : i32
      %sub3A_1094 = arith.subi %add3A_1092, %sub3A_1093 : i32
      %get3A_1095 = arith.index_cast %sub3A_1094 : i32 to index
      %get3A_1096 = tpu.vector_load %arg7[%get3A_1095] {strides = array<i32>} : memref<25600xi32, #tpu.memory_space<vmem>>, vector<16xi32>,
      %ge3A_1097 = arith.constant 8 : i32
      %ge3A_1098 = vector.broadcast %ge3A_1097 : i32 to vector<16xi32>
      %ge3A_1099 = arith.cmpi sge, %iota3A, %ge3A_1098 : vector<16xi32>
      %ne3A_1100 = arith.constant 0 : i32
      %ne3A_1101 = vector.broadcast %ne3A_1100 : i32 to vector<16xi32>
      %ne3A_1102 = arith.cmpi ne, %get3A_1096, %ne3A_1101 : vector<16xi32>
      %and3A_1103 = arith.andi %ne3A_1102, %ge3A_1099 : vector<16xi1>
      %all_reduce_population_count3A_1104 = tpu.all_reduce %and3A_1103 {dim = 0 : i64, kind = #tpu.reduction_kind<sum>} : vector<16xi1> -> vector<16xi32>
      %add3A_1105 = arith.addi %add3A_1090, %all_reduce_population_count3A_1104 : vector<16xi32>
      %scan3A_1106 = arith.constant 0 : i32
      %scan3A_1107 = arith.constant 25 : i32
      %scan3A_1108 = arith.addi %scan3A_1106, %scan3A_1107 : i32
      %scan3A_1109 = arith.constant 1 : i32
      %scan3A_1110:4 = scf.for %scan3A_3683 = %scan3A_1106 to %scan3A_1108 step %scan3A_1109 iter_args(%scan3A_3684 = %broadcast_in_dim3A_5, %scan3A_3685 = %broadcast_in_dim3A_5, %scan3A_3686 = %broadcast_in_dim3A_5, %scan3A_3687 = %broadcast_in_dim3A_5) -> (vector<16xf32>, vector<16xf32>, vector<16xf32>, vector<16xf32>)  : i32 {
        %mul3A_3688 = arith.constant 8 : i32
        %mul3A_3689 = arith.muli %scan3A_3683, %mul3A_3688 : i32
        %add3A_3690 = arith.constant 0 : i32
        %add3A_3691 = arith.addi %mul3A_3689, %add3A_3690 : i32
        %gt3A_3692 = vector.broadcast %add3A_3691 : i32 to vector<16xi32>
        %gt3A_3693 = arith.cmpi sgt, %add3A_1105, %gt3A_3692 : vector<16xi32>
        %add3A_3694 = arith.constant 200 : i32
        %add3A_3695 = arith.addi %add3A_3694, %add3A_3691 : i32
        %get3A_3696 = arith.index_cast %add3A_3695 : i32 to index
        %get3A_3697 = arith.constant 0 : index
        %get3A_3698 = tpu.vector_load %arg9[%get3A_3696, %get3A_3697] {strides = array<i32>} : memref<400x64xf32, #tpu.memory_space<vmem>>, vector<16xf32>,
        %jit3A_3699 = arith.constant 0.000000e+00 : f32
        %broadcast_in_dim3A_3700 = vector.broadcast %jit3A_3699 : f32 to vector<16xf32>
        %select_n3A_3701 = arith.select %gt3A_3693, %get3A_3698, %broadcast_in_dim3A_3700 : vector<16xi1>, vector<16xf32>
        %add3A_3702 = arith.addf %scan3A_3684, %select_n3A_3701 : vector<16xf32>
        %add3A_3703 = arith.constant 200 : i32
        %add3A_3704 = arith.addi %add3A_3703, %add3A_3691 : i32
        %get3A_3705 = arith.index_cast %add3A_3704 : i32 to index
        %get3A_3706 = arith.constant 16 : index
        %get3A_3707 = tpu.vector_load %arg9[%get3A_3705, %get3A_3706] {strides = array<i32>} : memref<400x64xf32, #tpu.memory_space<vmem>>, vector<16xf32>,
        %jit3A_3708 = arith.constant 0.000000e+00 : f32
        %broadcast_in_dim3A_3709 = vector.broadcast %jit3A_3708 : f32 to vector<16xf32>
        %select_n3A_3710 = arith.select %gt3A_3693, %get3A_3707, %broadcast_in_dim3A_3709 : vector<16xi1>, vector<16xf32>
        %add3A_3711 = arith.addf %scan3A_3685, %select_n3A_3710 : vector<16xf32>
        %add3A_3712 = arith.constant 200 : i32
        %add3A_3713 = arith.addi %add3A_3712, %add3A_3691 : i32
        %get3A_3714 = arith.index_cast %add3A_3713 : i32 to index
        %get3A_3715 = arith.constant 32 : index
        %get3A_3716 = tpu.vector_load %arg9[%get3A_3714, %get3A_3715] {strides = array<i32>} : memref<400x64xf32, #tpu.memory_space<vmem>>, vector<16xf32>,
        %jit3A_3717 = arith.constant 0.000000e+00 : f32
        %broadcast_in_dim3A_3718 = vector.broadcast %jit3A_3717 : f32 to vector<16xf32>
        %select_n3A_3719 = arith.select %gt3A_3693, %get3A_3716, %broadcast_in_dim3A_3718 : vector<16xi1>, vector<16xf32>
        %add3A_3720 = arith.addf %scan3A_3686, %select_n3A_3719 : vector<16xf32>
        %add3A_3721 = arith.constant 200 : i32
        %add3A_3722 = arith.addi %add3A_3721, %add3A_3691 : i32
        %get3A_3723 = arith.index_cast %add3A_3722 : i32 to index
        %get3A_3724 = arith.constant 48 : index
        %get3A_3725 = tpu.vector_load %arg9[%get3A_3723, %get3A_3724] {strides = array<i32>} : memref<400x64xf32, #tpu.memory_space<vmem>>, vector<16xf32>,
        %jit3A_3726 = arith.constant 0.000000e+00 : f32
        %broadcast_in_dim3A_3727 = vector.broadcast %jit3A_3726 : f32 to vector<16xf32>
        %select_n3A_3728 = arith.select %gt3A_3693, %get3A_3725, %broadcast_in_dim3A_3727 : vector<16xi1>, vector<16xf32>
        %add3A_3729 = arith.addf %scan3A_3687, %select_n3A_3728 : vector<16xf32>
        %mul3A_3730 = arith.constant 8 : i32
        %mul3A_3731 = arith.muli %scan3A_3683, %mul3A_3730 : i32
        %add3A_3732 = arith.constant 1 : i32
        %add3A_3733 = arith.addi %mul3A_3731, %add3A_3732 : i32
        %gt3A_3734 = vector.broadcast %add3A_3733 : i32 to vector<16xi32>
        %gt3A_3735 = arith.cmpi sgt, %add3A_1105, %gt3A_3734 : vector<16xi32>
        %add3A_3736 = arith.constant 200 : i32
        %add3A_3737 = arith.addi %add3A_3736, %add3A_3733 : i32
        %get3A_3738 = arith.index_cast %add3A_3737 : i32 to index
        %get3A_3739 = arith.constant 0 : index
        %get3A_3740 = tpu.vector_load %arg9[%get3A_3738, %get3A_3739] {strides = array<i32>} : memref<400x64xf32, #tpu.memory_space<vmem>>, vector<16xf32>,
        %jit3A_3741 = arith.constant 0.000000e+00 : f32
        %broadcast_in_dim3A_3742 = vector.broadcast %jit3A_3741 : f32 to vector<16xf32>
        %select_n3A_3743 = arith.select %gt3A_3735, %get3A_3740, %broadcast_in_dim3A_3742 : vector<16xi1>, vector<16xf32>
        %add3A_3744 = arith.addf %add3A_3702, %select_n3A_3743 : vector<16xf32>
        %add3A_3745 = arith.constant 200 : i32
        %add3A_3746 = arith.addi %add3A_3745, %add3A_3733 : i32
        %get3A_3747 = arith.index_cast %add3A_3746 : i32 to index
        %get3A_3748 = arith.constant 16 : index
        %get3A_3749 = tpu.vector_load %arg9[%get3A_3747, %get3A_3748] {strides = array<i32>} : memref<400x64xf32, #tpu.memory_space<vmem>>, vector<16xf32>,
        %jit3A_3750 = arith.constant 0.000000e+00 : f32
        %broadcast_in_dim3A_3751 = vector.broadcast %jit3A_3750 : f32 to vector<16xf32>
        %select_n3A_3752 = arith.select %gt3A_3735, %get3A_3749, %broadcast_in_dim3A_3751 : vector<16xi1>, vector<16xf32>
        %add3A_3753 = arith.addf %add3A_3711, %select_n3A_3752 : vector<16xf32>
        %add3A_3754 = arith.constant 200 : i32
        %add3A_3755 = arith.addi %add3A_3754, %add3A_3733 : i32
        %get3A_3756 = arith.index_cast %add3A_3755 : i32 to index
        %get3A_3757 = arith.constant 32 : index
        %get3A_3758 = tpu.vector_load %arg9[%get3A_3756, %get3A_3757] {strides = array<i32>} : memref<400x64xf32, #tpu.memory_space<vmem>>, vector<16xf32>,
        %jit3A_3759 = arith.constant 0.000000e+00 : f32
        %broadcast_in_dim3A_3760 = vector.broadcast %jit3A_3759 : f32 to vector<16xf32>
        %select_n3A_3761 = arith.select %gt3A_3735, %get3A_3758, %broadcast_in_dim3A_3760 : vector<16xi1>, vector<16xf32>
        %add3A_3762 = arith.addf %add3A_3720, %select_n3A_3761 : vector<16xf32>
        %add3A_3763 = arith.constant 200 : i32
        %add3A_3764 = arith.addi %add3A_3763, %add3A_3733 : i32
        %get3A_3765 = arith.index_cast %add3A_3764 : i32 to index
        %get3A_3766 = arith.constant 48 : index
        %get3A_3767 = tpu.vector_load %arg9[%get3A_3765, %get3A_3766] {strides = array<i32>} : memref<400x64xf32, #tpu.memory_space<vmem>>, vector<16xf32>,
        %jit3A_3768 = arith.constant 0.000000e+00 : f32
        %broadcast_in_dim3A_3769 = vector.broadcast %jit3A_3768 : f32 to vector<16xf32>
        %select_n3A_3770 = arith.select %gt3A_3735, %get3A_3767, %broadcast_in_dim3A_3769 : vector<16xi1>, vector<16xf32>
        %add3A_3771 = arith.addf %add3A_3729, %select_n3A_3770 : vector<16xf32>
        %mul3A_3772 = arith.constant 8 : i32
        %mul3A_3773 = arith.muli %scan3A_3683, %mul3A_3772 : i32
        %add3A_3774 = arith.constant 2 : i32
        %add3A_3775 = arith.addi %mul3A_3773, %add3A_3774 : i32
        %gt3A_3776 = vector.broadcast %add3A_3775 : i32 to vector<16xi32>
        %gt3A_3777 = arith.cmpi sgt, %add3A_1105, %gt3A_3776 : vector<16xi32>
        %add3A_3778 = arith.constant 200 : i32
        %add3A_3779 = arith.addi %add3A_3778, %add3A_3775 : i32
        %get3A_3780 = arith.index_cast %add3A_3779 : i32 to index
        %get3A_3781 = arith.constant 0 : index
        %get3A_3782 = tpu.vector_load %arg9[%get3A_3780, %get3A_3781] {strides = array<i32>} : memref<400x64xf32, #tpu.memory_space<vmem>>, vector<16xf32>,
        %jit3A_3783 = arith.constant 0.000000e+00 : f32
        %broadcast_in_dim3A_3784 = vector.broadcast %jit3A_3783 : f32 to vector<16xf32>
        %select_n3A_3785 = arith.select %gt3A_3777, %get3A_3782, %broadcast_in_dim3A_3784 : vector<16xi1>, vector<16xf32>
        %add3A_3786 = arith.addf %add3A_3744, %select_n3A_3785 : vector<16xf32>
        %add3A_3787 = arith.constant 200 : i32
        %add3A_3788 = arith.addi %add3A_3787, %add3A_3775 : i32
        %get3A_3789 = arith.index_cast %add3A_3788 : i32 to index
        %get3A_3790 = arith.constant 16 : index
        %get3A_3791 = tpu.vector_load %arg9[%get3A_3789, %get3A_3790] {strides = array<i32>} : memref<400x64xf32, #tpu.memory_space<vmem>>, vector<16xf32>,
        %jit3A_3792 = arith.constant 0.000000e+00 : f32
        %broadcast_in_dim3A_3793 = vector.broadcast %jit3A_3792 : f32 to vector<16xf32>
        %select_n3A_3794 = arith.select %gt3A_3777, %get3A_3791, %broadcast_in_dim3A_3793 : vector<16xi1>, vector<16xf32>
        %add3A_3795 = arith.addf %add3A_3753, %select_n3A_3794 : vector<16xf32>
        %add3A_3796 = arith.constant 200 : i32
        %add3A_3797 = arith.addi %add3A_3796, %add3A_3775 : i32
        %get3A_3798 = arith.index_cast %add3A_3797 : i32 to index
        %get3A_3799 = arith.constant 32 : index
        %get3A_3800 = tpu.vector_load %arg9[%get3A_3798, %get3A_3799] {strides = array<i32>} : memref<400x64xf32, #tpu.memory_space<vmem>>, vector<16xf32>,
        %jit3A_3801 = arith.constant 0.000000e+00 : f32
        %broadcast_in_dim3A_3802 = vector.broadcast %jit3A_3801 : f32 to vector<16xf32>
        %select_n3A_3803 = arith.select %gt3A_3777, %get3A_3800, %broadcast_in_dim3A_3802 : vector<16xi1>, vector<16xf32>
        %add3A_3804 = arith.addf %add3A_3762, %select_n3A_3803 : vector<16xf32>
        %add3A_3805 = arith.constant 200 : i32
        %add3A_3806 = arith.addi %add3A_3805, %add3A_3775 : i32
        %get3A_3807 = arith.index_cast %add3A_3806 : i32 to index
        %get3A_3808 = arith.constant 48 : index
        %get3A_3809 = tpu.vector_load %arg9[%get3A_3807, %get3A_3808] {strides = array<i32>} : memref<400x64xf32, #tpu.memory_space<vmem>>, vector<16xf32>,
        %jit3A_3810 = arith.constant 0.000000e+00 : f32
        %broadcast_in_dim3A_3811 = vector.broadcast %jit3A_3810 : f32 to vector<16xf32>
        %select_n3A_3812 = arith.select %gt3A_3777, %get3A_3809, %broadcast_in_dim3A_3811 : vector<16xi1>, vector<16xf32>
        %add3A_3813 = arith.addf %add3A_3771, %select_n3A_3812 : vector<16xf32>
        %mul3A_3814 = arith.constant 8 : i32
        %mul3A_3815 = arith.muli %scan3A_3683, %mul3A_3814 : i32
        %add3A_3816 = arith.constant 3 : i32
        %add3A_3817 = arith.addi %mul3A_3815, %add3A_3816 : i32
        %gt3A_3818 = vector.broadcast %add3A_3817 : i32 to vector<16xi32>
        %gt3A_3819 = arith.cmpi sgt, %add3A_1105, %gt3A_3818 : vector<16xi32>
        %add3A_3820 = arith.constant 200 : i32
        %add3A_3821 = arith.addi %add3A_3820, %add3A_3817 : i32
        %get3A_3822 = arith.index_cast %add3A_3821 : i32 to index
        %get3A_3823 = arith.constant 0 : index
        %get3A_3824 = tpu.vector_load %arg9[%get3A_3822, %get3A_3823] {strides = array<i32>} : memref<400x64xf32, #tpu.memory_space<vmem>>, vector<16xf32>,
        %jit3A_3825 = arith.constant 0.000000e+00 : f32
        %broadcast_in_dim3A_3826 = vector.broadcast %jit3A_3825 : f32 to vector<16xf32>
        %select_n3A_3827 = arith.select %gt3A_3819, %get3A_3824, %broadcast_in_dim3A_3826 : vector<16xi1>, vector<16xf32>
        %add3A_3828 = arith.addf %add3A_3786, %select_n3A_3827 : vector<16xf32>
        %add3A_3829 = arith.constant 200 : i32
        %add3A_3830 = arith.addi %add3A_3829, %add3A_3817 : i32
        %get3A_3831 = arith.index_cast %add3A_3830 : i32 to index
        %get3A_3832 = arith.constant 16 : index
        %get3A_3833 = tpu.vector_load %arg9[%get3A_3831, %get3A_3832] {strides = array<i32>} : memref<400x64xf32, #tpu.memory_space<vmem>>, vector<16xf32>,
        %jit3A_3834 = arith.constant 0.000000e+00 : f32
        %broadcast_in_dim3A_3835 = vector.broadcast %jit3A_3834 : f32 to vector<16xf32>
        %select_n3A_3836 = arith.select %gt3A_3819, %get3A_3833, %broadcast_in_dim3A_3835 : vector<16xi1>, vector<16xf32>
        %add3A_3837 = arith.addf %add3A_3795, %select_n3A_3836 : vector<16xf32>
        %add3A_3838 = arith.constant 200 : i32
        %add3A_3839 = arith.addi %add3A_3838, %add3A_3817 : i32
        %get3A_3840 = arith.index_cast %add3A_3839 : i32 to index
        %get3A_3841 = arith.constant 32 : index
        %get3A_3842 = tpu.vector_load %arg9[%get3A_3840, %get3A_3841] {strides = array<i32>} : memref<400x64xf32, #tpu.memory_space<vmem>>, vector<16xf32>,
        %jit3A_3843 = arith.constant 0.000000e+00 : f32
        %broadcast_in_dim3A_3844 = vector.broadcast %jit3A_3843 : f32 to vector<16xf32>
        %select_n3A_3845 = arith.select %gt3A_3819, %get3A_3842, %broadcast_in_dim3A_3844 : vector<16xi1>, vector<16xf32>
        %add3A_3846 = arith.addf %add3A_3804, %select_n3A_3845 : vector<16xf32>
        %add3A_3847 = arith.constant 200 : i32
        %add3A_3848 = arith.addi %add3A_3847, %add3A_3817 : i32
        %get3A_3849 = arith.index_cast %add3A_3848 : i32 to index
        %get3A_3850 = arith.constant 48 : index
        %get3A_3851 = tpu.vector_load %arg9[%get3A_3849, %get3A_3850] {strides = array<i32>} : memref<400x64xf32, #tpu.memory_space<vmem>>, vector<16xf32>,
        %jit3A_3852 = arith.constant 0.000000e+00 : f32
        %broadcast_in_dim3A_3853 = vector.broadcast %jit3A_3852 : f32 to vector<16xf32>
        %select_n3A_3854 = arith.select %gt3A_3819, %get3A_3851, %broadcast_in_dim3A_3853 : vector<16xi1>, vector<16xf32>
        %add3A_3855 = arith.addf %add3A_3813, %select_n3A_3854 : vector<16xf32>
        %mul3A_3856 = arith.constant 8 : i32
        %mul3A_3857 = arith.muli %scan3A_3683, %mul3A_3856 : i32
        %add3A_3858 = arith.constant 4 : i32
        %add3A_3859 = arith.addi %mul3A_3857, %add3A_3858 : i32
        %gt3A_3860 = vector.broadcast %add3A_3859 : i32 to vector<16xi32>
        %gt3A_3861 = arith.cmpi sgt, %add3A_1105, %gt3A_3860 : vector<16xi32>
        %add3A_3862 = arith.constant 200 : i32
        %add3A_3863 = arith.addi %add3A_3862, %add3A_3859 : i32
        %get3A_3864 = arith.index_cast %add3A_3863 : i32 to index
        %get3A_3865 = arith.constant 0 : index
        %get3A_3866 = tpu.vector_load %arg9[%get3A_3864, %get3A_3865] {strides = array<i32>} : memref<400x64xf32, #tpu.memory_space<vmem>>, vector<16xf32>,
        %jit3A_3867 = arith.constant 0.000000e+00 : f32
        %broadcast_in_dim3A_3868 = vector.broadcast %jit3A_3867 : f32 to vector<16xf32>
        %select_n3A_3869 = arith.select %gt3A_3861, %get3A_3866, %broadcast_in_dim3A_3868 : vector<16xi1>, vector<16xf32>
        %add3A_3870 = arith.addf %add3A_3828, %select_n3A_3869 : vector<16xf32>
        %add3A_3871 = arith.constant 200 : i32
        %add3A_3872 = arith.addi %add3A_3871, %add3A_3859 : i32
        %get3A_3873 = arith.index_cast %add3A_3872 : i32 to index
        %get3A_3874 = arith.constant 16 : index
        %get3A_3875 = tpu.vector_load %arg9[%get3A_3873, %get3A_3874] {strides = array<i32>} : memref<400x64xf32, #tpu.memory_space<vmem>>, vector<16xf32>,
        %jit3A_3876 = arith.constant 0.000000e+00 : f32
        %broadcast_in_dim3A_3877 = vector.broadcast %jit3A_3876 : f32 to vector<16xf32>
        %select_n3A_3878 = arith.select %gt3A_3861, %get3A_3875, %broadcast_in_dim3A_3877 : vector<16xi1>, vector<16xf32>
        %add3A_3879 = arith.addf %add3A_3837, %select_n3A_3878 : vector<16xf32>
        %add3A_3880 = arith.constant 200 : i32
        %add3A_3881 = arith.addi %add3A_3880, %add3A_3859 : i32
        %get3A_3882 = arith.index_cast %add3A_3881 : i32 to index
        %get3A_3883 = arith.constant 32 : index
        %get3A_3884 = tpu.vector_load %arg9[%get3A_3882, %get3A_3883] {strides = array<i32>} : memref<400x64xf32, #tpu.memory_space<vmem>>, vector<16xf32>,
        %jit3A_3885 = arith.constant 0.000000e+00 : f32
        %broadcast_in_dim3A_3886 = vector.broadcast %jit3A_3885 : f32 to vector<16xf32>
        %select_n3A_3887 = arith.select %gt3A_3861, %get3A_3884, %broadcast_in_dim3A_3886 : vector<16xi1>, vector<16xf32>
        %add3A_3888 = arith.addf %add3A_3846, %select_n3A_3887 : vector<16xf32>
        %add3A_3889 = arith.constant 200 : i32
        %add3A_3890 = arith.addi %add3A_3889, %add3A_3859 : i32
        %get3A_3891 = arith.index_cast %add3A_3890 : i32 to index
        %get3A_3892 = arith.constant 48 : index
        %get3A_3893 = tpu.vector_load %arg9[%get3A_3891, %get3A_3892] {strides = array<i32>} : memref<400x64xf32, #tpu.memory_space<vmem>>, vector<16xf32>,
        %jit3A_3894 = arith.constant 0.000000e+00 : f32
        %broadcast_in_dim3A_3895 = vector.broadcast %jit3A_3894 : f32 to vector<16xf32>
        %select_n3A_3896 = arith.select %gt3A_3861, %get3A_3893, %broadcast_in_dim3A_3895 : vector<16xi1>, vector<16xf32>
        %add3A_3897 = arith.addf %add3A_3855, %select_n3A_3896 : vector<16xf32>
        %mul3A_3898 = arith.constant 8 : i32
        %mul3A_3899 = arith.muli %scan3A_3683, %mul3A_3898 : i32
        %add3A_3900 = arith.constant 5 : i32
        %add3A_3901 = arith.addi %mul3A_3899, %add3A_3900 : i32
        %gt3A_3902 = vector.broadcast %add3A_3901 : i32 to vector<16xi32>
        %gt3A_3903 = arith.cmpi sgt, %add3A_1105, %gt3A_3902 : vector<16xi32>
        %add3A_3904 = arith.constant 200 : i32
        %add3A_3905 = arith.addi %add3A_3904, %add3A_3901 : i32
        %get3A_3906 = arith.index_cast %add3A_3905 : i32 to index
        %get3A_3907 = arith.constant 0 : index
        %get3A_3908 = tpu.vector_load %arg9[%get3A_3906, %get3A_3907] {strides = array<i32>} : memref<400x64xf32, #tpu.memory_space<vmem>>, vector<16xf32>,
        %jit3A_3909 = arith.constant 0.000000e+00 : f32
        %broadcast_in_dim3A_3910 = vector.broadcast %jit3A_3909 : f32 to vector<16xf32>
        %select_n3A_3911 = arith.select %gt3A_3903, %get3A_3908, %broadcast_in_dim3A_3910 : vector<16xi1>, vector<16xf32>
        %add3A_3912 = arith.addf %add3A_3870, %select_n3A_3911 : vector<16xf32>
        %add3A_3913 = arith.constant 200 : i32
        %add3A_3914 = arith.addi %add3A_3913, %add3A_3901 : i32
        %get3A_3915 = arith.index_cast %add3A_3914 : i32 to index
        %get3A_3916 = arith.constant 16 : index
        %get3A_3917 = tpu.vector_load %arg9[%get3A_3915, %get3A_3916] {strides = array<i32>} : memref<400x64xf32, #tpu.memory_space<vmem>>, vector<16xf32>,
        %jit3A_3918 = arith.constant 0.000000e+00 : f32
        %broadcast_in_dim3A_3919 = vector.broadcast %jit3A_3918 : f32 to vector<16xf32>
        %select_n3A_3920 = arith.select %gt3A_3903, %get3A_3917, %broadcast_in_dim3A_3919 : vector<16xi1>, vector<16xf32>
        %add3A_3921 = arith.addf %add3A_3879, %select_n3A_3920 : vector<16xf32>
        %add3A_3922 = arith.constant 200 : i32
        %add3A_3923 = arith.addi %add3A_3922, %add3A_3901 : i32
        %get3A_3924 = arith.index_cast %add3A_3923 : i32 to index
        %get3A_3925 = arith.constant 32 : index
        %get3A_3926 = tpu.vector_load %arg9[%get3A_3924, %get3A_3925] {strides = array<i32>} : memref<400x64xf32, #tpu.memory_space<vmem>>, vector<16xf32>,
        %jit3A_3927 = arith.constant 0.000000e+00 : f32
        %broadcast_in_dim3A_3928 = vector.broadcast %jit3A_3927 : f32 to vector<16xf32>
        %select_n3A_3929 = arith.select %gt3A_3903, %get3A_3926, %broadcast_in_dim3A_3928 : vector<16xi1>, vector<16xf32>
        %add3A_3930 = arith.addf %add3A_3888, %select_n3A_3929 : vector<16xf32>
        %add3A_3931 = arith.constant 200 : i32
        %add3A_3932 = arith.addi %add3A_3931, %add3A_3901 : i32
        %get3A_3933 = arith.index_cast %add3A_3932 : i32 to index
        %get3A_3934 = arith.constant 48 : index
        %get3A_3935 = tpu.vector_load %arg9[%get3A_3933, %get3A_3934] {strides = array<i32>} : memref<400x64xf32, #tpu.memory_space<vmem>>, vector<16xf32>,
        %jit3A_3936 = arith.constant 0.000000e+00 : f32
        %broadcast_in_dim3A_3937 = vector.broadcast %jit3A_3936 : f32 to vector<16xf32>
        %select_n3A_3938 = arith.select %gt3A_3903, %get3A_3935, %broadcast_in_dim3A_3937 : vector<16xi1>, vector<16xf32>
        %add3A_3939 = arith.addf %add3A_3897, %select_n3A_3938 : vector<16xf32>
        %mul3A_3940 = arith.constant 8 : i32
        %mul3A_3941 = arith.muli %scan3A_3683, %mul3A_3940 : i32
        %add3A_3942 = arith.constant 6 : i32
        %add3A_3943 = arith.addi %mul3A_3941, %add3A_3942 : i32
        %gt3A_3944 = vector.broadcast %add3A_3943 : i32 to vector<16xi32>
        %gt3A_3945 = arith.cmpi sgt, %add3A_1105, %gt3A_3944 : vector<16xi32>
        %add3A_3946 = arith.constant 200 : i32
        %add3A_3947 = arith.addi %add3A_3946, %add3A_3943 : i32
        %get3A_3948 = arith.index_cast %add3A_3947 : i32 to index
        %get3A_3949 = arith.constant 0 : index
        %get3A_3950 = tpu.vector_load %arg9[%get3A_3948, %get3A_3949] {strides = array<i32>} : memref<400x64xf32, #tpu.memory_space<vmem>>, vector<16xf32>,
        %jit3A_3951 = arith.constant 0.000000e+00 : f32
        %broadcast_in_dim3A_3952 = vector.broadcast %jit3A_3951 : f32 to vector<16xf32>
        %select_n3A_3953 = arith.select %gt3A_3945, %get3A_3950, %broadcast_in_dim3A_3952 : vector<16xi1>, vector<16xf32>
        %add3A_3954 = arith.addf %add3A_3912, %select_n3A_3953 : vector<16xf32>
        %add3A_3955 = arith.constant 200 : i32
        %add3A_3956 = arith.addi %add3A_3955, %add3A_3943 : i32
        %get3A_3957 = arith.index_cast %add3A_3956 : i32 to index
        %get3A_3958 = arith.constant 16 : index
        %get3A_3959 = tpu.vector_load %arg9[%get3A_3957, %get3A_3958] {strides = array<i32>} : memref<400x64xf32, #tpu.memory_space<vmem>>, vector<16xf32>,
        %jit3A_3960 = arith.constant 0.000000e+00 : f32
        %broadcast_in_dim3A_3961 = vector.broadcast %jit3A_3960 : f32 to vector<16xf32>
        %select_n3A_3962 = arith.select %gt3A_3945, %get3A_3959, %broadcast_in_dim3A_3961 : vector<16xi1>, vector<16xf32>
        %add3A_3963 = arith.addf %add3A_3921, %select_n3A_3962 : vector<16xf32>
        %add3A_3964 = arith.constant 200 : i32
        %add3A_3965 = arith.addi %add3A_3964, %add3A_3943 : i32
        %get3A_3966 = arith.index_cast %add3A_3965 : i32 to index
        %get3A_3967 = arith.constant 32 : index
        %get3A_3968 = tpu.vector_load %arg9[%get3A_3966, %get3A_3967] {strides = array<i32>} : memref<400x64xf32, #tpu.memory_space<vmem>>, vector<16xf32>,
        %jit3A_3969 = arith.constant 0.000000e+00 : f32
        %broadcast_in_dim3A_3970 = vector.broadcast %jit3A_3969 : f32 to vector<16xf32>
        %select_n3A_3971 = arith.select %gt3A_3945, %get3A_3968, %broadcast_in_dim3A_3970 : vector<16xi1>, vector<16xf32>
        %add3A_3972 = arith.addf %add3A_3930, %select_n3A_3971 : vector<16xf32>
        %add3A_3973 = arith.constant 200 : i32
        %add3A_3974 = arith.addi %add3A_3973, %add3A_3943 : i32
        %get3A_3975 = arith.index_cast %add3A_3974 : i32 to index
        %get3A_3976 = arith.constant 48 : index
        %get3A_3977 = tpu.vector_load %arg9[%get3A_3975, %get3A_3976] {strides = array<i32>} : memref<400x64xf32, #tpu.memory_space<vmem>>, vector<16xf32>,
        %jit3A_3978 = arith.constant 0.000000e+00 : f32
        %broadcast_in_dim3A_3979 = vector.broadcast %jit3A_3978 : f32 to vector<16xf32>
        %select_n3A_3980 = arith.select %gt3A_3945, %get3A_3977, %broadcast_in_dim3A_3979 : vector<16xi1>, vector<16xf32>
        %add3A_3981 = arith.addf %add3A_3939, %select_n3A_3980 : vector<16xf32>
        %mul3A_3982 = arith.constant 8 : i32
        %mul3A_3983 = arith.muli %scan3A_3683, %mul3A_3982 : i32
        %add3A_3984 = arith.constant 7 : i32
        %add3A_3985 = arith.addi %mul3A_3983, %add3A_3984 : i32
        %gt3A_3986 = vector.broadcast %add3A_3985 : i32 to vector<16xi32>
        %gt3A_3987 = arith.cmpi sgt, %add3A_1105, %gt3A_3986 : vector<16xi32>
        %add3A_3988 = arith.constant 200 : i32
        %add3A_3989 = arith.addi %add3A_3988, %add3A_3985 : i32
        %get3A_3990 = arith.index_cast %add3A_3989 : i32 to index
        %get3A_3991 = arith.constant 0 : index
        %get3A_3992 = tpu.vector_load %arg9[%get3A_3990, %get3A_3991] {strides = array<i32>} : memref<400x64xf32, #tpu.memory_space<vmem>>, vector<16xf32>,
        %jit3A_3993 = arith.constant 0.000000e+00 : f32
        %broadcast_in_dim3A_3994 = vector.broadcast %jit3A_3993 : f32 to vector<16xf32>
        %select_n3A_3995 = arith.select %gt3A_3987, %get3A_3992, %broadcast_in_dim3A_3994 : vector<16xi1>, vector<16xf32>
        %add3A_3996 = arith.addf %add3A_3954, %select_n3A_3995 : vector<16xf32>
        %add3A_3997 = arith.constant 200 : i32
        %add3A_3998 = arith.addi %add3A_3997, %add3A_3985 : i32
        %get3A_3999 = arith.index_cast %add3A_3998 : i32 to index
        %get3A_4000 = arith.constant 16 : index
        %get3A_4001 = tpu.vector_load %arg9[%get3A_3999, %get3A_4000] {strides = array<i32>} : memref<400x64xf32, #tpu.memory_space<vmem>>, vector<16xf32>,
        %jit3A_4002 = arith.constant 0.000000e+00 : f32
        %broadcast_in_dim3A_4003 = vector.broadcast %jit3A_4002 : f32 to vector<16xf32>
        %select_n3A_4004 = arith.select %gt3A_3987, %get3A_4001, %broadcast_in_dim3A_4003 : vector<16xi1>, vector<16xf32>
        %add3A_4005 = arith.addf %add3A_3963, %select_n3A_4004 : vector<16xf32>
        %add3A_4006 = arith.constant 200 : i32
        %add3A_4007 = arith.addi %add3A_4006, %add3A_3985 : i32
        %get3A_4008 = arith.index_cast %add3A_4007 : i32 to index
        %get3A_4009 = arith.constant 32 : index
        %get3A_4010 = tpu.vector_load %arg9[%get3A_4008, %get3A_4009] {strides = array<i32>} : memref<400x64xf32, #tpu.memory_space<vmem>>, vector<16xf32>,
        %jit3A_4011 = arith.constant 0.000000e+00 : f32
        %broadcast_in_dim3A_4012 = vector.broadcast %jit3A_4011 : f32 to vector<16xf32>
        %select_n3A_4013 = arith.select %gt3A_3987, %get3A_4010, %broadcast_in_dim3A_4012 : vector<16xi1>, vector<16xf32>
        %add3A_4014 = arith.addf %add3A_3972, %select_n3A_4013 : vector<16xf32>
        %add3A_4015 = arith.constant 200 : i32
        %add3A_4016 = arith.addi %add3A_4015, %add3A_3985 : i32
        %get3A_4017 = arith.index_cast %add3A_4016 : i32 to index
        %get3A_4018 = arith.constant 48 : index
        %get3A_4019 = tpu.vector_load %arg9[%get3A_4017, %get3A_4018] {strides = array<i32>} : memref<400x64xf32, #tpu.memory_space<vmem>>, vector<16xf32>,
        %jit3A_4020 = arith.constant 0.000000e+00 : f32
        %broadcast_in_dim3A_4021 = vector.broadcast %jit3A_4020 : f32 to vector<16xf32>
        %select_n3A_4022 = arith.select %gt3A_3987, %get3A_4019, %broadcast_in_dim3A_4021 : vector<16xi1>, vector<16xf32>
        %add3A_4023 = arith.addf %add3A_3981, %select_n3A_4022 : vector<16xf32>
        scf.yield %add3A_3996, %add3A_4005, %add3A_4014, %add3A_4023 : vector<16xf32>, vector<16xf32>, vector<16xf32>, vector<16xf32>
      }
      %scan3A_1111 = arith.constant 25 : i32
      %gt3A_1112 = arith.constant 0 : i32
      %gt3A_1113 = vector.broadcast %gt3A_1112 : i32 to vector<16xi32>
      %gt3A_1114 = arith.cmpi sgt, %add3A_101, %gt3A_1113 : vector<16xi32>
      %get3A_1115 = arith.constant 20 : i32
      %get3A_1116 = arith.index_cast %get3A_1115 : i32 to index
      %get3A_1117 = arith.constant 0 : index
      %get3A_1118 = tpu.vector_load %arg11[%get3A_1116, %get3A_1117] {strides = array<i32>} : memref<40x64xf32, #tpu.memory_space<vmem>>, vector<16xf32>,
      %jit3A_1119 = arith.constant 0.000000e+00 : f32
      %broadcast_in_dim3A_1120 = vector.broadcast %jit3A_1119 : f32 to vector<16xf32>
      %select_n3A_1121 = arith.select %gt3A_1114, %get3A_1118, %broadcast_in_dim3A_1120 : vector<16xi1>, vector<16xf32>
      %add3A_1122 = arith.addf %broadcast_in_dim3A_5, %select_n3A_1121 : vector<16xf32>
      %get3A_1123 = arith.constant 20 : i32
      %get3A_1124 = arith.index_cast %get3A_1123 : i32 to index
      %get3A_1125 = arith.constant 16 : index
      %get3A_1126 = tpu.vector_load %arg11[%get3A_1124, %get3A_1125] {strides = array<i32>} : memref<40x64xf32, #tpu.memory_space<vmem>>, vector<16xf32>,
      %jit3A_1127 = arith.constant 0.000000e+00 : f32
      %broadcast_in_dim3A_1128 = vector.broadcast %jit3A_1127 : f32 to vector<16xf32>
      %select_n3A_1129 = arith.select %gt3A_1114, %get3A_1126, %broadcast_in_dim3A_1128 : vector<16xi1>, vector<16xf32>
      %add3A_1130 = arith.addf %broadcast_in_dim3A_5, %select_n3A_1129 : vector<16xf32>
      %get3A_1131 = arith.constant 20 : i32
      %get3A_1132 = arith.index_cast %get3A_1131 : i32 to index
      %get3A_1133 = arith.constant 32 : index
      %get3A_1134 = tpu.vector_load %arg11[%get3A_1132, %get3A_1133] {strides = array<i32>} : memref<40x64xf32, #tpu.memory_space<vmem>>, vector<16xf32>,
      %jit3A_1135 = arith.constant 0.000000e+00 : f32
      %broadcast_in_dim3A_1136 = vector.broadcast %jit3A_1135 : f32 to vector<16xf32>
      %select_n3A_1137 = arith.select %gt3A_1114, %get3A_1134, %broadcast_in_dim3A_1136 : vector<16xi1>, vector<16xf32>
      %add3A_1138 = arith.addf %broadcast_in_dim3A_5, %select_n3A_1137 : vector<16xf32>
      %get3A_1139 = arith.constant 20 : i32
      %get3A_1140 = arith.index_cast %get3A_1139 : i32 to index
      %get3A_1141 = arith.constant 48 : index
      %get3A_1142 = tpu.vector_load %arg11[%get3A_1140, %get3A_1141] {strides = array<i32>} : memref<40x64xf32, #tpu.memory_space<vmem>>, vector<16xf32>,
      %jit3A_1143 = arith.constant 0.000000e+00 : f32
      %broadcast_in_dim3A_1144 = vector.broadcast %jit3A_1143 : f32 to vector<16xf32>
      %select_n3A_1145 = arith.select %gt3A_1114, %get3A_1142, %broadcast_in_dim3A_1144 : vector<16xi1>, vector<16xf32>
      %add3A_1146 = arith.addf %broadcast_in_dim3A_5, %select_n3A_1145 : vector<16xf32>
      %gt3A_1147 = arith.constant 1 : i32
      %gt3A_1148 = vector.broadcast %gt3A_1147 : i32 to vector<16xi32>
      %gt3A_1149 = arith.cmpi sgt, %add3A_101, %gt3A_1148 : vector<16xi32>
      %get3A_1150 = arith.constant 21 : i32
      %get3A_1151 = arith.index_cast %get3A_1150 : i32 to index
      %get3A_1152 = arith.constant 0 : index
      %get3A_1153 = tpu.vector_load %arg11[%get3A_1151, %get3A_1152] {strides = array<i32>} : memref<40x64xf32, #tpu.memory_space<vmem>>, vector<16xf32>,
      %jit3A_1154 = arith.constant 0.000000e+00 : f32
      %broadcast_in_dim3A_1155 = vector.broadcast %jit3A_1154 : f32 to vector<16xf32>
      %select_n3A_1156 = arith.select %gt3A_1149, %get3A_1153, %broadcast_in_dim3A_1155 : vector<16xi1>, vector<16xf32>
      %add3A_1157 = arith.addf %add3A_1122, %select_n3A_1156 : vector<16xf32>
      %get3A_1158 = arith.constant 21 : i32
      %get3A_1159 = arith.index_cast %get3A_1158 : i32 to index
      %get3A_1160 = arith.constant 16 : index
      %get3A_1161 = tpu.vector_load %arg11[%get3A_1159, %get3A_1160] {strides = array<i32>} : memref<40x64xf32, #tpu.memory_space<vmem>>, vector<16xf32>,
      %jit3A_1162 = arith.constant 0.000000e+00 : f32
      %broadcast_in_dim3A_1163 = vector.broadcast %jit3A_1162 : f32 to vector<16xf32>
      %select_n3A_1164 = arith.select %gt3A_1149, %get3A_1161, %broadcast_in_dim3A_1163 : vector<16xi1>, vector<16xf32>
      %add3A_1165 = arith.addf %add3A_1130, %select_n3A_1164 : vector<16xf32>
      %get3A_1166 = arith.constant 21 : i32
      %get3A_1167 = arith.index_cast %get3A_1166 : i32 to index
      %get3A_1168 = arith.constant 32 : index
      %get3A_1169 = tpu.vector_load %arg11[%get3A_1167, %get3A_1168] {strides = array<i32>} : memref<40x64xf32, #tpu.memory_space<vmem>>, vector<16xf32>,
      %jit3A_1170 = arith.constant 0.000000e+00 : f32
      %broadcast_in_dim3A_1171 = vector.broadcast %jit3A_1170 : f32 to vector<16xf32>
      %select_n3A_1172 = arith.select %gt3A_1149, %get3A_1169, %broadcast_in_dim3A_1171 : vector<16xi1>, vector<16xf32>
      %add3A_1173 = arith.addf %add3A_1138, %select_n3A_1172 : vector<16xf32>
      %get3A_1174 = arith.constant 21 : i32
      %get3A_1175 = arith.index_cast %get3A_1174 : i32 to index
      %get3A_1176 = arith.constant 48 : index
      %get3A_1177 = tpu.vector_load %arg11[%get3A_1175, %get3A_1176] {strides = array<i32>} : memref<40x64xf32, #tpu.memory_space<vmem>>, vector<16xf32>,
      %jit3A_1178 = arith.constant 0.000000e+00 : f32
      %broadcast_in_dim3A_1179 = vector.broadcast %jit3A_1178 : f32 to vector<16xf32>
      %select_n3A_1180 = arith.select %gt3A_1149, %get3A_1177, %broadcast_in_dim3A_1179 : vector<16xi1>, vector<16xf32>
      %add3A_1181 = arith.addf %add3A_1146, %select_n3A_1180 : vector<16xf32>
      %gt3A_1182 = arith.constant 2 : i32
      %gt3A_1183 = vector.broadcast %gt3A_1182 : i32 to vector<16xi32>
      %gt3A_1184 = arith.cmpi sgt, %add3A_101, %gt3A_1183 : vector<16xi32>
      %get3A_1185 = arith.constant 22 : i32
      %get3A_1186 = arith.index_cast %get3A_1185 : i32 to index
      %get3A_1187 = arith.constant 0 : index
      %get3A_1188 = tpu.vector_load %arg11[%get3A_1186, %get3A_1187] {strides = array<i32>} : memref<40x64xf32, #tpu.memory_space<vmem>>, vector<16xf32>,
      %jit3A_1189 = arith.constant 0.000000e+00 : f32
      %broadcast_in_dim3A_1190 = vector.broadcast %jit3A_1189 : f32 to vector<16xf32>
      %select_n3A_1191 = arith.select %gt3A_1184, %get3A_1188, %broadcast_in_dim3A_1190 : vector<16xi1>, vector<16xf32>
      %add3A_1192 = arith.addf %add3A_1157, %select_n3A_1191 : vector<16xf32>
      %get3A_1193 = arith.constant 22 : i32
      %get3A_1194 = arith.index_cast %get3A_1193 : i32 to index
      %get3A_1195 = arith.constant 16 : index
      %get3A_1196 = tpu.vector_load %arg11[%get3A_1194, %get3A_1195] {strides = array<i32>} : memref<40x64xf32, #tpu.memory_space<vmem>>, vector<16xf32>,
      %jit3A_1197 = arith.constant 0.000000e+00 : f32
      %broadcast_in_dim3A_1198 = vector.broadcast %jit3A_1197 : f32 to vector<16xf32>
      %select_n3A_1199 = arith.select %gt3A_1184, %get3A_1196, %broadcast_in_dim3A_1198 : vector<16xi1>, vector<16xf32>
      %add3A_1200 = arith.addf %add3A_1165, %select_n3A_1199 : vector<16xf32>
      %get3A_1201 = arith.constant 22 : i32
      %get3A_1202 = arith.index_cast %get3A_1201 : i32 to index
      %get3A_1203 = arith.constant 32 : index
      %get3A_1204 = tpu.vector_load %arg11[%get3A_1202, %get3A_1203] {strides = array<i32>} : memref<40x64xf32, #tpu.memory_space<vmem>>, vector<16xf32>,
      %jit3A_1205 = arith.constant 0.000000e+00 : f32
      %broadcast_in_dim3A_1206 = vector.broadcast %jit3A_1205 : f32 to vector<16xf32>
      %select_n3A_1207 = arith.select %gt3A_1184, %get3A_1204, %broadcast_in_dim3A_1206 : vector<16xi1>, vector<16xf32>
      %add3A_1208 = arith.addf %add3A_1173, %select_n3A_1207 : vector<16xf32>
      %get3A_1209 = arith.constant 22 : i32
      %get3A_1210 = arith.index_cast %get3A_1209 : i32 to index
      %get3A_1211 = arith.constant 48 : index
      %get3A_1212 = tpu.vector_load %arg11[%get3A_1210, %get3A_1211] {strides = array<i32>} : memref<40x64xf32, #tpu.memory_space<vmem>>, vector<16xf32>,
      %jit3A_1213 = arith.constant 0.000000e+00 : f32
      %broadcast_in_dim3A_1214 = vector.broadcast %jit3A_1213 : f32 to vector<16xf32>
      %select_n3A_1215 = arith.select %gt3A_1184, %get3A_1212, %broadcast_in_dim3A_1214 : vector<16xi1>, vector<16xf32>
      %add3A_1216 = arith.addf %add3A_1181, %select_n3A_1215 : vector<16xf32>
      %gt3A_1217 = arith.constant 3 : i32
      %gt3A_1218 = vector.broadcast %gt3A_1217 : i32 to vector<16xi32>
      %gt3A_1219 = arith.cmpi sgt, %add3A_101, %gt3A_1218 : vector<16xi32>
      %get3A_1220 = arith.constant 23 : i32
      %get3A_1221 = arith.index_cast %get3A_1220 : i32 to index
      %get3A_1222 = arith.constant 0 : index
      %get3A_1223 = tpu.vector_load %arg11[%get3A_1221, %get3A_1222] {strides = array<i32>} : memref<40x64xf32, #tpu.memory_space<vmem>>, vector<16xf32>,
      %jit3A_1224 = arith.constant 0.000000e+00 : f32
      %broadcast_in_dim3A_1225 = vector.broadcast %jit3A_1224 : f32 to vector<16xf32>
      %select_n3A_1226 = arith.select %gt3A_1219, %get3A_1223, %broadcast_in_dim3A_1225 : vector<16xi1>, vector<16xf32>
      %add3A_1227 = arith.addf %add3A_1192, %select_n3A_1226 : vector<16xf32>
      %get3A_1228 = arith.constant 23 : i32
      %get3A_1229 = arith.index_cast %get3A_1228 : i32 to index
      %get3A_1230 = arith.constant 16 : index
      %get3A_1231 = tpu.vector_load %arg11[%get3A_1229, %get3A_1230] {strides = array<i32>} : memref<40x64xf32, #tpu.memory_space<vmem>>, vector<16xf32>,
      %jit3A_1232 = arith.constant 0.000000e+00 : f32
      %broadcast_in_dim3A_1233 = vector.broadcast %jit3A_1232 : f32 to vector<16xf32>
      %select_n3A_1234 = arith.select %gt3A_1219, %get3A_1231, %broadcast_in_dim3A_1233 : vector<16xi1>, vector<16xf32>
      %add3A_1235 = arith.addf %add3A_1200, %select_n3A_1234 : vector<16xf32>
      %get3A_1236 = arith.constant 23 : i32
      %get3A_1237 = arith.index_cast %get3A_1236 : i32 to index
      %get3A_1238 = arith.constant 32 : index
      %get3A_1239 = tpu.vector_load %arg11[%get3A_1237, %get3A_1238] {strides = array<i32>} : memref<40x64xf32, #tpu.memory_space<vmem>>, vector<16xf32>,
      %jit3A_1240 = arith.constant 0.000000e+00 : f32
      %broadcast_in_dim3A_1241 = vector.broadcast %jit3A_1240 : f32 to vector<16xf32>
      %select_n3A_1242 = arith.select %gt3A_1219, %get3A_1239, %broadcast_in_dim3A_1241 : vector<16xi1>, vector<16xf32>
      %add3A_1243 = arith.addf %add3A_1208, %select_n3A_1242 : vector<16xf32>
      %get3A_1244 = arith.constant 23 : i32
      %get3A_1245 = arith.index_cast %get3A_1244 : i32 to index
      %get3A_1246 = arith.constant 48 : index
      %get3A_1247 = tpu.vector_load %arg11[%get3A_1245, %get3A_1246] {strides = array<i32>} : memref<40x64xf32, #tpu.memory_space<vmem>>, vector<16xf32>,
      %jit3A_1248 = arith.constant 0.000000e+00 : f32
      %broadcast_in_dim3A_1249 = vector.broadcast %jit3A_1248 : f32 to vector<16xf32>
      %select_n3A_1250 = arith.select %gt3A_1219, %get3A_1247, %broadcast_in_dim3A_1249 : vector<16xi1>, vector<16xf32>
      %add3A_1251 = arith.addf %add3A_1216, %select_n3A_1250 : vector<16xf32>
      %gt3A_1252 = arith.constant 4 : i32
      %gt3A_1253 = vector.broadcast %gt3A_1252 : i32 to vector<16xi32>
      %gt3A_1254 = arith.cmpi sgt, %add3A_101, %gt3A_1253 : vector<16xi32>
      %get3A_1255 = arith.constant 24 : i32
      %get3A_1256 = arith.index_cast %get3A_1255 : i32 to index
      %get3A_1257 = arith.constant 0 : index
      %get3A_1258 = tpu.vector_load %arg11[%get3A_1256, %get3A_1257] {strides = array<i32>} : memref<40x64xf32, #tpu.memory_space<vmem>>, vector<16xf32>,
      %jit3A_1259 = arith.constant 0.000000e+00 : f32
      %broadcast_in_dim3A_1260 = vector.broadcast %jit3A_1259 : f32 to vector<16xf32>
      %select_n3A_1261 = arith.select %gt3A_1254, %get3A_1258, %broadcast_in_dim3A_1260 : vector<16xi1>, vector<16xf32>
      %add3A_1262 = arith.addf %add3A_1227, %select_n3A_1261 : vector<16xf32>
      %get3A_1263 = arith.constant 24 : i32
      %get3A_1264 = arith.index_cast %get3A_1263 : i32 to index
      %get3A_1265 = arith.constant 16 : index
      %get3A_1266 = tpu.vector_load %arg11[%get3A_1264, %get3A_1265] {strides = array<i32>} : memref<40x64xf32, #tpu.memory_space<vmem>>, vector<16xf32>,
      %jit3A_1267 = arith.constant 0.000000e+00 : f32
      %broadcast_in_dim3A_1268 = vector.broadcast %jit3A_1267 : f32 to vector<16xf32>
      %select_n3A_1269 = arith.select %gt3A_1254, %get3A_1266, %broadcast_in_dim3A_1268 : vector<16xi1>, vector<16xf32>
      %add3A_1270 = arith.addf %add3A_1235, %select_n3A_1269 : vector<16xf32>
      %get3A_1271 = arith.constant 24 : i32
      %get3A_1272 = arith.index_cast %get3A_1271 : i32 to index
      %get3A_1273 = arith.constant 32 : index
      %get3A_1274 = tpu.vector_load %arg11[%get3A_1272, %get3A_1273] {strides = array<i32>} : memref<40x64xf32, #tpu.memory_space<vmem>>, vector<16xf32>,
      %jit3A_1275 = arith.constant 0.000000e+00 : f32
      %broadcast_in_dim3A_1276 = vector.broadcast %jit3A_1275 : f32 to vector<16xf32>
      %select_n3A_1277 = arith.select %gt3A_1254, %get3A_1274, %broadcast_in_dim3A_1276 : vector<16xi1>, vector<16xf32>
      %add3A_1278 = arith.addf %add3A_1243, %select_n3A_1277 : vector<16xf32>
      %get3A_1279 = arith.constant 24 : i32
      %get3A_1280 = arith.index_cast %get3A_1279 : i32 to index
      %get3A_1281 = arith.constant 48 : index
      %get3A_1282 = tpu.vector_load %arg11[%get3A_1280, %get3A_1281] {strides = array<i32>} : memref<40x64xf32, #tpu.memory_space<vmem>>, vector<16xf32>,
      %jit3A_1283 = arith.constant 0.000000e+00 : f32
      %broadcast_in_dim3A_1284 = vector.broadcast %jit3A_1283 : f32 to vector<16xf32>
      %select_n3A_1285 = arith.select %gt3A_1254, %get3A_1282, %broadcast_in_dim3A_1284 : vector<16xi1>, vector<16xf32>
      %add3A_1286 = arith.addf %add3A_1251, %select_n3A_1285 : vector<16xf32>
      %gt3A_1287 = arith.constant 5 : i32
      %gt3A_1288 = vector.broadcast %gt3A_1287 : i32 to vector<16xi32>
      %gt3A_1289 = arith.cmpi sgt, %add3A_101, %gt3A_1288 : vector<16xi32>
      %get3A_1290 = arith.constant 25 : i32
      %get3A_1291 = arith.index_cast %get3A_1290 : i32 to index
      %get3A_1292 = arith.constant 0 : index
      %get3A_1293 = tpu.vector_load %arg11[%get3A_1291, %get3A_1292] {strides = array<i32>} : memref<40x64xf32, #tpu.memory_space<vmem>>, vector<16xf32>,
      %jit3A_1294 = arith.constant 0.000000e+00 : f32
      %broadcast_in_dim3A_1295 = vector.broadcast %jit3A_1294 : f32 to vector<16xf32>
      %select_n3A_1296 = arith.select %gt3A_1289, %get3A_1293, %broadcast_in_dim3A_1295 : vector<16xi1>, vector<16xf32>
      %add3A_1297 = arith.addf %add3A_1262, %select_n3A_1296 : vector<16xf32>
      %get3A_1298 = arith.constant 25 : i32
      %get3A_1299 = arith.index_cast %get3A_1298 : i32 to index
      %get3A_1300 = arith.constant 16 : index
      %get3A_1301 = tpu.vector_load %arg11[%get3A_1299, %get3A_1300] {strides = array<i32>} : memref<40x64xf32, #tpu.memory_space<vmem>>, vector<16xf32>,
      %jit3A_1302 = arith.constant 0.000000e+00 : f32
      %broadcast_in_dim3A_1303 = vector.broadcast %jit3A_1302 : f32 to vector<16xf32>
      %select_n3A_1304 = arith.select %gt3A_1289, %get3A_1301, %broadcast_in_dim3A_1303 : vector<16xi1>, vector<16xf32>
      %add3A_1305 = arith.addf %add3A_1270, %select_n3A_1304 : vector<16xf32>
      %get3A_1306 = arith.constant 25 : i32
      %get3A_1307 = arith.index_cast %get3A_1306 : i32 to index
      %get3A_1308 = arith.constant 32 : index
      %get3A_1309 = tpu.vector_load %arg11[%get3A_1307, %get3A_1308] {strides = array<i32>} : memref<40x64xf32, #tpu.memory_space<vmem>>, vector<16xf32>,
      %jit3A_1310 = arith.constant 0.000000e+00 : f32
      %broadcast_in_dim3A_1311 = vector.broadcast %jit3A_1310 : f32 to vector<16xf32>
      %select_n3A_1312 = arith.select %gt3A_1289, %get3A_1309, %broadcast_in_dim3A_1311 : vector<16xi1>, vector<16xf32>
      %add3A_1313 = arith.addf %add3A_1278, %select_n3A_1312 : vector<16xf32>
      %get3A_1314 = arith.constant 25 : i32
      %get3A_1315 = arith.index_cast %get3A_1314 : i32 to index
      %get3A_1316 = arith.constant 48 : index
      %get3A_1317 = tpu.vector_load %arg11[%get3A_1315, %get3A_1316] {strides = array<i32>} : memref<40x64xf32, #tpu.memory_space<vmem>>, vector<16xf32>,
      %jit3A_1318 = arith.constant 0.000000e+00 : f32
      %broadcast_in_dim3A_1319 = vector.broadcast %jit3A_1318 : f32 to vector<16xf32>
      %select_n3A_1320 = arith.select %gt3A_1289, %get3A_1317, %broadcast_in_dim3A_1319 : vector<16xi1>, vector<16xf32>
      %add3A_1321 = arith.addf %add3A_1286, %select_n3A_1320 : vector<16xf32>
      %gt3A_1322 = arith.constant 6 : i32
      %gt3A_1323 = vector.broadcast %gt3A_1322 : i32 to vector<16xi32>
      %gt3A_1324 = arith.cmpi sgt, %add3A_101, %gt3A_1323 : vector<16xi32>
      %get3A_1325 = arith.constant 26 : i32
      %get3A_1326 = arith.index_cast %get3A_1325 : i32 to index
      %get3A_1327 = arith.constant 0 : index
      %get3A_1328 = tpu.vector_load %arg11[%get3A_1326, %get3A_1327] {strides = array<i32>} : memref<40x64xf32, #tpu.memory_space<vmem>>, vector<16xf32>,
      %jit3A_1329 = arith.constant 0.000000e+00 : f32
      %broadcast_in_dim3A_1330 = vector.broadcast %jit3A_1329 : f32 to vector<16xf32>
      %select_n3A_1331 = arith.select %gt3A_1324, %get3A_1328, %broadcast_in_dim3A_1330 : vector<16xi1>, vector<16xf32>
      %add3A_1332 = arith.addf %add3A_1297, %select_n3A_1331 : vector<16xf32>
      %get3A_1333 = arith.constant 26 : i32
      %get3A_1334 = arith.index_cast %get3A_1333 : i32 to index
      %get3A_1335 = arith.constant 16 : index
      %get3A_1336 = tpu.vector_load %arg11[%get3A_1334, %get3A_1335] {strides = array<i32>} : memref<40x64xf32, #tpu.memory_space<vmem>>, vector<16xf32>,
      %jit3A_1337 = arith.constant 0.000000e+00 : f32
      %broadcast_in_dim3A_1338 = vector.broadcast %jit3A_1337 : f32 to vector<16xf32>
      %select_n3A_1339 = arith.select %gt3A_1324, %get3A_1336, %broadcast_in_dim3A_1338 : vector<16xi1>, vector<16xf32>
      %add3A_1340 = arith.addf %add3A_1305, %select_n3A_1339 : vector<16xf32>
      %get3A_1341 = arith.constant 26 : i32
      %get3A_1342 = arith.index_cast %get3A_1341 : i32 to index
      %get3A_1343 = arith.constant 32 : index
      %get3A_1344 = tpu.vector_load %arg11[%get3A_1342, %get3A_1343] {strides = array<i32>} : memref<40x64xf32, #tpu.memory_space<vmem>>, vector<16xf32>,
      %jit3A_1345 = arith.constant 0.000000e+00 : f32
      %broadcast_in_dim3A_1346 = vector.broadcast %jit3A_1345 : f32 to vector<16xf32>
      %select_n3A_1347 = arith.select %gt3A_1324, %get3A_1344, %broadcast_in_dim3A_1346 : vector<16xi1>, vector<16xf32>
      %add3A_1348 = arith.addf %add3A_1313, %select_n3A_1347 : vector<16xf32>
      %get3A_1349 = arith.constant 26 : i32
      %get3A_1350 = arith.index_cast %get3A_1349 : i32 to index
      %get3A_1351 = arith.constant 48 : index
      %get3A_1352 = tpu.vector_load %arg11[%get3A_1350, %get3A_1351] {strides = array<i32>} : memref<40x64xf32, #tpu.memory_space<vmem>>, vector<16xf32>,
      %jit3A_1353 = arith.constant 0.000000e+00 : f32
      %broadcast_in_dim3A_1354 = vector.broadcast %jit3A_1353 : f32 to vector<16xf32>
      %select_n3A_1355 = arith.select %gt3A_1324, %get3A_1352, %broadcast_in_dim3A_1354 : vector<16xi1>, vector<16xf32>
      %add3A_1356 = arith.addf %add3A_1321, %select_n3A_1355 : vector<16xf32>
      %gt3A_1357 = arith.constant 7 : i32
      %gt3A_1358 = vector.broadcast %gt3A_1357 : i32 to vector<16xi32>
      %gt3A_1359 = arith.cmpi sgt, %add3A_101, %gt3A_1358 : vector<16xi32>
      %get3A_1360 = arith.constant 27 : i32
      %get3A_1361 = arith.index_cast %get3A_1360 : i32 to index
      %get3A_1362 = arith.constant 0 : index
      %get3A_1363 = tpu.vector_load %arg11[%get3A_1361, %get3A_1362] {strides = array<i32>} : memref<40x64xf32, #tpu.memory_space<vmem>>, vector<16xf32>,
      %jit3A_1364 = arith.constant 0.000000e+00 : f32
      %broadcast_in_dim3A_1365 = vector.broadcast %jit3A_1364 : f32 to vector<16xf32>
      %select_n3A_1366 = arith.select %gt3A_1359, %get3A_1363, %broadcast_in_dim3A_1365 : vector<16xi1>, vector<16xf32>
      %add3A_1367 = arith.addf %add3A_1332, %select_n3A_1366 : vector<16xf32>
      %get3A_1368 = arith.constant 27 : i32
      %get3A_1369 = arith.index_cast %get3A_1368 : i32 to index
      %get3A_1370 = arith.constant 16 : index
      %get3A_1371 = tpu.vector_load %arg11[%get3A_1369, %get3A_1370] {strides = array<i32>} : memref<40x64xf32, #tpu.memory_space<vmem>>, vector<16xf32>,
      %jit3A_1372 = arith.constant 0.000000e+00 : f32
      %broadcast_in_dim3A_1373 = vector.broadcast %jit3A_1372 : f32 to vector<16xf32>
      %select_n3A_1374 = arith.select %gt3A_1359, %get3A_1371, %broadcast_in_dim3A_1373 : vector<16xi1>, vector<16xf32>
      %add3A_1375 = arith.addf %add3A_1340, %select_n3A_1374 : vector<16xf32>
      %get3A_1376 = arith.constant 27 : i32
      %get3A_1377 = arith.index_cast %get3A_1376 : i32 to index
      %get3A_1378 = arith.constant 32 : index
      %get3A_1379 = tpu.vector_load %arg11[%get3A_1377, %get3A_1378] {strides = array<i32>} : memref<40x64xf32, #tpu.memory_space<vmem>>, vector<16xf32>,
      %jit3A_1380 = arith.constant 0.000000e+00 : f32
      %broadcast_in_dim3A_1381 = vector.broadcast %jit3A_1380 : f32 to vector<16xf32>
      %select_n3A_1382 = arith.select %gt3A_1359, %get3A_1379, %broadcast_in_dim3A_1381 : vector<16xi1>, vector<16xf32>
      %add3A_1383 = arith.addf %add3A_1348, %select_n3A_1382 : vector<16xf32>
      %get3A_1384 = arith.constant 27 : i32
      %get3A_1385 = arith.index_cast %get3A_1384 : i32 to index
      %get3A_1386 = arith.constant 48 : index
      %get3A_1387 = tpu.vector_load %arg11[%get3A_1385, %get3A_1386] {strides = array<i32>} : memref<40x64xf32, #tpu.memory_space<vmem>>, vector<16xf32>,
      %jit3A_1388 = arith.constant 0.000000e+00 : f32
      %broadcast_in_dim3A_1389 = vector.broadcast %jit3A_1388 : f32 to vector<16xf32>
      %select_n3A_1390 = arith.select %gt3A_1359, %get3A_1387, %broadcast_in_dim3A_1389 : vector<16xi1>, vector<16xf32>
      %add3A_1391 = arith.addf %add3A_1356, %select_n3A_1390 : vector<16xf32>
      %gt3A_1392 = arith.constant 8 : i32
      %gt3A_1393 = vector.broadcast %gt3A_1392 : i32 to vector<16xi32>
      %gt3A_1394 = arith.cmpi sgt, %add3A_101, %gt3A_1393 : vector<16xi32>
      %get3A_1395 = arith.constant 28 : i32
      %get3A_1396 = arith.index_cast %get3A_1395 : i32 to index
      %get3A_1397 = arith.constant 0 : index
      %get3A_1398 = tpu.vector_load %arg11[%get3A_1396, %get3A_1397] {strides = array<i32>} : memref<40x64xf32, #tpu.memory_space<vmem>>, vector<16xf32>,
      %jit3A_1399 = arith.constant 0.000000e+00 : f32
      %broadcast_in_dim3A_1400 = vector.broadcast %jit3A_1399 : f32 to vector<16xf32>
      %select_n3A_1401 = arith.select %gt3A_1394, %get3A_1398, %broadcast_in_dim3A_1400 : vector<16xi1>, vector<16xf32>
      %add3A_1402 = arith.addf %add3A_1367, %select_n3A_1401 : vector<16xf32>
      %get3A_1403 = arith.constant 28 : i32
      %get3A_1404 = arith.index_cast %get3A_1403 : i32 to index
      %get3A_1405 = arith.constant 16 : index
      %get3A_1406 = tpu.vector_load %arg11[%get3A_1404, %get3A_1405] {strides = array<i32>} : memref<40x64xf32, #tpu.memory_space<vmem>>, vector<16xf32>,
      %jit3A_1407 = arith.constant 0.000000e+00 : f32
      %broadcast_in_dim3A_1408 = vector.broadcast %jit3A_1407 : f32 to vector<16xf32>
      %select_n3A_1409 = arith.select %gt3A_1394, %get3A_1406, %broadcast_in_dim3A_1408 : vector<16xi1>, vector<16xf32>
      %add3A_1410 = arith.addf %add3A_1375, %select_n3A_1409 : vector<16xf32>
      %get3A_1411 = arith.constant 28 : i32
      %get3A_1412 = arith.index_cast %get3A_1411 : i32 to index
      %get3A_1413 = arith.constant 32 : index
      %get3A_1414 = tpu.vector_load %arg11[%get3A_1412, %get3A_1413] {strides = array<i32>} : memref<40x64xf32, #tpu.memory_space<vmem>>, vector<16xf32>,
      %jit3A_1415 = arith.constant 0.000000e+00 : f32
      %broadcast_in_dim3A_1416 = vector.broadcast %jit3A_1415 : f32 to vector<16xf32>
      %select_n3A_1417 = arith.select %gt3A_1394, %get3A_1414, %broadcast_in_dim3A_1416 : vector<16xi1>, vector<16xf32>
      %add3A_1418 = arith.addf %add3A_1383, %select_n3A_1417 : vector<16xf32>
      %get3A_1419 = arith.constant 28 : i32
      %get3A_1420 = arith.index_cast %get3A_1419 : i32 to index
      %get3A_1421 = arith.constant 48 : index
      %get3A_1422 = tpu.vector_load %arg11[%get3A_1420, %get3A_1421] {strides = array<i32>} : memref<40x64xf32, #tpu.memory_space<vmem>>, vector<16xf32>,
      %jit3A_1423 = arith.constant 0.000000e+00 : f32
      %broadcast_in_dim3A_1424 = vector.broadcast %jit3A_1423 : f32 to vector<16xf32>
      %select_n3A_1425 = arith.select %gt3A_1394, %get3A_1422, %broadcast_in_dim3A_1424 : vector<16xi1>, vector<16xf32>
      %add3A_1426 = arith.addf %add3A_1391, %select_n3A_1425 : vector<16xf32>
      %gt3A_1427 = arith.constant 9 : i32
      %gt3A_1428 = vector.broadcast %gt3A_1427 : i32 to vector<16xi32>
      %gt3A_1429 = arith.cmpi sgt, %add3A_101, %gt3A_1428 : vector<16xi32>
      %get3A_1430 = arith.constant 29 : i32
      %get3A_1431 = arith.index_cast %get3A_1430 : i32 to index
      %get3A_1432 = arith.constant 0 : index
      %get3A_1433 = tpu.vector_load %arg11[%get3A_1431, %get3A_1432] {strides = array<i32>} : memref<40x64xf32, #tpu.memory_space<vmem>>, vector<16xf32>,
      %jit3A_1434 = arith.constant 0.000000e+00 : f32
      %broadcast_in_dim3A_1435 = vector.broadcast %jit3A_1434 : f32 to vector<16xf32>
      %select_n3A_1436 = arith.select %gt3A_1429, %get3A_1433, %broadcast_in_dim3A_1435 : vector<16xi1>, vector<16xf32>
      %add3A_1437 = arith.addf %add3A_1402, %select_n3A_1436 : vector<16xf32>
      %get3A_1438 = arith.constant 29 : i32
      %get3A_1439 = arith.index_cast %get3A_1438 : i32 to index
      %get3A_1440 = arith.constant 16 : index
      %get3A_1441 = tpu.vector_load %arg11[%get3A_1439, %get3A_1440] {strides = array<i32>} : memref<40x64xf32, #tpu.memory_space<vmem>>, vector<16xf32>,
      %jit3A_1442 = arith.constant 0.000000e+00 : f32
      %broadcast_in_dim3A_1443 = vector.broadcast %jit3A_1442 : f32 to vector<16xf32>
      %select_n3A_1444 = arith.select %gt3A_1429, %get3A_1441, %broadcast_in_dim3A_1443 : vector<16xi1>, vector<16xf32>
      %add3A_1445 = arith.addf %add3A_1410, %select_n3A_1444 : vector<16xf32>
      %get3A_1446 = arith.constant 29 : i32
      %get3A_1447 = arith.index_cast %get3A_1446 : i32 to index
      %get3A_1448 = arith.constant 32 : index
      %get3A_1449 = tpu.vector_load %arg11[%get3A_1447, %get3A_1448] {strides = array<i32>} : memref<40x64xf32, #tpu.memory_space<vmem>>, vector<16xf32>,
      %jit3A_1450 = arith.constant 0.000000e+00 : f32
      %broadcast_in_dim3A_1451 = vector.broadcast %jit3A_1450 : f32 to vector<16xf32>
      %select_n3A_1452 = arith.select %gt3A_1429, %get3A_1449, %broadcast_in_dim3A_1451 : vector<16xi1>, vector<16xf32>
      %add3A_1453 = arith.addf %add3A_1418, %select_n3A_1452 : vector<16xf32>
      %get3A_1454 = arith.constant 29 : i32
      %get3A_1455 = arith.index_cast %get3A_1454 : i32 to index
      %get3A_1456 = arith.constant 48 : index
      %get3A_1457 = tpu.vector_load %arg11[%get3A_1455, %get3A_1456] {strides = array<i32>} : memref<40x64xf32, #tpu.memory_space<vmem>>, vector<16xf32>,
      %jit3A_1458 = arith.constant 0.000000e+00 : f32
      %broadcast_in_dim3A_1459 = vector.broadcast %jit3A_1458 : f32 to vector<16xf32>
      %select_n3A_1460 = arith.select %gt3A_1429, %get3A_1457, %broadcast_in_dim3A_1459 : vector<16xi1>, vector<16xf32>
      %add3A_1461 = arith.addf %add3A_1426, %select_n3A_1460 : vector<16xf32>
      %gt3A_1462 = arith.constant 10 : i32
      %gt3A_1463 = vector.broadcast %gt3A_1462 : i32 to vector<16xi32>
      %gt3A_1464 = arith.cmpi sgt, %add3A_101, %gt3A_1463 : vector<16xi32>
      %get3A_1465 = arith.constant 30 : i32
      %get3A_1466 = arith.index_cast %get3A_1465 : i32 to index
      %get3A_1467 = arith.constant 0 : index
      %get3A_1468 = tpu.vector_load %arg11[%get3A_1466, %get3A_1467] {strides = array<i32>} : memref<40x64xf32, #tpu.memory_space<vmem>>, vector<16xf32>,
      %jit3A_1469 = arith.constant 0.000000e+00 : f32
      %broadcast_in_dim3A_1470 = vector.broadcast %jit3A_1469 : f32 to vector<16xf32>
      %select_n3A_1471 = arith.select %gt3A_1464, %get3A_1468, %broadcast_in_dim3A_1470 : vector<16xi1>, vector<16xf32>
      %add3A_1472 = arith.addf %add3A_1437, %select_n3A_1471 : vector<16xf32>
      %get3A_1473 = arith.constant 30 : i32
      %get3A_1474 = arith.index_cast %get3A_1473 : i32 to index
      %get3A_1475 = arith.constant 16 : index
      %get3A_1476 = tpu.vector_load %arg11[%get3A_1474, %get3A_1475] {strides = array<i32>} : memref<40x64xf32, #tpu.memory_space<vmem>>, vector<16xf32>,
      %jit3A_1477 = arith.constant 0.000000e+00 : f32
      %broadcast_in_dim3A_1478 = vector.broadcast %jit3A_1477 : f32 to vector<16xf32>
      %select_n3A_1479 = arith.select %gt3A_1464, %get3A_1476, %broadcast_in_dim3A_1478 : vector<16xi1>, vector<16xf32>
      %add3A_1480 = arith.addf %add3A_1445, %select_n3A_1479 : vector<16xf32>
      %get3A_1481 = arith.constant 30 : i32
      %get3A_1482 = arith.index_cast %get3A_1481 : i32 to index
      %get3A_1483 = arith.constant 32 : index
      %get3A_1484 = tpu.vector_load %arg11[%get3A_1482, %get3A_1483] {strides = array<i32>} : memref<40x64xf32, #tpu.memory_space<vmem>>, vector<16xf32>,
      %jit3A_1485 = arith.constant 0.000000e+00 : f32
      %broadcast_in_dim3A_1486 = vector.broadcast %jit3A_1485 : f32 to vector<16xf32>
      %select_n3A_1487 = arith.select %gt3A_1464, %get3A_1484, %broadcast_in_dim3A_1486 : vector<16xi1>, vector<16xf32>
      %add3A_1488 = arith.addf %add3A_1453, %select_n3A_1487 : vector<16xf32>
      %get3A_1489 = arith.constant 30 : i32
      %get3A_1490 = arith.index_cast %get3A_1489 : i32 to index
      %get3A_1491 = arith.constant 48 : index
      %get3A_1492 = tpu.vector_load %arg11[%get3A_1490, %get3A_1491] {strides = array<i32>} : memref<40x64xf32, #tpu.memory_space<vmem>>, vector<16xf32>,
      %jit3A_1493 = arith.constant 0.000000e+00 : f32
      %broadcast_in_dim3A_1494 = vector.broadcast %jit3A_1493 : f32 to vector<16xf32>
      %select_n3A_1495 = arith.select %gt3A_1464, %get3A_1492, %broadcast_in_dim3A_1494 : vector<16xi1>, vector<16xf32>
      %add3A_1496 = arith.addf %add3A_1461, %select_n3A_1495 : vector<16xf32>
      %gt3A_1497 = arith.constant 11 : i32
      %gt3A_1498 = vector.broadcast %gt3A_1497 : i32 to vector<16xi32>
      %gt3A_1499 = arith.cmpi sgt, %add3A_101, %gt3A_1498 : vector<16xi32>
      %get3A_1500 = arith.constant 31 : i32
      %get3A_1501 = arith.index_cast %get3A_1500 : i32 to index
      %get3A_1502 = arith.constant 0 : index
      %get3A_1503 = tpu.vector_load %arg11[%get3A_1501, %get3A_1502] {strides = array<i32>} : memref<40x64xf32, #tpu.memory_space<vmem>>, vector<16xf32>,
      %jit3A_1504 = arith.constant 0.000000e+00 : f32
      %broadcast_in_dim3A_1505 = vector.broadcast %jit3A_1504 : f32 to vector<16xf32>
      %select_n3A_1506 = arith.select %gt3A_1499, %get3A_1503, %broadcast_in_dim3A_1505 : vector<16xi1>, vector<16xf32>
      %add3A_1507 = arith.addf %add3A_1472, %select_n3A_1506 : vector<16xf32>
      %get3A_1508 = arith.constant 31 : i32
      %get3A_1509 = arith.index_cast %get3A_1508 : i32 to index
      %get3A_1510 = arith.constant 16 : index
      %get3A_1511 = tpu.vector_load %arg11[%get3A_1509, %get3A_1510] {strides = array<i32>} : memref<40x64xf32, #tpu.memory_space<vmem>>, vector<16xf32>,
      %jit3A_1512 = arith.constant 0.000000e+00 : f32
      %broadcast_in_dim3A_1513 = vector.broadcast %jit3A_1512 : f32 to vector<16xf32>
      %select_n3A_1514 = arith.select %gt3A_1499, %get3A_1511, %broadcast_in_dim3A_1513 : vector<16xi1>, vector<16xf32>
      %add3A_1515 = arith.addf %add3A_1480, %select_n3A_1514 : vector<16xf32>
      %get3A_1516 = arith.constant 31 : i32
      %get3A_1517 = arith.index_cast %get3A_1516 : i32 to index
      %get3A_1518 = arith.constant 32 : index
      %get3A_1519 = tpu.vector_load %arg11[%get3A_1517, %get3A_1518] {strides = array<i32>} : memref<40x64xf32, #tpu.memory_space<vmem>>, vector<16xf32>,
      %jit3A_1520 = arith.constant 0.000000e+00 : f32
      %broadcast_in_dim3A_1521 = vector.broadcast %jit3A_1520 : f32 to vector<16xf32>
      %select_n3A_1522 = arith.select %gt3A_1499, %get3A_1519, %broadcast_in_dim3A_1521 : vector<16xi1>, vector<16xf32>
      %add3A_1523 = arith.addf %add3A_1488, %select_n3A_1522 : vector<16xf32>
      %get3A_1524 = arith.constant 31 : i32
      %get3A_1525 = arith.index_cast %get3A_1524 : i32 to index
      %get3A_1526 = arith.constant 48 : index
      %get3A_1527 = tpu.vector_load %arg11[%get3A_1525, %get3A_1526] {strides = array<i32>} : memref<40x64xf32, #tpu.memory_space<vmem>>, vector<16xf32>,
      %jit3A_1528 = arith.constant 0.000000e+00 : f32
      %broadcast_in_dim3A_1529 = vector.broadcast %jit3A_1528 : f32 to vector<16xf32>
      %select_n3A_1530 = arith.select %gt3A_1499, %get3A_1527, %broadcast_in_dim3A_1529 : vector<16xi1>, vector<16xf32>
      %add3A_1531 = arith.addf %add3A_1496, %select_n3A_1530 : vector<16xf32>
      %gt3A_1532 = arith.constant 12 : i32
      %gt3A_1533 = vector.broadcast %gt3A_1532 : i32 to vector<16xi32>
      %gt3A_1534 = arith.cmpi sgt, %add3A_101, %gt3A_1533 : vector<16xi32>
      %get3A_1535 = arith.constant 32 : i32
      %get3A_1536 = arith.index_cast %get3A_1535 : i32 to index
      %get3A_1537 = arith.constant 0 : index
      %get3A_1538 = tpu.vector_load %arg11[%get3A_1536, %get3A_1537] {strides = array<i32>} : memref<40x64xf32, #tpu.memory_space<vmem>>, vector<16xf32>,
      %jit3A_1539 = arith.constant 0.000000e+00 : f32
      %broadcast_in_dim3A_1540 = vector.broadcast %jit3A_1539 : f32 to vector<16xf32>
      %select_n3A_1541 = arith.select %gt3A_1534, %get3A_1538, %broadcast_in_dim3A_1540 : vector<16xi1>, vector<16xf32>
      %add3A_1542 = arith.addf %add3A_1507, %select_n3A_1541 : vector<16xf32>
      %get3A_1543 = arith.constant 32 : i32
      %get3A_1544 = arith.index_cast %get3A_1543 : i32 to index
      %get3A_1545 = arith.constant 16 : index
      %get3A_1546 = tpu.vector_load %arg11[%get3A_1544, %get3A_1545] {strides = array<i32>} : memref<40x64xf32, #tpu.memory_space<vmem>>, vector<16xf32>,
      %jit3A_1547 = arith.constant 0.000000e+00 : f32
      %broadcast_in_dim3A_1548 = vector.broadcast %jit3A_1547 : f32 to vector<16xf32>
      %select_n3A_1549 = arith.select %gt3A_1534, %get3A_1546, %broadcast_in_dim3A_1548 : vector<16xi1>, vector<16xf32>
      %add3A_1550 = arith.addf %add3A_1515, %select_n3A_1549 : vector<16xf32>
      %get3A_1551 = arith.constant 32 : i32
      %get3A_1552 = arith.index_cast %get3A_1551 : i32 to index
      %get3A_1553 = arith.constant 32 : index
      %get3A_1554 = tpu.vector_load %arg11[%get3A_1552, %get3A_1553] {strides = array<i32>} : memref<40x64xf32, #tpu.memory_space<vmem>>, vector<16xf32>,
      %jit3A_1555 = arith.constant 0.000000e+00 : f32
      %broadcast_in_dim3A_1556 = vector.broadcast %jit3A_1555 : f32 to vector<16xf32>
      %select_n3A_1557 = arith.select %gt3A_1534, %get3A_1554, %broadcast_in_dim3A_1556 : vector<16xi1>, vector<16xf32>
      %add3A_1558 = arith.addf %add3A_1523, %select_n3A_1557 : vector<16xf32>
      %get3A_1559 = arith.constant 32 : i32
      %get3A_1560 = arith.index_cast %get3A_1559 : i32 to index
      %get3A_1561 = arith.constant 48 : index
      %get3A_1562 = tpu.vector_load %arg11[%get3A_1560, %get3A_1561] {strides = array<i32>} : memref<40x64xf32, #tpu.memory_space<vmem>>, vector<16xf32>,
      %jit3A_1563 = arith.constant 0.000000e+00 : f32
      %broadcast_in_dim3A_1564 = vector.broadcast %jit3A_1563 : f32 to vector<16xf32>
      %select_n3A_1565 = arith.select %gt3A_1534, %get3A_1562, %broadcast_in_dim3A_1564 : vector<16xi1>, vector<16xf32>
      %add3A_1566 = arith.addf %add3A_1531, %select_n3A_1565 : vector<16xf32>
      %gt3A_1567 = arith.constant 13 : i32
      %gt3A_1568 = vector.broadcast %gt3A_1567 : i32 to vector<16xi32>
      %gt3A_1569 = arith.cmpi sgt, %add3A_101, %gt3A_1568 : vector<16xi32>
      %get3A_1570 = arith.constant 33 : i32
      %get3A_1571 = arith.index_cast %get3A_1570 : i32 to index
      %get3A_1572 = arith.constant 0 : index
      %get3A_1573 = tpu.vector_load %arg11[%get3A_1571, %get3A_1572] {strides = array<i32>} : memref<40x64xf32, #tpu.memory_space<vmem>>, vector<16xf32>,
      %jit3A_1574 = arith.constant 0.000000e+00 : f32
      %broadcast_in_dim3A_1575 = vector.broadcast %jit3A_1574 : f32 to vector<16xf32>
      %select_n3A_1576 = arith.select %gt3A_1569, %get3A_1573, %broadcast_in_dim3A_1575 : vector<16xi1>, vector<16xf32>
      %add3A_1577 = arith.addf %add3A_1542, %select_n3A_1576 : vector<16xf32>
      %get3A_1578 = arith.constant 33 : i32
      %get3A_1579 = arith.index_cast %get3A_1578 : i32 to index
      %get3A_1580 = arith.constant 16 : index
      %get3A_1581 = tpu.vector_load %arg11[%get3A_1579, %get3A_1580] {strides = array<i32>} : memref<40x64xf32, #tpu.memory_space<vmem>>, vector<16xf32>,
      %jit3A_1582 = arith.constant 0.000000e+00 : f32
      %broadcast_in_dim3A_1583 = vector.broadcast %jit3A_1582 : f32 to vector<16xf32>
      %select_n3A_1584 = arith.select %gt3A_1569, %get3A_1581, %broadcast_in_dim3A_1583 : vector<16xi1>, vector<16xf32>
      %add3A_1585 = arith.addf %add3A_1550, %select_n3A_1584 : vector<16xf32>
      %get3A_1586 = arith.constant 33 : i32
      %get3A_1587 = arith.index_cast %get3A_1586 : i32 to index
      %get3A_1588 = arith.constant 32 : index
      %get3A_1589 = tpu.vector_load %arg11[%get3A_1587, %get3A_1588] {strides = array<i32>} : memref<40x64xf32, #tpu.memory_space<vmem>>, vector<16xf32>,
      %jit3A_1590 = arith.constant 0.000000e+00 : f32
      %broadcast_in_dim3A_1591 = vector.broadcast %jit3A_1590 : f32 to vector<16xf32>
      %select_n3A_1592 = arith.select %gt3A_1569, %get3A_1589, %broadcast_in_dim3A_1591 : vector<16xi1>, vector<16xf32>
      %add3A_1593 = arith.addf %add3A_1558, %select_n3A_1592 : vector<16xf32>
      %get3A_1594 = arith.constant 33 : i32
      %get3A_1595 = arith.index_cast %get3A_1594 : i32 to index
      %get3A_1596 = arith.constant 48 : index
      %get3A_1597 = tpu.vector_load %arg11[%get3A_1595, %get3A_1596] {strides = array<i32>} : memref<40x64xf32, #tpu.memory_space<vmem>>, vector<16xf32>,
      %jit3A_1598 = arith.constant 0.000000e+00 : f32
      %broadcast_in_dim3A_1599 = vector.broadcast %jit3A_1598 : f32 to vector<16xf32>
      %select_n3A_1600 = arith.select %gt3A_1569, %get3A_1597, %broadcast_in_dim3A_1599 : vector<16xi1>, vector<16xf32>
      %add3A_1601 = arith.addf %add3A_1566, %select_n3A_1600 : vector<16xf32>
      %gt3A_1602 = arith.constant 14 : i32
      %gt3A_1603 = vector.broadcast %gt3A_1602 : i32 to vector<16xi32>
      %gt3A_1604 = arith.cmpi sgt, %add3A_101, %gt3A_1603 : vector<16xi32>
      %get3A_1605 = arith.constant 34 : i32
      %get3A_1606 = arith.index_cast %get3A_1605 : i32 to index
      %get3A_1607 = arith.constant 0 : index
      %get3A_1608 = tpu.vector_load %arg11[%get3A_1606, %get3A_1607] {strides = array<i32>} : memref<40x64xf32, #tpu.memory_space<vmem>>, vector<16xf32>,
      %jit3A_1609 = arith.constant 0.000000e+00 : f32
      %broadcast_in_dim3A_1610 = vector.broadcast %jit3A_1609 : f32 to vector<16xf32>
      %select_n3A_1611 = arith.select %gt3A_1604, %get3A_1608, %broadcast_in_dim3A_1610 : vector<16xi1>, vector<16xf32>
      %add3A_1612 = arith.addf %add3A_1577, %select_n3A_1611 : vector<16xf32>
      %get3A_1613 = arith.constant 34 : i32
      %get3A_1614 = arith.index_cast %get3A_1613 : i32 to index
      %get3A_1615 = arith.constant 16 : index
      %get3A_1616 = tpu.vector_load %arg11[%get3A_1614, %get3A_1615] {strides = array<i32>} : memref<40x64xf32, #tpu.memory_space<vmem>>, vector<16xf32>,
      %jit3A_1617 = arith.constant 0.000000e+00 : f32
      %broadcast_in_dim3A_1618 = vector.broadcast %jit3A_1617 : f32 to vector<16xf32>
      %select_n3A_1619 = arith.select %gt3A_1604, %get3A_1616, %broadcast_in_dim3A_1618 : vector<16xi1>, vector<16xf32>
      %add3A_1620 = arith.addf %add3A_1585, %select_n3A_1619 : vector<16xf32>
      %get3A_1621 = arith.constant 34 : i32
      %get3A_1622 = arith.index_cast %get3A_1621 : i32 to index
      %get3A_1623 = arith.constant 32 : index
      %get3A_1624 = tpu.vector_load %arg11[%get3A_1622, %get3A_1623] {strides = array<i32>} : memref<40x64xf32, #tpu.memory_space<vmem>>, vector<16xf32>,
      %jit3A_1625 = arith.constant 0.000000e+00 : f32
      %broadcast_in_dim3A_1626 = vector.broadcast %jit3A_1625 : f32 to vector<16xf32>
      %select_n3A_1627 = arith.select %gt3A_1604, %get3A_1624, %broadcast_in_dim3A_1626 : vector<16xi1>, vector<16xf32>
      %add3A_1628 = arith.addf %add3A_1593, %select_n3A_1627 : vector<16xf32>
      %get3A_1629 = arith.constant 34 : i32
      %get3A_1630 = arith.index_cast %get3A_1629 : i32 to index
      %get3A_1631 = arith.constant 48 : index
      %get3A_1632 = tpu.vector_load %arg11[%get3A_1630, %get3A_1631] {strides = array<i32>} : memref<40x64xf32, #tpu.memory_space<vmem>>, vector<16xf32>,
      %jit3A_1633 = arith.constant 0.000000e+00 : f32
      %broadcast_in_dim3A_1634 = vector.broadcast %jit3A_1633 : f32 to vector<16xf32>
      %select_n3A_1635 = arith.select %gt3A_1604, %get3A_1632, %broadcast_in_dim3A_1634 : vector<16xi1>, vector<16xf32>
      %add3A_1636 = arith.addf %add3A_1601, %select_n3A_1635 : vector<16xf32>
      %gt3A_1637 = arith.constant 15 : i32
      %gt3A_1638 = vector.broadcast %gt3A_1637 : i32 to vector<16xi32>
      %gt3A_1639 = arith.cmpi sgt, %add3A_101, %gt3A_1638 : vector<16xi32>
      %get3A_1640 = arith.constant 35 : i32
      %get3A_1641 = arith.index_cast %get3A_1640 : i32 to index
      %get3A_1642 = arith.constant 0 : index
      %get3A_1643 = tpu.vector_load %arg11[%get3A_1641, %get3A_1642] {strides = array<i32>} : memref<40x64xf32, #tpu.memory_space<vmem>>, vector<16xf32>,
      %jit3A_1644 = arith.constant 0.000000e+00 : f32
      %broadcast_in_dim3A_1645 = vector.broadcast %jit3A_1644 : f32 to vector<16xf32>
      %select_n3A_1646 = arith.select %gt3A_1639, %get3A_1643, %broadcast_in_dim3A_1645 : vector<16xi1>, vector<16xf32>
      %add3A_1647 = arith.addf %add3A_1612, %select_n3A_1646 : vector<16xf32>
      %get3A_1648 = arith.constant 35 : i32
      %get3A_1649 = arith.index_cast %get3A_1648 : i32 to index
      %get3A_1650 = arith.constant 16 : index
      %get3A_1651 = tpu.vector_load %arg11[%get3A_1649, %get3A_1650] {strides = array<i32>} : memref<40x64xf32, #tpu.memory_space<vmem>>, vector<16xf32>,
      %jit3A_1652 = arith.constant 0.000000e+00 : f32
      %broadcast_in_dim3A_1653 = vector.broadcast %jit3A_1652 : f32 to vector<16xf32>
      %select_n3A_1654 = arith.select %gt3A_1639, %get3A_1651, %broadcast_in_dim3A_1653 : vector<16xi1>, vector<16xf32>
      %add3A_1655 = arith.addf %add3A_1620, %select_n3A_1654 : vector<16xf32>
      %get3A_1656 = arith.constant 35 : i32
      %get3A_1657 = arith.index_cast %get3A_1656 : i32 to index
      %get3A_1658 = arith.constant 32 : index
      %get3A_1659 = tpu.vector_load %arg11[%get3A_1657, %get3A_1658] {strides = array<i32>} : memref<40x64xf32, #tpu.memory_space<vmem>>, vector<16xf32>,
      %jit3A_1660 = arith.constant 0.000000e+00 : f32
      %broadcast_in_dim3A_1661 = vector.broadcast %jit3A_1660 : f32 to vector<16xf32>
      %select_n3A_1662 = arith.select %gt3A_1639, %get3A_1659, %broadcast_in_dim3A_1661 : vector<16xi1>, vector<16xf32>
      %add3A_1663 = arith.addf %add3A_1628, %select_n3A_1662 : vector<16xf32>
      %get3A_1664 = arith.constant 35 : i32
      %get3A_1665 = arith.index_cast %get3A_1664 : i32 to index
      %get3A_1666 = arith.constant 48 : index
      %get3A_1667 = tpu.vector_load %arg11[%get3A_1665, %get3A_1666] {strides = array<i32>} : memref<40x64xf32, #tpu.memory_space<vmem>>, vector<16xf32>,
      %jit3A_1668 = arith.constant 0.000000e+00 : f32
      %broadcast_in_dim3A_1669 = vector.broadcast %jit3A_1668 : f32 to vector<16xf32>
      %select_n3A_1670 = arith.select %gt3A_1639, %get3A_1667, %broadcast_in_dim3A_1669 : vector<16xi1>, vector<16xf32>
      %add3A_1671 = arith.addf %add3A_1636, %select_n3A_1670 : vector<16xf32>
      %gt3A_1672 = arith.constant 16 : i32
      %gt3A_1673 = vector.broadcast %gt3A_1672 : i32 to vector<16xi32>
      %gt3A_1674 = arith.cmpi sgt, %add3A_101, %gt3A_1673 : vector<16xi32>
      %get3A_1675 = arith.constant 36 : i32
      %get3A_1676 = arith.index_cast %get3A_1675 : i32 to index
      %get3A_1677 = arith.constant 0 : index
      %get3A_1678 = tpu.vector_load %arg11[%get3A_1676, %get3A_1677] {strides = array<i32>} : memref<40x64xf32, #tpu.memory_space<vmem>>, vector<16xf32>,
      %jit3A_1679 = arith.constant 0.000000e+00 : f32
      %broadcast_in_dim3A_1680 = vector.broadcast %jit3A_1679 : f32 to vector<16xf32>
      %select_n3A_1681 = arith.select %gt3A_1674, %get3A_1678, %broadcast_in_dim3A_1680 : vector<16xi1>, vector<16xf32>
      %add3A_1682 = arith.addf %add3A_1647, %select_n3A_1681 : vector<16xf32>
      %get3A_1683 = arith.constant 36 : i32
      %get3A_1684 = arith.index_cast %get3A_1683 : i32 to index
      %get3A_1685 = arith.constant 16 : index
      %get3A_1686 = tpu.vector_load %arg11[%get3A_1684, %get3A_1685] {strides = array<i32>} : memref<40x64xf32, #tpu.memory_space<vmem>>, vector<16xf32>,
      %jit3A_1687 = arith.constant 0.000000e+00 : f32
      %broadcast_in_dim3A_1688 = vector.broadcast %jit3A_1687 : f32 to vector<16xf32>
      %select_n3A_1689 = arith.select %gt3A_1674, %get3A_1686, %broadcast_in_dim3A_1688 : vector<16xi1>, vector<16xf32>
      %add3A_1690 = arith.addf %add3A_1655, %select_n3A_1689 : vector<16xf32>
      %get3A_1691 = arith.constant 36 : i32
      %get3A_1692 = arith.index_cast %get3A_1691 : i32 to index
      %get3A_1693 = arith.constant 32 : index
      %get3A_1694 = tpu.vector_load %arg11[%get3A_1692, %get3A_1693] {strides = array<i32>} : memref<40x64xf32, #tpu.memory_space<vmem>>, vector<16xf32>,
      %jit3A_1695 = arith.constant 0.000000e+00 : f32
      %broadcast_in_dim3A_1696 = vector.broadcast %jit3A_1695 : f32 to vector<16xf32>
      %select_n3A_1697 = arith.select %gt3A_1674, %get3A_1694, %broadcast_in_dim3A_1696 : vector<16xi1>, vector<16xf32>
      %add3A_1698 = arith.addf %add3A_1663, %select_n3A_1697 : vector<16xf32>
      %get3A_1699 = arith.constant 36 : i32
      %get3A_1700 = arith.index_cast %get3A_1699 : i32 to index
      %get3A_1701 = arith.constant 48 : index
      %get3A_1702 = tpu.vector_load %arg11[%get3A_1700, %get3A_1701] {strides = array<i32>} : memref<40x64xf32, #tpu.memory_space<vmem>>, vector<16xf32>,
      %jit3A_1703 = arith.constant 0.000000e+00 : f32
      %broadcast_in_dim3A_1704 = vector.broadcast %jit3A_1703 : f32 to vector<16xf32>
      %select_n3A_1705 = arith.select %gt3A_1674, %get3A_1702, %broadcast_in_dim3A_1704 : vector<16xi1>, vector<16xf32>
      %add3A_1706 = arith.addf %add3A_1671, %select_n3A_1705 : vector<16xf32>
      %gt3A_1707 = arith.constant 17 : i32
      %gt3A_1708 = vector.broadcast %gt3A_1707 : i32 to vector<16xi32>
      %gt3A_1709 = arith.cmpi sgt, %add3A_101, %gt3A_1708 : vector<16xi32>
      %get3A_1710 = arith.constant 37 : i32
      %get3A_1711 = arith.index_cast %get3A_1710 : i32 to index
      %get3A_1712 = arith.constant 0 : index
      %get3A_1713 = tpu.vector_load %arg11[%get3A_1711, %get3A_1712] {strides = array<i32>} : memref<40x64xf32, #tpu.memory_space<vmem>>, vector<16xf32>,
      %jit3A_1714 = arith.constant 0.000000e+00 : f32
      %broadcast_in_dim3A_1715 = vector.broadcast %jit3A_1714 : f32 to vector<16xf32>
      %select_n3A_1716 = arith.select %gt3A_1709, %get3A_1713, %broadcast_in_dim3A_1715 : vector<16xi1>, vector<16xf32>
      %add3A_1717 = arith.addf %add3A_1682, %select_n3A_1716 : vector<16xf32>
      %get3A_1718 = arith.constant 37 : i32
      %get3A_1719 = arith.index_cast %get3A_1718 : i32 to index
      %get3A_1720 = arith.constant 16 : index
      %get3A_1721 = tpu.vector_load %arg11[%get3A_1719, %get3A_1720] {strides = array<i32>} : memref<40x64xf32, #tpu.memory_space<vmem>>, vector<16xf32>,
      %jit3A_1722 = arith.constant 0.000000e+00 : f32
      %broadcast_in_dim3A_1723 = vector.broadcast %jit3A_1722 : f32 to vector<16xf32>
      %select_n3A_1724 = arith.select %gt3A_1709, %get3A_1721, %broadcast_in_dim3A_1723 : vector<16xi1>, vector<16xf32>
      %add3A_1725 = arith.addf %add3A_1690, %select_n3A_1724 : vector<16xf32>
      %get3A_1726 = arith.constant 37 : i32
      %get3A_1727 = arith.index_cast %get3A_1726 : i32 to index
      %get3A_1728 = arith.constant 32 : index
      %get3A_1729 = tpu.vector_load %arg11[%get3A_1727, %get3A_1728] {strides = array<i32>} : memref<40x64xf32, #tpu.memory_space<vmem>>, vector<16xf32>,
      %jit3A_1730 = arith.constant 0.000000e+00 : f32
      %broadcast_in_dim3A_1731 = vector.broadcast %jit3A_1730 : f32 to vector<16xf32>
      %select_n3A_1732 = arith.select %gt3A_1709, %get3A_1729, %broadcast_in_dim3A_1731 : vector<16xi1>, vector<16xf32>
      %add3A_1733 = arith.addf %add3A_1698, %select_n3A_1732 : vector<16xf32>
      %get3A_1734 = arith.constant 37 : i32
      %get3A_1735 = arith.index_cast %get3A_1734 : i32 to index
      %get3A_1736 = arith.constant 48 : index
      %get3A_1737 = tpu.vector_load %arg11[%get3A_1735, %get3A_1736] {strides = array<i32>} : memref<40x64xf32, #tpu.memory_space<vmem>>, vector<16xf32>,
      %jit3A_1738 = arith.constant 0.000000e+00 : f32
      %broadcast_in_dim3A_1739 = vector.broadcast %jit3A_1738 : f32 to vector<16xf32>
      %select_n3A_1740 = arith.select %gt3A_1709, %get3A_1737, %broadcast_in_dim3A_1739 : vector<16xi1>, vector<16xf32>
      %add3A_1741 = arith.addf %add3A_1706, %select_n3A_1740 : vector<16xf32>
      %gt3A_1742 = arith.constant 18 : i32
      %gt3A_1743 = vector.broadcast %gt3A_1742 : i32 to vector<16xi32>
      %gt3A_1744 = arith.cmpi sgt, %add3A_101, %gt3A_1743 : vector<16xi32>
      %get3A_1745 = arith.constant 38 : i32
      %get3A_1746 = arith.index_cast %get3A_1745 : i32 to index
      %get3A_1747 = arith.constant 0 : index
      %get3A_1748 = tpu.vector_load %arg11[%get3A_1746, %get3A_1747] {strides = array<i32>} : memref<40x64xf32, #tpu.memory_space<vmem>>, vector<16xf32>,
      %jit3A_1749 = arith.constant 0.000000e+00 : f32
      %broadcast_in_dim3A_1750 = vector.broadcast %jit3A_1749 : f32 to vector<16xf32>
      %select_n3A_1751 = arith.select %gt3A_1744, %get3A_1748, %broadcast_in_dim3A_1750 : vector<16xi1>, vector<16xf32>
      %add3A_1752 = arith.addf %add3A_1717, %select_n3A_1751 : vector<16xf32>
      %get3A_1753 = arith.constant 38 : i32
      %get3A_1754 = arith.index_cast %get3A_1753 : i32 to index
      %get3A_1755 = arith.constant 16 : index
      %get3A_1756 = tpu.vector_load %arg11[%get3A_1754, %get3A_1755] {strides = array<i32>} : memref<40x64xf32, #tpu.memory_space<vmem>>, vector<16xf32>,
      %jit3A_1757 = arith.constant 0.000000e+00 : f32
      %broadcast_in_dim3A_1758 = vector.broadcast %jit3A_1757 : f32 to vector<16xf32>
      %select_n3A_1759 = arith.select %gt3A_1744, %get3A_1756, %broadcast_in_dim3A_1758 : vector<16xi1>, vector<16xf32>
      %add3A_1760 = arith.addf %add3A_1725, %select_n3A_1759 : vector<16xf32>
      %get3A_1761 = arith.constant 38 : i32
      %get3A_1762 = arith.index_cast %get3A_1761 : i32 to index
      %get3A_1763 = arith.constant 32 : index
      %get3A_1764 = tpu.vector_load %arg11[%get3A_1762, %get3A_1763] {strides = array<i32>} : memref<40x64xf32, #tpu.memory_space<vmem>>, vector<16xf32>,
      %jit3A_1765 = arith.constant 0.000000e+00 : f32
      %broadcast_in_dim3A_1766 = vector.broadcast %jit3A_1765 : f32 to vector<16xf32>
      %select_n3A_1767 = arith.select %gt3A_1744, %get3A_1764, %broadcast_in_dim3A_1766 : vector<16xi1>, vector<16xf32>
      %add3A_1768 = arith.addf %add3A_1733, %select_n3A_1767 : vector<16xf32>
      %get3A_1769 = arith.constant 38 : i32
      %get3A_1770 = arith.index_cast %get3A_1769 : i32 to index
      %get3A_1771 = arith.constant 48 : index
      %get3A_1772 = tpu.vector_load %arg11[%get3A_1770, %get3A_1771] {strides = array<i32>} : memref<40x64xf32, #tpu.memory_space<vmem>>, vector<16xf32>,
      %jit3A_1773 = arith.constant 0.000000e+00 : f32
      %broadcast_in_dim3A_1774 = vector.broadcast %jit3A_1773 : f32 to vector<16xf32>
      %select_n3A_1775 = arith.select %gt3A_1744, %get3A_1772, %broadcast_in_dim3A_1774 : vector<16xi1>, vector<16xf32>
      %add3A_1776 = arith.addf %add3A_1741, %select_n3A_1775 : vector<16xf32>
      %gt3A_1777 = arith.constant 19 : i32
      %gt3A_1778 = vector.broadcast %gt3A_1777 : i32 to vector<16xi32>
      %gt3A_1779 = arith.cmpi sgt, %add3A_101, %gt3A_1778 : vector<16xi32>
      %get3A_1780 = arith.constant 39 : i32
      %get3A_1781 = arith.index_cast %get3A_1780 : i32 to index
      %get3A_1782 = arith.constant 0 : index
      %get3A_1783 = tpu.vector_load %arg11[%get3A_1781, %get3A_1782] {strides = array<i32>} : memref<40x64xf32, #tpu.memory_space<vmem>>, vector<16xf32>,
      %jit3A_1784 = arith.constant 0.000000e+00 : f32
      %broadcast_in_dim3A_1785 = vector.broadcast %jit3A_1784 : f32 to vector<16xf32>
      %select_n3A_1786 = arith.select %gt3A_1779, %get3A_1783, %broadcast_in_dim3A_1785 : vector<16xi1>, vector<16xf32>
      %add3A_1787 = arith.addf %add3A_1752, %select_n3A_1786 : vector<16xf32>
      %get3A_1788 = arith.constant 39 : i32
      %get3A_1789 = arith.index_cast %get3A_1788 : i32 to index
      %get3A_1790 = arith.constant 16 : index
      %get3A_1791 = tpu.vector_load %arg11[%get3A_1789, %get3A_1790] {strides = array<i32>} : memref<40x64xf32, #tpu.memory_space<vmem>>, vector<16xf32>,
      %jit3A_1792 = arith.constant 0.000000e+00 : f32
      %broadcast_in_dim3A_1793 = vector.broadcast %jit3A_1792 : f32 to vector<16xf32>
      %select_n3A_1794 = arith.select %gt3A_1779, %get3A_1791, %broadcast_in_dim3A_1793 : vector<16xi1>, vector<16xf32>
      %add3A_1795 = arith.addf %add3A_1760, %select_n3A_1794 : vector<16xf32>
      %get3A_1796 = arith.constant 39 : i32
      %get3A_1797 = arith.index_cast %get3A_1796 : i32 to index
      %get3A_1798 = arith.constant 32 : index
      %get3A_1799 = tpu.vector_load %arg11[%get3A_1797, %get3A_1798] {strides = array<i32>} : memref<40x64xf32, #tpu.memory_space<vmem>>, vector<16xf32>,
      %jit3A_1800 = arith.constant 0.000000e+00 : f32
      %broadcast_in_dim3A_1801 = vector.broadcast %jit3A_1800 : f32 to vector<16xf32>
      %select_n3A_1802 = arith.select %gt3A_1779, %get3A_1799, %broadcast_in_dim3A_1801 : vector<16xi1>, vector<16xf32>
      %add3A_1803 = arith.addf %add3A_1768, %select_n3A_1802 : vector<16xf32>
      %get3A_1804 = arith.constant 39 : i32
      %get3A_1805 = arith.index_cast %get3A_1804 : i32 to index
      %get3A_1806 = arith.constant 48 : index
      %get3A_1807 = tpu.vector_load %arg11[%get3A_1805, %get3A_1806] {strides = array<i32>} : memref<40x64xf32, #tpu.memory_space<vmem>>, vector<16xf32>,
      %jit3A_1808 = arith.constant 0.000000e+00 : f32
      %broadcast_in_dim3A_1809 = vector.broadcast %jit3A_1808 : f32 to vector<16xf32>
      %select_n3A_1810 = arith.select %gt3A_1779, %get3A_1807, %broadcast_in_dim3A_1809 : vector<16xi1>, vector<16xf32>
      %add3A_1811 = arith.addf %add3A_1776, %select_n3A_1810 : vector<16xf32>
      %convert_element_type3A_1812 = arith.sitofp %add3A_1105 : vector<16xi32> to vector<16xf32>
      %max3A_1813 = arith.constant 1.000000e+00 : f32
      %max3A_1814 = vector.broadcast %max3A_1813 : f32 to vector<16xf32>
      %max3A_1815 = arith.maximumf %convert_element_type3A_1812, %max3A_1814 : vector<16xf32>
      %div3A_1816 = arith.constant 1.000000e+00 : f32
      %div3A_1817 = vector.broadcast %div3A_1816 : f32 to vector<16xf32>
      %div3A_1818 = arith.divf %div3A_1817, %max3A_1815 : vector<16xf32>
      %convert_element_type3A_1819 = arith.sitofp %add3A_101 : vector<16xi32> to vector<16xf32>
      %max3A_1820 = arith.constant 1.000000e+00 : f32
      %max3A_1821 = vector.broadcast %max3A_1820 : f32 to vector<16xf32>
      %max3A_1822 = arith.maximumf %convert_element_type3A_1819, %max3A_1821 : vector<16xf32>
      %div3A_1823 = arith.constant 1.000000e+00 : f32
      %div3A_1824 = vector.broadcast %div3A_1823 : f32 to vector<16xf32>
      %div3A_1825 = arith.divf %div3A_1824, %max3A_1822 : vector<16xf32>
      %mul3A_1826 = arith.mulf %scan3A_1110#0, %div3A_1818 : vector<16xf32>
      %swap3A_1827 = arith.index_cast %add3A_979 : i32 to index
      %swap3A_1828 = arith.constant 0 : index
      %swap3A_1829 = tpu.vector_load %arg13[%swap3A_1827, %swap3A_1828] {strides = array<i32>} : memref<128x128xf32, #tpu.memory_space<vmem>>, vector<16xf32>,
      tpu.vector_store %arg13[%swap3A_1827, %swap3A_1828], %mul3A_1826 {strides = array<i32>} : memref<128x128xf32, #tpu.memory_space<vmem>>, vector<16xf32>,
      %mul3A_1830 = arith.mulf %add3A_1787, %div3A_1825 : vector<16xf32>
      %swap3A_1831 = arith.index_cast %add3A_979 : i32 to index
      %swap3A_1832 = arith.constant 64 : index
      %swap3A_1833 = tpu.vector_load %arg13[%swap3A_1831, %swap3A_1832] {strides = array<i32>} : memref<128x128xf32, #tpu.memory_space<vmem>>, vector<16xf32>,
      tpu.vector_store %arg13[%swap3A_1831, %swap3A_1832], %mul3A_1830 {strides = array<i32>} : memref<128x128xf32, #tpu.memory_space<vmem>>, vector<16xf32>,
      %mul3A_1834 = arith.mulf %scan3A_1110#1, %div3A_1818 : vector<16xf32>
      %swap3A_1835 = arith.index_cast %add3A_979 : i32 to index
      %swap3A_1836 = arith.constant 16 : index
      %swap3A_1837 = tpu.vector_load %arg13[%swap3A_1835, %swap3A_1836] {strides = array<i32>} : memref<128x128xf32, #tpu.memory_space<vmem>>, vector<16xf32>,
      tpu.vector_store %arg13[%swap3A_1835, %swap3A_1836], %mul3A_1834 {strides = array<i32>} : memref<128x128xf32, #tpu.memory_space<vmem>>, vector<16xf32>,
      %mul3A_1838 = arith.mulf %add3A_1795, %div3A_1825 : vector<16xf32>
      %swap3A_1839 = arith.index_cast %add3A_979 : i32 to index
      %swap3A_1840 = arith.constant 80 : index
      %swap3A_1841 = tpu.vector_load %arg13[%swap3A_1839, %swap3A_1840] {strides = array<i32>} : memref<128x128xf32, #tpu.memory_space<vmem>>, vector<16xf32>,
      tpu.vector_store %arg13[%swap3A_1839, %swap3A_1840], %mul3A_1838 {strides = array<i32>} : memref<128x128xf32, #tpu.memory_space<vmem>>, vector<16xf32>,
      %mul3A_1842 = arith.mulf %scan3A_1110#2, %div3A_1818 : vector<16xf32>
      %swap3A_1843 = arith.index_cast %add3A_979 : i32 to index
      %swap3A_1844 = arith.constant 32 : index
      %swap3A_1845 = tpu.vector_load %arg13[%swap3A_1843, %swap3A_1844] {strides = array<i32>} : memref<128x128xf32, #tpu.memory_space<vmem>>, vector<16xf32>,
      tpu.vector_store %arg13[%swap3A_1843, %swap3A_1844], %mul3A_1842 {strides = array<i32>} : memref<128x128xf32, #tpu.memory_space<vmem>>, vector<16xf32>,
      %mul3A_1846 = arith.mulf %add3A_1803, %div3A_1825 : vector<16xf32>
      %swap3A_1847 = arith.index_cast %add3A_979 : i32 to index
      %swap3A_1848 = arith.constant 96 : index
      %swap3A_1849 = tpu.vector_load %arg13[%swap3A_1847, %swap3A_1848] {strides = array<i32>} : memref<128x128xf32, #tpu.memory_space<vmem>>, vector<16xf32>,
      tpu.vector_store %arg13[%swap3A_1847, %swap3A_1848], %mul3A_1846 {strides = array<i32>} : memref<128x128xf32, #tpu.memory_space<vmem>>, vector<16xf32>,
      %mul3A_1850 = arith.mulf %scan3A_1110#3, %div3A_1818 : vector<16xf32>
      %swap3A_1851 = arith.index_cast %add3A_979 : i32 to index
      %swap3A_1852 = arith.constant 48 : index
      %swap3A_1853 = tpu.vector_load %arg13[%swap3A_1851, %swap3A_1852] {strides = array<i32>} : memref<128x128xf32, #tpu.memory_space<vmem>>, vector<16xf32>,
      tpu.vector_store %arg13[%swap3A_1851, %swap3A_1852], %mul3A_1850 {strides = array<i32>} : memref<128x128xf32, #tpu.memory_space<vmem>>, vector<16xf32>,
      %mul3A_1854 = arith.mulf %add3A_1811, %div3A_1825 : vector<16xf32>
      %swap3A_1855 = arith.index_cast %add3A_979 : i32 to index
      %swap3A_1856 = arith.constant 112 : index
      %swap3A_1857 = tpu.vector_load %arg13[%swap3A_1855, %swap3A_1856] {strides = array<i32>} : memref<128x128xf32, #tpu.memory_space<vmem>>, vector<16xf32>,
      tpu.vector_store %arg13[%swap3A_1855, %swap3A_1856], %mul3A_1854 {strides = array<i32>} : memref<128x128xf32, #tpu.memory_space<vmem>>, vector<16xf32>,
      %dma_wait3A_1858 = arith.constant 0 : i32
      %dma_wait3A_1859 = tpu.memref_slice %arg7[%dma_wait3A_1858] : memref<25600xi32, #tpu.memory_space<vmem>> -> memref<400xi32, #tpu.memory_space<vmem>>
      %dma_wait3A_1860 = arith.constant 0 : i32
      %dma_wait3A_1861 = arith.constant 0 : i32
      %dma_wait3A_1862 = tpu.memref_slice %arg4[%dma_wait3A_1860, %dma_wait3A_1861] : memref<1015808x64xf32, #tpu.memory_space<hbm>> -> memref<1015808x64xf32, #tpu.memory_space<hbm>>
      tpu.wait_indirect_dma semaphore(%arg15 : memref<!tpu.dma_semaphore, #tpu.memory_space<semaphore_mem>>) src(%dma_wait3A_1862 : memref<1015808x64xf32, #tpu.memory_space<hbm>>) dst(%arg10 : memref<400x64xf32, #tpu.memory_space<vmem>>)
      %dma_wait3A_1863 = arith.constant 0 : i32
      %dma_wait3A_1864 = tpu.memref_slice %arg8[%dma_wait3A_1863] : memref<2576xi32, #tpu.memory_space<vmem>> -> memref<40xi32, #tpu.memory_space<vmem>>
      %dma_wait3A_1865 = arith.constant 0 : i32
      %dma_wait3A_1866 = arith.constant 0 : i32
      %dma_wait3A_1867 = tpu.memref_slice %arg5[%dma_wait3A_1865, %dma_wait3A_1866] : memref<1015808x64xf32, #tpu.memory_space<hbm>> -> memref<1015808x64xf32, #tpu.memory_space<hbm>>
      tpu.wait_indirect_dma semaphore(%arg15 : memref<!tpu.dma_semaphore, #tpu.memory_space<semaphore_mem>>) src(%dma_wait3A_1867 : memref<1015808x64xf32, #tpu.memory_space<hbm>>) dst(%arg12 : memref<40x64xf32, #tpu.memory_space<vmem>>)
      %add3A_1868 = arith.constant 2 : i32
      %add3A_1869 = arith.addi %mul3A_39, %add3A_1868 : i32
      %lt3A_1870 = arith.constant 64 : i32
      %lt3A_1871 = arith.cmpi slt, %add3A_1869, %lt3A_1870 : i32
      %convert_element_type3A_1872 = arith.extui %lt3A_1871 : i1 to i32
      %cond3A = arith.constant 0 : i32
      %cond3A_1873 = arith.cmpi ne, %convert_element_type3A_1872, %cond3A : i32
      scf.if %cond3A_1873 {
        %add3A_3683 = arith.constant 2 : i32
        %add3A_3684 = arith.addi %mul3A_39, %add3A_3683 : i32
        %mul3A_3685 = arith.constant 400 : i32
        %mul3A_3686 = arith.muli %add3A_3684, %mul3A_3685 : i32
        %multiple_of3A_3687 = tpu.assume_multiple %mul3A_3686, 400 : i32
        %mul3A_3688 = arith.constant 40 : i32
        %mul3A_3689 = arith.muli %add3A_3684, %mul3A_3688 : i32
        %multiple_of3A_3690 = tpu.assume_multiple %mul3A_3689, 40 : i32
        %dma_start3A_3691 = tpu.memref_slice %arg7[%multiple_of3A_3687] : memref<25600xi32, #tpu.memory_space<vmem>> -> memref<400xi32, #tpu.memory_space<vmem>>
        %dma_start3A_3692 = arith.constant 0 : i32
        %dma_start3A_3693 = arith.constant 0 : i32
        %dma_start3A_3694 = tpu.memref_slice %arg4[%dma_start3A_3692, %dma_start3A_3693] : memref<1015808x64xf32, #tpu.memory_space<hbm>> -> memref<1015808x64xf32, #tpu.memory_space<hbm>>
        tpu.enqueue_indirect_dma source(%dma_start3A_3694 : memref<1015808x64xf32, #tpu.memory_space<hbm>>) target(%arg9 : memref<400x64xf32, #tpu.memory_space<vmem>>) offsets(%dma_start3A_3691 : memref<400xi32, #tpu.memory_space<vmem>>) semaphore(%arg14 : memref<!tpu.dma_semaphore, #tpu.memory_space<semaphore_mem>>)
        %dma_start3A_3695 = tpu.memref_slice %arg8[%multiple_of3A_3690] : memref<2576xi32, #tpu.memory_space<vmem>> -> memref<40xi32, #tpu.memory_space<vmem>>
        %dma_start3A_3696 = arith.constant 0 : i32
        %dma_start3A_3697 = arith.constant 0 : i32
        %dma_start3A_3698 = tpu.memref_slice %arg5[%dma_start3A_3696, %dma_start3A_3697] : memref<1015808x64xf32, #tpu.memory_space<hbm>> -> memref<1015808x64xf32, #tpu.memory_space<hbm>>
        tpu.enqueue_indirect_dma source(%dma_start3A_3698 : memref<1015808x64xf32, #tpu.memory_space<hbm>>) target(%arg11 : memref<40x64xf32, #tpu.memory_space<vmem>>) offsets(%dma_start3A_3695 : memref<40xi32, #tpu.memory_space<vmem>>) semaphore(%arg14 : memref<!tpu.dma_semaphore, #tpu.memory_space<semaphore_mem>>)
      } else {
      }
      %add3A_1874 = arith.constant 1 : i32
      %add3A_1875 = arith.addi %mul3A_39, %add3A_1874 : i32
      %mul3A_1876 = arith.constant 40 : i32
      %mul3A_1877 = arith.muli %add3A_1875, %mul3A_1876 : i32
      %multiple_of3A_1878 = tpu.assume_multiple %mul3A_1877, 40 : i32
      %get3A_1879 = arith.index_cast %multiple_of3A_1878 : i32 to index
      %get3A_1880 = tpu.vector_load %arg8[%get3A_1879] {strides = array<i32>} : memref<2576xi32, #tpu.memory_space<vmem>>, vector<16xi32>,
      %add3A_1881 = arith.constant 16 : i32
      %add3A_1882 = arith.addi %multiple_of3A_1878, %add3A_1881 : i32
      %get3A_1883 = arith.index_cast %add3A_1882 : i32 to index
      %get3A_1884 = tpu.vector_load %arg8[%get3A_1883] {strides = array<i32>} : memref<2576xi32, #tpu.memory_space<vmem>>, vector<16xi32>,
      %add3A_1885 = arith.constant 32 : i32
      %add3A_1886 = arith.addi %multiple_of3A_1878, %add3A_1885 : i32
      %get3A_1887 = arith.index_cast %add3A_1886 : i32 to index
      %get3A_1888 = tpu.vector_load %arg8[%get3A_1887] {strides = array<i32>} : memref<2576xi32, #tpu.memory_space<vmem>>, vector<16xi32>,
      %ne3A_1889 = arith.constant 0 : i32
      %ne3A_1890 = vector.broadcast %ne3A_1889 : i32 to vector<16xi32>
      %ne3A_1891 = arith.cmpi ne, %get3A_1880, %ne3A_1890 : vector<16xi32>
      %all_reduce_population_count3A_1892 = tpu.all_reduce %ne3A_1891 {dim = 0 : i64, kind = #tpu.reduction_kind<sum>} : vector<16xi1> -> vector<16xi32>
      %lt3A_1893 = arith.constant 4 : i32
      %lt3A_1894 = vector.broadcast %lt3A_1893 : i32 to vector<16xi32>
      %lt3A_1895 = arith.cmpi slt, %iota3A, %lt3A_1894 : vector<16xi32>
      %ne3A_1896 = arith.constant 0 : i32
      %ne3A_1897 = vector.broadcast %ne3A_1896 : i32 to vector<16xi32>
      %ne3A_1898 = arith.cmpi ne, %get3A_1884, %ne3A_1897 : vector<16xi32>
      %and3A_1899 = arith.andi %ne3A_1898, %lt3A_1895 : vector<16xi1>
      %all_reduce_population_count3A_1900 = tpu.all_reduce %and3A_1899 {dim = 0 : i64, kind = #tpu.reduction_kind<sum>} : vector<16xi1> -> vector<16xi32>
      %add3A_1901 = arith.addi %all_reduce_population_count3A_1892, %all_reduce_population_count3A_1900 : vector<16xi32>
      %ge3A_1902 = arith.constant 4 : i32
      %ge3A_1903 = vector.broadcast %ge3A_1902 : i32 to vector<16xi32>
      %ge3A_1904 = arith.cmpi sge, %iota3A, %ge3A_1903 : vector<16xi32>
      %ne3A_1905 = arith.constant 0 : i32
      %ne3A_1906 = vector.broadcast %ne3A_1905 : i32 to vector<16xi32>
      %ne3A_1907 = arith.cmpi ne, %get3A_1884, %ne3A_1906 : vector<16xi32>
      %and3A_1908 = arith.andi %ne3A_1907, %ge3A_1904 : vector<16xi1>
      %all_reduce_population_count3A_1909 = tpu.all_reduce %and3A_1908 {dim = 0 : i64, kind = #tpu.reduction_kind<sum>} : vector<16xi1> -> vector<16xi32>
      %lt3A_1910 = arith.constant 8 : i32
      %lt3A_1911 = vector.broadcast %lt3A_1910 : i32 to vector<16xi32>
      %lt3A_1912 = arith.cmpi slt, %iota3A, %lt3A_1911 : vector<16xi32>
      %ne3A_1913 = arith.constant 0 : i32
      %ne3A_1914 = vector.broadcast %ne3A_1913 : i32 to vector<16xi32>
      %ne3A_1915 = arith.cmpi ne, %get3A_1888, %ne3A_1914 : vector<16xi32>
      %and3A_1916 = arith.andi %ne3A_1915, %lt3A_1912 : vector<16xi1>
      %all_reduce_population_count3A_1917 = tpu.all_reduce %and3A_1916 {dim = 0 : i64, kind = #tpu.reduction_kind<sum>} : vector<16xi1> -> vector<16xi32>
      %add3A_1918 = arith.addi %all_reduce_population_count3A_1909, %all_reduce_population_count3A_1917 : vector<16xi32>
      %mul3A_1919 = arith.constant 2 : i32
      %mul3A_1920 = arith.muli %add3A_1875, %mul3A_1919 : i32
      %add3A_1921 = arith.constant 0 : i32
      %add3A_1922 = arith.addi %mul3A_1920, %add3A_1921 : i32
      %mul3A_1923 = arith.constant 200 : i32
      %mul3A_1924 = arith.muli %add3A_1922, %mul3A_1923 : i32
      %multiple_of3A_1925 = tpu.assume_multiple %mul3A_1924, 200 : i32
      %add3A_1926 = arith.constant 0 : i32
      %add3A_1927 = arith.addi %multiple_of3A_1925, %add3A_1926 : i32
      %get3A_1928 = arith.index_cast %add3A_1927 : i32 to index
      %get3A_1929 = tpu.vector_load %arg7[%get3A_1928] {strides = array<i32>} : memref<25600xi32, #tpu.memory_space<vmem>>, vector<16xi32>,
      %ne3A_1930 = arith.constant 0 : i32
      %ne3A_1931 = vector.broadcast %ne3A_1930 : i32 to vector<16xi32>
      %ne3A_1932 = arith.cmpi ne, %get3A_1929, %ne3A_1931 : vector<16xi32>
      %all_reduce_population_count3A_1933 = tpu.all_reduce %ne3A_1932 {dim = 0 : i64, kind = #tpu.reduction_kind<sum>} : vector<16xi1> -> vector<16xi32>
      %add3A_1934 = arith.addi %broadcast_in_dim3A_3, %all_reduce_population_count3A_1933 : vector<16xi32>
      %add3A_1935 = arith.constant 16 : i32
      %add3A_1936 = arith.addi %multiple_of3A_1925, %add3A_1935 : i32
      %get3A_1937 = arith.index_cast %add3A_1936 : i32 to index
      %get3A_1938 = tpu.vector_load %arg7[%get3A_1937] {strides = array<i32>} : memref<25600xi32, #tpu.memory_space<vmem>>, vector<16xi32>,
      %ne3A_1939 = arith.constant 0 : i32
      %ne3A_1940 = vector.broadcast %ne3A_1939 : i32 to vector<16xi32>
      %ne3A_1941 = arith.cmpi ne, %get3A_1938, %ne3A_1940 : vector<16xi32>
      %all_reduce_population_count3A_1942 = tpu.all_reduce %ne3A_1941 {dim = 0 : i64, kind = #tpu.reduction_kind<sum>} : vector<16xi1> -> vector<16xi32>
      %add3A_1943 = arith.addi %add3A_1934, %all_reduce_population_count3A_1942 : vector<16xi32>
      %add3A_1944 = arith.constant 32 : i32
      %add3A_1945 = arith.addi %multiple_of3A_1925, %add3A_1944 : i32
      %get3A_1946 = arith.index_cast %add3A_1945 : i32 to index
      %get3A_1947 = tpu.vector_load %arg7[%get3A_1946] {strides = array<i32>} : memref<25600xi32, #tpu.memory_space<vmem>>, vector<16xi32>,
      %ne3A_1948 = arith.constant 0 : i32
      %ne3A_1949 = vector.broadcast %ne3A_1948 : i32 to vector<16xi32>
      %ne3A_1950 = arith.cmpi ne, %get3A_1947, %ne3A_1949 : vector<16xi32>
      %all_reduce_population_count3A_1951 = tpu.all_reduce %ne3A_1950 {dim = 0 : i64, kind = #tpu.reduction_kind<sum>} : vector<16xi1> -> vector<16xi32>
      %add3A_1952 = arith.addi %add3A_1943, %all_reduce_population_count3A_1951 : vector<16xi32>
      %add3A_1953 = arith.constant 48 : i32
      %add3A_1954 = arith.addi %multiple_of3A_1925, %add3A_1953 : i32
      %get3A_1955 = arith.index_cast %add3A_1954 : i32 to index
      %get3A_1956 = tpu.vector_load %arg7[%get3A_1955] {strides = array<i32>} : memref<25600xi32, #tpu.memory_space<vmem>>, vector<16xi32>,
      %ne3A_1957 = arith.constant 0 : i32
      %ne3A_1958 = vector.broadcast %ne3A_1957 : i32 to vector<16xi32>
      %ne3A_1959 = arith.cmpi ne, %get3A_1956, %ne3A_1958 : vector<16xi32>
      %all_reduce_population_count3A_1960 = tpu.all_reduce %ne3A_1959 {dim = 0 : i64, kind = #tpu.reduction_kind<sum>} : vector<16xi1> -> vector<16xi32>
      %add3A_1961 = arith.addi %add3A_1952, %all_reduce_population_count3A_1960 : vector<16xi32>
      %add3A_1962 = arith.constant 64 : i32
      %add3A_1963 = arith.addi %multiple_of3A_1925, %add3A_1962 : i32
      %get3A_1964 = arith.index_cast %add3A_1963 : i32 to index
      %get3A_1965 = tpu.vector_load %arg7[%get3A_1964] {strides = array<i32>} : memref<25600xi32, #tpu.memory_space<vmem>>, vector<16xi32>,
      %ne3A_1966 = arith.constant 0 : i32
      %ne3A_1967 = vector.broadcast %ne3A_1966 : i32 to vector<16xi32>
      %ne3A_1968 = arith.cmpi ne, %get3A_1965, %ne3A_1967 : vector<16xi32>
      %all_reduce_population_count3A_1969 = tpu.all_reduce %ne3A_1968 {dim = 0 : i64, kind = #tpu.reduction_kind<sum>} : vector<16xi1> -> vector<16xi32>
      %add3A_1970 = arith.addi %add3A_1961, %all_reduce_population_count3A_1969 : vector<16xi32>
      %add3A_1971 = arith.constant 80 : i32
      %add3A_1972 = arith.addi %multiple_of3A_1925, %add3A_1971 : i32
      %get3A_1973 = arith.index_cast %add3A_1972 : i32 to index
      %get3A_1974 = tpu.vector_load %arg7[%get3A_1973] {strides = array<i32>} : memref<25600xi32, #tpu.memory_space<vmem>>, vector<16xi32>,
      %ne3A_1975 = arith.constant 0 : i32
      %ne3A_1976 = vector.broadcast %ne3A_1975 : i32 to vector<16xi32>
      %ne3A_1977 = arith.cmpi ne, %get3A_1974, %ne3A_1976 : vector<16xi32>
      %all_reduce_population_count3A_1978 = tpu.all_reduce %ne3A_1977 {dim = 0 : i64, kind = #tpu.reduction_kind<sum>} : vector<16xi1> -> vector<16xi32>
      %add3A_1979 = arith.addi %add3A_1970, %all_reduce_population_count3A_1978 : vector<16xi32>
      %add3A_1980 = arith.constant 96 : i32
      %add3A_1981 = arith.addi %multiple_of3A_1925, %add3A_1980 : i32
      %get3A_1982 = arith.index_cast %add3A_1981 : i32 to index
      %get3A_1983 = tpu.vector_load %arg7[%get3A_1982] {strides = array<i32>} : memref<25600xi32, #tpu.memory_space<vmem>>, vector<16xi32>,
      %ne3A_1984 = arith.constant 0 : i32
      %ne3A_1985 = vector.broadcast %ne3A_1984 : i32 to vector<16xi32>
      %ne3A_1986 = arith.cmpi ne, %get3A_1983, %ne3A_1985 : vector<16xi32>
      %all_reduce_population_count3A_1987 = tpu.all_reduce %ne3A_1986 {dim = 0 : i64, kind = #tpu.reduction_kind<sum>} : vector<16xi1> -> vector<16xi32>
      %add3A_1988 = arith.addi %add3A_1979, %all_reduce_population_count3A_1987 : vector<16xi32>
      %add3A_1989 = arith.constant 112 : i32
      %add3A_1990 = arith.addi %multiple_of3A_1925, %add3A_1989 : i32
      %get3A_1991 = arith.index_cast %add3A_1990 : i32 to index
      %get3A_1992 = tpu.vector_load %arg7[%get3A_1991] {strides = array<i32>} : memref<25600xi32, #tpu.memory_space<vmem>>, vector<16xi32>,
      %ne3A_1993 = arith.constant 0 : i32
      %ne3A_1994 = vector.broadcast %ne3A_1993 : i32 to vector<16xi32>
      %ne3A_1995 = arith.cmpi ne, %get3A_1992, %ne3A_1994 : vector<16xi32>
      %all_reduce_population_count3A_1996 = tpu.all_reduce %ne3A_1995 {dim = 0 : i64, kind = #tpu.reduction_kind<sum>} : vector<16xi1> -> vector<16xi32>
      %add3A_1997 = arith.addi %add3A_1988, %all_reduce_population_count3A_1996 : vector<16xi32>
      %add3A_1998 = arith.constant 128 : i32
      %add3A_1999 = arith.addi %multiple_of3A_1925, %add3A_1998 : i32
      %get3A_2000 = arith.index_cast %add3A_1999 : i32 to index
      %get3A_2001 = tpu.vector_load %arg7[%get3A_2000] {strides = array<i32>} : memref<25600xi32, #tpu.memory_space<vmem>>, vector<16xi32>,
      %ne3A_2002 = arith.constant 0 : i32
      %ne3A_2003 = vector.broadcast %ne3A_2002 : i32 to vector<16xi32>
      %ne3A_2004 = arith.cmpi ne, %get3A_2001, %ne3A_2003 : vector<16xi32>
      %all_reduce_population_count3A_2005 = tpu.all_reduce %ne3A_2004 {dim = 0 : i64, kind = #tpu.reduction_kind<sum>} : vector<16xi1> -> vector<16xi32>
      %add3A_2006 = arith.addi %add3A_1997, %all_reduce_population_count3A_2005 : vector<16xi32>
      %add3A_2007 = arith.constant 144 : i32
      %add3A_2008 = arith.addi %multiple_of3A_1925, %add3A_2007 : i32
      %get3A_2009 = arith.index_cast %add3A_2008 : i32 to index
      %get3A_2010 = tpu.vector_load %arg7[%get3A_2009] {strides = array<i32>} : memref<25600xi32, #tpu.memory_space<vmem>>, vector<16xi32>,
      %ne3A_2011 = arith.constant 0 : i32
      %ne3A_2012 = vector.broadcast %ne3A_2011 : i32 to vector<16xi32>
      %ne3A_2013 = arith.cmpi ne, %get3A_2010, %ne3A_2012 : vector<16xi32>
      %all_reduce_population_count3A_2014 = tpu.all_reduce %ne3A_2013 {dim = 0 : i64, kind = #tpu.reduction_kind<sum>} : vector<16xi1> -> vector<16xi32>
      %add3A_2015 = arith.addi %add3A_2006, %all_reduce_population_count3A_2014 : vector<16xi32>
      %add3A_2016 = arith.constant 160 : i32
      %add3A_2017 = arith.addi %multiple_of3A_1925, %add3A_2016 : i32
      %get3A_2018 = arith.index_cast %add3A_2017 : i32 to index
      %get3A_2019 = tpu.vector_load %arg7[%get3A_2018] {strides = array<i32>} : memref<25600xi32, #tpu.memory_space<vmem>>, vector<16xi32>,
      %ne3A_2020 = arith.constant 0 : i32
      %ne3A_2021 = vector.broadcast %ne3A_2020 : i32 to vector<16xi32>
      %ne3A_2022 = arith.cmpi ne, %get3A_2019, %ne3A_2021 : vector<16xi32>
      %all_reduce_population_count3A_2023 = tpu.all_reduce %ne3A_2022 {dim = 0 : i64, kind = #tpu.reduction_kind<sum>} : vector<16xi1> -> vector<16xi32>
      %add3A_2024 = arith.addi %add3A_2015, %all_reduce_population_count3A_2023 : vector<16xi32>
      %add3A_2025 = arith.constant 176 : i32
      %add3A_2026 = arith.addi %multiple_of3A_1925, %add3A_2025 : i32
      %get3A_2027 = arith.index_cast %add3A_2026 : i32 to index
      %get3A_2028 = tpu.vector_load %arg7[%get3A_2027] {strides = array<i32>} : memref<25600xi32, #tpu.memory_space<vmem>>, vector<16xi32>,
      %ne3A_2029 = arith.constant 0 : i32
      %ne3A_2030 = vector.broadcast %ne3A_2029 : i32 to vector<16xi32>
      %ne3A_2031 = arith.cmpi ne, %get3A_2028, %ne3A_2030 : vector<16xi32>
      %all_reduce_population_count3A_2032 = tpu.all_reduce %ne3A_2031 {dim = 0 : i64, kind = #tpu.reduction_kind<sum>} : vector<16xi1> -> vector<16xi32>
      %add3A_2033 = arith.addi %add3A_2024, %all_reduce_population_count3A_2032 : vector<16xi32>
      %add3A_2034 = arith.constant 200 : i32
      %add3A_2035 = arith.addi %multiple_of3A_1925, %add3A_2034 : i32
      %sub3A_2036 = arith.constant 16 : i32
      %sub3A_2037 = arith.subi %add3A_2035, %sub3A_2036 : i32
      %get3A_2038 = arith.index_cast %sub3A_2037 : i32 to index
      %get3A_2039 = tpu.vector_load %arg7[%get3A_2038] {strides = array<i32>} : memref<25600xi32, #tpu.memory_space<vmem>>, vector<16xi32>,
      %ge3A_2040 = arith.constant 8 : i32
      %ge3A_2041 = vector.broadcast %ge3A_2040 : i32 to vector<16xi32>
      %ge3A_2042 = arith.cmpi sge, %iota3A, %ge3A_2041 : vector<16xi32>
      %ne3A_2043 = arith.constant 0 : i32
      %ne3A_2044 = vector.broadcast %ne3A_2043 : i32 to vector<16xi32>
      %ne3A_2045 = arith.cmpi ne, %get3A_2039, %ne3A_2044 : vector<16xi32>
      %and3A_2046 = arith.andi %ne3A_2045, %ge3A_2042 : vector<16xi1>
      %all_reduce_population_count3A_2047 = tpu.all_reduce %and3A_2046 {dim = 0 : i64, kind = #tpu.reduction_kind<sum>} : vector<16xi1> -> vector<16xi32>
      %add3A_2048 = arith.addi %add3A_2033, %all_reduce_population_count3A_2047 : vector<16xi32>
      %scan3A_2049 = arith.constant 0 : i32
      %scan3A_2050 = arith.constant 25 : i32
      %scan3A_2051 = arith.addi %scan3A_2049, %scan3A_2050 : i32
      %scan3A_2052 = arith.constant 1 : i32
      %scan3A_2053:4 = scf.for %scan3A_3683 = %scan3A_2049 to %scan3A_2051 step %scan3A_2052 iter_args(%scan3A_3684 = %broadcast_in_dim3A_5, %scan3A_3685 = %broadcast_in_dim3A_5, %scan3A_3686 = %broadcast_in_dim3A_5, %scan3A_3687 = %broadcast_in_dim3A_5) -> (vector<16xf32>, vector<16xf32>, vector<16xf32>, vector<16xf32>)  : i32 {
        %mul3A_3688 = arith.constant 8 : i32
        %mul3A_3689 = arith.muli %scan3A_3683, %mul3A_3688 : i32
        %add3A_3690 = arith.constant 0 : i32
        %add3A_3691 = arith.addi %mul3A_3689, %add3A_3690 : i32
        %gt3A_3692 = vector.broadcast %add3A_3691 : i32 to vector<16xi32>
        %gt3A_3693 = arith.cmpi sgt, %add3A_2048, %gt3A_3692 : vector<16xi32>
        %add3A_3694 = arith.constant 0 : i32
        %add3A_3695 = arith.addi %add3A_3694, %add3A_3691 : i32
        %get3A_3696 = arith.index_cast %add3A_3695 : i32 to index
        %get3A_3697 = arith.constant 0 : index
        %get3A_3698 = tpu.vector_load %arg10[%get3A_3696, %get3A_3697] {strides = array<i32>} : memref<400x64xf32, #tpu.memory_space<vmem>>, vector<16xf32>,
        %jit3A_3699 = arith.constant 0.000000e+00 : f32
        %broadcast_in_dim3A_3700 = vector.broadcast %jit3A_3699 : f32 to vector<16xf32>
        %select_n3A_3701 = arith.select %gt3A_3693, %get3A_3698, %broadcast_in_dim3A_3700 : vector<16xi1>, vector<16xf32>
        %add3A_3702 = arith.addf %scan3A_3684, %select_n3A_3701 : vector<16xf32>
        %add3A_3703 = arith.constant 0 : i32
        %add3A_3704 = arith.addi %add3A_3703, %add3A_3691 : i32
        %get3A_3705 = arith.index_cast %add3A_3704 : i32 to index
        %get3A_3706 = arith.constant 16 : index
        %get3A_3707 = tpu.vector_load %arg10[%get3A_3705, %get3A_3706] {strides = array<i32>} : memref<400x64xf32, #tpu.memory_space<vmem>>, vector<16xf32>,
        %jit3A_3708 = arith.constant 0.000000e+00 : f32
        %broadcast_in_dim3A_3709 = vector.broadcast %jit3A_3708 : f32 to vector<16xf32>
        %select_n3A_3710 = arith.select %gt3A_3693, %get3A_3707, %broadcast_in_dim3A_3709 : vector<16xi1>, vector<16xf32>
        %add3A_3711 = arith.addf %scan3A_3685, %select_n3A_3710 : vector<16xf32>
        %add3A_3712 = arith.constant 0 : i32
        %add3A_3713 = arith.addi %add3A_3712, %add3A_3691 : i32
        %get3A_3714 = arith.index_cast %add3A_3713 : i32 to index
        %get3A_3715 = arith.constant 32 : index
        %get3A_3716 = tpu.vector_load %arg10[%get3A_3714, %get3A_3715] {strides = array<i32>} : memref<400x64xf32, #tpu.memory_space<vmem>>, vector<16xf32>,
        %jit3A_3717 = arith.constant 0.000000e+00 : f32
        %broadcast_in_dim3A_3718 = vector.broadcast %jit3A_3717 : f32 to vector<16xf32>
        %select_n3A_3719 = arith.select %gt3A_3693, %get3A_3716, %broadcast_in_dim3A_3718 : vector<16xi1>, vector<16xf32>
        %add3A_3720 = arith.addf %scan3A_3686, %select_n3A_3719 : vector<16xf32>
        %add3A_3721 = arith.constant 0 : i32
        %add3A_3722 = arith.addi %add3A_3721, %add3A_3691 : i32
        %get3A_3723 = arith.index_cast %add3A_3722 : i32 to index
        %get3A_3724 = arith.constant 48 : index
        %get3A_3725 = tpu.vector_load %arg10[%get3A_3723, %get3A_3724] {strides = array<i32>} : memref<400x64xf32, #tpu.memory_space<vmem>>, vector<16xf32>,
        %jit3A_3726 = arith.constant 0.000000e+00 : f32
        %broadcast_in_dim3A_3727 = vector.broadcast %jit3A_3726 : f32 to vector<16xf32>
        %select_n3A_3728 = arith.select %gt3A_3693, %get3A_3725, %broadcast_in_dim3A_3727 : vector<16xi1>, vector<16xf32>
        %add3A_3729 = arith.addf %scan3A_3687, %select_n3A_3728 : vector<16xf32>
        %mul3A_3730 = arith.constant 8 : i32
        %mul3A_3731 = arith.muli %scan3A_3683, %mul3A_3730 : i32
        %add3A_3732 = arith.constant 1 : i32
        %add3A_3733 = arith.addi %mul3A_3731, %add3A_3732 : i32
        %gt3A_3734 = vector.broadcast %add3A_3733 : i32 to vector<16xi32>
        %gt3A_3735 = arith.cmpi sgt, %add3A_2048, %gt3A_3734 : vector<16xi32>
        %add3A_3736 = arith.constant 0 : i32
        %add3A_3737 = arith.addi %add3A_3736, %add3A_3733 : i32
        %get3A_3738 = arith.index_cast %add3A_3737 : i32 to index
        %get3A_3739 = arith.constant 0 : index
        %get3A_3740 = tpu.vector_load %arg10[%get3A_3738, %get3A_3739] {strides = array<i32>} : memref<400x64xf32, #tpu.memory_space<vmem>>, vector<16xf32>,
        %jit3A_3741 = arith.constant 0.000000e+00 : f32
        %broadcast_in_dim3A_3742 = vector.broadcast %jit3A_3741 : f32 to vector<16xf32>
        %select_n3A_3743 = arith.select %gt3A_3735, %get3A_3740, %broadcast_in_dim3A_3742 : vector<16xi1>, vector<16xf32>
        %add3A_3744 = arith.addf %add3A_3702, %select_n3A_3743 : vector<16xf32>
        %add3A_3745 = arith.constant 0 : i32
        %add3A_3746 = arith.addi %add3A_3745, %add3A_3733 : i32
        %get3A_3747 = arith.index_cast %add3A_3746 : i32 to index
        %get3A_3748 = arith.constant 16 : index
        %get3A_3749 = tpu.vector_load %arg10[%get3A_3747, %get3A_3748] {strides = array<i32>} : memref<400x64xf32, #tpu.memory_space<vmem>>, vector<16xf32>,
        %jit3A_3750 = arith.constant 0.000000e+00 : f32
        %broadcast_in_dim3A_3751 = vector.broadcast %jit3A_3750 : f32 to vector<16xf32>
        %select_n3A_3752 = arith.select %gt3A_3735, %get3A_3749, %broadcast_in_dim3A_3751 : vector<16xi1>, vector<16xf32>
        %add3A_3753 = arith.addf %add3A_3711, %select_n3A_3752 : vector<16xf32>
        %add3A_3754 = arith.constant 0 : i32
        %add3A_3755 = arith.addi %add3A_3754, %add3A_3733 : i32
        %get3A_3756 = arith.index_cast %add3A_3755 : i32 to index
        %get3A_3757 = arith.constant 32 : index
        %get3A_3758 = tpu.vector_load %arg10[%get3A_3756, %get3A_3757] {strides = array<i32>} : memref<400x64xf32, #tpu.memory_space<vmem>>, vector<16xf32>,
        %jit3A_3759 = arith.constant 0.000000e+00 : f32
        %broadcast_in_dim3A_3760 = vector.broadcast %jit3A_3759 : f32 to vector<16xf32>
        %select_n3A_3761 = arith.select %gt3A_3735, %get3A_3758, %broadcast_in_dim3A_3760 : vector<16xi1>, vector<16xf32>
        %add3A_3762 = arith.addf %add3A_3720, %select_n3A_3761 : vector<16xf32>
        %add3A_3763 = arith.constant 0 : i32
        %add3A_3764 = arith.addi %add3A_3763, %add3A_3733 : i32
        %get3A_3765 = arith.index_cast %add3A_3764 : i32 to index
        %get3A_3766 = arith.constant 48 : index
        %get3A_3767 = tpu.vector_load %arg10[%get3A_3765, %get3A_3766] {strides = array<i32>} : memref<400x64xf32, #tpu.memory_space<vmem>>, vector<16xf32>,
        %jit3A_3768 = arith.constant 0.000000e+00 : f32
        %broadcast_in_dim3A_3769 = vector.broadcast %jit3A_3768 : f32 to vector<16xf32>
        %select_n3A_3770 = arith.select %gt3A_3735, %get3A_3767, %broadcast_in_dim3A_3769 : vector<16xi1>, vector<16xf32>
        %add3A_3771 = arith.addf %add3A_3729, %select_n3A_3770 : vector<16xf32>
        %mul3A_3772 = arith.constant 8 : i32
        %mul3A_3773 = arith.muli %scan3A_3683, %mul3A_3772 : i32
        %add3A_3774 = arith.constant 2 : i32
        %add3A_3775 = arith.addi %mul3A_3773, %add3A_3774 : i32
        %gt3A_3776 = vector.broadcast %add3A_3775 : i32 to vector<16xi32>
        %gt3A_3777 = arith.cmpi sgt, %add3A_2048, %gt3A_3776 : vector<16xi32>
        %add3A_3778 = arith.constant 0 : i32
        %add3A_3779 = arith.addi %add3A_3778, %add3A_3775 : i32
        %get3A_3780 = arith.index_cast %add3A_3779 : i32 to index
        %get3A_3781 = arith.constant 0 : index
        %get3A_3782 = tpu.vector_load %arg10[%get3A_3780, %get3A_3781] {strides = array<i32>} : memref<400x64xf32, #tpu.memory_space<vmem>>, vector<16xf32>,
        %jit3A_3783 = arith.constant 0.000000e+00 : f32
        %broadcast_in_dim3A_3784 = vector.broadcast %jit3A_3783 : f32 to vector<16xf32>
        %select_n3A_3785 = arith.select %gt3A_3777, %get3A_3782, %broadcast_in_dim3A_3784 : vector<16xi1>, vector<16xf32>
        %add3A_3786 = arith.addf %add3A_3744, %select_n3A_3785 : vector<16xf32>
        %add3A_3787 = arith.constant 0 : i32
        %add3A_3788 = arith.addi %add3A_3787, %add3A_3775 : i32
        %get3A_3789 = arith.index_cast %add3A_3788 : i32 to index
        %get3A_3790 = arith.constant 16 : index
        %get3A_3791 = tpu.vector_load %arg10[%get3A_3789, %get3A_3790] {strides = array<i32>} : memref<400x64xf32, #tpu.memory_space<vmem>>, vector<16xf32>,
        %jit3A_3792 = arith.constant 0.000000e+00 : f32
        %broadcast_in_dim3A_3793 = vector.broadcast %jit3A_3792 : f32 to vector<16xf32>
        %select_n3A_3794 = arith.select %gt3A_3777, %get3A_3791, %broadcast_in_dim3A_3793 : vector<16xi1>, vector<16xf32>
        %add3A_3795 = arith.addf %add3A_3753, %select_n3A_3794 : vector<16xf32>
        %add3A_3796 = arith.constant 0 : i32
        %add3A_3797 = arith.addi %add3A_3796, %add3A_3775 : i32
        %get3A_3798 = arith.index_cast %add3A_3797 : i32 to index
        %get3A_3799 = arith.constant 32 : index
        %get3A_3800 = tpu.vector_load %arg10[%get3A_3798, %get3A_3799] {strides = array<i32>} : memref<400x64xf32, #tpu.memory_space<vmem>>, vector<16xf32>,
        %jit3A_3801 = arith.constant 0.000000e+00 : f32
        %broadcast_in_dim3A_3802 = vector.broadcast %jit3A_3801 : f32 to vector<16xf32>
        %select_n3A_3803 = arith.select %gt3A_3777, %get3A_3800, %broadcast_in_dim3A_3802 : vector<16xi1>, vector<16xf32>
        %add3A_3804 = arith.addf %add3A_3762, %select_n3A_3803 : vector<16xf32>
        %add3A_3805 = arith.constant 0 : i32
        %add3A_3806 = arith.addi %add3A_3805, %add3A_3775 : i32
        %get3A_3807 = arith.index_cast %add3A_3806 : i32 to index
        %get3A_3808 = arith.constant 48 : index
        %get3A_3809 = tpu.vector_load %arg10[%get3A_3807, %get3A_3808] {strides = array<i32>} : memref<400x64xf32, #tpu.memory_space<vmem>>, vector<16xf32>,
        %jit3A_3810 = arith.constant 0.000000e+00 : f32
        %broadcast_in_dim3A_3811 = vector.broadcast %jit3A_3810 : f32 to vector<16xf32>
        %select_n3A_3812 = arith.select %gt3A_3777, %get3A_3809, %broadcast_in_dim3A_3811 : vector<16xi1>, vector<16xf32>
        %add3A_3813 = arith.addf %add3A_3771, %select_n3A_3812 : vector<16xf32>
        %mul3A_3814 = arith.constant 8 : i32
        %mul3A_3815 = arith.muli %scan3A_3683, %mul3A_3814 : i32
        %add3A_3816 = arith.constant 3 : i32
        %add3A_3817 = arith.addi %mul3A_3815, %add3A_3816 : i32
        %gt3A_3818 = vector.broadcast %add3A_3817 : i32 to vector<16xi32>
        %gt3A_3819 = arith.cmpi sgt, %add3A_2048, %gt3A_3818 : vector<16xi32>
        %add3A_3820 = arith.constant 0 : i32
        %add3A_3821 = arith.addi %add3A_3820, %add3A_3817 : i32
        %get3A_3822 = arith.index_cast %add3A_3821 : i32 to index
        %get3A_3823 = arith.constant 0 : index
        %get3A_3824 = tpu.vector_load %arg10[%get3A_3822, %get3A_3823] {strides = array<i32>} : memref<400x64xf32, #tpu.memory_space<vmem>>, vector<16xf32>,
        %jit3A_3825 = arith.constant 0.000000e+00 : f32
        %broadcast_in_dim3A_3826 = vector.broadcast %jit3A_3825 : f32 to vector<16xf32>
        %select_n3A_3827 = arith.select %gt3A_3819, %get3A_3824, %broadcast_in_dim3A_3826 : vector<16xi1>, vector<16xf32>
        %add3A_3828 = arith.addf %add3A_3786, %select_n3A_3827 : vector<16xf32>
        %add3A_3829 = arith.constant 0 : i32
        %add3A_3830 = arith.addi %add3A_3829, %add3A_3817 : i32
        %get3A_3831 = arith.index_cast %add3A_3830 : i32 to index
        %get3A_3832 = arith.constant 16 : index
        %get3A_3833 = tpu.vector_load %arg10[%get3A_3831, %get3A_3832] {strides = array<i32>} : memref<400x64xf32, #tpu.memory_space<vmem>>, vector<16xf32>,
        %jit3A_3834 = arith.constant 0.000000e+00 : f32
        %broadcast_in_dim3A_3835 = vector.broadcast %jit3A_3834 : f32 to vector<16xf32>
        %select_n3A_3836 = arith.select %gt3A_3819, %get3A_3833, %broadcast_in_dim3A_3835 : vector<16xi1>, vector<16xf32>
        %add3A_3837 = arith.addf %add3A_3795, %select_n3A_3836 : vector<16xf32>
        %add3A_3838 = arith.constant 0 : i32
        %add3A_3839 = arith.addi %add3A_3838, %add3A_3817 : i32
        %get3A_3840 = arith.index_cast %add3A_3839 : i32 to index
        %get3A_3841 = arith.constant 32 : index
        %get3A_3842 = tpu.vector_load %arg10[%get3A_3840, %get3A_3841] {strides = array<i32>} : memref<400x64xf32, #tpu.memory_space<vmem>>, vector<16xf32>,
        %jit3A_3843 = arith.constant 0.000000e+00 : f32
        %broadcast_in_dim3A_3844 = vector.broadcast %jit3A_3843 : f32 to vector<16xf32>
        %select_n3A_3845 = arith.select %gt3A_3819, %get3A_3842, %broadcast_in_dim3A_3844 : vector<16xi1>, vector<16xf32>
        %add3A_3846 = arith.addf %add3A_3804, %select_n3A_3845 : vector<16xf32>
        %add3A_3847 = arith.constant 0 : i32
        %add3A_3848 = arith.addi %add3A_3847, %add3A_3817 : i32
        %get3A_3849 = arith.index_cast %add3A_3848 : i32 to index
        %get3A_3850 = arith.constant 48 : index
        %get3A_3851 = tpu.vector_load %arg10[%get3A_3849, %get3A_3850] {strides = array<i32>} : memref<400x64xf32, #tpu.memory_space<vmem>>, vector<16xf32>,
        %jit3A_3852 = arith.constant 0.000000e+00 : f32
        %broadcast_in_dim3A_3853 = vector.broadcast %jit3A_3852 : f32 to vector<16xf32>
        %select_n3A_3854 = arith.select %gt3A_3819, %get3A_3851, %broadcast_in_dim3A_3853 : vector<16xi1>, vector<16xf32>
        %add3A_3855 = arith.addf %add3A_3813, %select_n3A_3854 : vector<16xf32>
        %mul3A_3856 = arith.constant 8 : i32
        %mul3A_3857 = arith.muli %scan3A_3683, %mul3A_3856 : i32
        %add3A_3858 = arith.constant 4 : i32
        %add3A_3859 = arith.addi %mul3A_3857, %add3A_3858 : i32
        %gt3A_3860 = vector.broadcast %add3A_3859 : i32 to vector<16xi32>
        %gt3A_3861 = arith.cmpi sgt, %add3A_2048, %gt3A_3860 : vector<16xi32>
        %add3A_3862 = arith.constant 0 : i32
        %add3A_3863 = arith.addi %add3A_3862, %add3A_3859 : i32
        %get3A_3864 = arith.index_cast %add3A_3863 : i32 to index
        %get3A_3865 = arith.constant 0 : index
        %get3A_3866 = tpu.vector_load %arg10[%get3A_3864, %get3A_3865] {strides = array<i32>} : memref<400x64xf32, #tpu.memory_space<vmem>>, vector<16xf32>,
        %jit3A_3867 = arith.constant 0.000000e+00 : f32
        %broadcast_in_dim3A_3868 = vector.broadcast %jit3A_3867 : f32 to vector<16xf32>
        %select_n3A_3869 = arith.select %gt3A_3861, %get3A_3866, %broadcast_in_dim3A_3868 : vector<16xi1>, vector<16xf32>
        %add3A_3870 = arith.addf %add3A_3828, %select_n3A_3869 : vector<16xf32>
        %add3A_3871 = arith.constant 0 : i32
        %add3A_3872 = arith.addi %add3A_3871, %add3A_3859 : i32
        %get3A_3873 = arith.index_cast %add3A_3872 : i32 to index
        %get3A_3874 = arith.constant 16 : index
        %get3A_3875 = tpu.vector_load %arg10[%get3A_3873, %get3A_3874] {strides = array<i32>} : memref<400x64xf32, #tpu.memory_space<vmem>>, vector<16xf32>,
        %jit3A_3876 = arith.constant 0.000000e+00 : f32
        %broadcast_in_dim3A_3877 = vector.broadcast %jit3A_3876 : f32 to vector<16xf32>
        %select_n3A_3878 = arith.select %gt3A_3861, %get3A_3875, %broadcast_in_dim3A_3877 : vector<16xi1>, vector<16xf32>
        %add3A_3879 = arith.addf %add3A_3837, %select_n3A_3878 : vector<16xf32>
        %add3A_3880 = arith.constant 0 : i32
        %add3A_3881 = arith.addi %add3A_3880, %add3A_3859 : i32
        %get3A_3882 = arith.index_cast %add3A_3881 : i32 to index
        %get3A_3883 = arith.constant 32 : index
        %get3A_3884 = tpu.vector_load %arg10[%get3A_3882, %get3A_3883] {strides = array<i32>} : memref<400x64xf32, #tpu.memory_space<vmem>>, vector<16xf32>,
        %jit3A_3885 = arith.constant 0.000000e+00 : f32
        %broadcast_in_dim3A_3886 = vector.broadcast %jit3A_3885 : f32 to vector<16xf32>
        %select_n3A_3887 = arith.select %gt3A_3861, %get3A_3884, %broadcast_in_dim3A_3886 : vector<16xi1>, vector<16xf32>
        %add3A_3888 = arith.addf %add3A_3846, %select_n3A_3887 : vector<16xf32>
        %add3A_3889 = arith.constant 0 : i32
        %add3A_3890 = arith.addi %add3A_3889, %add3A_3859 : i32
        %get3A_3891 = arith.index_cast %add3A_3890 : i32 to index
        %get3A_3892 = arith.constant 48 : index
        %get3A_3893 = tpu.vector_load %arg10[%get3A_3891, %get3A_3892] {strides = array<i32>} : memref<400x64xf32, #tpu.memory_space<vmem>>, vector<16xf32>,
        %jit3A_3894 = arith.constant 0.000000e+00 : f32
        %broadcast_in_dim3A_3895 = vector.broadcast %jit3A_3894 : f32 to vector<16xf32>
        %select_n3A_3896 = arith.select %gt3A_3861, %get3A_3893, %broadcast_in_dim3A_3895 : vector<16xi1>, vector<16xf32>
        %add3A_3897 = arith.addf %add3A_3855, %select_n3A_3896 : vector<16xf32>
        %mul3A_3898 = arith.constant 8 : i32
        %mul3A_3899 = arith.muli %scan3A_3683, %mul3A_3898 : i32
        %add3A_3900 = arith.constant 5 : i32
        %add3A_3901 = arith.addi %mul3A_3899, %add3A_3900 : i32
        %gt3A_3902 = vector.broadcast %add3A_3901 : i32 to vector<16xi32>
        %gt3A_3903 = arith.cmpi sgt, %add3A_2048, %gt3A_3902 : vector<16xi32>
        %add3A_3904 = arith.constant 0 : i32
        %add3A_3905 = arith.addi %add3A_3904, %add3A_3901 : i32
        %get3A_3906 = arith.index_cast %add3A_3905 : i32 to index
        %get3A_3907 = arith.constant 0 : index
        %get3A_3908 = tpu.vector_load %arg10[%get3A_3906, %get3A_3907] {strides = array<i32>} : memref<400x64xf32, #tpu.memory_space<vmem>>, vector<16xf32>,
        %jit3A_3909 = arith.constant 0.000000e+00 : f32
        %broadcast_in_dim3A_3910 = vector.broadcast %jit3A_3909 : f32 to vector<16xf32>
        %select_n3A_3911 = arith.select %gt3A_3903, %get3A_3908, %broadcast_in_dim3A_3910 : vector<16xi1>, vector<16xf32>
        %add3A_3912 = arith.addf %add3A_3870, %select_n3A_3911 : vector<16xf32>
        %add3A_3913 = arith.constant 0 : i32
        %add3A_3914 = arith.addi %add3A_3913, %add3A_3901 : i32
        %get3A_3915 = arith.index_cast %add3A_3914 : i32 to index
        %get3A_3916 = arith.constant 16 : index
        %get3A_3917 = tpu.vector_load %arg10[%get3A_3915, %get3A_3916] {strides = array<i32>} : memref<400x64xf32, #tpu.memory_space<vmem>>, vector<16xf32>,
        %jit3A_3918 = arith.constant 0.000000e+00 : f32
        %broadcast_in_dim3A_3919 = vector.broadcast %jit3A_3918 : f32 to vector<16xf32>
        %select_n3A_3920 = arith.select %gt3A_3903, %get3A_3917, %broadcast_in_dim3A_3919 : vector<16xi1>, vector<16xf32>
        %add3A_3921 = arith.addf %add3A_3879, %select_n3A_3920 : vector<16xf32>
        %add3A_3922 = arith.constant 0 : i32
        %add3A_3923 = arith.addi %add3A_3922, %add3A_3901 : i32
        %get3A_3924 = arith.index_cast %add3A_3923 : i32 to index
        %get3A_3925 = arith.constant 32 : index
        %get3A_3926 = tpu.vector_load %arg10[%get3A_3924, %get3A_3925] {strides = array<i32>} : memref<400x64xf32, #tpu.memory_space<vmem>>, vector<16xf32>,
        %jit3A_3927 = arith.constant 0.000000e+00 : f32
        %broadcast_in_dim3A_3928 = vector.broadcast %jit3A_3927 : f32 to vector<16xf32>
        %select_n3A_3929 = arith.select %gt3A_3903, %get3A_3926, %broadcast_in_dim3A_3928 : vector<16xi1>, vector<16xf32>
        %add3A_3930 = arith.addf %add3A_3888, %select_n3A_3929 : vector<16xf32>
        %add3A_3931 = arith.constant 0 : i32
        %add3A_3932 = arith.addi %add3A_3931, %add3A_3901 : i32
        %get3A_3933 = arith.index_cast %add3A_3932 : i32 to index
        %get3A_3934 = arith.constant 48 : index
        %get3A_3935 = tpu.vector_load %arg10[%get3A_3933, %get3A_3934] {strides = array<i32>} : memref<400x64xf32, #tpu.memory_space<vmem>>, vector<16xf32>,
        %jit3A_3936 = arith.constant 0.000000e+00 : f32
        %broadcast_in_dim3A_3937 = vector.broadcast %jit3A_3936 : f32 to vector<16xf32>
        %select_n3A_3938 = arith.select %gt3A_3903, %get3A_3935, %broadcast_in_dim3A_3937 : vector<16xi1>, vector<16xf32>
        %add3A_3939 = arith.addf %add3A_3897, %select_n3A_3938 : vector<16xf32>
        %mul3A_3940 = arith.constant 8 : i32
        %mul3A_3941 = arith.muli %scan3A_3683, %mul3A_3940 : i32
        %add3A_3942 = arith.constant 6 : i32
        %add3A_3943 = arith.addi %mul3A_3941, %add3A_3942 : i32
        %gt3A_3944 = vector.broadcast %add3A_3943 : i32 to vector<16xi32>
        %gt3A_3945 = arith.cmpi sgt, %add3A_2048, %gt3A_3944 : vector<16xi32>
        %add3A_3946 = arith.constant 0 : i32
        %add3A_3947 = arith.addi %add3A_3946, %add3A_3943 : i32
        %get3A_3948 = arith.index_cast %add3A_3947 : i32 to index
        %get3A_3949 = arith.constant 0 : index
        %get3A_3950 = tpu.vector_load %arg10[%get3A_3948, %get3A_3949] {strides = array<i32>} : memref<400x64xf32, #tpu.memory_space<vmem>>, vector<16xf32>,
        %jit3A_3951 = arith.constant 0.000000e+00 : f32
        %broadcast_in_dim3A_3952 = vector.broadcast %jit3A_3951 : f32 to vector<16xf32>
        %select_n3A_3953 = arith.select %gt3A_3945, %get3A_3950, %broadcast_in_dim3A_3952 : vector<16xi1>, vector<16xf32>
        %add3A_3954 = arith.addf %add3A_3912, %select_n3A_3953 : vector<16xf32>
        %add3A_3955 = arith.constant 0 : i32
        %add3A_3956 = arith.addi %add3A_3955, %add3A_3943 : i32
        %get3A_3957 = arith.index_cast %add3A_3956 : i32 to index
        %get3A_3958 = arith.constant 16 : index
        %get3A_3959 = tpu.vector_load %arg10[%get3A_3957, %get3A_3958] {strides = array<i32>} : memref<400x64xf32, #tpu.memory_space<vmem>>, vector<16xf32>,
        %jit3A_3960 = arith.constant 0.000000e+00 : f32
        %broadcast_in_dim3A_3961 = vector.broadcast %jit3A_3960 : f32 to vector<16xf32>
        %select_n3A_3962 = arith.select %gt3A_3945, %get3A_3959, %broadcast_in_dim3A_3961 : vector<16xi1>, vector<16xf32>
        %add3A_3963 = arith.addf %add3A_3921, %select_n3A_3962 : vector<16xf32>
        %add3A_3964 = arith.constant 0 : i32
        %add3A_3965 = arith.addi %add3A_3964, %add3A_3943 : i32
        %get3A_3966 = arith.index_cast %add3A_3965 : i32 to index
        %get3A_3967 = arith.constant 32 : index
        %get3A_3968 = tpu.vector_load %arg10[%get3A_3966, %get3A_3967] {strides = array<i32>} : memref<400x64xf32, #tpu.memory_space<vmem>>, vector<16xf32>,
        %jit3A_3969 = arith.constant 0.000000e+00 : f32
        %broadcast_in_dim3A_3970 = vector.broadcast %jit3A_3969 : f32 to vector<16xf32>
        %select_n3A_3971 = arith.select %gt3A_3945, %get3A_3968, %broadcast_in_dim3A_3970 : vector<16xi1>, vector<16xf32>
        %add3A_3972 = arith.addf %add3A_3930, %select_n3A_3971 : vector<16xf32>
        %add3A_3973 = arith.constant 0 : i32
        %add3A_3974 = arith.addi %add3A_3973, %add3A_3943 : i32
        %get3A_3975 = arith.index_cast %add3A_3974 : i32 to index
        %get3A_3976 = arith.constant 48 : index
        %get3A_3977 = tpu.vector_load %arg10[%get3A_3975, %get3A_3976] {strides = array<i32>} : memref<400x64xf32, #tpu.memory_space<vmem>>, vector<16xf32>,
        %jit3A_3978 = arith.constant 0.000000e+00 : f32
        %broadcast_in_dim3A_3979 = vector.broadcast %jit3A_3978 : f32 to vector<16xf32>
        %select_n3A_3980 = arith.select %gt3A_3945, %get3A_3977, %broadcast_in_dim3A_3979 : vector<16xi1>, vector<16xf32>
        %add3A_3981 = arith.addf %add3A_3939, %select_n3A_3980 : vector<16xf32>
        %mul3A_3982 = arith.constant 8 : i32
        %mul3A_3983 = arith.muli %scan3A_3683, %mul3A_3982 : i32
        %add3A_3984 = arith.constant 7 : i32
        %add3A_3985 = arith.addi %mul3A_3983, %add3A_3984 : i32
        %gt3A_3986 = vector.broadcast %add3A_3985 : i32 to vector<16xi32>
        %gt3A_3987 = arith.cmpi sgt, %add3A_2048, %gt3A_3986 : vector<16xi32>
        %add3A_3988 = arith.constant 0 : i32
        %add3A_3989 = arith.addi %add3A_3988, %add3A_3985 : i32
        %get3A_3990 = arith.index_cast %add3A_3989 : i32 to index
        %get3A_3991 = arith.constant 0 : index
        %get3A_3992 = tpu.vector_load %arg10[%get3A_3990, %get3A_3991] {strides = array<i32>} : memref<400x64xf32, #tpu.memory_space<vmem>>, vector<16xf32>,
        %jit3A_3993 = arith.constant 0.000000e+00 : f32
        %broadcast_in_dim3A_3994 = vector.broadcast %jit3A_3993 : f32 to vector<16xf32>
        %select_n3A_3995 = arith.select %gt3A_3987, %get3A_3992, %broadcast_in_dim3A_3994 : vector<16xi1>, vector<16xf32>
        %add3A_3996 = arith.addf %add3A_3954, %select_n3A_3995 : vector<16xf32>
        %add3A_3997 = arith.constant 0 : i32
        %add3A_3998 = arith.addi %add3A_3997, %add3A_3985 : i32
        %get3A_3999 = arith.index_cast %add3A_3998 : i32 to index
        %get3A_4000 = arith.constant 16 : index
        %get3A_4001 = tpu.vector_load %arg10[%get3A_3999, %get3A_4000] {strides = array<i32>} : memref<400x64xf32, #tpu.memory_space<vmem>>, vector<16xf32>,
        %jit3A_4002 = arith.constant 0.000000e+00 : f32
        %broadcast_in_dim3A_4003 = vector.broadcast %jit3A_4002 : f32 to vector<16xf32>
        %select_n3A_4004 = arith.select %gt3A_3987, %get3A_4001, %broadcast_in_dim3A_4003 : vector<16xi1>, vector<16xf32>
        %add3A_4005 = arith.addf %add3A_3963, %select_n3A_4004 : vector<16xf32>
        %add3A_4006 = arith.constant 0 : i32
        %add3A_4007 = arith.addi %add3A_4006, %add3A_3985 : i32
        %get3A_4008 = arith.index_cast %add3A_4007 : i32 to index
        %get3A_4009 = arith.constant 32 : index
        %get3A_4010 = tpu.vector_load %arg10[%get3A_4008, %get3A_4009] {strides = array<i32>} : memref<400x64xf32, #tpu.memory_space<vmem>>, vector<16xf32>,
        %jit3A_4011 = arith.constant 0.000000e+00 : f32
        %broadcast_in_dim3A_4012 = vector.broadcast %jit3A_4011 : f32 to vector<16xf32>
        %select_n3A_4013 = arith.select %gt3A_3987, %get3A_4010, %broadcast_in_dim3A_4012 : vector<16xi1>, vector<16xf32>
        %add3A_4014 = arith.addf %add3A_3972, %select_n3A_4013 : vector<16xf32>
        %add3A_4015 = arith.constant 0 : i32
        %add3A_4016 = arith.addi %add3A_4015, %add3A_3985 : i32
        %get3A_4017 = arith.index_cast %add3A_4016 : i32 to index
        %get3A_4018 = arith.constant 48 : index
        %get3A_4019 = tpu.vector_load %arg10[%get3A_4017, %get3A_4018] {strides = array<i32>} : memref<400x64xf32, #tpu.memory_space<vmem>>, vector<16xf32>,
        %jit3A_4020 = arith.constant 0.000000e+00 : f32
        %broadcast_in_dim3A_4021 = vector.broadcast %jit3A_4020 : f32 to vector<16xf32>
        %select_n3A_4022 = arith.select %gt3A_3987, %get3A_4019, %broadcast_in_dim3A_4021 : vector<16xi1>, vector<16xf32>
        %add3A_4023 = arith.addf %add3A_3981, %select_n3A_4022 : vector<16xf32>
        scf.yield %add3A_3996, %add3A_4005, %add3A_4014, %add3A_4023 : vector<16xf32>, vector<16xf32>, vector<16xf32>, vector<16xf32>
      }
      %scan3A_2054 = arith.constant 25 : i32
      %gt3A_2055 = arith.constant 0 : i32
      %gt3A_2056 = vector.broadcast %gt3A_2055 : i32 to vector<16xi32>
      %gt3A_2057 = arith.cmpi sgt, %add3A_1901, %gt3A_2056 : vector<16xi32>
      %get3A_2058 = arith.constant 0 : i32
      %get3A_2059 = arith.index_cast %get3A_2058 : i32 to index
      %get3A_2060 = arith.constant 0 : index
      %get3A_2061 = tpu.vector_load %arg12[%get3A_2059, %get3A_2060] {strides = array<i32>} : memref<40x64xf32, #tpu.memory_space<vmem>>, vector<16xf32>,
      %jit3A_2062 = arith.constant 0.000000e+00 : f32
      %broadcast_in_dim3A_2063 = vector.broadcast %jit3A_2062 : f32 to vector<16xf32>
      %select_n3A_2064 = arith.select %gt3A_2057, %get3A_2061, %broadcast_in_dim3A_2063 : vector<16xi1>, vector<16xf32>
      %add3A_2065 = arith.addf %broadcast_in_dim3A_5, %select_n3A_2064 : vector<16xf32>
      %get3A_2066 = arith.constant 0 : i32
      %get3A_2067 = arith.index_cast %get3A_2066 : i32 to index
      %get3A_2068 = arith.constant 16 : index
      %get3A_2069 = tpu.vector_load %arg12[%get3A_2067, %get3A_2068] {strides = array<i32>} : memref<40x64xf32, #tpu.memory_space<vmem>>, vector<16xf32>,
      %jit3A_2070 = arith.constant 0.000000e+00 : f32
      %broadcast_in_dim3A_2071 = vector.broadcast %jit3A_2070 : f32 to vector<16xf32>
      %select_n3A_2072 = arith.select %gt3A_2057, %get3A_2069, %broadcast_in_dim3A_2071 : vector<16xi1>, vector<16xf32>
      %add3A_2073 = arith.addf %broadcast_in_dim3A_5, %select_n3A_2072 : vector<16xf32>
      %get3A_2074 = arith.constant 0 : i32
      %get3A_2075 = arith.index_cast %get3A_2074 : i32 to index
      %get3A_2076 = arith.constant 32 : index
      %get3A_2077 = tpu.vector_load %arg12[%get3A_2075, %get3A_2076] {strides = array<i32>} : memref<40x64xf32, #tpu.memory_space<vmem>>, vector<16xf32>,
      %jit3A_2078 = arith.constant 0.000000e+00 : f32
      %broadcast_in_dim3A_2079 = vector.broadcast %jit3A_2078 : f32 to vector<16xf32>
      %select_n3A_2080 = arith.select %gt3A_2057, %get3A_2077, %broadcast_in_dim3A_2079 : vector<16xi1>, vector<16xf32>
      %add3A_2081 = arith.addf %broadcast_in_dim3A_5, %select_n3A_2080 : vector<16xf32>
      %get3A_2082 = arith.constant 0 : i32
      %get3A_2083 = arith.index_cast %get3A_2082 : i32 to index
      %get3A_2084 = arith.constant 48 : index
      %get3A_2085 = tpu.vector_load %arg12[%get3A_2083, %get3A_2084] {strides = array<i32>} : memref<40x64xf32, #tpu.memory_space<vmem>>, vector<16xf32>,
      %jit3A_2086 = arith.constant 0.000000e+00 : f32
      %broadcast_in_dim3A_2087 = vector.broadcast %jit3A_2086 : f32 to vector<16xf32>
      %select_n3A_2088 = arith.select %gt3A_2057, %get3A_2085, %broadcast_in_dim3A_2087 : vector<16xi1>, vector<16xf32>
      %add3A_2089 = arith.addf %broadcast_in_dim3A_5, %select_n3A_2088 : vector<16xf32>
      %gt3A_2090 = arith.constant 1 : i32
      %gt3A_2091 = vector.broadcast %gt3A_2090 : i32 to vector<16xi32>
      %gt3A_2092 = arith.cmpi sgt, %add3A_1901, %gt3A_2091 : vector<16xi32>
      %get3A_2093 = arith.constant 1 : i32
      %get3A_2094 = arith.index_cast %get3A_2093 : i32 to index
      %get3A_2095 = arith.constant 0 : index
      %get3A_2096 = tpu.vector_load %arg12[%get3A_2094, %get3A_2095] {strides = array<i32>} : memref<40x64xf32, #tpu.memory_space<vmem>>, vector<16xf32>,
      %jit3A_2097 = arith.constant 0.000000e+00 : f32
      %broadcast_in_dim3A_2098 = vector.broadcast %jit3A_2097 : f32 to vector<16xf32>
      %select_n3A_2099 = arith.select %gt3A_2092, %get3A_2096, %broadcast_in_dim3A_2098 : vector<16xi1>, vector<16xf32>
      %add3A_2100 = arith.addf %add3A_2065, %select_n3A_2099 : vector<16xf32>
      %get3A_2101 = arith.constant 1 : i32
      %get3A_2102 = arith.index_cast %get3A_2101 : i32 to index
      %get3A_2103 = arith.constant 16 : index
      %get3A_2104 = tpu.vector_load %arg12[%get3A_2102, %get3A_2103] {strides = array<i32>} : memref<40x64xf32, #tpu.memory_space<vmem>>, vector<16xf32>,
      %jit3A_2105 = arith.constant 0.000000e+00 : f32
      %broadcast_in_dim3A_2106 = vector.broadcast %jit3A_2105 : f32 to vector<16xf32>
      %select_n3A_2107 = arith.select %gt3A_2092, %get3A_2104, %broadcast_in_dim3A_2106 : vector<16xi1>, vector<16xf32>
      %add3A_2108 = arith.addf %add3A_2073, %select_n3A_2107 : vector<16xf32>
      %get3A_2109 = arith.constant 1 : i32
      %get3A_2110 = arith.index_cast %get3A_2109 : i32 to index
      %get3A_2111 = arith.constant 32 : index
      %get3A_2112 = tpu.vector_load %arg12[%get3A_2110, %get3A_2111] {strides = array<i32>} : memref<40x64xf32, #tpu.memory_space<vmem>>, vector<16xf32>,
      %jit3A_2113 = arith.constant 0.000000e+00 : f32
      %broadcast_in_dim3A_2114 = vector.broadcast %jit3A_2113 : f32 to vector<16xf32>
      %select_n3A_2115 = arith.select %gt3A_2092, %get3A_2112, %broadcast_in_dim3A_2114 : vector<16xi1>, vector<16xf32>
      %add3A_2116 = arith.addf %add3A_2081, %select_n3A_2115 : vector<16xf32>
      %get3A_2117 = arith.constant 1 : i32
      %get3A_2118 = arith.index_cast %get3A_2117 : i32 to index
      %get3A_2119 = arith.constant 48 : index
      %get3A_2120 = tpu.vector_load %arg12[%get3A_2118, %get3A_2119] {strides = array<i32>} : memref<40x64xf32, #tpu.memory_space<vmem>>, vector<16xf32>,
      %jit3A_2121 = arith.constant 0.000000e+00 : f32
      %broadcast_in_dim3A_2122 = vector.broadcast %jit3A_2121 : f32 to vector<16xf32>
      %select_n3A_2123 = arith.select %gt3A_2092, %get3A_2120, %broadcast_in_dim3A_2122 : vector<16xi1>, vector<16xf32>
      %add3A_2124 = arith.addf %add3A_2089, %select_n3A_2123 : vector<16xf32>
      %gt3A_2125 = arith.constant 2 : i32
      %gt3A_2126 = vector.broadcast %gt3A_2125 : i32 to vector<16xi32>
      %gt3A_2127 = arith.cmpi sgt, %add3A_1901, %gt3A_2126 : vector<16xi32>
      %get3A_2128 = arith.constant 2 : i32
      %get3A_2129 = arith.index_cast %get3A_2128 : i32 to index
      %get3A_2130 = arith.constant 0 : index
      %get3A_2131 = tpu.vector_load %arg12[%get3A_2129, %get3A_2130] {strides = array<i32>} : memref<40x64xf32, #tpu.memory_space<vmem>>, vector<16xf32>,
      %jit3A_2132 = arith.constant 0.000000e+00 : f32
      %broadcast_in_dim3A_2133 = vector.broadcast %jit3A_2132 : f32 to vector<16xf32>
      %select_n3A_2134 = arith.select %gt3A_2127, %get3A_2131, %broadcast_in_dim3A_2133 : vector<16xi1>, vector<16xf32>
      %add3A_2135 = arith.addf %add3A_2100, %select_n3A_2134 : vector<16xf32>
      %get3A_2136 = arith.constant 2 : i32
      %get3A_2137 = arith.index_cast %get3A_2136 : i32 to index
      %get3A_2138 = arith.constant 16 : index
      %get3A_2139 = tpu.vector_load %arg12[%get3A_2137, %get3A_2138] {strides = array<i32>} : memref<40x64xf32, #tpu.memory_space<vmem>>, vector<16xf32>,
      %jit3A_2140 = arith.constant 0.000000e+00 : f32
      %broadcast_in_dim3A_2141 = vector.broadcast %jit3A_2140 : f32 to vector<16xf32>
      %select_n3A_2142 = arith.select %gt3A_2127, %get3A_2139, %broadcast_in_dim3A_2141 : vector<16xi1>, vector<16xf32>
      %add3A_2143 = arith.addf %add3A_2108, %select_n3A_2142 : vector<16xf32>
      %get3A_2144 = arith.constant 2 : i32
      %get3A_2145 = arith.index_cast %get3A_2144 : i32 to index
      %get3A_2146 = arith.constant 32 : index
      %get3A_2147 = tpu.vector_load %arg12[%get3A_2145, %get3A_2146] {strides = array<i32>} : memref<40x64xf32, #tpu.memory_space<vmem>>, vector<16xf32>,
      %jit3A_2148 = arith.constant 0.000000e+00 : f32
      %broadcast_in_dim3A_2149 = vector.broadcast %jit3A_2148 : f32 to vector<16xf32>
      %select_n3A_2150 = arith.select %gt3A_2127, %get3A_2147, %broadcast_in_dim3A_2149 : vector<16xi1>, vector<16xf32>
      %add3A_2151 = arith.addf %add3A_2116, %select_n3A_2150 : vector<16xf32>
      %get3A_2152 = arith.constant 2 : i32
      %get3A_2153 = arith.index_cast %get3A_2152 : i32 to index
      %get3A_2154 = arith.constant 48 : index
      %get3A_2155 = tpu.vector_load %arg12[%get3A_2153, %get3A_2154] {strides = array<i32>} : memref<40x64xf32, #tpu.memory_space<vmem>>, vector<16xf32>,
      %jit3A_2156 = arith.constant 0.000000e+00 : f32
      %broadcast_in_dim3A_2157 = vector.broadcast %jit3A_2156 : f32 to vector<16xf32>
      %select_n3A_2158 = arith.select %gt3A_2127, %get3A_2155, %broadcast_in_dim3A_2157 : vector<16xi1>, vector<16xf32>
      %add3A_2159 = arith.addf %add3A_2124, %select_n3A_2158 : vector<16xf32>
      %gt3A_2160 = arith.constant 3 : i32
      %gt3A_2161 = vector.broadcast %gt3A_2160 : i32 to vector<16xi32>
      %gt3A_2162 = arith.cmpi sgt, %add3A_1901, %gt3A_2161 : vector<16xi32>
      %get3A_2163 = arith.constant 3 : i32
      %get3A_2164 = arith.index_cast %get3A_2163 : i32 to index
      %get3A_2165 = arith.constant 0 : index
      %get3A_2166 = tpu.vector_load %arg12[%get3A_2164, %get3A_2165] {strides = array<i32>} : memref<40x64xf32, #tpu.memory_space<vmem>>, vector<16xf32>,
      %jit3A_2167 = arith.constant 0.000000e+00 : f32
      %broadcast_in_dim3A_2168 = vector.broadcast %jit3A_2167 : f32 to vector<16xf32>
      %select_n3A_2169 = arith.select %gt3A_2162, %get3A_2166, %broadcast_in_dim3A_2168 : vector<16xi1>, vector<16xf32>
      %add3A_2170 = arith.addf %add3A_2135, %select_n3A_2169 : vector<16xf32>
      %get3A_2171 = arith.constant 3 : i32
      %get3A_2172 = arith.index_cast %get3A_2171 : i32 to index
      %get3A_2173 = arith.constant 16 : index
      %get3A_2174 = tpu.vector_load %arg12[%get3A_2172, %get3A_2173] {strides = array<i32>} : memref<40x64xf32, #tpu.memory_space<vmem>>, vector<16xf32>,
      %jit3A_2175 = arith.constant 0.000000e+00 : f32
      %broadcast_in_dim3A_2176 = vector.broadcast %jit3A_2175 : f32 to vector<16xf32>
      %select_n3A_2177 = arith.select %gt3A_2162, %get3A_2174, %broadcast_in_dim3A_2176 : vector<16xi1>, vector<16xf32>
      %add3A_2178 = arith.addf %add3A_2143, %select_n3A_2177 : vector<16xf32>
      %get3A_2179 = arith.constant 3 : i32
      %get3A_2180 = arith.index_cast %get3A_2179 : i32 to index
      %get3A_2181 = arith.constant 32 : index
      %get3A_2182 = tpu.vector_load %arg12[%get3A_2180, %get3A_2181] {strides = array<i32>} : memref<40x64xf32, #tpu.memory_space<vmem>>, vector<16xf32>,
      %jit3A_2183 = arith.constant 0.000000e+00 : f32
      %broadcast_in_dim3A_2184 = vector.broadcast %jit3A_2183 : f32 to vector<16xf32>
      %select_n3A_2185 = arith.select %gt3A_2162, %get3A_2182, %broadcast_in_dim3A_2184 : vector<16xi1>, vector<16xf32>
      %add3A_2186 = arith.addf %add3A_2151, %select_n3A_2185 : vector<16xf32>
      %get3A_2187 = arith.constant 3 : i32
      %get3A_2188 = arith.index_cast %get3A_2187 : i32 to index
      %get3A_2189 = arith.constant 48 : index
      %get3A_2190 = tpu.vector_load %arg12[%get3A_2188, %get3A_2189] {strides = array<i32>} : memref<40x64xf32, #tpu.memory_space<vmem>>, vector<16xf32>,
      %jit3A_2191 = arith.constant 0.000000e+00 : f32
      %broadcast_in_dim3A_2192 = vector.broadcast %jit3A_2191 : f32 to vector<16xf32>
      %select_n3A_2193 = arith.select %gt3A_2162, %get3A_2190, %broadcast_in_dim3A_2192 : vector<16xi1>, vector<16xf32>
      %add3A_2194 = arith.addf %add3A_2159, %select_n3A_2193 : vector<16xf32>
      %gt3A_2195 = arith.constant 4 : i32
      %gt3A_2196 = vector.broadcast %gt3A_2195 : i32 to vector<16xi32>
      %gt3A_2197 = arith.cmpi sgt, %add3A_1901, %gt3A_2196 : vector<16xi32>
      %get3A_2198 = arith.constant 4 : i32
      %get3A_2199 = arith.index_cast %get3A_2198 : i32 to index
      %get3A_2200 = arith.constant 0 : index
      %get3A_2201 = tpu.vector_load %arg12[%get3A_2199, %get3A_2200] {strides = array<i32>} : memref<40x64xf32, #tpu.memory_space<vmem>>, vector<16xf32>,
      %jit3A_2202 = arith.constant 0.000000e+00 : f32
      %broadcast_in_dim3A_2203 = vector.broadcast %jit3A_2202 : f32 to vector<16xf32>
      %select_n3A_2204 = arith.select %gt3A_2197, %get3A_2201, %broadcast_in_dim3A_2203 : vector<16xi1>, vector<16xf32>
      %add3A_2205 = arith.addf %add3A_2170, %select_n3A_2204 : vector<16xf32>
      %get3A_2206 = arith.constant 4 : i32
      %get3A_2207 = arith.index_cast %get3A_2206 : i32 to index
      %get3A_2208 = arith.constant 16 : index
      %get3A_2209 = tpu.vector_load %arg12[%get3A_2207, %get3A_2208] {strides = array<i32>} : memref<40x64xf32, #tpu.memory_space<vmem>>, vector<16xf32>,
      %jit3A_2210 = arith.constant 0.000000e+00 : f32
      %broadcast_in_dim3A_2211 = vector.broadcast %jit3A_2210 : f32 to vector<16xf32>
      %select_n3A_2212 = arith.select %gt3A_2197, %get3A_2209, %broadcast_in_dim3A_2211 : vector<16xi1>, vector<16xf32>
      %add3A_2213 = arith.addf %add3A_2178, %select_n3A_2212 : vector<16xf32>
      %get3A_2214 = arith.constant 4 : i32
      %get3A_2215 = arith.index_cast %get3A_2214 : i32 to index
      %get3A_2216 = arith.constant 32 : index
      %get3A_2217 = tpu.vector_load %arg12[%get3A_2215, %get3A_2216] {strides = array<i32>} : memref<40x64xf32, #tpu.memory_space<vmem>>, vector<16xf32>,
      %jit3A_2218 = arith.constant 0.000000e+00 : f32
      %broadcast_in_dim3A_2219 = vector.broadcast %jit3A_2218 : f32 to vector<16xf32>
      %select_n3A_2220 = arith.select %gt3A_2197, %get3A_2217, %broadcast_in_dim3A_2219 : vector<16xi1>, vector<16xf32>
      %add3A_2221 = arith.addf %add3A_2186, %select_n3A_2220 : vector<16xf32>
      %get3A_2222 = arith.constant 4 : i32
      %get3A_2223 = arith.index_cast %get3A_2222 : i32 to index
      %get3A_2224 = arith.constant 48 : index
      %get3A_2225 = tpu.vector_load %arg12[%get3A_2223, %get3A_2224] {strides = array<i32>} : memref<40x64xf32, #tpu.memory_space<vmem>>, vector<16xf32>,
      %jit3A_2226 = arith.constant 0.000000e+00 : f32
      %broadcast_in_dim3A_2227 = vector.broadcast %jit3A_2226 : f32 to vector<16xf32>
      %select_n3A_2228 = arith.select %gt3A_2197, %get3A_2225, %broadcast_in_dim3A_2227 : vector<16xi1>, vector<16xf32>
      %add3A_2229 = arith.addf %add3A_2194, %select_n3A_2228 : vector<16xf32>
      %gt3A_2230 = arith.constant 5 : i32
      %gt3A_2231 = vector.broadcast %gt3A_2230 : i32 to vector<16xi32>
      %gt3A_2232 = arith.cmpi sgt, %add3A_1901, %gt3A_2231 : vector<16xi32>
      %get3A_2233 = arith.constant 5 : i32
      %get3A_2234 = arith.index_cast %get3A_2233 : i32 to index
      %get3A_2235 = arith.constant 0 : index
      %get3A_2236 = tpu.vector_load %arg12[%get3A_2234, %get3A_2235] {strides = array<i32>} : memref<40x64xf32, #tpu.memory_space<vmem>>, vector<16xf32>,
      %jit3A_2237 = arith.constant 0.000000e+00 : f32
      %broadcast_in_dim3A_2238 = vector.broadcast %jit3A_2237 : f32 to vector<16xf32>
      %select_n3A_2239 = arith.select %gt3A_2232, %get3A_2236, %broadcast_in_dim3A_2238 : vector<16xi1>, vector<16xf32>
      %add3A_2240 = arith.addf %add3A_2205, %select_n3A_2239 : vector<16xf32>
      %get3A_2241 = arith.constant 5 : i32
      %get3A_2242 = arith.index_cast %get3A_2241 : i32 to index
      %get3A_2243 = arith.constant 16 : index
      %get3A_2244 = tpu.vector_load %arg12[%get3A_2242, %get3A_2243] {strides = array<i32>} : memref<40x64xf32, #tpu.memory_space<vmem>>, vector<16xf32>,
      %jit3A_2245 = arith.constant 0.000000e+00 : f32
      %broadcast_in_dim3A_2246 = vector.broadcast %jit3A_2245 : f32 to vector<16xf32>
      %select_n3A_2247 = arith.select %gt3A_2232, %get3A_2244, %broadcast_in_dim3A_2246 : vector<16xi1>, vector<16xf32>
      %add3A_2248 = arith.addf %add3A_2213, %select_n3A_2247 : vector<16xf32>
      %get3A_2249 = arith.constant 5 : i32
      %get3A_2250 = arith.index_cast %get3A_2249 : i32 to index
      %get3A_2251 = arith.constant 32 : index
      %get3A_2252 = tpu.vector_load %arg12[%get3A_2250, %get3A_2251] {strides = array<i32>} : memref<40x64xf32, #tpu.memory_space<vmem>>, vector<16xf32>,
      %jit3A_2253 = arith.constant 0.000000e+00 : f32
      %broadcast_in_dim3A_2254 = vector.broadcast %jit3A_2253 : f32 to vector<16xf32>
      %select_n3A_2255 = arith.select %gt3A_2232, %get3A_2252, %broadcast_in_dim3A_2254 : vector<16xi1>, vector<16xf32>
      %add3A_2256 = arith.addf %add3A_2221, %select_n3A_2255 : vector<16xf32>
      %get3A_2257 = arith.constant 5 : i32
      %get3A_2258 = arith.index_cast %get3A_2257 : i32 to index
      %get3A_2259 = arith.constant 48 : index
      %get3A_2260 = tpu.vector_load %arg12[%get3A_2258, %get3A_2259] {strides = array<i32>} : memref<40x64xf32, #tpu.memory_space<vmem>>, vector<16xf32>,
      %jit3A_2261 = arith.constant 0.000000e+00 : f32
      %broadcast_in_dim3A_2262 = vector.broadcast %jit3A_2261 : f32 to vector<16xf32>
      %select_n3A_2263 = arith.select %gt3A_2232, %get3A_2260, %broadcast_in_dim3A_2262 : vector<16xi1>, vector<16xf32>
      %add3A_2264 = arith.addf %add3A_2229, %select_n3A_2263 : vector<16xf32>
      %gt3A_2265 = arith.constant 6 : i32
      %gt3A_2266 = vector.broadcast %gt3A_2265 : i32 to vector<16xi32>
      %gt3A_2267 = arith.cmpi sgt, %add3A_1901, %gt3A_2266 : vector<16xi32>
      %get3A_2268 = arith.constant 6 : i32
      %get3A_2269 = arith.index_cast %get3A_2268 : i32 to index
      %get3A_2270 = arith.constant 0 : index
      %get3A_2271 = tpu.vector_load %arg12[%get3A_2269, %get3A_2270] {strides = array<i32>} : memref<40x64xf32, #tpu.memory_space<vmem>>, vector<16xf32>,
      %jit3A_2272 = arith.constant 0.000000e+00 : f32
      %broadcast_in_dim3A_2273 = vector.broadcast %jit3A_2272 : f32 to vector<16xf32>
      %select_n3A_2274 = arith.select %gt3A_2267, %get3A_2271, %broadcast_in_dim3A_2273 : vector<16xi1>, vector<16xf32>
      %add3A_2275 = arith.addf %add3A_2240, %select_n3A_2274 : vector<16xf32>
      %get3A_2276 = arith.constant 6 : i32
      %get3A_2277 = arith.index_cast %get3A_2276 : i32 to index
      %get3A_2278 = arith.constant 16 : index
      %get3A_2279 = tpu.vector_load %arg12[%get3A_2277, %get3A_2278] {strides = array<i32>} : memref<40x64xf32, #tpu.memory_space<vmem>>, vector<16xf32>,
      %jit3A_2280 = arith.constant 0.000000e+00 : f32
      %broadcast_in_dim3A_2281 = vector.broadcast %jit3A_2280 : f32 to vector<16xf32>
      %select_n3A_2282 = arith.select %gt3A_2267, %get3A_2279, %broadcast_in_dim3A_2281 : vector<16xi1>, vector<16xf32>
      %add3A_2283 = arith.addf %add3A_2248, %select_n3A_2282 : vector<16xf32>
      %get3A_2284 = arith.constant 6 : i32
      %get3A_2285 = arith.index_cast %get3A_2284 : i32 to index
      %get3A_2286 = arith.constant 32 : index
      %get3A_2287 = tpu.vector_load %arg12[%get3A_2285, %get3A_2286] {strides = array<i32>} : memref<40x64xf32, #tpu.memory_space<vmem>>, vector<16xf32>,
      %jit3A_2288 = arith.constant 0.000000e+00 : f32
      %broadcast_in_dim3A_2289 = vector.broadcast %jit3A_2288 : f32 to vector<16xf32>
      %select_n3A_2290 = arith.select %gt3A_2267, %get3A_2287, %broadcast_in_dim3A_2289 : vector<16xi1>, vector<16xf32>
      %add3A_2291 = arith.addf %add3A_2256, %select_n3A_2290 : vector<16xf32>
      %get3A_2292 = arith.constant 6 : i32
      %get3A_2293 = arith.index_cast %get3A_2292 : i32 to index
      %get3A_2294 = arith.constant 48 : index
      %get3A_2295 = tpu.vector_load %arg12[%get3A_2293, %get3A_2294] {strides = array<i32>} : memref<40x64xf32, #tpu.memory_space<vmem>>, vector<16xf32>,
      %jit3A_2296 = arith.constant 0.000000e+00 : f32
      %broadcast_in_dim3A_2297 = vector.broadcast %jit3A_2296 : f32 to vector<16xf32>
      %select_n3A_2298 = arith.select %gt3A_2267, %get3A_2295, %broadcast_in_dim3A_2297 : vector<16xi1>, vector<16xf32>
      %add3A_2299 = arith.addf %add3A_2264, %select_n3A_2298 : vector<16xf32>
      %gt3A_2300 = arith.constant 7 : i32
      %gt3A_2301 = vector.broadcast %gt3A_2300 : i32 to vector<16xi32>
      %gt3A_2302 = arith.cmpi sgt, %add3A_1901, %gt3A_2301 : vector<16xi32>
      %get3A_2303 = arith.constant 7 : i32
      %get3A_2304 = arith.index_cast %get3A_2303 : i32 to index
      %get3A_2305 = arith.constant 0 : index
      %get3A_2306 = tpu.vector_load %arg12[%get3A_2304, %get3A_2305] {strides = array<i32>} : memref<40x64xf32, #tpu.memory_space<vmem>>, vector<16xf32>,
      %jit3A_2307 = arith.constant 0.000000e+00 : f32
      %broadcast_in_dim3A_2308 = vector.broadcast %jit3A_2307 : f32 to vector<16xf32>
      %select_n3A_2309 = arith.select %gt3A_2302, %get3A_2306, %broadcast_in_dim3A_2308 : vector<16xi1>, vector<16xf32>
      %add3A_2310 = arith.addf %add3A_2275, %select_n3A_2309 : vector<16xf32>
      %get3A_2311 = arith.constant 7 : i32
      %get3A_2312 = arith.index_cast %get3A_2311 : i32 to index
      %get3A_2313 = arith.constant 16 : index
      %get3A_2314 = tpu.vector_load %arg12[%get3A_2312, %get3A_2313] {strides = array<i32>} : memref<40x64xf32, #tpu.memory_space<vmem>>, vector<16xf32>,
      %jit3A_2315 = arith.constant 0.000000e+00 : f32
      %broadcast_in_dim3A_2316 = vector.broadcast %jit3A_2315 : f32 to vector<16xf32>
      %select_n3A_2317 = arith.select %gt3A_2302, %get3A_2314, %broadcast_in_dim3A_2316 : vector<16xi1>, vector<16xf32>
      %add3A_2318 = arith.addf %add3A_2283, %select_n3A_2317 : vector<16xf32>
      %get3A_2319 = arith.constant 7 : i32
      %get3A_2320 = arith.index_cast %get3A_2319 : i32 to index
      %get3A_2321 = arith.constant 32 : index
      %get3A_2322 = tpu.vector_load %arg12[%get3A_2320, %get3A_2321] {strides = array<i32>} : memref<40x64xf32, #tpu.memory_space<vmem>>, vector<16xf32>,
      %jit3A_2323 = arith.constant 0.000000e+00 : f32
      %broadcast_in_dim3A_2324 = vector.broadcast %jit3A_2323 : f32 to vector<16xf32>
      %select_n3A_2325 = arith.select %gt3A_2302, %get3A_2322, %broadcast_in_dim3A_2324 : vector<16xi1>, vector<16xf32>
      %add3A_2326 = arith.addf %add3A_2291, %select_n3A_2325 : vector<16xf32>
      %get3A_2327 = arith.constant 7 : i32
      %get3A_2328 = arith.index_cast %get3A_2327 : i32 to index
      %get3A_2329 = arith.constant 48 : index
      %get3A_2330 = tpu.vector_load %arg12[%get3A_2328, %get3A_2329] {strides = array<i32>} : memref<40x64xf32, #tpu.memory_space<vmem>>, vector<16xf32>,
      %jit3A_2331 = arith.constant 0.000000e+00 : f32
      %broadcast_in_dim3A_2332 = vector.broadcast %jit3A_2331 : f32 to vector<16xf32>
      %select_n3A_2333 = arith.select %gt3A_2302, %get3A_2330, %broadcast_in_dim3A_2332 : vector<16xi1>, vector<16xf32>
      %add3A_2334 = arith.addf %add3A_2299, %select_n3A_2333 : vector<16xf32>
      %gt3A_2335 = arith.constant 8 : i32
      %gt3A_2336 = vector.broadcast %gt3A_2335 : i32 to vector<16xi32>
      %gt3A_2337 = arith.cmpi sgt, %add3A_1901, %gt3A_2336 : vector<16xi32>
      %get3A_2338 = arith.constant 8 : i32
      %get3A_2339 = arith.index_cast %get3A_2338 : i32 to index
      %get3A_2340 = arith.constant 0 : index
      %get3A_2341 = tpu.vector_load %arg12[%get3A_2339, %get3A_2340] {strides = array<i32>} : memref<40x64xf32, #tpu.memory_space<vmem>>, vector<16xf32>,
      %jit3A_2342 = arith.constant 0.000000e+00 : f32
      %broadcast_in_dim3A_2343 = vector.broadcast %jit3A_2342 : f32 to vector<16xf32>
      %select_n3A_2344 = arith.select %gt3A_2337, %get3A_2341, %broadcast_in_dim3A_2343 : vector<16xi1>, vector<16xf32>
      %add3A_2345 = arith.addf %add3A_2310, %select_n3A_2344 : vector<16xf32>
      %get3A_2346 = arith.constant 8 : i32
      %get3A_2347 = arith.index_cast %get3A_2346 : i32 to index
      %get3A_2348 = arith.constant 16 : index
      %get3A_2349 = tpu.vector_load %arg12[%get3A_2347, %get3A_2348] {strides = array<i32>} : memref<40x64xf32, #tpu.memory_space<vmem>>, vector<16xf32>,
      %jit3A_2350 = arith.constant 0.000000e+00 : f32
      %broadcast_in_dim3A_2351 = vector.broadcast %jit3A_2350 : f32 to vector<16xf32>
      %select_n3A_2352 = arith.select %gt3A_2337, %get3A_2349, %broadcast_in_dim3A_2351 : vector<16xi1>, vector<16xf32>
      %add3A_2353 = arith.addf %add3A_2318, %select_n3A_2352 : vector<16xf32>
      %get3A_2354 = arith.constant 8 : i32
      %get3A_2355 = arith.index_cast %get3A_2354 : i32 to index
      %get3A_2356 = arith.constant 32 : index
      %get3A_2357 = tpu.vector_load %arg12[%get3A_2355, %get3A_2356] {strides = array<i32>} : memref<40x64xf32, #tpu.memory_space<vmem>>, vector<16xf32>,
      %jit3A_2358 = arith.constant 0.000000e+00 : f32
      %broadcast_in_dim3A_2359 = vector.broadcast %jit3A_2358 : f32 to vector<16xf32>
      %select_n3A_2360 = arith.select %gt3A_2337, %get3A_2357, %broadcast_in_dim3A_2359 : vector<16xi1>, vector<16xf32>
      %add3A_2361 = arith.addf %add3A_2326, %select_n3A_2360 : vector<16xf32>
      %get3A_2362 = arith.constant 8 : i32
      %get3A_2363 = arith.index_cast %get3A_2362 : i32 to index
      %get3A_2364 = arith.constant 48 : index
      %get3A_2365 = tpu.vector_load %arg12[%get3A_2363, %get3A_2364] {strides = array<i32>} : memref<40x64xf32, #tpu.memory_space<vmem>>, vector<16xf32>,
      %jit3A_2366 = arith.constant 0.000000e+00 : f32
      %broadcast_in_dim3A_2367 = vector.broadcast %jit3A_2366 : f32 to vector<16xf32>
      %select_n3A_2368 = arith.select %gt3A_2337, %get3A_2365, %broadcast_in_dim3A_2367 : vector<16xi1>, vector<16xf32>
      %add3A_2369 = arith.addf %add3A_2334, %select_n3A_2368 : vector<16xf32>
      %gt3A_2370 = arith.constant 9 : i32
      %gt3A_2371 = vector.broadcast %gt3A_2370 : i32 to vector<16xi32>
      %gt3A_2372 = arith.cmpi sgt, %add3A_1901, %gt3A_2371 : vector<16xi32>
      %get3A_2373 = arith.constant 9 : i32
      %get3A_2374 = arith.index_cast %get3A_2373 : i32 to index
      %get3A_2375 = arith.constant 0 : index
      %get3A_2376 = tpu.vector_load %arg12[%get3A_2374, %get3A_2375] {strides = array<i32>} : memref<40x64xf32, #tpu.memory_space<vmem>>, vector<16xf32>,
      %jit3A_2377 = arith.constant 0.000000e+00 : f32
      %broadcast_in_dim3A_2378 = vector.broadcast %jit3A_2377 : f32 to vector<16xf32>
      %select_n3A_2379 = arith.select %gt3A_2372, %get3A_2376, %broadcast_in_dim3A_2378 : vector<16xi1>, vector<16xf32>
      %add3A_2380 = arith.addf %add3A_2345, %select_n3A_2379 : vector<16xf32>
      %get3A_2381 = arith.constant 9 : i32
      %get3A_2382 = arith.index_cast %get3A_2381 : i32 to index
      %get3A_2383 = arith.constant 16 : index
      %get3A_2384 = tpu.vector_load %arg12[%get3A_2382, %get3A_2383] {strides = array<i32>} : memref<40x64xf32, #tpu.memory_space<vmem>>, vector<16xf32>,
      %jit3A_2385 = arith.constant 0.000000e+00 : f32
      %broadcast_in_dim3A_2386 = vector.broadcast %jit3A_2385 : f32 to vector<16xf32>
      %select_n3A_2387 = arith.select %gt3A_2372, %get3A_2384, %broadcast_in_dim3A_2386 : vector<16xi1>, vector<16xf32>
      %add3A_2388 = arith.addf %add3A_2353, %select_n3A_2387 : vector<16xf32>
      %get3A_2389 = arith.constant 9 : i32
      %get3A_2390 = arith.index_cast %get3A_2389 : i32 to index
      %get3A_2391 = arith.constant 32 : index
      %get3A_2392 = tpu.vector_load %arg12[%get3A_2390, %get3A_2391] {strides = array<i32>} : memref<40x64xf32, #tpu.memory_space<vmem>>, vector<16xf32>,
      %jit3A_2393 = arith.constant 0.000000e+00 : f32
      %broadcast_in_dim3A_2394 = vector.broadcast %jit3A_2393 : f32 to vector<16xf32>
      %select_n3A_2395 = arith.select %gt3A_2372, %get3A_2392, %broadcast_in_dim3A_2394 : vector<16xi1>, vector<16xf32>
      %add3A_2396 = arith.addf %add3A_2361, %select_n3A_2395 : vector<16xf32>
      %get3A_2397 = arith.constant 9 : i32
      %get3A_2398 = arith.index_cast %get3A_2397 : i32 to index
      %get3A_2399 = arith.constant 48 : index
      %get3A_2400 = tpu.vector_load %arg12[%get3A_2398, %get3A_2399] {strides = array<i32>} : memref<40x64xf32, #tpu.memory_space<vmem>>, vector<16xf32>,
      %jit3A_2401 = arith.constant 0.000000e+00 : f32
      %broadcast_in_dim3A_2402 = vector.broadcast %jit3A_2401 : f32 to vector<16xf32>
      %select_n3A_2403 = arith.select %gt3A_2372, %get3A_2400, %broadcast_in_dim3A_2402 : vector<16xi1>, vector<16xf32>
      %add3A_2404 = arith.addf %add3A_2369, %select_n3A_2403 : vector<16xf32>
      %gt3A_2405 = arith.constant 10 : i32
      %gt3A_2406 = vector.broadcast %gt3A_2405 : i32 to vector<16xi32>
      %gt3A_2407 = arith.cmpi sgt, %add3A_1901, %gt3A_2406 : vector<16xi32>
      %get3A_2408 = arith.constant 10 : i32
      %get3A_2409 = arith.index_cast %get3A_2408 : i32 to index
      %get3A_2410 = arith.constant 0 : index
      %get3A_2411 = tpu.vector_load %arg12[%get3A_2409, %get3A_2410] {strides = array<i32>} : memref<40x64xf32, #tpu.memory_space<vmem>>, vector<16xf32>,
      %jit3A_2412 = arith.constant 0.000000e+00 : f32
      %broadcast_in_dim3A_2413 = vector.broadcast %jit3A_2412 : f32 to vector<16xf32>
      %select_n3A_2414 = arith.select %gt3A_2407, %get3A_2411, %broadcast_in_dim3A_2413 : vector<16xi1>, vector<16xf32>
      %add3A_2415 = arith.addf %add3A_2380, %select_n3A_2414 : vector<16xf32>
      %get3A_2416 = arith.constant 10 : i32
      %get3A_2417 = arith.index_cast %get3A_2416 : i32 to index
      %get3A_2418 = arith.constant 16 : index
      %get3A_2419 = tpu.vector_load %arg12[%get3A_2417, %get3A_2418] {strides = array<i32>} : memref<40x64xf32, #tpu.memory_space<vmem>>, vector<16xf32>,
      %jit3A_2420 = arith.constant 0.000000e+00 : f32
      %broadcast_in_dim3A_2421 = vector.broadcast %jit3A_2420 : f32 to vector<16xf32>
      %select_n3A_2422 = arith.select %gt3A_2407, %get3A_2419, %broadcast_in_dim3A_2421 : vector<16xi1>, vector<16xf32>
      %add3A_2423 = arith.addf %add3A_2388, %select_n3A_2422 : vector<16xf32>
      %get3A_2424 = arith.constant 10 : i32
      %get3A_2425 = arith.index_cast %get3A_2424 : i32 to index
      %get3A_2426 = arith.constant 32 : index
      %get3A_2427 = tpu.vector_load %arg12[%get3A_2425, %get3A_2426] {strides = array<i32>} : memref<40x64xf32, #tpu.memory_space<vmem>>, vector<16xf32>,
      %jit3A_2428 = arith.constant 0.000000e+00 : f32
      %broadcast_in_dim3A_2429 = vector.broadcast %jit3A_2428 : f32 to vector<16xf32>
      %select_n3A_2430 = arith.select %gt3A_2407, %get3A_2427, %broadcast_in_dim3A_2429 : vector<16xi1>, vector<16xf32>
      %add3A_2431 = arith.addf %add3A_2396, %select_n3A_2430 : vector<16xf32>
      %get3A_2432 = arith.constant 10 : i32
      %get3A_2433 = arith.index_cast %get3A_2432 : i32 to index
      %get3A_2434 = arith.constant 48 : index
      %get3A_2435 = tpu.vector_load %arg12[%get3A_2433, %get3A_2434] {strides = array<i32>} : memref<40x64xf32, #tpu.memory_space<vmem>>, vector<16xf32>,
      %jit3A_2436 = arith.constant 0.000000e+00 : f32
      %broadcast_in_dim3A_2437 = vector.broadcast %jit3A_2436 : f32 to vector<16xf32>
      %select_n3A_2438 = arith.select %gt3A_2407, %get3A_2435, %broadcast_in_dim3A_2437 : vector<16xi1>, vector<16xf32>
      %add3A_2439 = arith.addf %add3A_2404, %select_n3A_2438 : vector<16xf32>
      %gt3A_2440 = arith.constant 11 : i32
      %gt3A_2441 = vector.broadcast %gt3A_2440 : i32 to vector<16xi32>
      %gt3A_2442 = arith.cmpi sgt, %add3A_1901, %gt3A_2441 : vector<16xi32>
      %get3A_2443 = arith.constant 11 : i32
      %get3A_2444 = arith.index_cast %get3A_2443 : i32 to index
      %get3A_2445 = arith.constant 0 : index
      %get3A_2446 = tpu.vector_load %arg12[%get3A_2444, %get3A_2445] {strides = array<i32>} : memref<40x64xf32, #tpu.memory_space<vmem>>, vector<16xf32>,
      %jit3A_2447 = arith.constant 0.000000e+00 : f32
      %broadcast_in_dim3A_2448 = vector.broadcast %jit3A_2447 : f32 to vector<16xf32>
      %select_n3A_2449 = arith.select %gt3A_2442, %get3A_2446, %broadcast_in_dim3A_2448 : vector<16xi1>, vector<16xf32>
      %add3A_2450 = arith.addf %add3A_2415, %select_n3A_2449 : vector<16xf32>
      %get3A_2451 = arith.constant 11 : i32
      %get3A_2452 = arith.index_cast %get3A_2451 : i32 to index
      %get3A_2453 = arith.constant 16 : index
      %get3A_2454 = tpu.vector_load %arg12[%get3A_2452, %get3A_2453] {strides = array<i32>} : memref<40x64xf32, #tpu.memory_space<vmem>>, vector<16xf32>,
      %jit3A_2455 = arith.constant 0.000000e+00 : f32
      %broadcast_in_dim3A_2456 = vector.broadcast %jit3A_2455 : f32 to vector<16xf32>
      %select_n3A_2457 = arith.select %gt3A_2442, %get3A_2454, %broadcast_in_dim3A_2456 : vector<16xi1>, vector<16xf32>
      %add3A_2458 = arith.addf %add3A_2423, %select_n3A_2457 : vector<16xf32>
      %get3A_2459 = arith.constant 11 : i32
      %get3A_2460 = arith.index_cast %get3A_2459 : i32 to index
      %get3A_2461 = arith.constant 32 : index
      %get3A_2462 = tpu.vector_load %arg12[%get3A_2460, %get3A_2461] {strides = array<i32>} : memref<40x64xf32, #tpu.memory_space<vmem>>, vector<16xf32>,
      %jit3A_2463 = arith.constant 0.000000e+00 : f32
      %broadcast_in_dim3A_2464 = vector.broadcast %jit3A_2463 : f32 to vector<16xf32>
      %select_n3A_2465 = arith.select %gt3A_2442, %get3A_2462, %broadcast_in_dim3A_2464 : vector<16xi1>, vector<16xf32>
      %add3A_2466 = arith.addf %add3A_2431, %select_n3A_2465 : vector<16xf32>
      %get3A_2467 = arith.constant 11 : i32
      %get3A_2468 = arith.index_cast %get3A_2467 : i32 to index
      %get3A_2469 = arith.constant 48 : index
      %get3A_2470 = tpu.vector_load %arg12[%get3A_2468, %get3A_2469] {strides = array<i32>} : memref<40x64xf32, #tpu.memory_space<vmem>>, vector<16xf32>,
      %jit3A_2471 = arith.constant 0.000000e+00 : f32
      %broadcast_in_dim3A_2472 = vector.broadcast %jit3A_2471 : f32 to vector<16xf32>
      %select_n3A_2473 = arith.select %gt3A_2442, %get3A_2470, %broadcast_in_dim3A_2472 : vector<16xi1>, vector<16xf32>
      %add3A_2474 = arith.addf %add3A_2439, %select_n3A_2473 : vector<16xf32>
      %gt3A_2475 = arith.constant 12 : i32
      %gt3A_2476 = vector.broadcast %gt3A_2475 : i32 to vector<16xi32>
      %gt3A_2477 = arith.cmpi sgt, %add3A_1901, %gt3A_2476 : vector<16xi32>
      %get3A_2478 = arith.constant 12 : i32
      %get3A_2479 = arith.index_cast %get3A_2478 : i32 to index
      %get3A_2480 = arith.constant 0 : index
      %get3A_2481 = tpu.vector_load %arg12[%get3A_2479, %get3A_2480] {strides = array<i32>} : memref<40x64xf32, #tpu.memory_space<vmem>>, vector<16xf32>,
      %jit3A_2482 = arith.constant 0.000000e+00 : f32
      %broadcast_in_dim3A_2483 = vector.broadcast %jit3A_2482 : f32 to vector<16xf32>
      %select_n3A_2484 = arith.select %gt3A_2477, %get3A_2481, %broadcast_in_dim3A_2483 : vector<16xi1>, vector<16xf32>
      %add3A_2485 = arith.addf %add3A_2450, %select_n3A_2484 : vector<16xf32>
      %get3A_2486 = arith.constant 12 : i32
      %get3A_2487 = arith.index_cast %get3A_2486 : i32 to index
      %get3A_2488 = arith.constant 16 : index
      %get3A_2489 = tpu.vector_load %arg12[%get3A_2487, %get3A_2488] {strides = array<i32>} : memref<40x64xf32, #tpu.memory_space<vmem>>, vector<16xf32>,
      %jit3A_2490 = arith.constant 0.000000e+00 : f32
      %broadcast_in_dim3A_2491 = vector.broadcast %jit3A_2490 : f32 to vector<16xf32>
      %select_n3A_2492 = arith.select %gt3A_2477, %get3A_2489, %broadcast_in_dim3A_2491 : vector<16xi1>, vector<16xf32>
      %add3A_2493 = arith.addf %add3A_2458, %select_n3A_2492 : vector<16xf32>
      %get3A_2494 = arith.constant 12 : i32
      %get3A_2495 = arith.index_cast %get3A_2494 : i32 to index
      %get3A_2496 = arith.constant 32 : index
      %get3A_2497 = tpu.vector_load %arg12[%get3A_2495, %get3A_2496] {strides = array<i32>} : memref<40x64xf32, #tpu.memory_space<vmem>>, vector<16xf32>,
      %jit3A_2498 = arith.constant 0.000000e+00 : f32
      %broadcast_in_dim3A_2499 = vector.broadcast %jit3A_2498 : f32 to vector<16xf32>
      %select_n3A_2500 = arith.select %gt3A_2477, %get3A_2497, %broadcast_in_dim3A_2499 : vector<16xi1>, vector<16xf32>
      %add3A_2501 = arith.addf %add3A_2466, %select_n3A_2500 : vector<16xf32>
      %get3A_2502 = arith.constant 12 : i32
      %get3A_2503 = arith.index_cast %get3A_2502 : i32 to index
      %get3A_2504 = arith.constant 48 : index
      %get3A_2505 = tpu.vector_load %arg12[%get3A_2503, %get3A_2504] {strides = array<i32>} : memref<40x64xf32, #tpu.memory_space<vmem>>, vector<16xf32>,
      %jit3A_2506 = arith.constant 0.000000e+00 : f32
      %broadcast_in_dim3A_2507 = vector.broadcast %jit3A_2506 : f32 to vector<16xf32>
      %select_n3A_2508 = arith.select %gt3A_2477, %get3A_2505, %broadcast_in_dim3A_2507 : vector<16xi1>, vector<16xf32>
      %add3A_2509 = arith.addf %add3A_2474, %select_n3A_2508 : vector<16xf32>
      %gt3A_2510 = arith.constant 13 : i32
      %gt3A_2511 = vector.broadcast %gt3A_2510 : i32 to vector<16xi32>
      %gt3A_2512 = arith.cmpi sgt, %add3A_1901, %gt3A_2511 : vector<16xi32>
      %get3A_2513 = arith.constant 13 : i32
      %get3A_2514 = arith.index_cast %get3A_2513 : i32 to index
      %get3A_2515 = arith.constant 0 : index
      %get3A_2516 = tpu.vector_load %arg12[%get3A_2514, %get3A_2515] {strides = array<i32>} : memref<40x64xf32, #tpu.memory_space<vmem>>, vector<16xf32>,
      %jit3A_2517 = arith.constant 0.000000e+00 : f32
      %broadcast_in_dim3A_2518 = vector.broadcast %jit3A_2517 : f32 to vector<16xf32>
      %select_n3A_2519 = arith.select %gt3A_2512, %get3A_2516, %broadcast_in_dim3A_2518 : vector<16xi1>, vector<16xf32>
      %add3A_2520 = arith.addf %add3A_2485, %select_n3A_2519 : vector<16xf32>
      %get3A_2521 = arith.constant 13 : i32
      %get3A_2522 = arith.index_cast %get3A_2521 : i32 to index
      %get3A_2523 = arith.constant 16 : index
      %get3A_2524 = tpu.vector_load %arg12[%get3A_2522, %get3A_2523] {strides = array<i32>} : memref<40x64xf32, #tpu.memory_space<vmem>>, vector<16xf32>,
      %jit3A_2525 = arith.constant 0.000000e+00 : f32
      %broadcast_in_dim3A_2526 = vector.broadcast %jit3A_2525 : f32 to vector<16xf32>
      %select_n3A_2527 = arith.select %gt3A_2512, %get3A_2524, %broadcast_in_dim3A_2526 : vector<16xi1>, vector<16xf32>
      %add3A_2528 = arith.addf %add3A_2493, %select_n3A_2527 : vector<16xf32>
      %get3A_2529 = arith.constant 13 : i32
      %get3A_2530 = arith.index_cast %get3A_2529 : i32 to index
      %get3A_2531 = arith.constant 32 : index
      %get3A_2532 = tpu.vector_load %arg12[%get3A_2530, %get3A_2531] {strides = array<i32>} : memref<40x64xf32, #tpu.memory_space<vmem>>, vector<16xf32>,
      %jit3A_2533 = arith.constant 0.000000e+00 : f32
      %broadcast_in_dim3A_2534 = vector.broadcast %jit3A_2533 : f32 to vector<16xf32>
      %select_n3A_2535 = arith.select %gt3A_2512, %get3A_2532, %broadcast_in_dim3A_2534 : vector<16xi1>, vector<16xf32>
      %add3A_2536 = arith.addf %add3A_2501, %select_n3A_2535 : vector<16xf32>
      %get3A_2537 = arith.constant 13 : i32
      %get3A_2538 = arith.index_cast %get3A_2537 : i32 to index
      %get3A_2539 = arith.constant 48 : index
      %get3A_2540 = tpu.vector_load %arg12[%get3A_2538, %get3A_2539] {strides = array<i32>} : memref<40x64xf32, #tpu.memory_space<vmem>>, vector<16xf32>,
      %jit3A_2541 = arith.constant 0.000000e+00 : f32
      %broadcast_in_dim3A_2542 = vector.broadcast %jit3A_2541 : f32 to vector<16xf32>
      %select_n3A_2543 = arith.select %gt3A_2512, %get3A_2540, %broadcast_in_dim3A_2542 : vector<16xi1>, vector<16xf32>
      %add3A_2544 = arith.addf %add3A_2509, %select_n3A_2543 : vector<16xf32>
      %gt3A_2545 = arith.constant 14 : i32
      %gt3A_2546 = vector.broadcast %gt3A_2545 : i32 to vector<16xi32>
      %gt3A_2547 = arith.cmpi sgt, %add3A_1901, %gt3A_2546 : vector<16xi32>
      %get3A_2548 = arith.constant 14 : i32
      %get3A_2549 = arith.index_cast %get3A_2548 : i32 to index
      %get3A_2550 = arith.constant 0 : index
      %get3A_2551 = tpu.vector_load %arg12[%get3A_2549, %get3A_2550] {strides = array<i32>} : memref<40x64xf32, #tpu.memory_space<vmem>>, vector<16xf32>,
      %jit3A_2552 = arith.constant 0.000000e+00 : f32
      %broadcast_in_dim3A_2553 = vector.broadcast %jit3A_2552 : f32 to vector<16xf32>
      %select_n3A_2554 = arith.select %gt3A_2547, %get3A_2551, %broadcast_in_dim3A_2553 : vector<16xi1>, vector<16xf32>
      %add3A_2555 = arith.addf %add3A_2520, %select_n3A_2554 : vector<16xf32>
      %get3A_2556 = arith.constant 14 : i32
      %get3A_2557 = arith.index_cast %get3A_2556 : i32 to index
      %get3A_2558 = arith.constant 16 : index
      %get3A_2559 = tpu.vector_load %arg12[%get3A_2557, %get3A_2558] {strides = array<i32>} : memref<40x64xf32, #tpu.memory_space<vmem>>, vector<16xf32>,
      %jit3A_2560 = arith.constant 0.000000e+00 : f32
      %broadcast_in_dim3A_2561 = vector.broadcast %jit3A_2560 : f32 to vector<16xf32>
      %select_n3A_2562 = arith.select %gt3A_2547, %get3A_2559, %broadcast_in_dim3A_2561 : vector<16xi1>, vector<16xf32>
      %add3A_2563 = arith.addf %add3A_2528, %select_n3A_2562 : vector<16xf32>
      %get3A_2564 = arith.constant 14 : i32
      %get3A_2565 = arith.index_cast %get3A_2564 : i32 to index
      %get3A_2566 = arith.constant 32 : index
      %get3A_2567 = tpu.vector_load %arg12[%get3A_2565, %get3A_2566] {strides = array<i32>} : memref<40x64xf32, #tpu.memory_space<vmem>>, vector<16xf32>,
      %jit3A_2568 = arith.constant 0.000000e+00 : f32
      %broadcast_in_dim3A_2569 = vector.broadcast %jit3A_2568 : f32 to vector<16xf32>
      %select_n3A_2570 = arith.select %gt3A_2547, %get3A_2567, %broadcast_in_dim3A_2569 : vector<16xi1>, vector<16xf32>
      %add3A_2571 = arith.addf %add3A_2536, %select_n3A_2570 : vector<16xf32>
      %get3A_2572 = arith.constant 14 : i32
      %get3A_2573 = arith.index_cast %get3A_2572 : i32 to index
      %get3A_2574 = arith.constant 48 : index
      %get3A_2575 = tpu.vector_load %arg12[%get3A_2573, %get3A_2574] {strides = array<i32>} : memref<40x64xf32, #tpu.memory_space<vmem>>, vector<16xf32>,
      %jit3A_2576 = arith.constant 0.000000e+00 : f32
      %broadcast_in_dim3A_2577 = vector.broadcast %jit3A_2576 : f32 to vector<16xf32>
      %select_n3A_2578 = arith.select %gt3A_2547, %get3A_2575, %broadcast_in_dim3A_2577 : vector<16xi1>, vector<16xf32>
      %add3A_2579 = arith.addf %add3A_2544, %select_n3A_2578 : vector<16xf32>
      %gt3A_2580 = arith.constant 15 : i32
      %gt3A_2581 = vector.broadcast %gt3A_2580 : i32 to vector<16xi32>
      %gt3A_2582 = arith.cmpi sgt, %add3A_1901, %gt3A_2581 : vector<16xi32>
      %get3A_2583 = arith.constant 15 : i32
      %get3A_2584 = arith.index_cast %get3A_2583 : i32 to index
      %get3A_2585 = arith.constant 0 : index
      %get3A_2586 = tpu.vector_load %arg12[%get3A_2584, %get3A_2585] {strides = array<i32>} : memref<40x64xf32, #tpu.memory_space<vmem>>, vector<16xf32>,
      %jit3A_2587 = arith.constant 0.000000e+00 : f32
      %broadcast_in_dim3A_2588 = vector.broadcast %jit3A_2587 : f32 to vector<16xf32>
      %select_n3A_2589 = arith.select %gt3A_2582, %get3A_2586, %broadcast_in_dim3A_2588 : vector<16xi1>, vector<16xf32>
      %add3A_2590 = arith.addf %add3A_2555, %select_n3A_2589 : vector<16xf32>
      %get3A_2591 = arith.constant 15 : i32
      %get3A_2592 = arith.index_cast %get3A_2591 : i32 to index
      %get3A_2593 = arith.constant 16 : index
      %get3A_2594 = tpu.vector_load %arg12[%get3A_2592, %get3A_2593] {strides = array<i32>} : memref<40x64xf32, #tpu.memory_space<vmem>>, vector<16xf32>,
      %jit3A_2595 = arith.constant 0.000000e+00 : f32
      %broadcast_in_dim3A_2596 = vector.broadcast %jit3A_2595 : f32 to vector<16xf32>
      %select_n3A_2597 = arith.select %gt3A_2582, %get3A_2594, %broadcast_in_dim3A_2596 : vector<16xi1>, vector<16xf32>
      %add3A_2598 = arith.addf %add3A_2563, %select_n3A_2597 : vector<16xf32>
      %get3A_2599 = arith.constant 15 : i32
      %get3A_2600 = arith.index_cast %get3A_2599 : i32 to index
      %get3A_2601 = arith.constant 32 : index
      %get3A_2602 = tpu.vector_load %arg12[%get3A_2600, %get3A_2601] {strides = array<i32>} : memref<40x64xf32, #tpu.memory_space<vmem>>, vector<16xf32>,
      %jit3A_2603 = arith.constant 0.000000e+00 : f32
      %broadcast_in_dim3A_2604 = vector.broadcast %jit3A_2603 : f32 to vector<16xf32>
      %select_n3A_2605 = arith.select %gt3A_2582, %get3A_2602, %broadcast_in_dim3A_2604 : vector<16xi1>, vector<16xf32>
      %add3A_2606 = arith.addf %add3A_2571, %select_n3A_2605 : vector<16xf32>
      %get3A_2607 = arith.constant 15 : i32
      %get3A_2608 = arith.index_cast %get3A_2607 : i32 to index
      %get3A_2609 = arith.constant 48 : index
      %get3A_2610 = tpu.vector_load %arg12[%get3A_2608, %get3A_2609] {strides = array<i32>} : memref<40x64xf32, #tpu.memory_space<vmem>>, vector<16xf32>,
      %jit3A_2611 = arith.constant 0.000000e+00 : f32
      %broadcast_in_dim3A_2612 = vector.broadcast %jit3A_2611 : f32 to vector<16xf32>
      %select_n3A_2613 = arith.select %gt3A_2582, %get3A_2610, %broadcast_in_dim3A_2612 : vector<16xi1>, vector<16xf32>
      %add3A_2614 = arith.addf %add3A_2579, %select_n3A_2613 : vector<16xf32>
      %gt3A_2615 = arith.constant 16 : i32
      %gt3A_2616 = vector.broadcast %gt3A_2615 : i32 to vector<16xi32>
      %gt3A_2617 = arith.cmpi sgt, %add3A_1901, %gt3A_2616 : vector<16xi32>
      %get3A_2618 = arith.constant 16 : i32
      %get3A_2619 = arith.index_cast %get3A_2618 : i32 to index
      %get3A_2620 = arith.constant 0 : index
      %get3A_2621 = tpu.vector_load %arg12[%get3A_2619, %get3A_2620] {strides = array<i32>} : memref<40x64xf32, #tpu.memory_space<vmem>>, vector<16xf32>,
      %jit3A_2622 = arith.constant 0.000000e+00 : f32
      %broadcast_in_dim3A_2623 = vector.broadcast %jit3A_2622 : f32 to vector<16xf32>
      %select_n3A_2624 = arith.select %gt3A_2617, %get3A_2621, %broadcast_in_dim3A_2623 : vector<16xi1>, vector<16xf32>
      %add3A_2625 = arith.addf %add3A_2590, %select_n3A_2624 : vector<16xf32>
      %get3A_2626 = arith.constant 16 : i32
      %get3A_2627 = arith.index_cast %get3A_2626 : i32 to index
      %get3A_2628 = arith.constant 16 : index
      %get3A_2629 = tpu.vector_load %arg12[%get3A_2627, %get3A_2628] {strides = array<i32>} : memref<40x64xf32, #tpu.memory_space<vmem>>, vector<16xf32>,
      %jit3A_2630 = arith.constant 0.000000e+00 : f32
      %broadcast_in_dim3A_2631 = vector.broadcast %jit3A_2630 : f32 to vector<16xf32>
      %select_n3A_2632 = arith.select %gt3A_2617, %get3A_2629, %broadcast_in_dim3A_2631 : vector<16xi1>, vector<16xf32>
      %add3A_2633 = arith.addf %add3A_2598, %select_n3A_2632 : vector<16xf32>
      %get3A_2634 = arith.constant 16 : i32
      %get3A_2635 = arith.index_cast %get3A_2634 : i32 to index
      %get3A_2636 = arith.constant 32 : index
      %get3A_2637 = tpu.vector_load %arg12[%get3A_2635, %get3A_2636] {strides = array<i32>} : memref<40x64xf32, #tpu.memory_space<vmem>>, vector<16xf32>,
      %jit3A_2638 = arith.constant 0.000000e+00 : f32
      %broadcast_in_dim3A_2639 = vector.broadcast %jit3A_2638 : f32 to vector<16xf32>
      %select_n3A_2640 = arith.select %gt3A_2617, %get3A_2637, %broadcast_in_dim3A_2639 : vector<16xi1>, vector<16xf32>
      %add3A_2641 = arith.addf %add3A_2606, %select_n3A_2640 : vector<16xf32>
      %get3A_2642 = arith.constant 16 : i32
      %get3A_2643 = arith.index_cast %get3A_2642 : i32 to index
      %get3A_2644 = arith.constant 48 : index
      %get3A_2645 = tpu.vector_load %arg12[%get3A_2643, %get3A_2644] {strides = array<i32>} : memref<40x64xf32, #tpu.memory_space<vmem>>, vector<16xf32>,
      %jit3A_2646 = arith.constant 0.000000e+00 : f32
      %broadcast_in_dim3A_2647 = vector.broadcast %jit3A_2646 : f32 to vector<16xf32>
      %select_n3A_2648 = arith.select %gt3A_2617, %get3A_2645, %broadcast_in_dim3A_2647 : vector<16xi1>, vector<16xf32>
      %add3A_2649 = arith.addf %add3A_2614, %select_n3A_2648 : vector<16xf32>
      %gt3A_2650 = arith.constant 17 : i32
      %gt3A_2651 = vector.broadcast %gt3A_2650 : i32 to vector<16xi32>
      %gt3A_2652 = arith.cmpi sgt, %add3A_1901, %gt3A_2651 : vector<16xi32>
      %get3A_2653 = arith.constant 17 : i32
      %get3A_2654 = arith.index_cast %get3A_2653 : i32 to index
      %get3A_2655 = arith.constant 0 : index
      %get3A_2656 = tpu.vector_load %arg12[%get3A_2654, %get3A_2655] {strides = array<i32>} : memref<40x64xf32, #tpu.memory_space<vmem>>, vector<16xf32>,
      %jit3A_2657 = arith.constant 0.000000e+00 : f32
      %broadcast_in_dim3A_2658 = vector.broadcast %jit3A_2657 : f32 to vector<16xf32>
      %select_n3A_2659 = arith.select %gt3A_2652, %get3A_2656, %broadcast_in_dim3A_2658 : vector<16xi1>, vector<16xf32>
      %add3A_2660 = arith.addf %add3A_2625, %select_n3A_2659 : vector<16xf32>
      %get3A_2661 = arith.constant 17 : i32
      %get3A_2662 = arith.index_cast %get3A_2661 : i32 to index
      %get3A_2663 = arith.constant 16 : index
      %get3A_2664 = tpu.vector_load %arg12[%get3A_2662, %get3A_2663] {strides = array<i32>} : memref<40x64xf32, #tpu.memory_space<vmem>>, vector<16xf32>,
      %jit3A_2665 = arith.constant 0.000000e+00 : f32
      %broadcast_in_dim3A_2666 = vector.broadcast %jit3A_2665 : f32 to vector<16xf32>
      %select_n3A_2667 = arith.select %gt3A_2652, %get3A_2664, %broadcast_in_dim3A_2666 : vector<16xi1>, vector<16xf32>
      %add3A_2668 = arith.addf %add3A_2633, %select_n3A_2667 : vector<16xf32>
      %get3A_2669 = arith.constant 17 : i32
      %get3A_2670 = arith.index_cast %get3A_2669 : i32 to index
      %get3A_2671 = arith.constant 32 : index
      %get3A_2672 = tpu.vector_load %arg12[%get3A_2670, %get3A_2671] {strides = array<i32>} : memref<40x64xf32, #tpu.memory_space<vmem>>, vector<16xf32>,
      %jit3A_2673 = arith.constant 0.000000e+00 : f32
      %broadcast_in_dim3A_2674 = vector.broadcast %jit3A_2673 : f32 to vector<16xf32>
      %select_n3A_2675 = arith.select %gt3A_2652, %get3A_2672, %broadcast_in_dim3A_2674 : vector<16xi1>, vector<16xf32>
      %add3A_2676 = arith.addf %add3A_2641, %select_n3A_2675 : vector<16xf32>
      %get3A_2677 = arith.constant 17 : i32
      %get3A_2678 = arith.index_cast %get3A_2677 : i32 to index
      %get3A_2679 = arith.constant 48 : index
      %get3A_2680 = tpu.vector_load %arg12[%get3A_2678, %get3A_2679] {strides = array<i32>} : memref<40x64xf32, #tpu.memory_space<vmem>>, vector<16xf32>,
      %jit3A_2681 = arith.constant 0.000000e+00 : f32
      %broadcast_in_dim3A_2682 = vector.broadcast %jit3A_2681 : f32 to vector<16xf32>
      %select_n3A_2683 = arith.select %gt3A_2652, %get3A_2680, %broadcast_in_dim3A_2682 : vector<16xi1>, vector<16xf32>
      %add3A_2684 = arith.addf %add3A_2649, %select_n3A_2683 : vector<16xf32>
      %gt3A_2685 = arith.constant 18 : i32
      %gt3A_2686 = vector.broadcast %gt3A_2685 : i32 to vector<16xi32>
      %gt3A_2687 = arith.cmpi sgt, %add3A_1901, %gt3A_2686 : vector<16xi32>
      %get3A_2688 = arith.constant 18 : i32
      %get3A_2689 = arith.index_cast %get3A_2688 : i32 to index
      %get3A_2690 = arith.constant 0 : index
      %get3A_2691 = tpu.vector_load %arg12[%get3A_2689, %get3A_2690] {strides = array<i32>} : memref<40x64xf32, #tpu.memory_space<vmem>>, vector<16xf32>,
      %jit3A_2692 = arith.constant 0.000000e+00 : f32
      %broadcast_in_dim3A_2693 = vector.broadcast %jit3A_2692 : f32 to vector<16xf32>
      %select_n3A_2694 = arith.select %gt3A_2687, %get3A_2691, %broadcast_in_dim3A_2693 : vector<16xi1>, vector<16xf32>
      %add3A_2695 = arith.addf %add3A_2660, %select_n3A_2694 : vector<16xf32>
      %get3A_2696 = arith.constant 18 : i32
      %get3A_2697 = arith.index_cast %get3A_2696 : i32 to index
      %get3A_2698 = arith.constant 16 : index
      %get3A_2699 = tpu.vector_load %arg12[%get3A_2697, %get3A_2698] {strides = array<i32>} : memref<40x64xf32, #tpu.memory_space<vmem>>, vector<16xf32>,
      %jit3A_2700 = arith.constant 0.000000e+00 : f32
      %broadcast_in_dim3A_2701 = vector.broadcast %jit3A_2700 : f32 to vector<16xf32>
      %select_n3A_2702 = arith.select %gt3A_2687, %get3A_2699, %broadcast_in_dim3A_2701 : vector<16xi1>, vector<16xf32>
      %add3A_2703 = arith.addf %add3A_2668, %select_n3A_2702 : vector<16xf32>
      %get3A_2704 = arith.constant 18 : i32
      %get3A_2705 = arith.index_cast %get3A_2704 : i32 to index
      %get3A_2706 = arith.constant 32 : index
      %get3A_2707 = tpu.vector_load %arg12[%get3A_2705, %get3A_2706] {strides = array<i32>} : memref<40x64xf32, #tpu.memory_space<vmem>>, vector<16xf32>,
      %jit3A_2708 = arith.constant 0.000000e+00 : f32
      %broadcast_in_dim3A_2709 = vector.broadcast %jit3A_2708 : f32 to vector<16xf32>
      %select_n3A_2710 = arith.select %gt3A_2687, %get3A_2707, %broadcast_in_dim3A_2709 : vector<16xi1>, vector<16xf32>
      %add3A_2711 = arith.addf %add3A_2676, %select_n3A_2710 : vector<16xf32>
      %get3A_2712 = arith.constant 18 : i32
      %get3A_2713 = arith.index_cast %get3A_2712 : i32 to index
      %get3A_2714 = arith.constant 48 : index
      %get3A_2715 = tpu.vector_load %arg12[%get3A_2713, %get3A_2714] {strides = array<i32>} : memref<40x64xf32, #tpu.memory_space<vmem>>, vector<16xf32>,
      %jit3A_2716 = arith.constant 0.000000e+00 : f32
      %broadcast_in_dim3A_2717 = vector.broadcast %jit3A_2716 : f32 to vector<16xf32>
      %select_n3A_2718 = arith.select %gt3A_2687, %get3A_2715, %broadcast_in_dim3A_2717 : vector<16xi1>, vector<16xf32>
      %add3A_2719 = arith.addf %add3A_2684, %select_n3A_2718 : vector<16xf32>
      %gt3A_2720 = arith.constant 19 : i32
      %gt3A_2721 = vector.broadcast %gt3A_2720 : i32 to vector<16xi32>
      %gt3A_2722 = arith.cmpi sgt, %add3A_1901, %gt3A_2721 : vector<16xi32>
      %get3A_2723 = arith.constant 19 : i32
      %get3A_2724 = arith.index_cast %get3A_2723 : i32 to index
      %get3A_2725 = arith.constant 0 : index
      %get3A_2726 = tpu.vector_load %arg12[%get3A_2724, %get3A_2725] {strides = array<i32>} : memref<40x64xf32, #tpu.memory_space<vmem>>, vector<16xf32>,
      %jit3A_2727 = arith.constant 0.000000e+00 : f32
      %broadcast_in_dim3A_2728 = vector.broadcast %jit3A_2727 : f32 to vector<16xf32>
      %select_n3A_2729 = arith.select %gt3A_2722, %get3A_2726, %broadcast_in_dim3A_2728 : vector<16xi1>, vector<16xf32>
      %add3A_2730 = arith.addf %add3A_2695, %select_n3A_2729 : vector<16xf32>
      %get3A_2731 = arith.constant 19 : i32
      %get3A_2732 = arith.index_cast %get3A_2731 : i32 to index
      %get3A_2733 = arith.constant 16 : index
      %get3A_2734 = tpu.vector_load %arg12[%get3A_2732, %get3A_2733] {strides = array<i32>} : memref<40x64xf32, #tpu.memory_space<vmem>>, vector<16xf32>,
      %jit3A_2735 = arith.constant 0.000000e+00 : f32
      %broadcast_in_dim3A_2736 = vector.broadcast %jit3A_2735 : f32 to vector<16xf32>
      %select_n3A_2737 = arith.select %gt3A_2722, %get3A_2734, %broadcast_in_dim3A_2736 : vector<16xi1>, vector<16xf32>
      %add3A_2738 = arith.addf %add3A_2703, %select_n3A_2737 : vector<16xf32>
      %get3A_2739 = arith.constant 19 : i32
      %get3A_2740 = arith.index_cast %get3A_2739 : i32 to index
      %get3A_2741 = arith.constant 32 : index
      %get3A_2742 = tpu.vector_load %arg12[%get3A_2740, %get3A_2741] {strides = array<i32>} : memref<40x64xf32, #tpu.memory_space<vmem>>, vector<16xf32>,
      %jit3A_2743 = arith.constant 0.000000e+00 : f32
      %broadcast_in_dim3A_2744 = vector.broadcast %jit3A_2743 : f32 to vector<16xf32>
      %select_n3A_2745 = arith.select %gt3A_2722, %get3A_2742, %broadcast_in_dim3A_2744 : vector<16xi1>, vector<16xf32>
      %add3A_2746 = arith.addf %add3A_2711, %select_n3A_2745 : vector<16xf32>
      %get3A_2747 = arith.constant 19 : i32
      %get3A_2748 = arith.index_cast %get3A_2747 : i32 to index
      %get3A_2749 = arith.constant 48 : index
      %get3A_2750 = tpu.vector_load %arg12[%get3A_2748, %get3A_2749] {strides = array<i32>} : memref<40x64xf32, #tpu.memory_space<vmem>>, vector<16xf32>,
      %jit3A_2751 = arith.constant 0.000000e+00 : f32
      %broadcast_in_dim3A_2752 = vector.broadcast %jit3A_2751 : f32 to vector<16xf32>
      %select_n3A_2753 = arith.select %gt3A_2722, %get3A_2750, %broadcast_in_dim3A_2752 : vector<16xi1>, vector<16xf32>
      %add3A_2754 = arith.addf %add3A_2719, %select_n3A_2753 : vector<16xf32>
      %convert_element_type3A_2755 = arith.sitofp %add3A_2048 : vector<16xi32> to vector<16xf32>
      %max3A_2756 = arith.constant 1.000000e+00 : f32
      %max3A_2757 = vector.broadcast %max3A_2756 : f32 to vector<16xf32>
      %max3A_2758 = arith.maximumf %convert_element_type3A_2755, %max3A_2757 : vector<16xf32>
      %div3A_2759 = arith.constant 1.000000e+00 : f32
      %div3A_2760 = vector.broadcast %div3A_2759 : f32 to vector<16xf32>
      %div3A_2761 = arith.divf %div3A_2760, %max3A_2758 : vector<16xf32>
      %convert_element_type3A_2762 = arith.sitofp %add3A_1901 : vector<16xi32> to vector<16xf32>
      %max3A_2763 = arith.constant 1.000000e+00 : f32
      %max3A_2764 = vector.broadcast %max3A_2763 : f32 to vector<16xf32>
      %max3A_2765 = arith.maximumf %convert_element_type3A_2762, %max3A_2764 : vector<16xf32>
      %div3A_2766 = arith.constant 1.000000e+00 : f32
      %div3A_2767 = vector.broadcast %div3A_2766 : f32 to vector<16xf32>
      %div3A_2768 = arith.divf %div3A_2767, %max3A_2765 : vector<16xf32>
      %mul3A_2769 = arith.mulf %scan3A_2053#0, %div3A_2761 : vector<16xf32>
      %swap3A_2770 = arith.index_cast %add3A_1922 : i32 to index
      %swap3A_2771 = arith.constant 0 : index
      %swap3A_2772 = tpu.vector_load %arg13[%swap3A_2770, %swap3A_2771] {strides = array<i32>} : memref<128x128xf32, #tpu.memory_space<vmem>>, vector<16xf32>,
      tpu.vector_store %arg13[%swap3A_2770, %swap3A_2771], %mul3A_2769 {strides = array<i32>} : memref<128x128xf32, #tpu.memory_space<vmem>>, vector<16xf32>,
      %mul3A_2773 = arith.mulf %add3A_2730, %div3A_2768 : vector<16xf32>
      %swap3A_2774 = arith.index_cast %add3A_1922 : i32 to index
      %swap3A_2775 = arith.constant 64 : index
      %swap3A_2776 = tpu.vector_load %arg13[%swap3A_2774, %swap3A_2775] {strides = array<i32>} : memref<128x128xf32, #tpu.memory_space<vmem>>, vector<16xf32>,
      tpu.vector_store %arg13[%swap3A_2774, %swap3A_2775], %mul3A_2773 {strides = array<i32>} : memref<128x128xf32, #tpu.memory_space<vmem>>, vector<16xf32>,
      %mul3A_2777 = arith.mulf %scan3A_2053#1, %div3A_2761 : vector<16xf32>
      %swap3A_2778 = arith.index_cast %add3A_1922 : i32 to index
      %swap3A_2779 = arith.constant 16 : index
      %swap3A_2780 = tpu.vector_load %arg13[%swap3A_2778, %swap3A_2779] {strides = array<i32>} : memref<128x128xf32, #tpu.memory_space<vmem>>, vector<16xf32>,
      tpu.vector_store %arg13[%swap3A_2778, %swap3A_2779], %mul3A_2777 {strides = array<i32>} : memref<128x128xf32, #tpu.memory_space<vmem>>, vector<16xf32>,
      %mul3A_2781 = arith.mulf %add3A_2738, %div3A_2768 : vector<16xf32>
      %swap3A_2782 = arith.index_cast %add3A_1922 : i32 to index
      %swap3A_2783 = arith.constant 80 : index
      %swap3A_2784 = tpu.vector_load %arg13[%swap3A_2782, %swap3A_2783] {strides = array<i32>} : memref<128x128xf32, #tpu.memory_space<vmem>>, vector<16xf32>,
      tpu.vector_store %arg13[%swap3A_2782, %swap3A_2783], %mul3A_2781 {strides = array<i32>} : memref<128x128xf32, #tpu.memory_space<vmem>>, vector<16xf32>,
      %mul3A_2785 = arith.mulf %scan3A_2053#2, %div3A_2761 : vector<16xf32>
      %swap3A_2786 = arith.index_cast %add3A_1922 : i32 to index
      %swap3A_2787 = arith.constant 32 : index
      %swap3A_2788 = tpu.vector_load %arg13[%swap3A_2786, %swap3A_2787] {strides = array<i32>} : memref<128x128xf32, #tpu.memory_space<vmem>>, vector<16xf32>,
      tpu.vector_store %arg13[%swap3A_2786, %swap3A_2787], %mul3A_2785 {strides = array<i32>} : memref<128x128xf32, #tpu.memory_space<vmem>>, vector<16xf32>,
      %mul3A_2789 = arith.mulf %add3A_2746, %div3A_2768 : vector<16xf32>
      %swap3A_2790 = arith.index_cast %add3A_1922 : i32 to index
      %swap3A_2791 = arith.constant 96 : index
      %swap3A_2792 = tpu.vector_load %arg13[%swap3A_2790, %swap3A_2791] {strides = array<i32>} : memref<128x128xf32, #tpu.memory_space<vmem>>, vector<16xf32>,
      tpu.vector_store %arg13[%swap3A_2790, %swap3A_2791], %mul3A_2789 {strides = array<i32>} : memref<128x128xf32, #tpu.memory_space<vmem>>, vector<16xf32>,
      %mul3A_2793 = arith.mulf %scan3A_2053#3, %div3A_2761 : vector<16xf32>
      %swap3A_2794 = arith.index_cast %add3A_1922 : i32 to index
      %swap3A_2795 = arith.constant 48 : index
      %swap3A_2796 = tpu.vector_load %arg13[%swap3A_2794, %swap3A_2795] {strides = array<i32>} : memref<128x128xf32, #tpu.memory_space<vmem>>, vector<16xf32>,
      tpu.vector_store %arg13[%swap3A_2794, %swap3A_2795], %mul3A_2793 {strides = array<i32>} : memref<128x128xf32, #tpu.memory_space<vmem>>, vector<16xf32>,
      %mul3A_2797 = arith.mulf %add3A_2754, %div3A_2768 : vector<16xf32>
      %swap3A_2798 = arith.index_cast %add3A_1922 : i32 to index
      %swap3A_2799 = arith.constant 112 : index
      %swap3A_2800 = tpu.vector_load %arg13[%swap3A_2798, %swap3A_2799] {strides = array<i32>} : memref<128x128xf32, #tpu.memory_space<vmem>>, vector<16xf32>,
      tpu.vector_store %arg13[%swap3A_2798, %swap3A_2799], %mul3A_2797 {strides = array<i32>} : memref<128x128xf32, #tpu.memory_space<vmem>>, vector<16xf32>,
      %mul3A_2801 = arith.constant 2 : i32
      %mul3A_2802 = arith.muli %add3A_1875, %mul3A_2801 : i32
      %add3A_2803 = arith.constant 1 : i32
      %add3A_2804 = arith.addi %mul3A_2802, %add3A_2803 : i32
      %mul3A_2805 = arith.constant 200 : i32
      %mul3A_2806 = arith.muli %add3A_2804, %mul3A_2805 : i32
      %multiple_of3A_2807 = tpu.assume_multiple %mul3A_2806, 200 : i32
      %add3A_2808 = arith.constant 0 : i32
      %add3A_2809 = arith.addi %multiple_of3A_2807, %add3A_2808 : i32
      %get3A_2810 = arith.index_cast %add3A_2809 : i32 to index
      %get3A_2811 = tpu.vector_load %arg7[%get3A_2810] {strides = array<i32>} : memref<25600xi32, #tpu.memory_space<vmem>>, vector<16xi32>,
      %ne3A_2812 = arith.constant 0 : i32
      %ne3A_2813 = vector.broadcast %ne3A_2812 : i32 to vector<16xi32>
      %ne3A_2814 = arith.cmpi ne, %get3A_2811, %ne3A_2813 : vector<16xi32>
      %all_reduce_population_count3A_2815 = tpu.all_reduce %ne3A_2814 {dim = 0 : i64, kind = #tpu.reduction_kind<sum>} : vector<16xi1> -> vector<16xi32>
      %add3A_2816 = arith.addi %broadcast_in_dim3A_3, %all_reduce_population_count3A_2815 : vector<16xi32>
      %add3A_2817 = arith.constant 16 : i32
      %add3A_2818 = arith.addi %multiple_of3A_2807, %add3A_2817 : i32
      %get3A_2819 = arith.index_cast %add3A_2818 : i32 to index
      %get3A_2820 = tpu.vector_load %arg7[%get3A_2819] {strides = array<i32>} : memref<25600xi32, #tpu.memory_space<vmem>>, vector<16xi32>,
      %ne3A_2821 = arith.constant 0 : i32
      %ne3A_2822 = vector.broadcast %ne3A_2821 : i32 to vector<16xi32>
      %ne3A_2823 = arith.cmpi ne, %get3A_2820, %ne3A_2822 : vector<16xi32>
      %all_reduce_population_count3A_2824 = tpu.all_reduce %ne3A_2823 {dim = 0 : i64, kind = #tpu.reduction_kind<sum>} : vector<16xi1> -> vector<16xi32>
      %add3A_2825 = arith.addi %add3A_2816, %all_reduce_population_count3A_2824 : vector<16xi32>
      %add3A_2826 = arith.constant 32 : i32
      %add3A_2827 = arith.addi %multiple_of3A_2807, %add3A_2826 : i32
      %get3A_2828 = arith.index_cast %add3A_2827 : i32 to index
      %get3A_2829 = tpu.vector_load %arg7[%get3A_2828] {strides = array<i32>} : memref<25600xi32, #tpu.memory_space<vmem>>, vector<16xi32>,
      %ne3A_2830 = arith.constant 0 : i32
      %ne3A_2831 = vector.broadcast %ne3A_2830 : i32 to vector<16xi32>
      %ne3A_2832 = arith.cmpi ne, %get3A_2829, %ne3A_2831 : vector<16xi32>
      %all_reduce_population_count3A_2833 = tpu.all_reduce %ne3A_2832 {dim = 0 : i64, kind = #tpu.reduction_kind<sum>} : vector<16xi1> -> vector<16xi32>
      %add3A_2834 = arith.addi %add3A_2825, %all_reduce_population_count3A_2833 : vector<16xi32>
      %add3A_2835 = arith.constant 48 : i32
      %add3A_2836 = arith.addi %multiple_of3A_2807, %add3A_2835 : i32
      %get3A_2837 = arith.index_cast %add3A_2836 : i32 to index
      %get3A_2838 = tpu.vector_load %arg7[%get3A_2837] {strides = array<i32>} : memref<25600xi32, #tpu.memory_space<vmem>>, vector<16xi32>,
      %ne3A_2839 = arith.constant 0 : i32
      %ne3A_2840 = vector.broadcast %ne3A_2839 : i32 to vector<16xi32>
      %ne3A_2841 = arith.cmpi ne, %get3A_2838, %ne3A_2840 : vector<16xi32>
      %all_reduce_population_count3A_2842 = tpu.all_reduce %ne3A_2841 {dim = 0 : i64, kind = #tpu.reduction_kind<sum>} : vector<16xi1> -> vector<16xi32>
      %add3A_2843 = arith.addi %add3A_2834, %all_reduce_population_count3A_2842 : vector<16xi32>
      %add3A_2844 = arith.constant 64 : i32
      %add3A_2845 = arith.addi %multiple_of3A_2807, %add3A_2844 : i32
      %get3A_2846 = arith.index_cast %add3A_2845 : i32 to index
      %get3A_2847 = tpu.vector_load %arg7[%get3A_2846] {strides = array<i32>} : memref<25600xi32, #tpu.memory_space<vmem>>, vector<16xi32>,
      %ne3A_2848 = arith.constant 0 : i32
      %ne3A_2849 = vector.broadcast %ne3A_2848 : i32 to vector<16xi32>
      %ne3A_2850 = arith.cmpi ne, %get3A_2847, %ne3A_2849 : vector<16xi32>
      %all_reduce_population_count3A_2851 = tpu.all_reduce %ne3A_2850 {dim = 0 : i64, kind = #tpu.reduction_kind<sum>} : vector<16xi1> -> vector<16xi32>
      %add3A_2852 = arith.addi %add3A_2843, %all_reduce_population_count3A_2851 : vector<16xi32>
      %add3A_2853 = arith.constant 80 : i32
      %add3A_2854 = arith.addi %multiple_of3A_2807, %add3A_2853 : i32
      %get3A_2855 = arith.index_cast %add3A_2854 : i32 to index
      %get3A_2856 = tpu.vector_load %arg7[%get3A_2855] {strides = array<i32>} : memref<25600xi32, #tpu.memory_space<vmem>>, vector<16xi32>,
      %ne3A_2857 = arith.constant 0 : i32
      %ne3A_2858 = vector.broadcast %ne3A_2857 : i32 to vector<16xi32>
      %ne3A_2859 = arith.cmpi ne, %get3A_2856, %ne3A_2858 : vector<16xi32>
      %all_reduce_population_count3A_2860 = tpu.all_reduce %ne3A_2859 {dim = 0 : i64, kind = #tpu.reduction_kind<sum>} : vector<16xi1> -> vector<16xi32>
      %add3A_2861 = arith.addi %add3A_2852, %all_reduce_population_count3A_2860 : vector<16xi32>
      %add3A_2862 = arith.constant 96 : i32
      %add3A_2863 = arith.addi %multiple_of3A_2807, %add3A_2862 : i32
      %get3A_2864 = arith.index_cast %add3A_2863 : i32 to index
      %get3A_2865 = tpu.vector_load %arg7[%get3A_2864] {strides = array<i32>} : memref<25600xi32, #tpu.memory_space<vmem>>, vector<16xi32>,
      %ne3A_2866 = arith.constant 0 : i32
      %ne3A_2867 = vector.broadcast %ne3A_2866 : i32 to vector<16xi32>
      %ne3A_2868 = arith.cmpi ne, %get3A_2865, %ne3A_2867 : vector<16xi32>
      %all_reduce_population_count3A_2869 = tpu.all_reduce %ne3A_2868 {dim = 0 : i64, kind = #tpu.reduction_kind<sum>} : vector<16xi1> -> vector<16xi32>
      %add3A_2870 = arith.addi %add3A_2861, %all_reduce_population_count3A_2869 : vector<16xi32>
      %add3A_2871 = arith.constant 112 : i32
      %add3A_2872 = arith.addi %multiple_of3A_2807, %add3A_2871 : i32
      %get3A_2873 = arith.index_cast %add3A_2872 : i32 to index
      %get3A_2874 = tpu.vector_load %arg7[%get3A_2873] {strides = array<i32>} : memref<25600xi32, #tpu.memory_space<vmem>>, vector<16xi32>,
      %ne3A_2875 = arith.constant 0 : i32
      %ne3A_2876 = vector.broadcast %ne3A_2875 : i32 to vector<16xi32>
      %ne3A_2877 = arith.cmpi ne, %get3A_2874, %ne3A_2876 : vector<16xi32>
      %all_reduce_population_count3A_2878 = tpu.all_reduce %ne3A_2877 {dim = 0 : i64, kind = #tpu.reduction_kind<sum>} : vector<16xi1> -> vector<16xi32>
      %add3A_2879 = arith.addi %add3A_2870, %all_reduce_population_count3A_2878 : vector<16xi32>
      %add3A_2880 = arith.constant 128 : i32
      %add3A_2881 = arith.addi %multiple_of3A_2807, %add3A_2880 : i32
      %get3A_2882 = arith.index_cast %add3A_2881 : i32 to index
      %get3A_2883 = tpu.vector_load %arg7[%get3A_2882] {strides = array<i32>} : memref<25600xi32, #tpu.memory_space<vmem>>, vector<16xi32>,
      %ne3A_2884 = arith.constant 0 : i32
      %ne3A_2885 = vector.broadcast %ne3A_2884 : i32 to vector<16xi32>
      %ne3A_2886 = arith.cmpi ne, %get3A_2883, %ne3A_2885 : vector<16xi32>
      %all_reduce_population_count3A_2887 = tpu.all_reduce %ne3A_2886 {dim = 0 : i64, kind = #tpu.reduction_kind<sum>} : vector<16xi1> -> vector<16xi32>
      %add3A_2888 = arith.addi %add3A_2879, %all_reduce_population_count3A_2887 : vector<16xi32>
      %add3A_2889 = arith.constant 144 : i32
      %add3A_2890 = arith.addi %multiple_of3A_2807, %add3A_2889 : i32
      %get3A_2891 = arith.index_cast %add3A_2890 : i32 to index
      %get3A_2892 = tpu.vector_load %arg7[%get3A_2891] {strides = array<i32>} : memref<25600xi32, #tpu.memory_space<vmem>>, vector<16xi32>,
      %ne3A_2893 = arith.constant 0 : i32
      %ne3A_2894 = vector.broadcast %ne3A_2893 : i32 to vector<16xi32>
      %ne3A_2895 = arith.cmpi ne, %get3A_2892, %ne3A_2894 : vector<16xi32>
      %all_reduce_population_count3A_2896 = tpu.all_reduce %ne3A_2895 {dim = 0 : i64, kind = #tpu.reduction_kind<sum>} : vector<16xi1> -> vector<16xi32>
      %add3A_2897 = arith.addi %add3A_2888, %all_reduce_population_count3A_2896 : vector<16xi32>
      %add3A_2898 = arith.constant 160 : i32
      %add3A_2899 = arith.addi %multiple_of3A_2807, %add3A_2898 : i32
      %get3A_2900 = arith.index_cast %add3A_2899 : i32 to index
      %get3A_2901 = tpu.vector_load %arg7[%get3A_2900] {strides = array<i32>} : memref<25600xi32, #tpu.memory_space<vmem>>, vector<16xi32>,
      %ne3A_2902 = arith.constant 0 : i32
      %ne3A_2903 = vector.broadcast %ne3A_2902 : i32 to vector<16xi32>
      %ne3A_2904 = arith.cmpi ne, %get3A_2901, %ne3A_2903 : vector<16xi32>
      %all_reduce_population_count3A_2905 = tpu.all_reduce %ne3A_2904 {dim = 0 : i64, kind = #tpu.reduction_kind<sum>} : vector<16xi1> -> vector<16xi32>
      %add3A_2906 = arith.addi %add3A_2897, %all_reduce_population_count3A_2905 : vector<16xi32>
      %add3A_2907 = arith.constant 176 : i32
      %add3A_2908 = arith.addi %multiple_of3A_2807, %add3A_2907 : i32
      %get3A_2909 = arith.index_cast %add3A_2908 : i32 to index
      %get3A_2910 = tpu.vector_load %arg7[%get3A_2909] {strides = array<i32>} : memref<25600xi32, #tpu.memory_space<vmem>>, vector<16xi32>,
      %ne3A_2911 = arith.constant 0 : i32
      %ne3A_2912 = vector.broadcast %ne3A_2911 : i32 to vector<16xi32>
      %ne3A_2913 = arith.cmpi ne, %get3A_2910, %ne3A_2912 : vector<16xi32>
      %all_reduce_population_count3A_2914 = tpu.all_reduce %ne3A_2913 {dim = 0 : i64, kind = #tpu.reduction_kind<sum>} : vector<16xi1> -> vector<16xi32>
      %add3A_2915 = arith.addi %add3A_2906, %all_reduce_population_count3A_2914 : vector<16xi32>
      %add3A_2916 = arith.constant 200 : i32
      %add3A_2917 = arith.addi %multiple_of3A_2807, %add3A_2916 : i32
      %sub3A_2918 = arith.constant 16 : i32
      %sub3A_2919 = arith.subi %add3A_2917, %sub3A_2918 : i32
      %get3A_2920 = arith.index_cast %sub3A_2919 : i32 to index
      %get3A_2921 = tpu.vector_load %arg7[%get3A_2920] {strides = array<i32>} : memref<25600xi32, #tpu.memory_space<vmem>>, vector<16xi32>,
      %ge3A_2922 = arith.constant 8 : i32
      %ge3A_2923 = vector.broadcast %ge3A_2922 : i32 to vector<16xi32>
      %ge3A_2924 = arith.cmpi sge, %iota3A, %ge3A_2923 : vector<16xi32>
      %ne3A_2925 = arith.constant 0 : i32
      %ne3A_2926 = vector.broadcast %ne3A_2925 : i32 to vector<16xi32>
      %ne3A_2927 = arith.cmpi ne, %get3A_2921, %ne3A_2926 : vector<16xi32>
      %and3A_2928 = arith.andi %ne3A_2927, %ge3A_2924 : vector<16xi1>
      %all_reduce_population_count3A_2929 = tpu.all_reduce %and3A_2928 {dim = 0 : i64, kind = #tpu.reduction_kind<sum>} : vector<16xi1> -> vector<16xi32>
      %add3A_2930 = arith.addi %add3A_2915, %all_reduce_population_count3A_2929 : vector<16xi32>
      %scan3A_2931 = arith.constant 0 : i32
      %scan3A_2932 = arith.constant 25 : i32
      %scan3A_2933 = arith.addi %scan3A_2931, %scan3A_2932 : i32
      %scan3A_2934 = arith.constant 1 : i32
      %scan3A_2935:4 = scf.for %scan3A_3683 = %scan3A_2931 to %scan3A_2933 step %scan3A_2934 iter_args(%scan3A_3684 = %broadcast_in_dim3A_5, %scan3A_3685 = %broadcast_in_dim3A_5, %scan3A_3686 = %broadcast_in_dim3A_5, %scan3A_3687 = %broadcast_in_dim3A_5) -> (vector<16xf32>, vector<16xf32>, vector<16xf32>, vector<16xf32>)  : i32 {
        %mul3A_3688 = arith.constant 8 : i32
        %mul3A_3689 = arith.muli %scan3A_3683, %mul3A_3688 : i32
        %add3A_3690 = arith.constant 0 : i32
        %add3A_3691 = arith.addi %mul3A_3689, %add3A_3690 : i32
        %gt3A_3692 = vector.broadcast %add3A_3691 : i32 to vector<16xi32>
        %gt3A_3693 = arith.cmpi sgt, %add3A_2930, %gt3A_3692 : vector<16xi32>
        %add3A_3694 = arith.constant 200 : i32
        %add3A_3695 = arith.addi %add3A_3694, %add3A_3691 : i32
        %get3A_3696 = arith.index_cast %add3A_3695 : i32 to index
        %get3A_3697 = arith.constant 0 : index
        %get3A_3698 = tpu.vector_load %arg10[%get3A_3696, %get3A_3697] {strides = array<i32>} : memref<400x64xf32, #tpu.memory_space<vmem>>, vector<16xf32>,
        %jit3A_3699 = arith.constant 0.000000e+00 : f32
        %broadcast_in_dim3A_3700 = vector.broadcast %jit3A_3699 : f32 to vector<16xf32>
        %select_n3A_3701 = arith.select %gt3A_3693, %get3A_3698, %broadcast_in_dim3A_3700 : vector<16xi1>, vector<16xf32>
        %add3A_3702 = arith.addf %scan3A_3684, %select_n3A_3701 : vector<16xf32>
        %add3A_3703 = arith.constant 200 : i32
        %add3A_3704 = arith.addi %add3A_3703, %add3A_3691 : i32
        %get3A_3705 = arith.index_cast %add3A_3704 : i32 to index
        %get3A_3706 = arith.constant 16 : index
        %get3A_3707 = tpu.vector_load %arg10[%get3A_3705, %get3A_3706] {strides = array<i32>} : memref<400x64xf32, #tpu.memory_space<vmem>>, vector<16xf32>,
        %jit3A_3708 = arith.constant 0.000000e+00 : f32
        %broadcast_in_dim3A_3709 = vector.broadcast %jit3A_3708 : f32 to vector<16xf32>
        %select_n3A_3710 = arith.select %gt3A_3693, %get3A_3707, %broadcast_in_dim3A_3709 : vector<16xi1>, vector<16xf32>
        %add3A_3711 = arith.addf %scan3A_3685, %select_n3A_3710 : vector<16xf32>
        %add3A_3712 = arith.constant 200 : i32
        %add3A_3713 = arith.addi %add3A_3712, %add3A_3691 : i32
        %get3A_3714 = arith.index_cast %add3A_3713 : i32 to index
        %get3A_3715 = arith.constant 32 : index
        %get3A_3716 = tpu.vector_load %arg10[%get3A_3714, %get3A_3715] {strides = array<i32>} : memref<400x64xf32, #tpu.memory_space<vmem>>, vector<16xf32>,
        %jit3A_3717 = arith.constant 0.000000e+00 : f32
        %broadcast_in_dim3A_3718 = vector.broadcast %jit3A_3717 : f32 to vector<16xf32>
        %select_n3A_3719 = arith.select %gt3A_3693, %get3A_3716, %broadcast_in_dim3A_3718 : vector<16xi1>, vector<16xf32>
        %add3A_3720 = arith.addf %scan3A_3686, %select_n3A_3719 : vector<16xf32>
        %add3A_3721 = arith.constant 200 : i32
        %add3A_3722 = arith.addi %add3A_3721, %add3A_3691 : i32
        %get3A_3723 = arith.index_cast %add3A_3722 : i32 to index
        %get3A_3724 = arith.constant 48 : index
        %get3A_3725 = tpu.vector_load %arg10[%get3A_3723, %get3A_3724] {strides = array<i32>} : memref<400x64xf32, #tpu.memory_space<vmem>>, vector<16xf32>,
        %jit3A_3726 = arith.constant 0.000000e+00 : f32
        %broadcast_in_dim3A_3727 = vector.broadcast %jit3A_3726 : f32 to vector<16xf32>
        %select_n3A_3728 = arith.select %gt3A_3693, %get3A_3725, %broadcast_in_dim3A_3727 : vector<16xi1>, vector<16xf32>
        %add3A_3729 = arith.addf %scan3A_3687, %select_n3A_3728 : vector<16xf32>
        %mul3A_3730 = arith.constant 8 : i32
        %mul3A_3731 = arith.muli %scan3A_3683, %mul3A_3730 : i32
        %add3A_3732 = arith.constant 1 : i32
        %add3A_3733 = arith.addi %mul3A_3731, %add3A_3732 : i32
        %gt3A_3734 = vector.broadcast %add3A_3733 : i32 to vector<16xi32>
        %gt3A_3735 = arith.cmpi sgt, %add3A_2930, %gt3A_3734 : vector<16xi32>
        %add3A_3736 = arith.constant 200 : i32
        %add3A_3737 = arith.addi %add3A_3736, %add3A_3733 : i32
        %get3A_3738 = arith.index_cast %add3A_3737 : i32 to index
        %get3A_3739 = arith.constant 0 : index
        %get3A_3740 = tpu.vector_load %arg10[%get3A_3738, %get3A_3739] {strides = array<i32>} : memref<400x64xf32, #tpu.memory_space<vmem>>, vector<16xf32>,
        %jit3A_3741 = arith.constant 0.000000e+00 : f32
        %broadcast_in_dim3A_3742 = vector.broadcast %jit3A_3741 : f32 to vector<16xf32>
        %select_n3A_3743 = arith.select %gt3A_3735, %get3A_3740, %broadcast_in_dim3A_3742 : vector<16xi1>, vector<16xf32>
        %add3A_3744 = arith.addf %add3A_3702, %select_n3A_3743 : vector<16xf32>
        %add3A_3745 = arith.constant 200 : i32
        %add3A_3746 = arith.addi %add3A_3745, %add3A_3733 : i32
        %get3A_3747 = arith.index_cast %add3A_3746 : i32 to index
        %get3A_3748 = arith.constant 16 : index
        %get3A_3749 = tpu.vector_load %arg10[%get3A_3747, %get3A_3748] {strides = array<i32>} : memref<400x64xf32, #tpu.memory_space<vmem>>, vector<16xf32>,
        %jit3A_3750 = arith.constant 0.000000e+00 : f32
        %broadcast_in_dim3A_3751 = vector.broadcast %jit3A_3750 : f32 to vector<16xf32>
        %select_n3A_3752 = arith.select %gt3A_3735, %get3A_3749, %broadcast_in_dim3A_3751 : vector<16xi1>, vector<16xf32>
        %add3A_3753 = arith.addf %add3A_3711, %select_n3A_3752 : vector<16xf32>
        %add3A_3754 = arith.constant 200 : i32
        %add3A_3755 = arith.addi %add3A_3754, %add3A_3733 : i32
        %get3A_3756 = arith.index_cast %add3A_3755 : i32 to index
        %get3A_3757 = arith.constant 32 : index
        %get3A_3758 = tpu.vector_load %arg10[%get3A_3756, %get3A_3757] {strides = array<i32>} : memref<400x64xf32, #tpu.memory_space<vmem>>, vector<16xf32>,
        %jit3A_3759 = arith.constant 0.000000e+00 : f32
        %broadcast_in_dim3A_3760 = vector.broadcast %jit3A_3759 : f32 to vector<16xf32>
        %select_n3A_3761 = arith.select %gt3A_3735, %get3A_3758, %broadcast_in_dim3A_3760 : vector<16xi1>, vector<16xf32>
        %add3A_3762 = arith.addf %add3A_3720, %select_n3A_3761 : vector<16xf32>
        %add3A_3763 = arith.constant 200 : i32
        %add3A_3764 = arith.addi %add3A_3763, %add3A_3733 : i32
        %get3A_3765 = arith.index_cast %add3A_3764 : i32 to index
        %get3A_3766 = arith.constant 48 : index
        %get3A_3767 = tpu.vector_load %arg10[%get3A_3765, %get3A_3766] {strides = array<i32>} : memref<400x64xf32, #tpu.memory_space<vmem>>, vector<16xf32>,
        %jit3A_3768 = arith.constant 0.000000e+00 : f32
        %broadcast_in_dim3A_3769 = vector.broadcast %jit3A_3768 : f32 to vector<16xf32>
        %select_n3A_3770 = arith.select %gt3A_3735, %get3A_3767, %broadcast_in_dim3A_3769 : vector<16xi1>, vector<16xf32>
        %add3A_3771 = arith.addf %add3A_3729, %select_n3A_3770 : vector<16xf32>
        %mul3A_3772 = arith.constant 8 : i32
        %mul3A_3773 = arith.muli %scan3A_3683, %mul3A_3772 : i32
        %add3A_3774 = arith.constant 2 : i32
        %add3A_3775 = arith.addi %mul3A_3773, %add3A_3774 : i32
        %gt3A_3776 = vector.broadcast %add3A_3775 : i32 to vector<16xi32>
        %gt3A_3777 = arith.cmpi sgt, %add3A_2930, %gt3A_3776 : vector<16xi32>
        %add3A_3778 = arith.constant 200 : i32
        %add3A_3779 = arith.addi %add3A_3778, %add3A_3775 : i32
        %get3A_3780 = arith.index_cast %add3A_3779 : i32 to index
        %get3A_3781 = arith.constant 0 : index
        %get3A_3782 = tpu.vector_load %arg10[%get3A_3780, %get3A_3781] {strides = array<i32>} : memref<400x64xf32, #tpu.memory_space<vmem>>, vector<16xf32>,
        %jit3A_3783 = arith.constant 0.000000e+00 : f32
        %broadcast_in_dim3A_3784 = vector.broadcast %jit3A_3783 : f32 to vector<16xf32>
        %select_n3A_3785 = arith.select %gt3A_3777, %get3A_3782, %broadcast_in_dim3A_3784 : vector<16xi1>, vector<16xf32>
        %add3A_3786 = arith.addf %add3A_3744, %select_n3A_3785 : vector<16xf32>
        %add3A_3787 = arith.constant 200 : i32
        %add3A_3788 = arith.addi %add3A_3787, %add3A_3775 : i32
        %get3A_3789 = arith.index_cast %add3A_3788 : i32 to index
        %get3A_3790 = arith.constant 16 : index
        %get3A_3791 = tpu.vector_load %arg10[%get3A_3789, %get3A_3790] {strides = array<i32>} : memref<400x64xf32, #tpu.memory_space<vmem>>, vector<16xf32>,
        %jit3A_3792 = arith.constant 0.000000e+00 : f32
        %broadcast_in_dim3A_3793 = vector.broadcast %jit3A_3792 : f32 to vector<16xf32>
        %select_n3A_3794 = arith.select %gt3A_3777, %get3A_3791, %broadcast_in_dim3A_3793 : vector<16xi1>, vector<16xf32>
        %add3A_3795 = arith.addf %add3A_3753, %select_n3A_3794 : vector<16xf32>
        %add3A_3796 = arith.constant 200 : i32
        %add3A_3797 = arith.addi %add3A_3796, %add3A_3775 : i32
        %get3A_3798 = arith.index_cast %add3A_3797 : i32 to index
        %get3A_3799 = arith.constant 32 : index
        %get3A_3800 = tpu.vector_load %arg10[%get3A_3798, %get3A_3799] {strides = array<i32>} : memref<400x64xf32, #tpu.memory_space<vmem>>, vector<16xf32>,
        %jit3A_3801 = arith.constant 0.000000e+00 : f32
        %broadcast_in_dim3A_3802 = vector.broadcast %jit3A_3801 : f32 to vector<16xf32>
        %select_n3A_3803 = arith.select %gt3A_3777, %get3A_3800, %broadcast_in_dim3A_3802 : vector<16xi1>, vector<16xf32>
        %add3A_3804 = arith.addf %add3A_3762, %select_n3A_3803 : vector<16xf32>
        %add3A_3805 = arith.constant 200 : i32
        %add3A_3806 = arith.addi %add3A_3805, %add3A_3775 : i32
        %get3A_3807 = arith.index_cast %add3A_3806 : i32 to index
        %get3A_3808 = arith.constant 48 : index
        %get3A_3809 = tpu.vector_load %arg10[%get3A_3807, %get3A_3808] {strides = array<i32>} : memref<400x64xf32, #tpu.memory_space<vmem>>, vector<16xf32>,
        %jit3A_3810 = arith.constant 0.000000e+00 : f32
        %broadcast_in_dim3A_3811 = vector.broadcast %jit3A_3810 : f32 to vector<16xf32>
        %select_n3A_3812 = arith.select %gt3A_3777, %get3A_3809, %broadcast_in_dim3A_3811 : vector<16xi1>, vector<16xf32>
        %add3A_3813 = arith.addf %add3A_3771, %select_n3A_3812 : vector<16xf32>
        %mul3A_3814 = arith.constant 8 : i32
        %mul3A_3815 = arith.muli %scan3A_3683, %mul3A_3814 : i32
        %add3A_3816 = arith.constant 3 : i32
        %add3A_3817 = arith.addi %mul3A_3815, %add3A_3816 : i32
        %gt3A_3818 = vector.broadcast %add3A_3817 : i32 to vector<16xi32>
        %gt3A_3819 = arith.cmpi sgt, %add3A_2930, %gt3A_3818 : vector<16xi32>
        %add3A_3820 = arith.constant 200 : i32
        %add3A_3821 = arith.addi %add3A_3820, %add3A_3817 : i32
        %get3A_3822 = arith.index_cast %add3A_3821 : i32 to index
        %get3A_3823 = arith.constant 0 : index
        %get3A_3824 = tpu.vector_load %arg10[%get3A_3822, %get3A_3823] {strides = array<i32>} : memref<400x64xf32, #tpu.memory_space<vmem>>, vector<16xf32>,
        %jit3A_3825 = arith.constant 0.000000e+00 : f32
        %broadcast_in_dim3A_3826 = vector.broadcast %jit3A_3825 : f32 to vector<16xf32>
        %select_n3A_3827 = arith.select %gt3A_3819, %get3A_3824, %broadcast_in_dim3A_3826 : vector<16xi1>, vector<16xf32>
        %add3A_3828 = arith.addf %add3A_3786, %select_n3A_3827 : vector<16xf32>
        %add3A_3829 = arith.constant 200 : i32
        %add3A_3830 = arith.addi %add3A_3829, %add3A_3817 : i32
        %get3A_3831 = arith.index_cast %add3A_3830 : i32 to index
        %get3A_3832 = arith.constant 16 : index
        %get3A_3833 = tpu.vector_load %arg10[%get3A_3831, %get3A_3832] {strides = array<i32>} : memref<400x64xf32, #tpu.memory_space<vmem>>, vector<16xf32>,
        %jit3A_3834 = arith.constant 0.000000e+00 : f32
        %broadcast_in_dim3A_3835 = vector.broadcast %jit3A_3834 : f32 to vector<16xf32>
        %select_n3A_3836 = arith.select %gt3A_3819, %get3A_3833, %broadcast_in_dim3A_3835 : vector<16xi1>, vector<16xf32>
        %add3A_3837 = arith.addf %add3A_3795, %select_n3A_3836 : vector<16xf32>
        %add3A_3838 = arith.constant 200 : i32
        %add3A_3839 = arith.addi %add3A_3838, %add3A_3817 : i32
        %get3A_3840 = arith.index_cast %add3A_3839 : i32 to index
        %get3A_3841 = arith.constant 32 : index
        %get3A_3842 = tpu.vector_load %arg10[%get3A_3840, %get3A_3841] {strides = array<i32>} : memref<400x64xf32, #tpu.memory_space<vmem>>, vector<16xf32>,
        %jit3A_3843 = arith.constant 0.000000e+00 : f32
        %broadcast_in_dim3A_3844 = vector.broadcast %jit3A_3843 : f32 to vector<16xf32>
        %select_n3A_3845 = arith.select %gt3A_3819, %get3A_3842, %broadcast_in_dim3A_3844 : vector<16xi1>, vector<16xf32>
        %add3A_3846 = arith.addf %add3A_3804, %select_n3A_3845 : vector<16xf32>
        %add3A_3847 = arith.constant 200 : i32
        %add3A_3848 = arith.addi %add3A_3847, %add3A_3817 : i32
        %get3A_3849 = arith.index_cast %add3A_3848 : i32 to index
        %get3A_3850 = arith.constant 48 : index
        %get3A_3851 = tpu.vector_load %arg10[%get3A_3849, %get3A_3850] {strides = array<i32>} : memref<400x64xf32, #tpu.memory_space<vmem>>, vector<16xf32>,
        %jit3A_3852 = arith.constant 0.000000e+00 : f32
        %broadcast_in_dim3A_3853 = vector.broadcast %jit3A_3852 : f32 to vector<16xf32>
        %select_n3A_3854 = arith.select %gt3A_3819, %get3A_3851, %broadcast_in_dim3A_3853 : vector<16xi1>, vector<16xf32>
        %add3A_3855 = arith.addf %add3A_3813, %select_n3A_3854 : vector<16xf32>
        %mul3A_3856 = arith.constant 8 : i32
        %mul3A_3857 = arith.muli %scan3A_3683, %mul3A_3856 : i32
        %add3A_3858 = arith.constant 4 : i32
        %add3A_3859 = arith.addi %mul3A_3857, %add3A_3858 : i32
        %gt3A_3860 = vector.broadcast %add3A_3859 : i32 to vector<16xi32>
        %gt3A_3861 = arith.cmpi sgt, %add3A_2930, %gt3A_3860 : vector<16xi32>
        %add3A_3862 = arith.constant 200 : i32
        %add3A_3863 = arith.addi %add3A_3862, %add3A_3859 : i32
        %get3A_3864 = arith.index_cast %add3A_3863 : i32 to index
        %get3A_3865 = arith.constant 0 : index
        %get3A_3866 = tpu.vector_load %arg10[%get3A_3864, %get3A_3865] {strides = array<i32>} : memref<400x64xf32, #tpu.memory_space<vmem>>, vector<16xf32>,
        %jit3A_3867 = arith.constant 0.000000e+00 : f32
        %broadcast_in_dim3A_3868 = vector.broadcast %jit3A_3867 : f32 to vector<16xf32>
        %select_n3A_3869 = arith.select %gt3A_3861, %get3A_3866, %broadcast_in_dim3A_3868 : vector<16xi1>, vector<16xf32>
        %add3A_3870 = arith.addf %add3A_3828, %select_n3A_3869 : vector<16xf32>
        %add3A_3871 = arith.constant 200 : i32
        %add3A_3872 = arith.addi %add3A_3871, %add3A_3859 : i32
        %get3A_3873 = arith.index_cast %add3A_3872 : i32 to index
        %get3A_3874 = arith.constant 16 : index
        %get3A_3875 = tpu.vector_load %arg10[%get3A_3873, %get3A_3874] {strides = array<i32>} : memref<400x64xf32, #tpu.memory_space<vmem>>, vector<16xf32>,
        %jit3A_3876 = arith.constant 0.000000e+00 : f32
        %broadcast_in_dim3A_3877 = vector.broadcast %jit3A_3876 : f32 to vector<16xf32>
        %select_n3A_3878 = arith.select %gt3A_3861, %get3A_3875, %broadcast_in_dim3A_3877 : vector<16xi1>, vector<16xf32>
        %add3A_3879 = arith.addf %add3A_3837, %select_n3A_3878 : vector<16xf32>
        %add3A_3880 = arith.constant 200 : i32
        %add3A_3881 = arith.addi %add3A_3880, %add3A_3859 : i32
        %get3A_3882 = arith.index_cast %add3A_3881 : i32 to index
        %get3A_3883 = arith.constant 32 : index
        %get3A_3884 = tpu.vector_load %arg10[%get3A_3882, %get3A_3883] {strides = array<i32>} : memref<400x64xf32, #tpu.memory_space<vmem>>, vector<16xf32>,
        %jit3A_3885 = arith.constant 0.000000e+00 : f32
        %broadcast_in_dim3A_3886 = vector.broadcast %jit3A_3885 : f32 to vector<16xf32>
        %select_n3A_3887 = arith.select %gt3A_3861, %get3A_3884, %broadcast_in_dim3A_3886 : vector<16xi1>, vector<16xf32>
        %add3A_3888 = arith.addf %add3A_3846, %select_n3A_3887 : vector<16xf32>
        %add3A_3889 = arith.constant 200 : i32
        %add3A_3890 = arith.addi %add3A_3889, %add3A_3859 : i32
        %get3A_3891 = arith.index_cast %add3A_3890 : i32 to index
        %get3A_3892 = arith.constant 48 : index
        %get3A_3893 = tpu.vector_load %arg10[%get3A_3891, %get3A_3892] {strides = array<i32>} : memref<400x64xf32, #tpu.memory_space<vmem>>, vector<16xf32>,
        %jit3A_3894 = arith.constant 0.000000e+00 : f32
        %broadcast_in_dim3A_3895 = vector.broadcast %jit3A_3894 : f32 to vector<16xf32>
        %select_n3A_3896 = arith.select %gt3A_3861, %get3A_3893, %broadcast_in_dim3A_3895 : vector<16xi1>, vector<16xf32>
        %add3A_3897 = arith.addf %add3A_3855, %select_n3A_3896 : vector<16xf32>
        %mul3A_3898 = arith.constant 8 : i32
        %mul3A_3899 = arith.muli %scan3A_3683, %mul3A_3898 : i32
        %add3A_3900 = arith.constant 5 : i32
        %add3A_3901 = arith.addi %mul3A_3899, %add3A_3900 : i32
        %gt3A_3902 = vector.broadcast %add3A_3901 : i32 to vector<16xi32>
        %gt3A_3903 = arith.cmpi sgt, %add3A_2930, %gt3A_3902 : vector<16xi32>
        %add3A_3904 = arith.constant 200 : i32
        %add3A_3905 = arith.addi %add3A_3904, %add3A_3901 : i32
        %get3A_3906 = arith.index_cast %add3A_3905 : i32 to index
        %get3A_3907 = arith.constant 0 : index
        %get3A_3908 = tpu.vector_load %arg10[%get3A_3906, %get3A_3907] {strides = array<i32>} : memref<400x64xf32, #tpu.memory_space<vmem>>, vector<16xf32>,
        %jit3A_3909 = arith.constant 0.000000e+00 : f32
        %broadcast_in_dim3A_3910 = vector.broadcast %jit3A_3909 : f32 to vector<16xf32>
        %select_n3A_3911 = arith.select %gt3A_3903, %get3A_3908, %broadcast_in_dim3A_3910 : vector<16xi1>, vector<16xf32>
        %add3A_3912 = arith.addf %add3A_3870, %select_n3A_3911 : vector<16xf32>
        %add3A_3913 = arith.constant 200 : i32
        %add3A_3914 = arith.addi %add3A_3913, %add3A_3901 : i32
        %get3A_3915 = arith.index_cast %add3A_3914 : i32 to index
        %get3A_3916 = arith.constant 16 : index
        %get3A_3917 = tpu.vector_load %arg10[%get3A_3915, %get3A_3916] {strides = array<i32>} : memref<400x64xf32, #tpu.memory_space<vmem>>, vector<16xf32>,
        %jit3A_3918 = arith.constant 0.000000e+00 : f32
        %broadcast_in_dim3A_3919 = vector.broadcast %jit3A_3918 : f32 to vector<16xf32>
        %select_n3A_3920 = arith.select %gt3A_3903, %get3A_3917, %broadcast_in_dim3A_3919 : vector<16xi1>, vector<16xf32>
        %add3A_3921 = arith.addf %add3A_3879, %select_n3A_3920 : vector<16xf32>
        %add3A_3922 = arith.constant 200 : i32
        %add3A_3923 = arith.addi %add3A_3922, %add3A_3901 : i32
        %get3A_3924 = arith.index_cast %add3A_3923 : i32 to index
        %get3A_3925 = arith.constant 32 : index
        %get3A_3926 = tpu.vector_load %arg10[%get3A_3924, %get3A_3925] {strides = array<i32>} : memref<400x64xf32, #tpu.memory_space<vmem>>, vector<16xf32>,
        %jit3A_3927 = arith.constant 0.000000e+00 : f32
        %broadcast_in_dim3A_3928 = vector.broadcast %jit3A_3927 : f32 to vector<16xf32>
        %select_n3A_3929 = arith.select %gt3A_3903, %get3A_3926, %broadcast_in_dim3A_3928 : vector<16xi1>, vector<16xf32>
        %add3A_3930 = arith.addf %add3A_3888, %select_n3A_3929 : vector<16xf32>
        %add3A_3931 = arith.constant 200 : i32
        %add3A_3932 = arith.addi %add3A_3931, %add3A_3901 : i32
        %get3A_3933 = arith.index_cast %add3A_3932 : i32 to index
        %get3A_3934 = arith.constant 48 : index
        %get3A_3935 = tpu.vector_load %arg10[%get3A_3933, %get3A_3934] {strides = array<i32>} : memref<400x64xf32, #tpu.memory_space<vmem>>, vector<16xf32>,
        %jit3A_3936 = arith.constant 0.000000e+00 : f32
        %broadcast_in_dim3A_3937 = vector.broadcast %jit3A_3936 : f32 to vector<16xf32>
        %select_n3A_3938 = arith.select %gt3A_3903, %get3A_3935, %broadcast_in_dim3A_3937 : vector<16xi1>, vector<16xf32>
        %add3A_3939 = arith.addf %add3A_3897, %select_n3A_3938 : vector<16xf32>
        %mul3A_3940 = arith.constant 8 : i32
        %mul3A_3941 = arith.muli %scan3A_3683, %mul3A_3940 : i32
        %add3A_3942 = arith.constant 6 : i32
        %add3A_3943 = arith.addi %mul3A_3941, %add3A_3942 : i32
        %gt3A_3944 = vector.broadcast %add3A_3943 : i32 to vector<16xi32>
        %gt3A_3945 = arith.cmpi sgt, %add3A_2930, %gt3A_3944 : vector<16xi32>
        %add3A_3946 = arith.constant 200 : i32
        %add3A_3947 = arith.addi %add3A_3946, %add3A_3943 : i32
        %get3A_3948 = arith.index_cast %add3A_3947 : i32 to index
        %get3A_3949 = arith.constant 0 : index
        %get3A_3950 = tpu.vector_load %arg10[%get3A_3948, %get3A_3949] {strides = array<i32>} : memref<400x64xf32, #tpu.memory_space<vmem>>, vector<16xf32>,
        %jit3A_3951 = arith.constant 0.000000e+00 : f32
        %broadcast_in_dim3A_3952 = vector.broadcast %jit3A_3951 : f32 to vector<16xf32>
        %select_n3A_3953 = arith.select %gt3A_3945, %get3A_3950, %broadcast_in_dim3A_3952 : vector<16xi1>, vector<16xf32>
        %add3A_3954 = arith.addf %add3A_3912, %select_n3A_3953 : vector<16xf32>
        %add3A_3955 = arith.constant 200 : i32
        %add3A_3956 = arith.addi %add3A_3955, %add3A_3943 : i32
        %get3A_3957 = arith.index_cast %add3A_3956 : i32 to index
        %get3A_3958 = arith.constant 16 : index
        %get3A_3959 = tpu.vector_load %arg10[%get3A_3957, %get3A_3958] {strides = array<i32>} : memref<400x64xf32, #tpu.memory_space<vmem>>, vector<16xf32>,
        %jit3A_3960 = arith.constant 0.000000e+00 : f32
        %broadcast_in_dim3A_3961 = vector.broadcast %jit3A_3960 : f32 to vector<16xf32>
        %select_n3A_3962 = arith.select %gt3A_3945, %get3A_3959, %broadcast_in_dim3A_3961 : vector<16xi1>, vector<16xf32>
        %add3A_3963 = arith.addf %add3A_3921, %select_n3A_3962 : vector<16xf32>
        %add3A_3964 = arith.constant 200 : i32
        %add3A_3965 = arith.addi %add3A_3964, %add3A_3943 : i32
        %get3A_3966 = arith.index_cast %add3A_3965 : i32 to index
        %get3A_3967 = arith.constant 32 : index
        %get3A_3968 = tpu.vector_load %arg10[%get3A_3966, %get3A_3967] {strides = array<i32>} : memref<400x64xf32, #tpu.memory_space<vmem>>, vector<16xf32>,
        %jit3A_3969 = arith.constant 0.000000e+00 : f32
        %broadcast_in_dim3A_3970 = vector.broadcast %jit3A_3969 : f32 to vector<16xf32>
        %select_n3A_3971 = arith.select %gt3A_3945, %get3A_3968, %broadcast_in_dim3A_3970 : vector<16xi1>, vector<16xf32>
        %add3A_3972 = arith.addf %add3A_3930, %select_n3A_3971 : vector<16xf32>
        %add3A_3973 = arith.constant 200 : i32
        %add3A_3974 = arith.addi %add3A_3973, %add3A_3943 : i32
        %get3A_3975 = arith.index_cast %add3A_3974 : i32 to index
        %get3A_3976 = arith.constant 48 : index
        %get3A_3977 = tpu.vector_load %arg10[%get3A_3975, %get3A_3976] {strides = array<i32>} : memref<400x64xf32, #tpu.memory_space<vmem>>, vector<16xf32>,
        %jit3A_3978 = arith.constant 0.000000e+00 : f32
        %broadcast_in_dim3A_3979 = vector.broadcast %jit3A_3978 : f32 to vector<16xf32>
        %select_n3A_3980 = arith.select %gt3A_3945, %get3A_3977, %broadcast_in_dim3A_3979 : vector<16xi1>, vector<16xf32>
        %add3A_3981 = arith.addf %add3A_3939, %select_n3A_3980 : vector<16xf32>
        %mul3A_3982 = arith.constant 8 : i32
        %mul3A_3983 = arith.muli %scan3A_3683, %mul3A_3982 : i32
        %add3A_3984 = arith.constant 7 : i32
        %add3A_3985 = arith.addi %mul3A_3983, %add3A_3984 : i32
        %gt3A_3986 = vector.broadcast %add3A_3985 : i32 to vector<16xi32>
        %gt3A_3987 = arith.cmpi sgt, %add3A_2930, %gt3A_3986 : vector<16xi32>
        %add3A_3988 = arith.constant 200 : i32
        %add3A_3989 = arith.addi %add3A_3988, %add3A_3985 : i32
        %get3A_3990 = arith.index_cast %add3A_3989 : i32 to index
        %get3A_3991 = arith.constant 0 : index
        %get3A_3992 = tpu.vector_load %arg10[%get3A_3990, %get3A_3991] {strides = array<i32>} : memref<400x64xf32, #tpu.memory_space<vmem>>, vector<16xf32>,
        %jit3A_3993 = arith.constant 0.000000e+00 : f32
        %broadcast_in_dim3A_3994 = vector.broadcast %jit3A_3993 : f32 to vector<16xf32>
        %select_n3A_3995 = arith.select %gt3A_3987, %get3A_3992, %broadcast_in_dim3A_3994 : vector<16xi1>, vector<16xf32>
        %add3A_3996 = arith.addf %add3A_3954, %select_n3A_3995 : vector<16xf32>
        %add3A_3997 = arith.constant 200 : i32
        %add3A_3998 = arith.addi %add3A_3997, %add3A_3985 : i32
        %get3A_3999 = arith.index_cast %add3A_3998 : i32 to index
        %get3A_4000 = arith.constant 16 : index
        %get3A_4001 = tpu.vector_load %arg10[%get3A_3999, %get3A_4000] {strides = array<i32>} : memref<400x64xf32, #tpu.memory_space<vmem>>, vector<16xf32>,
        %jit3A_4002 = arith.constant 0.000000e+00 : f32
        %broadcast_in_dim3A_4003 = vector.broadcast %jit3A_4002 : f32 to vector<16xf32>
        %select_n3A_4004 = arith.select %gt3A_3987, %get3A_4001, %broadcast_in_dim3A_4003 : vector<16xi1>, vector<16xf32>
        %add3A_4005 = arith.addf %add3A_3963, %select_n3A_4004 : vector<16xf32>
        %add3A_4006 = arith.constant 200 : i32
        %add3A_4007 = arith.addi %add3A_4006, %add3A_3985 : i32
        %get3A_4008 = arith.index_cast %add3A_4007 : i32 to index
        %get3A_4009 = arith.constant 32 : index
        %get3A_4010 = tpu.vector_load %arg10[%get3A_4008, %get3A_4009] {strides = array<i32>} : memref<400x64xf32, #tpu.memory_space<vmem>>, vector<16xf32>,
        %jit3A_4011 = arith.constant 0.000000e+00 : f32
        %broadcast_in_dim3A_4012 = vector.broadcast %jit3A_4011 : f32 to vector<16xf32>
        %select_n3A_4013 = arith.select %gt3A_3987, %get3A_4010, %broadcast_in_dim3A_4012 : vector<16xi1>, vector<16xf32>
        %add3A_4014 = arith.addf %add3A_3972, %select_n3A_4013 : vector<16xf32>
        %add3A_4015 = arith.constant 200 : i32
        %add3A_4016 = arith.addi %add3A_4015, %add3A_3985 : i32
        %get3A_4017 = arith.index_cast %add3A_4016 : i32 to index
        %get3A_4018 = arith.constant 48 : index
        %get3A_4019 = tpu.vector_load %arg10[%get3A_4017, %get3A_4018] {strides = array<i32>} : memref<400x64xf32, #tpu.memory_space<vmem>>, vector<16xf32>,
        %jit3A_4020 = arith.constant 0.000000e+00 : f32
        %broadcast_in_dim3A_4021 = vector.broadcast %jit3A_4020 : f32 to vector<16xf32>
        %select_n3A_4022 = arith.select %gt3A_3987, %get3A_4019, %broadcast_in_dim3A_4021 : vector<16xi1>, vector<16xf32>
        %add3A_4023 = arith.addf %add3A_3981, %select_n3A_4022 : vector<16xf32>
        scf.yield %add3A_3996, %add3A_4005, %add3A_4014, %add3A_4023 : vector<16xf32>, vector<16xf32>, vector<16xf32>, vector<16xf32>
      }
      %scan3A_2936 = arith.constant 25 : i32
      %gt3A_2937 = arith.constant 0 : i32
      %gt3A_2938 = vector.broadcast %gt3A_2937 : i32 to vector<16xi32>
      %gt3A_2939 = arith.cmpi sgt, %add3A_1918, %gt3A_2938 : vector<16xi32>
      %get3A_2940 = arith.constant 20 : i32
      %get3A_2941 = arith.index_cast %get3A_2940 : i32 to index
      %get3A_2942 = arith.constant 0 : index
      %get3A_2943 = tpu.vector_load %arg12[%get3A_2941, %get3A_2942] {strides = array<i32>} : memref<40x64xf32, #tpu.memory_space<vmem>>, vector<16xf32>,
      %jit3A_2944 = arith.constant 0.000000e+00 : f32
      %broadcast_in_dim3A_2945 = vector.broadcast %jit3A_2944 : f32 to vector<16xf32>
      %select_n3A_2946 = arith.select %gt3A_2939, %get3A_2943, %broadcast_in_dim3A_2945 : vector<16xi1>, vector<16xf32>
      %add3A_2947 = arith.addf %broadcast_in_dim3A_5, %select_n3A_2946 : vector<16xf32>
      %get3A_2948 = arith.constant 20 : i32
      %get3A_2949 = arith.index_cast %get3A_2948 : i32 to index
      %get3A_2950 = arith.constant 16 : index
      %get3A_2951 = tpu.vector_load %arg12[%get3A_2949, %get3A_2950] {strides = array<i32>} : memref<40x64xf32, #tpu.memory_space<vmem>>, vector<16xf32>,
      %jit3A_2952 = arith.constant 0.000000e+00 : f32
      %broadcast_in_dim3A_2953 = vector.broadcast %jit3A_2952 : f32 to vector<16xf32>
      %select_n3A_2954 = arith.select %gt3A_2939, %get3A_2951, %broadcast_in_dim3A_2953 : vector<16xi1>, vector<16xf32>
      %add3A_2955 = arith.addf %broadcast_in_dim3A_5, %select_n3A_2954 : vector<16xf32>
      %get3A_2956 = arith.constant 20 : i32
      %get3A_2957 = arith.index_cast %get3A_2956 : i32 to index
      %get3A_2958 = arith.constant 32 : index
      %get3A_2959 = tpu.vector_load %arg12[%get3A_2957, %get3A_2958] {strides = array<i32>} : memref<40x64xf32, #tpu.memory_space<vmem>>, vector<16xf32>,
      %jit3A_2960 = arith.constant 0.000000e+00 : f32
      %broadcast_in_dim3A_2961 = vector.broadcast %jit3A_2960 : f32 to vector<16xf32>
      %select_n3A_2962 = arith.select %gt3A_2939, %get3A_2959, %broadcast_in_dim3A_2961 : vector<16xi1>, vector<16xf32>
      %add3A_2963 = arith.addf %broadcast_in_dim3A_5, %select_n3A_2962 : vector<16xf32>
      %get3A_2964 = arith.constant 20 : i32
      %get3A_2965 = arith.index_cast %get3A_2964 : i32 to index
      %get3A_2966 = arith.constant 48 : index
      %get3A_2967 = tpu.vector_load %arg12[%get3A_2965, %get3A_2966] {strides = array<i32>} : memref<40x64xf32, #tpu.memory_space<vmem>>, vector<16xf32>,
      %jit3A_2968 = arith.constant 0.000000e+00 : f32
      %broadcast_in_dim3A_2969 = vector.broadcast %jit3A_2968 : f32 to vector<16xf32>
      %select_n3A_2970 = arith.select %gt3A_2939, %get3A_2967, %broadcast_in_dim3A_2969 : vector<16xi1>, vector<16xf32>
      %add3A_2971 = arith.addf %broadcast_in_dim3A_5, %select_n3A_2970 : vector<16xf32>
      %gt3A_2972 = arith.constant 1 : i32
      %gt3A_2973 = vector.broadcast %gt3A_2972 : i32 to vector<16xi32>
      %gt3A_2974 = arith.cmpi sgt, %add3A_1918, %gt3A_2973 : vector<16xi32>
      %get3A_2975 = arith.constant 21 : i32
      %get3A_2976 = arith.index_cast %get3A_2975 : i32 to index
      %get3A_2977 = arith.constant 0 : index
      %get3A_2978 = tpu.vector_load %arg12[%get3A_2976, %get3A_2977] {strides = array<i32>} : memref<40x64xf32, #tpu.memory_space<vmem>>, vector<16xf32>,
      %jit3A_2979 = arith.constant 0.000000e+00 : f32
      %broadcast_in_dim3A_2980 = vector.broadcast %jit3A_2979 : f32 to vector<16xf32>
      %select_n3A_2981 = arith.select %gt3A_2974, %get3A_2978, %broadcast_in_dim3A_2980 : vector<16xi1>, vector<16xf32>
      %add3A_2982 = arith.addf %add3A_2947, %select_n3A_2981 : vector<16xf32>
      %get3A_2983 = arith.constant 21 : i32
      %get3A_2984 = arith.index_cast %get3A_2983 : i32 to index
      %get3A_2985 = arith.constant 16 : index
      %get3A_2986 = tpu.vector_load %arg12[%get3A_2984, %get3A_2985] {strides = array<i32>} : memref<40x64xf32, #tpu.memory_space<vmem>>, vector<16xf32>,
      %jit3A_2987 = arith.constant 0.000000e+00 : f32
      %broadcast_in_dim3A_2988 = vector.broadcast %jit3A_2987 : f32 to vector<16xf32>
      %select_n3A_2989 = arith.select %gt3A_2974, %get3A_2986, %broadcast_in_dim3A_2988 : vector<16xi1>, vector<16xf32>
      %add3A_2990 = arith.addf %add3A_2955, %select_n3A_2989 : vector<16xf32>
      %get3A_2991 = arith.constant 21 : i32
      %get3A_2992 = arith.index_cast %get3A_2991 : i32 to index
      %get3A_2993 = arith.constant 32 : index
      %get3A_2994 = tpu.vector_load %arg12[%get3A_2992, %get3A_2993] {strides = array<i32>} : memref<40x64xf32, #tpu.memory_space<vmem>>, vector<16xf32>,
      %jit3A_2995 = arith.constant 0.000000e+00 : f32
      %broadcast_in_dim3A_2996 = vector.broadcast %jit3A_2995 : f32 to vector<16xf32>
      %select_n3A_2997 = arith.select %gt3A_2974, %get3A_2994, %broadcast_in_dim3A_2996 : vector<16xi1>, vector<16xf32>
      %add3A_2998 = arith.addf %add3A_2963, %select_n3A_2997 : vector<16xf32>
      %get3A_2999 = arith.constant 21 : i32
      %get3A_3000 = arith.index_cast %get3A_2999 : i32 to index
      %get3A_3001 = arith.constant 48 : index
      %get3A_3002 = tpu.vector_load %arg12[%get3A_3000, %get3A_3001] {strides = array<i32>} : memref<40x64xf32, #tpu.memory_space<vmem>>, vector<16xf32>,
      %jit3A_3003 = arith.constant 0.000000e+00 : f32
      %broadcast_in_dim3A_3004 = vector.broadcast %jit3A_3003 : f32 to vector<16xf32>
      %select_n3A_3005 = arith.select %gt3A_2974, %get3A_3002, %broadcast_in_dim3A_3004 : vector<16xi1>, vector<16xf32>
      %add3A_3006 = arith.addf %add3A_2971, %select_n3A_3005 : vector<16xf32>
      %gt3A_3007 = arith.constant 2 : i32
      %gt3A_3008 = vector.broadcast %gt3A_3007 : i32 to vector<16xi32>
      %gt3A_3009 = arith.cmpi sgt, %add3A_1918, %gt3A_3008 : vector<16xi32>
      %get3A_3010 = arith.constant 22 : i32
      %get3A_3011 = arith.index_cast %get3A_3010 : i32 to index
      %get3A_3012 = arith.constant 0 : index
      %get3A_3013 = tpu.vector_load %arg12[%get3A_3011, %get3A_3012] {strides = array<i32>} : memref<40x64xf32, #tpu.memory_space<vmem>>, vector<16xf32>,
      %jit3A_3014 = arith.constant 0.000000e+00 : f32
      %broadcast_in_dim3A_3015 = vector.broadcast %jit3A_3014 : f32 to vector<16xf32>
      %select_n3A_3016 = arith.select %gt3A_3009, %get3A_3013, %broadcast_in_dim3A_3015 : vector<16xi1>, vector<16xf32>
      %add3A_3017 = arith.addf %add3A_2982, %select_n3A_3016 : vector<16xf32>
      %get3A_3018 = arith.constant 22 : i32
      %get3A_3019 = arith.index_cast %get3A_3018 : i32 to index
      %get3A_3020 = arith.constant 16 : index
      %get3A_3021 = tpu.vector_load %arg12[%get3A_3019, %get3A_3020] {strides = array<i32>} : memref<40x64xf32, #tpu.memory_space<vmem>>, vector<16xf32>,
      %jit3A_3022 = arith.constant 0.000000e+00 : f32
      %broadcast_in_dim3A_3023 = vector.broadcast %jit3A_3022 : f32 to vector<16xf32>
      %select_n3A_3024 = arith.select %gt3A_3009, %get3A_3021, %broadcast_in_dim3A_3023 : vector<16xi1>, vector<16xf32>
      %add3A_3025 = arith.addf %add3A_2990, %select_n3A_3024 : vector<16xf32>
      %get3A_3026 = arith.constant 22 : i32
      %get3A_3027 = arith.index_cast %get3A_3026 : i32 to index
      %get3A_3028 = arith.constant 32 : index
      %get3A_3029 = tpu.vector_load %arg12[%get3A_3027, %get3A_3028] {strides = array<i32>} : memref<40x64xf32, #tpu.memory_space<vmem>>, vector<16xf32>,
      %jit3A_3030 = arith.constant 0.000000e+00 : f32
      %broadcast_in_dim3A_3031 = vector.broadcast %jit3A_3030 : f32 to vector<16xf32>
      %select_n3A_3032 = arith.select %gt3A_3009, %get3A_3029, %broadcast_in_dim3A_3031 : vector<16xi1>, vector<16xf32>
      %add3A_3033 = arith.addf %add3A_2998, %select_n3A_3032 : vector<16xf32>
      %get3A_3034 = arith.constant 22 : i32
      %get3A_3035 = arith.index_cast %get3A_3034 : i32 to index
      %get3A_3036 = arith.constant 48 : index
      %get3A_3037 = tpu.vector_load %arg12[%get3A_3035, %get3A_3036] {strides = array<i32>} : memref<40x64xf32, #tpu.memory_space<vmem>>, vector<16xf32>,
      %jit3A_3038 = arith.constant 0.000000e+00 : f32
      %broadcast_in_dim3A_3039 = vector.broadcast %jit3A_3038 : f32 to vector<16xf32>
      %select_n3A_3040 = arith.select %gt3A_3009, %get3A_3037, %broadcast_in_dim3A_3039 : vector<16xi1>, vector<16xf32>
      %add3A_3041 = arith.addf %add3A_3006, %select_n3A_3040 : vector<16xf32>
      %gt3A_3042 = arith.constant 3 : i32
      %gt3A_3043 = vector.broadcast %gt3A_3042 : i32 to vector<16xi32>
      %gt3A_3044 = arith.cmpi sgt, %add3A_1918, %gt3A_3043 : vector<16xi32>
      %get3A_3045 = arith.constant 23 : i32
      %get3A_3046 = arith.index_cast %get3A_3045 : i32 to index
      %get3A_3047 = arith.constant 0 : index
      %get3A_3048 = tpu.vector_load %arg12[%get3A_3046, %get3A_3047] {strides = array<i32>} : memref<40x64xf32, #tpu.memory_space<vmem>>, vector<16xf32>,
      %jit3A_3049 = arith.constant 0.000000e+00 : f32
      %broadcast_in_dim3A_3050 = vector.broadcast %jit3A_3049 : f32 to vector<16xf32>
      %select_n3A_3051 = arith.select %gt3A_3044, %get3A_3048, %broadcast_in_dim3A_3050 : vector<16xi1>, vector<16xf32>
      %add3A_3052 = arith.addf %add3A_3017, %select_n3A_3051 : vector<16xf32>
      %get3A_3053 = arith.constant 23 : i32
      %get3A_3054 = arith.index_cast %get3A_3053 : i32 to index
      %get3A_3055 = arith.constant 16 : index
      %get3A_3056 = tpu.vector_load %arg12[%get3A_3054, %get3A_3055] {strides = array<i32>} : memref<40x64xf32, #tpu.memory_space<vmem>>, vector<16xf32>,
      %jit3A_3057 = arith.constant 0.000000e+00 : f32
      %broadcast_in_dim3A_3058 = vector.broadcast %jit3A_3057 : f32 to vector<16xf32>
      %select_n3A_3059 = arith.select %gt3A_3044, %get3A_3056, %broadcast_in_dim3A_3058 : vector<16xi1>, vector<16xf32>
      %add3A_3060 = arith.addf %add3A_3025, %select_n3A_3059 : vector<16xf32>
      %get3A_3061 = arith.constant 23 : i32
      %get3A_3062 = arith.index_cast %get3A_3061 : i32 to index
      %get3A_3063 = arith.constant 32 : index
      %get3A_3064 = tpu.vector_load %arg12[%get3A_3062, %get3A_3063] {strides = array<i32>} : memref<40x64xf32, #tpu.memory_space<vmem>>, vector<16xf32>,
      %jit3A_3065 = arith.constant 0.000000e+00 : f32
      %broadcast_in_dim3A_3066 = vector.broadcast %jit3A_3065 : f32 to vector<16xf32>
      %select_n3A_3067 = arith.select %gt3A_3044, %get3A_3064, %broadcast_in_dim3A_3066 : vector<16xi1>, vector<16xf32>
      %add3A_3068 = arith.addf %add3A_3033, %select_n3A_3067 : vector<16xf32>
      %get3A_3069 = arith.constant 23 : i32
      %get3A_3070 = arith.index_cast %get3A_3069 : i32 to index
      %get3A_3071 = arith.constant 48 : index
      %get3A_3072 = tpu.vector_load %arg12[%get3A_3070, %get3A_3071] {strides = array<i32>} : memref<40x64xf32, #tpu.memory_space<vmem>>, vector<16xf32>,
      %jit3A_3073 = arith.constant 0.000000e+00 : f32
      %broadcast_in_dim3A_3074 = vector.broadcast %jit3A_3073 : f32 to vector<16xf32>
      %select_n3A_3075 = arith.select %gt3A_3044, %get3A_3072, %broadcast_in_dim3A_3074 : vector<16xi1>, vector<16xf32>
      %add3A_3076 = arith.addf %add3A_3041, %select_n3A_3075 : vector<16xf32>
      %gt3A_3077 = arith.constant 4 : i32
      %gt3A_3078 = vector.broadcast %gt3A_3077 : i32 to vector<16xi32>
      %gt3A_3079 = arith.cmpi sgt, %add3A_1918, %gt3A_3078 : vector<16xi32>
      %get3A_3080 = arith.constant 24 : i32
      %get3A_3081 = arith.index_cast %get3A_3080 : i32 to index
      %get3A_3082 = arith.constant 0 : index
      %get3A_3083 = tpu.vector_load %arg12[%get3A_3081, %get3A_3082] {strides = array<i32>} : memref<40x64xf32, #tpu.memory_space<vmem>>, vector<16xf32>,
      %jit3A_3084 = arith.constant 0.000000e+00 : f32
      %broadcast_in_dim3A_3085 = vector.broadcast %jit3A_3084 : f32 to vector<16xf32>
      %select_n3A_3086 = arith.select %gt3A_3079, %get3A_3083, %broadcast_in_dim3A_3085 : vector<16xi1>, vector<16xf32>
      %add3A_3087 = arith.addf %add3A_3052, %select_n3A_3086 : vector<16xf32>
      %get3A_3088 = arith.constant 24 : i32
      %get3A_3089 = arith.index_cast %get3A_3088 : i32 to index
      %get3A_3090 = arith.constant 16 : index
      %get3A_3091 = tpu.vector_load %arg12[%get3A_3089, %get3A_3090] {strides = array<i32>} : memref<40x64xf32, #tpu.memory_space<vmem>>, vector<16xf32>,
      %jit3A_3092 = arith.constant 0.000000e+00 : f32
      %broadcast_in_dim3A_3093 = vector.broadcast %jit3A_3092 : f32 to vector<16xf32>
      %select_n3A_3094 = arith.select %gt3A_3079, %get3A_3091, %broadcast_in_dim3A_3093 : vector<16xi1>, vector<16xf32>
      %add3A_3095 = arith.addf %add3A_3060, %select_n3A_3094 : vector<16xf32>
      %get3A_3096 = arith.constant 24 : i32
      %get3A_3097 = arith.index_cast %get3A_3096 : i32 to index
      %get3A_3098 = arith.constant 32 : index
      %get3A_3099 = tpu.vector_load %arg12[%get3A_3097, %get3A_3098] {strides = array<i32>} : memref<40x64xf32, #tpu.memory_space<vmem>>, vector<16xf32>,
      %jit3A_3100 = arith.constant 0.000000e+00 : f32
      %broadcast_in_dim3A_3101 = vector.broadcast %jit3A_3100 : f32 to vector<16xf32>
      %select_n3A_3102 = arith.select %gt3A_3079, %get3A_3099, %broadcast_in_dim3A_3101 : vector<16xi1>, vector<16xf32>
      %add3A_3103 = arith.addf %add3A_3068, %select_n3A_3102 : vector<16xf32>
      %get3A_3104 = arith.constant 24 : i32
      %get3A_3105 = arith.index_cast %get3A_3104 : i32 to index
      %get3A_3106 = arith.constant 48 : index
      %get3A_3107 = tpu.vector_load %arg12[%get3A_3105, %get3A_3106] {strides = array<i32>} : memref<40x64xf32, #tpu.memory_space<vmem>>, vector<16xf32>,
      %jit3A_3108 = arith.constant 0.000000e+00 : f32
      %broadcast_in_dim3A_3109 = vector.broadcast %jit3A_3108 : f32 to vector<16xf32>
      %select_n3A_3110 = arith.select %gt3A_3079, %get3A_3107, %broadcast_in_dim3A_3109 : vector<16xi1>, vector<16xf32>
      %add3A_3111 = arith.addf %add3A_3076, %select_n3A_3110 : vector<16xf32>
      %gt3A_3112 = arith.constant 5 : i32
      %gt3A_3113 = vector.broadcast %gt3A_3112 : i32 to vector<16xi32>
      %gt3A_3114 = arith.cmpi sgt, %add3A_1918, %gt3A_3113 : vector<16xi32>
      %get3A_3115 = arith.constant 25 : i32
      %get3A_3116 = arith.index_cast %get3A_3115 : i32 to index
      %get3A_3117 = arith.constant 0 : index
      %get3A_3118 = tpu.vector_load %arg12[%get3A_3116, %get3A_3117] {strides = array<i32>} : memref<40x64xf32, #tpu.memory_space<vmem>>, vector<16xf32>,
      %jit3A_3119 = arith.constant 0.000000e+00 : f32
      %broadcast_in_dim3A_3120 = vector.broadcast %jit3A_3119 : f32 to vector<16xf32>
      %select_n3A_3121 = arith.select %gt3A_3114, %get3A_3118, %broadcast_in_dim3A_3120 : vector<16xi1>, vector<16xf32>
      %add3A_3122 = arith.addf %add3A_3087, %select_n3A_3121 : vector<16xf32>
      %get3A_3123 = arith.constant 25 : i32
      %get3A_3124 = arith.index_cast %get3A_3123 : i32 to index
      %get3A_3125 = arith.constant 16 : index
      %get3A_3126 = tpu.vector_load %arg12[%get3A_3124, %get3A_3125] {strides = array<i32>} : memref<40x64xf32, #tpu.memory_space<vmem>>, vector<16xf32>,
      %jit3A_3127 = arith.constant 0.000000e+00 : f32
      %broadcast_in_dim3A_3128 = vector.broadcast %jit3A_3127 : f32 to vector<16xf32>
      %select_n3A_3129 = arith.select %gt3A_3114, %get3A_3126, %broadcast_in_dim3A_3128 : vector<16xi1>, vector<16xf32>
      %add3A_3130 = arith.addf %add3A_3095, %select_n3A_3129 : vector<16xf32>
      %get3A_3131 = arith.constant 25 : i32
      %get3A_3132 = arith.index_cast %get3A_3131 : i32 to index
      %get3A_3133 = arith.constant 32 : index
      %get3A_3134 = tpu.vector_load %arg12[%get3A_3132, %get3A_3133] {strides = array<i32>} : memref<40x64xf32, #tpu.memory_space<vmem>>, vector<16xf32>,
      %jit3A_3135 = arith.constant 0.000000e+00 : f32
      %broadcast_in_dim3A_3136 = vector.broadcast %jit3A_3135 : f32 to vector<16xf32>
      %select_n3A_3137 = arith.select %gt3A_3114, %get3A_3134, %broadcast_in_dim3A_3136 : vector<16xi1>, vector<16xf32>
      %add3A_3138 = arith.addf %add3A_3103, %select_n3A_3137 : vector<16xf32>
      %get3A_3139 = arith.constant 25 : i32
      %get3A_3140 = arith.index_cast %get3A_3139 : i32 to index
      %get3A_3141 = arith.constant 48 : index
      %get3A_3142 = tpu.vector_load %arg12[%get3A_3140, %get3A_3141] {strides = array<i32>} : memref<40x64xf32, #tpu.memory_space<vmem>>, vector<16xf32>,
      %jit3A_3143 = arith.constant 0.000000e+00 : f32
      %broadcast_in_dim3A_3144 = vector.broadcast %jit3A_3143 : f32 to vector<16xf32>
      %select_n3A_3145 = arith.select %gt3A_3114, %get3A_3142, %broadcast_in_dim3A_3144 : vector<16xi1>, vector<16xf32>
      %add3A_3146 = arith.addf %add3A_3111, %select_n3A_3145 : vector<16xf32>
      %gt3A_3147 = arith.constant 6 : i32
      %gt3A_3148 = vector.broadcast %gt3A_3147 : i32 to vector<16xi32>
      %gt3A_3149 = arith.cmpi sgt, %add3A_1918, %gt3A_3148 : vector<16xi32>
      %get3A_3150 = arith.constant 26 : i32
      %get3A_3151 = arith.index_cast %get3A_3150 : i32 to index
      %get3A_3152 = arith.constant 0 : index
      %get3A_3153 = tpu.vector_load %arg12[%get3A_3151, %get3A_3152] {strides = array<i32>} : memref<40x64xf32, #tpu.memory_space<vmem>>, vector<16xf32>,
      %jit3A_3154 = arith.constant 0.000000e+00 : f32
      %broadcast_in_dim3A_3155 = vector.broadcast %jit3A_3154 : f32 to vector<16xf32>
      %select_n3A_3156 = arith.select %gt3A_3149, %get3A_3153, %broadcast_in_dim3A_3155 : vector<16xi1>, vector<16xf32>
      %add3A_3157 = arith.addf %add3A_3122, %select_n3A_3156 : vector<16xf32>
      %get3A_3158 = arith.constant 26 : i32
      %get3A_3159 = arith.index_cast %get3A_3158 : i32 to index
      %get3A_3160 = arith.constant 16 : index
      %get3A_3161 = tpu.vector_load %arg12[%get3A_3159, %get3A_3160] {strides = array<i32>} : memref<40x64xf32, #tpu.memory_space<vmem>>, vector<16xf32>,
      %jit3A_3162 = arith.constant 0.000000e+00 : f32
      %broadcast_in_dim3A_3163 = vector.broadcast %jit3A_3162 : f32 to vector<16xf32>
      %select_n3A_3164 = arith.select %gt3A_3149, %get3A_3161, %broadcast_in_dim3A_3163 : vector<16xi1>, vector<16xf32>
      %add3A_3165 = arith.addf %add3A_3130, %select_n3A_3164 : vector<16xf32>
      %get3A_3166 = arith.constant 26 : i32
      %get3A_3167 = arith.index_cast %get3A_3166 : i32 to index
      %get3A_3168 = arith.constant 32 : index
      %get3A_3169 = tpu.vector_load %arg12[%get3A_3167, %get3A_3168] {strides = array<i32>} : memref<40x64xf32, #tpu.memory_space<vmem>>, vector<16xf32>,
      %jit3A_3170 = arith.constant 0.000000e+00 : f32
      %broadcast_in_dim3A_3171 = vector.broadcast %jit3A_3170 : f32 to vector<16xf32>
      %select_n3A_3172 = arith.select %gt3A_3149, %get3A_3169, %broadcast_in_dim3A_3171 : vector<16xi1>, vector<16xf32>
      %add3A_3173 = arith.addf %add3A_3138, %select_n3A_3172 : vector<16xf32>
      %get3A_3174 = arith.constant 26 : i32
      %get3A_3175 = arith.index_cast %get3A_3174 : i32 to index
      %get3A_3176 = arith.constant 48 : index
      %get3A_3177 = tpu.vector_load %arg12[%get3A_3175, %get3A_3176] {strides = array<i32>} : memref<40x64xf32, #tpu.memory_space<vmem>>, vector<16xf32>,
      %jit3A_3178 = arith.constant 0.000000e+00 : f32
      %broadcast_in_dim3A_3179 = vector.broadcast %jit3A_3178 : f32 to vector<16xf32>
      %select_n3A_3180 = arith.select %gt3A_3149, %get3A_3177, %broadcast_in_dim3A_3179 : vector<16xi1>, vector<16xf32>
      %add3A_3181 = arith.addf %add3A_3146, %select_n3A_3180 : vector<16xf32>
      %gt3A_3182 = arith.constant 7 : i32
      %gt3A_3183 = vector.broadcast %gt3A_3182 : i32 to vector<16xi32>
      %gt3A_3184 = arith.cmpi sgt, %add3A_1918, %gt3A_3183 : vector<16xi32>
      %get3A_3185 = arith.constant 27 : i32
      %get3A_3186 = arith.index_cast %get3A_3185 : i32 to index
      %get3A_3187 = arith.constant 0 : index
      %get3A_3188 = tpu.vector_load %arg12[%get3A_3186, %get3A_3187] {strides = array<i32>} : memref<40x64xf32, #tpu.memory_space<vmem>>, vector<16xf32>,
      %jit3A_3189 = arith.constant 0.000000e+00 : f32
      %broadcast_in_dim3A_3190 = vector.broadcast %jit3A_3189 : f32 to vector<16xf32>
      %select_n3A_3191 = arith.select %gt3A_3184, %get3A_3188, %broadcast_in_dim3A_3190 : vector<16xi1>, vector<16xf32>
      %add3A_3192 = arith.addf %add3A_3157, %select_n3A_3191 : vector<16xf32>
      %get3A_3193 = arith.constant 27 : i32
      %get3A_3194 = arith.index_cast %get3A_3193 : i32 to index
      %get3A_3195 = arith.constant 16 : index
      %get3A_3196 = tpu.vector_load %arg12[%get3A_3194, %get3A_3195] {strides = array<i32>} : memref<40x64xf32, #tpu.memory_space<vmem>>, vector<16xf32>,
      %jit3A_3197 = arith.constant 0.000000e+00 : f32
      %broadcast_in_dim3A_3198 = vector.broadcast %jit3A_3197 : f32 to vector<16xf32>
      %select_n3A_3199 = arith.select %gt3A_3184, %get3A_3196, %broadcast_in_dim3A_3198 : vector<16xi1>, vector<16xf32>
      %add3A_3200 = arith.addf %add3A_3165, %select_n3A_3199 : vector<16xf32>
      %get3A_3201 = arith.constant 27 : i32
      %get3A_3202 = arith.index_cast %get3A_3201 : i32 to index
      %get3A_3203 = arith.constant 32 : index
      %get3A_3204 = tpu.vector_load %arg12[%get3A_3202, %get3A_3203] {strides = array<i32>} : memref<40x64xf32, #tpu.memory_space<vmem>>, vector<16xf32>,
      %jit3A_3205 = arith.constant 0.000000e+00 : f32
      %broadcast_in_dim3A_3206 = vector.broadcast %jit3A_3205 : f32 to vector<16xf32>
      %select_n3A_3207 = arith.select %gt3A_3184, %get3A_3204, %broadcast_in_dim3A_3206 : vector<16xi1>, vector<16xf32>
      %add3A_3208 = arith.addf %add3A_3173, %select_n3A_3207 : vector<16xf32>
      %get3A_3209 = arith.constant 27 : i32
      %get3A_3210 = arith.index_cast %get3A_3209 : i32 to index
      %get3A_3211 = arith.constant 48 : index
      %get3A_3212 = tpu.vector_load %arg12[%get3A_3210, %get3A_3211] {strides = array<i32>} : memref<40x64xf32, #tpu.memory_space<vmem>>, vector<16xf32>,
      %jit3A_3213 = arith.constant 0.000000e+00 : f32
      %broadcast_in_dim3A_3214 = vector.broadcast %jit3A_3213 : f32 to vector<16xf32>
      %select_n3A_3215 = arith.select %gt3A_3184, %get3A_3212, %broadcast_in_dim3A_3214 : vector<16xi1>, vector<16xf32>
      %add3A_3216 = arith.addf %add3A_3181, %select_n3A_3215 : vector<16xf32>
      %gt3A_3217 = arith.constant 8 : i32
      %gt3A_3218 = vector.broadcast %gt3A_3217 : i32 to vector<16xi32>
      %gt3A_3219 = arith.cmpi sgt, %add3A_1918, %gt3A_3218 : vector<16xi32>
      %get3A_3220 = arith.constant 28 : i32
      %get3A_3221 = arith.index_cast %get3A_3220 : i32 to index
      %get3A_3222 = arith.constant 0 : index
      %get3A_3223 = tpu.vector_load %arg12[%get3A_3221, %get3A_3222] {strides = array<i32>} : memref<40x64xf32, #tpu.memory_space<vmem>>, vector<16xf32>,
      %jit3A_3224 = arith.constant 0.000000e+00 : f32
      %broadcast_in_dim3A_3225 = vector.broadcast %jit3A_3224 : f32 to vector<16xf32>
      %select_n3A_3226 = arith.select %gt3A_3219, %get3A_3223, %broadcast_in_dim3A_3225 : vector<16xi1>, vector<16xf32>
      %add3A_3227 = arith.addf %add3A_3192, %select_n3A_3226 : vector<16xf32>
      %get3A_3228 = arith.constant 28 : i32
      %get3A_3229 = arith.index_cast %get3A_3228 : i32 to index
      %get3A_3230 = arith.constant 16 : index
      %get3A_3231 = tpu.vector_load %arg12[%get3A_3229, %get3A_3230] {strides = array<i32>} : memref<40x64xf32, #tpu.memory_space<vmem>>, vector<16xf32>,
      %jit3A_3232 = arith.constant 0.000000e+00 : f32
      %broadcast_in_dim3A_3233 = vector.broadcast %jit3A_3232 : f32 to vector<16xf32>
      %select_n3A_3234 = arith.select %gt3A_3219, %get3A_3231, %broadcast_in_dim3A_3233 : vector<16xi1>, vector<16xf32>
      %add3A_3235 = arith.addf %add3A_3200, %select_n3A_3234 : vector<16xf32>
      %get3A_3236 = arith.constant 28 : i32
      %get3A_3237 = arith.index_cast %get3A_3236 : i32 to index
      %get3A_3238 = arith.constant 32 : index
      %get3A_3239 = tpu.vector_load %arg12[%get3A_3237, %get3A_3238] {strides = array<i32>} : memref<40x64xf32, #tpu.memory_space<vmem>>, vector<16xf32>,
      %jit3A_3240 = arith.constant 0.000000e+00 : f32
      %broadcast_in_dim3A_3241 = vector.broadcast %jit3A_3240 : f32 to vector<16xf32>
      %select_n3A_3242 = arith.select %gt3A_3219, %get3A_3239, %broadcast_in_dim3A_3241 : vector<16xi1>, vector<16xf32>
      %add3A_3243 = arith.addf %add3A_3208, %select_n3A_3242 : vector<16xf32>
      %get3A_3244 = arith.constant 28 : i32
      %get3A_3245 = arith.index_cast %get3A_3244 : i32 to index
      %get3A_3246 = arith.constant 48 : index
      %get3A_3247 = tpu.vector_load %arg12[%get3A_3245, %get3A_3246] {strides = array<i32>} : memref<40x64xf32, #tpu.memory_space<vmem>>, vector<16xf32>,
      %jit3A_3248 = arith.constant 0.000000e+00 : f32
      %broadcast_in_dim3A_3249 = vector.broadcast %jit3A_3248 : f32 to vector<16xf32>
      %select_n3A_3250 = arith.select %gt3A_3219, %get3A_3247, %broadcast_in_dim3A_3249 : vector<16xi1>, vector<16xf32>
      %add3A_3251 = arith.addf %add3A_3216, %select_n3A_3250 : vector<16xf32>
      %gt3A_3252 = arith.constant 9 : i32
      %gt3A_3253 = vector.broadcast %gt3A_3252 : i32 to vector<16xi32>
      %gt3A_3254 = arith.cmpi sgt, %add3A_1918, %gt3A_3253 : vector<16xi32>
      %get3A_3255 = arith.constant 29 : i32
      %get3A_3256 = arith.index_cast %get3A_3255 : i32 to index
      %get3A_3257 = arith.constant 0 : index
      %get3A_3258 = tpu.vector_load %arg12[%get3A_3256, %get3A_3257] {strides = array<i32>} : memref<40x64xf32, #tpu.memory_space<vmem>>, vector<16xf32>,
      %jit3A_3259 = arith.constant 0.000000e+00 : f32
      %broadcast_in_dim3A_3260 = vector.broadcast %jit3A_3259 : f32 to vector<16xf32>
      %select_n3A_3261 = arith.select %gt3A_3254, %get3A_3258, %broadcast_in_dim3A_3260 : vector<16xi1>, vector<16xf32>
      %add3A_3262 = arith.addf %add3A_3227, %select_n3A_3261 : vector<16xf32>
      %get3A_3263 = arith.constant 29 : i32
      %get3A_3264 = arith.index_cast %get3A_3263 : i32 to index
      %get3A_3265 = arith.constant 16 : index
      %get3A_3266 = tpu.vector_load %arg12[%get3A_3264, %get3A_3265] {strides = array<i32>} : memref<40x64xf32, #tpu.memory_space<vmem>>, vector<16xf32>,
      %jit3A_3267 = arith.constant 0.000000e+00 : f32
      %broadcast_in_dim3A_3268 = vector.broadcast %jit3A_3267 : f32 to vector<16xf32>
      %select_n3A_3269 = arith.select %gt3A_3254, %get3A_3266, %broadcast_in_dim3A_3268 : vector<16xi1>, vector<16xf32>
      %add3A_3270 = arith.addf %add3A_3235, %select_n3A_3269 : vector<16xf32>
      %get3A_3271 = arith.constant 29 : i32
      %get3A_3272 = arith.index_cast %get3A_3271 : i32 to index
      %get3A_3273 = arith.constant 32 : index
      %get3A_3274 = tpu.vector_load %arg12[%get3A_3272, %get3A_3273] {strides = array<i32>} : memref<40x64xf32, #tpu.memory_space<vmem>>, vector<16xf32>,
      %jit3A_3275 = arith.constant 0.000000e+00 : f32
      %broadcast_in_dim3A_3276 = vector.broadcast %jit3A_3275 : f32 to vector<16xf32>
      %select_n3A_3277 = arith.select %gt3A_3254, %get3A_3274, %broadcast_in_dim3A_3276 : vector<16xi1>, vector<16xf32>
      %add3A_3278 = arith.addf %add3A_3243, %select_n3A_3277 : vector<16xf32>
      %get3A_3279 = arith.constant 29 : i32
      %get3A_3280 = arith.index_cast %get3A_3279 : i32 to index
      %get3A_3281 = arith.constant 48 : index
      %get3A_3282 = tpu.vector_load %arg12[%get3A_3280, %get3A_3281] {strides = array<i32>} : memref<40x64xf32, #tpu.memory_space<vmem>>, vector<16xf32>,
      %jit3A_3283 = arith.constant 0.000000e+00 : f32
      %broadcast_in_dim3A_3284 = vector.broadcast %jit3A_3283 : f32 to vector<16xf32>
      %select_n3A_3285 = arith.select %gt3A_3254, %get3A_3282, %broadcast_in_dim3A_3284 : vector<16xi1>, vector<16xf32>
      %add3A_3286 = arith.addf %add3A_3251, %select_n3A_3285 : vector<16xf32>
      %gt3A_3287 = arith.constant 10 : i32
      %gt3A_3288 = vector.broadcast %gt3A_3287 : i32 to vector<16xi32>
      %gt3A_3289 = arith.cmpi sgt, %add3A_1918, %gt3A_3288 : vector<16xi32>
      %get3A_3290 = arith.constant 30 : i32
      %get3A_3291 = arith.index_cast %get3A_3290 : i32 to index
      %get3A_3292 = arith.constant 0 : index
      %get3A_3293 = tpu.vector_load %arg12[%get3A_3291, %get3A_3292] {strides = array<i32>} : memref<40x64xf32, #tpu.memory_space<vmem>>, vector<16xf32>,
      %jit3A_3294 = arith.constant 0.000000e+00 : f32
      %broadcast_in_dim3A_3295 = vector.broadcast %jit3A_3294 : f32 to vector<16xf32>
      %select_n3A_3296 = arith.select %gt3A_3289, %get3A_3293, %broadcast_in_dim3A_3295 : vector<16xi1>, vector<16xf32>
      %add3A_3297 = arith.addf %add3A_3262, %select_n3A_3296 : vector<16xf32>
      %get3A_3298 = arith.constant 30 : i32
      %get3A_3299 = arith.index_cast %get3A_3298 : i32 to index
      %get3A_3300 = arith.constant 16 : index
      %get3A_3301 = tpu.vector_load %arg12[%get3A_3299, %get3A_3300] {strides = array<i32>} : memref<40x64xf32, #tpu.memory_space<vmem>>, vector<16xf32>,
      %jit3A_3302 = arith.constant 0.000000e+00 : f32
      %broadcast_in_dim3A_3303 = vector.broadcast %jit3A_3302 : f32 to vector<16xf32>
      %select_n3A_3304 = arith.select %gt3A_3289, %get3A_3301, %broadcast_in_dim3A_3303 : vector<16xi1>, vector<16xf32>
      %add3A_3305 = arith.addf %add3A_3270, %select_n3A_3304 : vector<16xf32>
      %get3A_3306 = arith.constant 30 : i32
      %get3A_3307 = arith.index_cast %get3A_3306 : i32 to index
      %get3A_3308 = arith.constant 32 : index
      %get3A_3309 = tpu.vector_load %arg12[%get3A_3307, %get3A_3308] {strides = array<i32>} : memref<40x64xf32, #tpu.memory_space<vmem>>, vector<16xf32>,
      %jit3A_3310 = arith.constant 0.000000e+00 : f32
      %broadcast_in_dim3A_3311 = vector.broadcast %jit3A_3310 : f32 to vector<16xf32>
      %select_n3A_3312 = arith.select %gt3A_3289, %get3A_3309, %broadcast_in_dim3A_3311 : vector<16xi1>, vector<16xf32>
      %add3A_3313 = arith.addf %add3A_3278, %select_n3A_3312 : vector<16xf32>
      %get3A_3314 = arith.constant 30 : i32
      %get3A_3315 = arith.index_cast %get3A_3314 : i32 to index
      %get3A_3316 = arith.constant 48 : index
      %get3A_3317 = tpu.vector_load %arg12[%get3A_3315, %get3A_3316] {strides = array<i32>} : memref<40x64xf32, #tpu.memory_space<vmem>>, vector<16xf32>,
      %jit3A_3318 = arith.constant 0.000000e+00 : f32
      %broadcast_in_dim3A_3319 = vector.broadcast %jit3A_3318 : f32 to vector<16xf32>
      %select_n3A_3320 = arith.select %gt3A_3289, %get3A_3317, %broadcast_in_dim3A_3319 : vector<16xi1>, vector<16xf32>
      %add3A_3321 = arith.addf %add3A_3286, %select_n3A_3320 : vector<16xf32>
      %gt3A_3322 = arith.constant 11 : i32
      %gt3A_3323 = vector.broadcast %gt3A_3322 : i32 to vector<16xi32>
      %gt3A_3324 = arith.cmpi sgt, %add3A_1918, %gt3A_3323 : vector<16xi32>
      %get3A_3325 = arith.constant 31 : i32
      %get3A_3326 = arith.index_cast %get3A_3325 : i32 to index
      %get3A_3327 = arith.constant 0 : index
      %get3A_3328 = tpu.vector_load %arg12[%get3A_3326, %get3A_3327] {strides = array<i32>} : memref<40x64xf32, #tpu.memory_space<vmem>>, vector<16xf32>,
      %jit3A_3329 = arith.constant 0.000000e+00 : f32
      %broadcast_in_dim3A_3330 = vector.broadcast %jit3A_3329 : f32 to vector<16xf32>
      %select_n3A_3331 = arith.select %gt3A_3324, %get3A_3328, %broadcast_in_dim3A_3330 : vector<16xi1>, vector<16xf32>
      %add3A_3332 = arith.addf %add3A_3297, %select_n3A_3331 : vector<16xf32>
      %get3A_3333 = arith.constant 31 : i32
      %get3A_3334 = arith.index_cast %get3A_3333 : i32 to index
      %get3A_3335 = arith.constant 16 : index
      %get3A_3336 = tpu.vector_load %arg12[%get3A_3334, %get3A_3335] {strides = array<i32>} : memref<40x64xf32, #tpu.memory_space<vmem>>, vector<16xf32>,
      %jit3A_3337 = arith.constant 0.000000e+00 : f32
      %broadcast_in_dim3A_3338 = vector.broadcast %jit3A_3337 : f32 to vector<16xf32>
      %select_n3A_3339 = arith.select %gt3A_3324, %get3A_3336, %broadcast_in_dim3A_3338 : vector<16xi1>, vector<16xf32>
      %add3A_3340 = arith.addf %add3A_3305, %select_n3A_3339 : vector<16xf32>
      %get3A_3341 = arith.constant 31 : i32
      %get3A_3342 = arith.index_cast %get3A_3341 : i32 to index
      %get3A_3343 = arith.constant 32 : index
      %get3A_3344 = tpu.vector_load %arg12[%get3A_3342, %get3A_3343] {strides = array<i32>} : memref<40x64xf32, #tpu.memory_space<vmem>>, vector<16xf32>,
      %jit3A_3345 = arith.constant 0.000000e+00 : f32
      %broadcast_in_dim3A_3346 = vector.broadcast %jit3A_3345 : f32 to vector<16xf32>
      %select_n3A_3347 = arith.select %gt3A_3324, %get3A_3344, %broadcast_in_dim3A_3346 : vector<16xi1>, vector<16xf32>
      %add3A_3348 = arith.addf %add3A_3313, %select_n3A_3347 : vector<16xf32>
      %get3A_3349 = arith.constant 31 : i32
      %get3A_3350 = arith.index_cast %get3A_3349 : i32 to index
      %get3A_3351 = arith.constant 48 : index
      %get3A_3352 = tpu.vector_load %arg12[%get3A_3350, %get3A_3351] {strides = array<i32>} : memref<40x64xf32, #tpu.memory_space<vmem>>, vector<16xf32>,
      %jit3A_3353 = arith.constant 0.000000e+00 : f32
      %broadcast_in_dim3A_3354 = vector.broadcast %jit3A_3353 : f32 to vector<16xf32>
      %select_n3A_3355 = arith.select %gt3A_3324, %get3A_3352, %broadcast_in_dim3A_3354 : vector<16xi1>, vector<16xf32>
      %add3A_3356 = arith.addf %add3A_3321, %select_n3A_3355 : vector<16xf32>
      %gt3A_3357 = arith.constant 12 : i32
      %gt3A_3358 = vector.broadcast %gt3A_3357 : i32 to vector<16xi32>
      %gt3A_3359 = arith.cmpi sgt, %add3A_1918, %gt3A_3358 : vector<16xi32>
      %get3A_3360 = arith.constant 32 : i32
      %get3A_3361 = arith.index_cast %get3A_3360 : i32 to index
      %get3A_3362 = arith.constant 0 : index
      %get3A_3363 = tpu.vector_load %arg12[%get3A_3361, %get3A_3362] {strides = array<i32>} : memref<40x64xf32, #tpu.memory_space<vmem>>, vector<16xf32>,
      %jit3A_3364 = arith.constant 0.000000e+00 : f32
      %broadcast_in_dim3A_3365 = vector.broadcast %jit3A_3364 : f32 to vector<16xf32>
      %select_n3A_3366 = arith.select %gt3A_3359, %get3A_3363, %broadcast_in_dim3A_3365 : vector<16xi1>, vector<16xf32>
      %add3A_3367 = arith.addf %add3A_3332, %select_n3A_3366 : vector<16xf32>
      %get3A_3368 = arith.constant 32 : i32
      %get3A_3369 = arith.index_cast %get3A_3368 : i32 to index
      %get3A_3370 = arith.constant 16 : index
      %get3A_3371 = tpu.vector_load %arg12[%get3A_3369, %get3A_3370] {strides = array<i32>} : memref<40x64xf32, #tpu.memory_space<vmem>>, vector<16xf32>,
      %jit3A_3372 = arith.constant 0.000000e+00 : f32
      %broadcast_in_dim3A_3373 = vector.broadcast %jit3A_3372 : f32 to vector<16xf32>
      %select_n3A_3374 = arith.select %gt3A_3359, %get3A_3371, %broadcast_in_dim3A_3373 : vector<16xi1>, vector<16xf32>
      %add3A_3375 = arith.addf %add3A_3340, %select_n3A_3374 : vector<16xf32>
      %get3A_3376 = arith.constant 32 : i32
      %get3A_3377 = arith.index_cast %get3A_3376 : i32 to index
      %get3A_3378 = arith.constant 32 : index
      %get3A_3379 = tpu.vector_load %arg12[%get3A_3377, %get3A_3378] {strides = array<i32>} : memref<40x64xf32, #tpu.memory_space<vmem>>, vector<16xf32>,
      %jit3A_3380 = arith.constant 0.000000e+00 : f32
      %broadcast_in_dim3A_3381 = vector.broadcast %jit3A_3380 : f32 to vector<16xf32>
      %select_n3A_3382 = arith.select %gt3A_3359, %get3A_3379, %broadcast_in_dim3A_3381 : vector<16xi1>, vector<16xf32>
      %add3A_3383 = arith.addf %add3A_3348, %select_n3A_3382 : vector<16xf32>
      %get3A_3384 = arith.constant 32 : i32
      %get3A_3385 = arith.index_cast %get3A_3384 : i32 to index
      %get3A_3386 = arith.constant 48 : index
      %get3A_3387 = tpu.vector_load %arg12[%get3A_3385, %get3A_3386] {strides = array<i32>} : memref<40x64xf32, #tpu.memory_space<vmem>>, vector<16xf32>,
      %jit3A_3388 = arith.constant 0.000000e+00 : f32
      %broadcast_in_dim3A_3389 = vector.broadcast %jit3A_3388 : f32 to vector<16xf32>
      %select_n3A_3390 = arith.select %gt3A_3359, %get3A_3387, %broadcast_in_dim3A_3389 : vector<16xi1>, vector<16xf32>
      %add3A_3391 = arith.addf %add3A_3356, %select_n3A_3390 : vector<16xf32>
      %gt3A_3392 = arith.constant 13 : i32
      %gt3A_3393 = vector.broadcast %gt3A_3392 : i32 to vector<16xi32>
      %gt3A_3394 = arith.cmpi sgt, %add3A_1918, %gt3A_3393 : vector<16xi32>
      %get3A_3395 = arith.constant 33 : i32
      %get3A_3396 = arith.index_cast %get3A_3395 : i32 to index
      %get3A_3397 = arith.constant 0 : index
      %get3A_3398 = tpu.vector_load %arg12[%get3A_3396, %get3A_3397] {strides = array<i32>} : memref<40x64xf32, #tpu.memory_space<vmem>>, vector<16xf32>,
      %jit3A_3399 = arith.constant 0.000000e+00 : f32
      %broadcast_in_dim3A_3400 = vector.broadcast %jit3A_3399 : f32 to vector<16xf32>
      %select_n3A_3401 = arith.select %gt3A_3394, %get3A_3398, %broadcast_in_dim3A_3400 : vector<16xi1>, vector<16xf32>
      %add3A_3402 = arith.addf %add3A_3367, %select_n3A_3401 : vector<16xf32>
      %get3A_3403 = arith.constant 33 : i32
      %get3A_3404 = arith.index_cast %get3A_3403 : i32 to index
      %get3A_3405 = arith.constant 16 : index
      %get3A_3406 = tpu.vector_load %arg12[%get3A_3404, %get3A_3405] {strides = array<i32>} : memref<40x64xf32, #tpu.memory_space<vmem>>, vector<16xf32>,
      %jit3A_3407 = arith.constant 0.000000e+00 : f32
      %broadcast_in_dim3A_3408 = vector.broadcast %jit3A_3407 : f32 to vector<16xf32>
      %select_n3A_3409 = arith.select %gt3A_3394, %get3A_3406, %broadcast_in_dim3A_3408 : vector<16xi1>, vector<16xf32>
      %add3A_3410 = arith.addf %add3A_3375, %select_n3A_3409 : vector<16xf32>
      %get3A_3411 = arith.constant 33 : i32
      %get3A_3412 = arith.index_cast %get3A_3411 : i32 to index
      %get3A_3413 = arith.constant 32 : index
      %get3A_3414 = tpu.vector_load %arg12[%get3A_3412, %get3A_3413] {strides = array<i32>} : memref<40x64xf32, #tpu.memory_space<vmem>>, vector<16xf32>,
      %jit3A_3415 = arith.constant 0.000000e+00 : f32
      %broadcast_in_dim3A_3416 = vector.broadcast %jit3A_3415 : f32 to vector<16xf32>
      %select_n3A_3417 = arith.select %gt3A_3394, %get3A_3414, %broadcast_in_dim3A_3416 : vector<16xi1>, vector<16xf32>
      %add3A_3418 = arith.addf %add3A_3383, %select_n3A_3417 : vector<16xf32>
      %get3A_3419 = arith.constant 33 : i32
      %get3A_3420 = arith.index_cast %get3A_3419 : i32 to index
      %get3A_3421 = arith.constant 48 : index
      %get3A_3422 = tpu.vector_load %arg12[%get3A_3420, %get3A_3421] {strides = array<i32>} : memref<40x64xf32, #tpu.memory_space<vmem>>, vector<16xf32>,
      %jit3A_3423 = arith.constant 0.000000e+00 : f32
      %broadcast_in_dim3A_3424 = vector.broadcast %jit3A_3423 : f32 to vector<16xf32>
      %select_n3A_3425 = arith.select %gt3A_3394, %get3A_3422, %broadcast_in_dim3A_3424 : vector<16xi1>, vector<16xf32>
      %add3A_3426 = arith.addf %add3A_3391, %select_n3A_3425 : vector<16xf32>
      %gt3A_3427 = arith.constant 14 : i32
      %gt3A_3428 = vector.broadcast %gt3A_3427 : i32 to vector<16xi32>
      %gt3A_3429 = arith.cmpi sgt, %add3A_1918, %gt3A_3428 : vector<16xi32>
      %get3A_3430 = arith.constant 34 : i32
      %get3A_3431 = arith.index_cast %get3A_3430 : i32 to index
      %get3A_3432 = arith.constant 0 : index
      %get3A_3433 = tpu.vector_load %arg12[%get3A_3431, %get3A_3432] {strides = array<i32>} : memref<40x64xf32, #tpu.memory_space<vmem>>, vector<16xf32>,
      %jit3A_3434 = arith.constant 0.000000e+00 : f32
      %broadcast_in_dim3A_3435 = vector.broadcast %jit3A_3434 : f32 to vector<16xf32>
      %select_n3A_3436 = arith.select %gt3A_3429, %get3A_3433, %broadcast_in_dim3A_3435 : vector<16xi1>, vector<16xf32>
      %add3A_3437 = arith.addf %add3A_3402, %select_n3A_3436 : vector<16xf32>
      %get3A_3438 = arith.constant 34 : i32
      %get3A_3439 = arith.index_cast %get3A_3438 : i32 to index
      %get3A_3440 = arith.constant 16 : index
      %get3A_3441 = tpu.vector_load %arg12[%get3A_3439, %get3A_3440] {strides = array<i32>} : memref<40x64xf32, #tpu.memory_space<vmem>>, vector<16xf32>,
      %jit3A_3442 = arith.constant 0.000000e+00 : f32
      %broadcast_in_dim3A_3443 = vector.broadcast %jit3A_3442 : f32 to vector<16xf32>
      %select_n3A_3444 = arith.select %gt3A_3429, %get3A_3441, %broadcast_in_dim3A_3443 : vector<16xi1>, vector<16xf32>
      %add3A_3445 = arith.addf %add3A_3410, %select_n3A_3444 : vector<16xf32>
      %get3A_3446 = arith.constant 34 : i32
      %get3A_3447 = arith.index_cast %get3A_3446 : i32 to index
      %get3A_3448 = arith.constant 32 : index
      %get3A_3449 = tpu.vector_load %arg12[%get3A_3447, %get3A_3448] {strides = array<i32>} : memref<40x64xf32, #tpu.memory_space<vmem>>, vector<16xf32>,
      %jit3A_3450 = arith.constant 0.000000e+00 : f32
      %broadcast_in_dim3A_3451 = vector.broadcast %jit3A_3450 : f32 to vector<16xf32>
      %select_n3A_3452 = arith.select %gt3A_3429, %get3A_3449, %broadcast_in_dim3A_3451 : vector<16xi1>, vector<16xf32>
      %add3A_3453 = arith.addf %add3A_3418, %select_n3A_3452 : vector<16xf32>
      %get3A_3454 = arith.constant 34 : i32
      %get3A_3455 = arith.index_cast %get3A_3454 : i32 to index
      %get3A_3456 = arith.constant 48 : index
      %get3A_3457 = tpu.vector_load %arg12[%get3A_3455, %get3A_3456] {strides = array<i32>} : memref<40x64xf32, #tpu.memory_space<vmem>>, vector<16xf32>,
      %jit3A_3458 = arith.constant 0.000000e+00 : f32
      %broadcast_in_dim3A_3459 = vector.broadcast %jit3A_3458 : f32 to vector<16xf32>
      %select_n3A_3460 = arith.select %gt3A_3429, %get3A_3457, %broadcast_in_dim3A_3459 : vector<16xi1>, vector<16xf32>
      %add3A_3461 = arith.addf %add3A_3426, %select_n3A_3460 : vector<16xf32>
      %gt3A_3462 = arith.constant 15 : i32
      %gt3A_3463 = vector.broadcast %gt3A_3462 : i32 to vector<16xi32>
      %gt3A_3464 = arith.cmpi sgt, %add3A_1918, %gt3A_3463 : vector<16xi32>
      %get3A_3465 = arith.constant 35 : i32
      %get3A_3466 = arith.index_cast %get3A_3465 : i32 to index
      %get3A_3467 = arith.constant 0 : index
      %get3A_3468 = tpu.vector_load %arg12[%get3A_3466, %get3A_3467] {strides = array<i32>} : memref<40x64xf32, #tpu.memory_space<vmem>>, vector<16xf32>,
      %jit3A_3469 = arith.constant 0.000000e+00 : f32
      %broadcast_in_dim3A_3470 = vector.broadcast %jit3A_3469 : f32 to vector<16xf32>
      %select_n3A_3471 = arith.select %gt3A_3464, %get3A_3468, %broadcast_in_dim3A_3470 : vector<16xi1>, vector<16xf32>
      %add3A_3472 = arith.addf %add3A_3437, %select_n3A_3471 : vector<16xf32>
      %get3A_3473 = arith.constant 35 : i32
      %get3A_3474 = arith.index_cast %get3A_3473 : i32 to index
      %get3A_3475 = arith.constant 16 : index
      %get3A_3476 = tpu.vector_load %arg12[%get3A_3474, %get3A_3475] {strides = array<i32>} : memref<40x64xf32, #tpu.memory_space<vmem>>, vector<16xf32>,
      %jit3A_3477 = arith.constant 0.000000e+00 : f32
      %broadcast_in_dim3A_3478 = vector.broadcast %jit3A_3477 : f32 to vector<16xf32>
      %select_n3A_3479 = arith.select %gt3A_3464, %get3A_3476, %broadcast_in_dim3A_3478 : vector<16xi1>, vector<16xf32>
      %add3A_3480 = arith.addf %add3A_3445, %select_n3A_3479 : vector<16xf32>
      %get3A_3481 = arith.constant 35 : i32
      %get3A_3482 = arith.index_cast %get3A_3481 : i32 to index
      %get3A_3483 = arith.constant 32 : index
      %get3A_3484 = tpu.vector_load %arg12[%get3A_3482, %get3A_3483] {strides = array<i32>} : memref<40x64xf32, #tpu.memory_space<vmem>>, vector<16xf32>,
      %jit3A_3485 = arith.constant 0.000000e+00 : f32
      %broadcast_in_dim3A_3486 = vector.broadcast %jit3A_3485 : f32 to vector<16xf32>
      %select_n3A_3487 = arith.select %gt3A_3464, %get3A_3484, %broadcast_in_dim3A_3486 : vector<16xi1>, vector<16xf32>
      %add3A_3488 = arith.addf %add3A_3453, %select_n3A_3487 : vector<16xf32>
      %get3A_3489 = arith.constant 35 : i32
      %get3A_3490 = arith.index_cast %get3A_3489 : i32 to index
      %get3A_3491 = arith.constant 48 : index
      %get3A_3492 = tpu.vector_load %arg12[%get3A_3490, %get3A_3491] {strides = array<i32>} : memref<40x64xf32, #tpu.memory_space<vmem>>, vector<16xf32>,
      %jit3A_3493 = arith.constant 0.000000e+00 : f32
      %broadcast_in_dim3A_3494 = vector.broadcast %jit3A_3493 : f32 to vector<16xf32>
      %select_n3A_3495 = arith.select %gt3A_3464, %get3A_3492, %broadcast_in_dim3A_3494 : vector<16xi1>, vector<16xf32>
      %add3A_3496 = arith.addf %add3A_3461, %select_n3A_3495 : vector<16xf32>
      %gt3A_3497 = arith.constant 16 : i32
      %gt3A_3498 = vector.broadcast %gt3A_3497 : i32 to vector<16xi32>
      %gt3A_3499 = arith.cmpi sgt, %add3A_1918, %gt3A_3498 : vector<16xi32>
      %get3A_3500 = arith.constant 36 : i32
      %get3A_3501 = arith.index_cast %get3A_3500 : i32 to index
      %get3A_3502 = arith.constant 0 : index
      %get3A_3503 = tpu.vector_load %arg12[%get3A_3501, %get3A_3502] {strides = array<i32>} : memref<40x64xf32, #tpu.memory_space<vmem>>, vector<16xf32>,
      %jit3A_3504 = arith.constant 0.000000e+00 : f32
      %broadcast_in_dim3A_3505 = vector.broadcast %jit3A_3504 : f32 to vector<16xf32>
      %select_n3A_3506 = arith.select %gt3A_3499, %get3A_3503, %broadcast_in_dim3A_3505 : vector<16xi1>, vector<16xf32>
      %add3A_3507 = arith.addf %add3A_3472, %select_n3A_3506 : vector<16xf32>
      %get3A_3508 = arith.constant 36 : i32
      %get3A_3509 = arith.index_cast %get3A_3508 : i32 to index
      %get3A_3510 = arith.constant 16 : index
      %get3A_3511 = tpu.vector_load %arg12[%get3A_3509, %get3A_3510] {strides = array<i32>} : memref<40x64xf32, #tpu.memory_space<vmem>>, vector<16xf32>,
      %jit3A_3512 = arith.constant 0.000000e+00 : f32
      %broadcast_in_dim3A_3513 = vector.broadcast %jit3A_3512 : f32 to vector<16xf32>
      %select_n3A_3514 = arith.select %gt3A_3499, %get3A_3511, %broadcast_in_dim3A_3513 : vector<16xi1>, vector<16xf32>
      %add3A_3515 = arith.addf %add3A_3480, %select_n3A_3514 : vector<16xf32>
      %get3A_3516 = arith.constant 36 : i32
      %get3A_3517 = arith.index_cast %get3A_3516 : i32 to index
      %get3A_3518 = arith.constant 32 : index
      %get3A_3519 = tpu.vector_load %arg12[%get3A_3517, %get3A_3518] {strides = array<i32>} : memref<40x64xf32, #tpu.memory_space<vmem>>, vector<16xf32>,
      %jit3A_3520 = arith.constant 0.000000e+00 : f32
      %broadcast_in_dim3A_3521 = vector.broadcast %jit3A_3520 : f32 to vector<16xf32>
      %select_n3A_3522 = arith.select %gt3A_3499, %get3A_3519, %broadcast_in_dim3A_3521 : vector<16xi1>, vector<16xf32>
      %add3A_3523 = arith.addf %add3A_3488, %select_n3A_3522 : vector<16xf32>
      %get3A_3524 = arith.constant 36 : i32
      %get3A_3525 = arith.index_cast %get3A_3524 : i32 to index
      %get3A_3526 = arith.constant 48 : index
      %get3A_3527 = tpu.vector_load %arg12[%get3A_3525, %get3A_3526] {strides = array<i32>} : memref<40x64xf32, #tpu.memory_space<vmem>>, vector<16xf32>,
      %jit3A_3528 = arith.constant 0.000000e+00 : f32
      %broadcast_in_dim3A_3529 = vector.broadcast %jit3A_3528 : f32 to vector<16xf32>
      %select_n3A_3530 = arith.select %gt3A_3499, %get3A_3527, %broadcast_in_dim3A_3529 : vector<16xi1>, vector<16xf32>
      %add3A_3531 = arith.addf %add3A_3496, %select_n3A_3530 : vector<16xf32>
      %gt3A_3532 = arith.constant 17 : i32
      %gt3A_3533 = vector.broadcast %gt3A_3532 : i32 to vector<16xi32>
      %gt3A_3534 = arith.cmpi sgt, %add3A_1918, %gt3A_3533 : vector<16xi32>
      %get3A_3535 = arith.constant 37 : i32
      %get3A_3536 = arith.index_cast %get3A_3535 : i32 to index
      %get3A_3537 = arith.constant 0 : index
      %get3A_3538 = tpu.vector_load %arg12[%get3A_3536, %get3A_3537] {strides = array<i32>} : memref<40x64xf32, #tpu.memory_space<vmem>>, vector<16xf32>,
      %jit3A_3539 = arith.constant 0.000000e+00 : f32
      %broadcast_in_dim3A_3540 = vector.broadcast %jit3A_3539 : f32 to vector<16xf32>
      %select_n3A_3541 = arith.select %gt3A_3534, %get3A_3538, %broadcast_in_dim3A_3540 : vector<16xi1>, vector<16xf32>
      %add3A_3542 = arith.addf %add3A_3507, %select_n3A_3541 : vector<16xf32>
      %get3A_3543 = arith.constant 37 : i32
      %get3A_3544 = arith.index_cast %get3A_3543 : i32 to index
      %get3A_3545 = arith.constant 16 : index
      %get3A_3546 = tpu.vector_load %arg12[%get3A_3544, %get3A_3545] {strides = array<i32>} : memref<40x64xf32, #tpu.memory_space<vmem>>, vector<16xf32>,
      %jit3A_3547 = arith.constant 0.000000e+00 : f32
      %broadcast_in_dim3A_3548 = vector.broadcast %jit3A_3547 : f32 to vector<16xf32>
      %select_n3A_3549 = arith.select %gt3A_3534, %get3A_3546, %broadcast_in_dim3A_3548 : vector<16xi1>, vector<16xf32>
      %add3A_3550 = arith.addf %add3A_3515, %select_n3A_3549 : vector<16xf32>
      %get3A_3551 = arith.constant 37 : i32
      %get3A_3552 = arith.index_cast %get3A_3551 : i32 to index
      %get3A_3553 = arith.constant 32 : index
      %get3A_3554 = tpu.vector_load %arg12[%get3A_3552, %get3A_3553] {strides = array<i32>} : memref<40x64xf32, #tpu.memory_space<vmem>>, vector<16xf32>,
      %jit3A_3555 = arith.constant 0.000000e+00 : f32
      %broadcast_in_dim3A_3556 = vector.broadcast %jit3A_3555 : f32 to vector<16xf32>
      %select_n3A_3557 = arith.select %gt3A_3534, %get3A_3554, %broadcast_in_dim3A_3556 : vector<16xi1>, vector<16xf32>
      %add3A_3558 = arith.addf %add3A_3523, %select_n3A_3557 : vector<16xf32>
      %get3A_3559 = arith.constant 37 : i32
      %get3A_3560 = arith.index_cast %get3A_3559 : i32 to index
      %get3A_3561 = arith.constant 48 : index
      %get3A_3562 = tpu.vector_load %arg12[%get3A_3560, %get3A_3561] {strides = array<i32>} : memref<40x64xf32, #tpu.memory_space<vmem>>, vector<16xf32>,
      %jit3A_3563 = arith.constant 0.000000e+00 : f32
      %broadcast_in_dim3A_3564 = vector.broadcast %jit3A_3563 : f32 to vector<16xf32>
      %select_n3A_3565 = arith.select %gt3A_3534, %get3A_3562, %broadcast_in_dim3A_3564 : vector<16xi1>, vector<16xf32>
      %add3A_3566 = arith.addf %add3A_3531, %select_n3A_3565 : vector<16xf32>
      %gt3A_3567 = arith.constant 18 : i32
      %gt3A_3568 = vector.broadcast %gt3A_3567 : i32 to vector<16xi32>
      %gt3A_3569 = arith.cmpi sgt, %add3A_1918, %gt3A_3568 : vector<16xi32>
      %get3A_3570 = arith.constant 38 : i32
      %get3A_3571 = arith.index_cast %get3A_3570 : i32 to index
      %get3A_3572 = arith.constant 0 : index
      %get3A_3573 = tpu.vector_load %arg12[%get3A_3571, %get3A_3572] {strides = array<i32>} : memref<40x64xf32, #tpu.memory_space<vmem>>, vector<16xf32>,
      %jit3A_3574 = arith.constant 0.000000e+00 : f32
      %broadcast_in_dim3A_3575 = vector.broadcast %jit3A_3574 : f32 to vector<16xf32>
      %select_n3A_3576 = arith.select %gt3A_3569, %get3A_3573, %broadcast_in_dim3A_3575 : vector<16xi1>, vector<16xf32>
      %add3A_3577 = arith.addf %add3A_3542, %select_n3A_3576 : vector<16xf32>
      %get3A_3578 = arith.constant 38 : i32
      %get3A_3579 = arith.index_cast %get3A_3578 : i32 to index
      %get3A_3580 = arith.constant 16 : index
      %get3A_3581 = tpu.vector_load %arg12[%get3A_3579, %get3A_3580] {strides = array<i32>} : memref<40x64xf32, #tpu.memory_space<vmem>>, vector<16xf32>,
      %jit3A_3582 = arith.constant 0.000000e+00 : f32
      %broadcast_in_dim3A_3583 = vector.broadcast %jit3A_3582 : f32 to vector<16xf32>
      %select_n3A_3584 = arith.select %gt3A_3569, %get3A_3581, %broadcast_in_dim3A_3583 : vector<16xi1>, vector<16xf32>
      %add3A_3585 = arith.addf %add3A_3550, %select_n3A_3584 : vector<16xf32>
      %get3A_3586 = arith.constant 38 : i32
      %get3A_3587 = arith.index_cast %get3A_3586 : i32 to index
      %get3A_3588 = arith.constant 32 : index
      %get3A_3589 = tpu.vector_load %arg12[%get3A_3587, %get3A_3588] {strides = array<i32>} : memref<40x64xf32, #tpu.memory_space<vmem>>, vector<16xf32>,
      %jit3A_3590 = arith.constant 0.000000e+00 : f32
      %broadcast_in_dim3A_3591 = vector.broadcast %jit3A_3590 : f32 to vector<16xf32>
      %select_n3A_3592 = arith.select %gt3A_3569, %get3A_3589, %broadcast_in_dim3A_3591 : vector<16xi1>, vector<16xf32>
      %add3A_3593 = arith.addf %add3A_3558, %select_n3A_3592 : vector<16xf32>
      %get3A_3594 = arith.constant 38 : i32
      %get3A_3595 = arith.index_cast %get3A_3594 : i32 to index
      %get3A_3596 = arith.constant 48 : index
      %get3A_3597 = tpu.vector_load %arg12[%get3A_3595, %get3A_3596] {strides = array<i32>} : memref<40x64xf32, #tpu.memory_space<vmem>>, vector<16xf32>,
      %jit3A_3598 = arith.constant 0.000000e+00 : f32
      %broadcast_in_dim3A_3599 = vector.broadcast %jit3A_3598 : f32 to vector<16xf32>
      %select_n3A_3600 = arith.select %gt3A_3569, %get3A_3597, %broadcast_in_dim3A_3599 : vector<16xi1>, vector<16xf32>
      %add3A_3601 = arith.addf %add3A_3566, %select_n3A_3600 : vector<16xf32>
      %gt3A_3602 = arith.constant 19 : i32
      %gt3A_3603 = vector.broadcast %gt3A_3602 : i32 to vector<16xi32>
      %gt3A_3604 = arith.cmpi sgt, %add3A_1918, %gt3A_3603 : vector<16xi32>
      %get3A_3605 = arith.constant 39 : i32
      %get3A_3606 = arith.index_cast %get3A_3605 : i32 to index
      %get3A_3607 = arith.constant 0 : index
      %get3A_3608 = tpu.vector_load %arg12[%get3A_3606, %get3A_3607] {strides = array<i32>} : memref<40x64xf32, #tpu.memory_space<vmem>>, vector<16xf32>,
      %jit3A_3609 = arith.constant 0.000000e+00 : f32
      %broadcast_in_dim3A_3610 = vector.broadcast %jit3A_3609 : f32 to vector<16xf32>
      %select_n3A_3611 = arith.select %gt3A_3604, %get3A_3608, %broadcast_in_dim3A_3610 : vector<16xi1>, vector<16xf32>
      %add3A_3612 = arith.addf %add3A_3577, %select_n3A_3611 : vector<16xf32>
      %get3A_3613 = arith.constant 39 : i32
      %get3A_3614 = arith.index_cast %get3A_3613 : i32 to index
      %get3A_3615 = arith.constant 16 : index
      %get3A_3616 = tpu.vector_load %arg12[%get3A_3614, %get3A_3615] {strides = array<i32>} : memref<40x64xf32, #tpu.memory_space<vmem>>, vector<16xf32>,
      %jit3A_3617 = arith.constant 0.000000e+00 : f32
      %broadcast_in_dim3A_3618 = vector.broadcast %jit3A_3617 : f32 to vector<16xf32>
      %select_n3A_3619 = arith.select %gt3A_3604, %get3A_3616, %broadcast_in_dim3A_3618 : vector<16xi1>, vector<16xf32>
      %add3A_3620 = arith.addf %add3A_3585, %select_n3A_3619 : vector<16xf32>
      %get3A_3621 = arith.constant 39 : i32
      %get3A_3622 = arith.index_cast %get3A_3621 : i32 to index
      %get3A_3623 = arith.constant 32 : index
      %get3A_3624 = tpu.vector_load %arg12[%get3A_3622, %get3A_3623] {strides = array<i32>} : memref<40x64xf32, #tpu.memory_space<vmem>>, vector<16xf32>,
      %jit3A_3625 = arith.constant 0.000000e+00 : f32
      %broadcast_in_dim3A_3626 = vector.broadcast %jit3A_3625 : f32 to vector<16xf32>
      %select_n3A_3627 = arith.select %gt3A_3604, %get3A_3624, %broadcast_in_dim3A_3626 : vector<16xi1>, vector<16xf32>
      %add3A_3628 = arith.addf %add3A_3593, %select_n3A_3627 : vector<16xf32>
      %get3A_3629 = arith.constant 39 : i32
      %get3A_3630 = arith.index_cast %get3A_3629 : i32 to index
      %get3A_3631 = arith.constant 48 : index
      %get3A_3632 = tpu.vector_load %arg12[%get3A_3630, %get3A_3631] {strides = array<i32>} : memref<40x64xf32, #tpu.memory_space<vmem>>, vector<16xf32>,
      %jit3A_3633 = arith.constant 0.000000e+00 : f32
      %broadcast_in_dim3A_3634 = vector.broadcast %jit3A_3633 : f32 to vector<16xf32>
      %select_n3A_3635 = arith.select %gt3A_3604, %get3A_3632, %broadcast_in_dim3A_3634 : vector<16xi1>, vector<16xf32>
      %add3A_3636 = arith.addf %add3A_3601, %select_n3A_3635 : vector<16xf32>
      %convert_element_type3A_3637 = arith.sitofp %add3A_2930 : vector<16xi32> to vector<16xf32>
      %max3A_3638 = arith.constant 1.000000e+00 : f32
      %max3A_3639 = vector.broadcast %max3A_3638 : f32 to vector<16xf32>
      %max3A_3640 = arith.maximumf %convert_element_type3A_3637, %max3A_3639 : vector<16xf32>
      %div3A_3641 = arith.constant 1.000000e+00 : f32
      %div3A_3642 = vector.broadcast %div3A_3641 : f32 to vector<16xf32>
      %div3A_3643 = arith.divf %div3A_3642, %max3A_3640 : vector<16xf32>
      %convert_element_type3A_3644 = arith.sitofp %add3A_1918 : vector<16xi32> to vector<16xf32>
      %max3A_3645 = arith.constant 1.000000e+00 : f32
      %max3A_3646 = vector.broadcast %max3A_3645 : f32 to vector<16xf32>
      %max3A_3647 = arith.maximumf %convert_element_type3A_3644, %max3A_3646 : vector<16xf32>
      %div3A_3648 = arith.constant 1.000000e+00 : f32
      %div3A_3649 = vector.broadcast %div3A_3648 : f32 to vector<16xf32>
      %div3A_3650 = arith.divf %div3A_3649, %max3A_3647 : vector<16xf32>
      %mul3A_3651 = arith.mulf %scan3A_2935#0, %div3A_3643 : vector<16xf32>
      %swap3A_3652 = arith.index_cast %add3A_2804 : i32 to index
      %swap3A_3653 = arith.constant 0 : index
      %swap3A_3654 = tpu.vector_load %arg13[%swap3A_3652, %swap3A_3653] {strides = array<i32>} : memref<128x128xf32, #tpu.memory_space<vmem>>, vector<16xf32>,
      tpu.vector_store %arg13[%swap3A_3652, %swap3A_3653], %mul3A_3651 {strides = array<i32>} : memref<128x128xf32, #tpu.memory_space<vmem>>, vector<16xf32>,
      %mul3A_3655 = arith.mulf %add3A_3612, %div3A_3650 : vector<16xf32>
      %swap3A_3656 = arith.index_cast %add3A_2804 : i32 to index
      %swap3A_3657 = arith.constant 64 : index
      %swap3A_3658 = tpu.vector_load %arg13[%swap3A_3656, %swap3A_3657] {strides = array<i32>} : memref<128x128xf32, #tpu.memory_space<vmem>>, vector<16xf32>,
      tpu.vector_store %arg13[%swap3A_3656, %swap3A_3657], %mul3A_3655 {strides = array<i32>} : memref<128x128xf32, #tpu.memory_space<vmem>>, vector<16xf32>,
      %mul3A_3659 = arith.mulf %scan3A_2935#1, %div3A_3643 : vector<16xf32>
      %swap3A_3660 = arith.index_cast %add3A_2804 : i32 to index
      %swap3A_3661 = arith.constant 16 : index
      %swap3A_3662 = tpu.vector_load %arg13[%swap3A_3660, %swap3A_3661] {strides = array<i32>} : memref<128x128xf32, #tpu.memory_space<vmem>>, vector<16xf32>,
      tpu.vector_store %arg13[%swap3A_3660, %swap3A_3661], %mul3A_3659 {strides = array<i32>} : memref<128x128xf32, #tpu.memory_space<vmem>>, vector<16xf32>,
      %mul3A_3663 = arith.mulf %add3A_3620, %div3A_3650 : vector<16xf32>
      %swap3A_3664 = arith.index_cast %add3A_2804 : i32 to index
      %swap3A_3665 = arith.constant 80 : index
      %swap3A_3666 = tpu.vector_load %arg13[%swap3A_3664, %swap3A_3665] {strides = array<i32>} : memref<128x128xf32, #tpu.memory_space<vmem>>, vector<16xf32>,
      tpu.vector_store %arg13[%swap3A_3664, %swap3A_3665], %mul3A_3663 {strides = array<i32>} : memref<128x128xf32, #tpu.memory_space<vmem>>, vector<16xf32>,
      %mul3A_3667 = arith.mulf %scan3A_2935#2, %div3A_3643 : vector<16xf32>
      %swap3A_3668 = arith.index_cast %add3A_2804 : i32 to index
      %swap3A_3669 = arith.constant 32 : index
      %swap3A_3670 = tpu.vector_load %arg13[%swap3A_3668, %swap3A_3669] {strides = array<i32>} : memref<128x128xf32, #tpu.memory_space<vmem>>, vector<16xf32>,
      tpu.vector_store %arg13[%swap3A_3668, %swap3A_3669], %mul3A_3667 {strides = array<i32>} : memref<128x128xf32, #tpu.memory_space<vmem>>, vector<16xf32>,
      %mul3A_3671 = arith.mulf %add3A_3628, %div3A_3650 : vector<16xf32>
      %swap3A_3672 = arith.index_cast %add3A_2804 : i32 to index
      %swap3A_3673 = arith.constant 96 : index
      %swap3A_3674 = tpu.vector_load %arg13[%swap3A_3672, %swap3A_3673] {strides = array<i32>} : memref<128x128xf32, #tpu.memory_space<vmem>>, vector<16xf32>,
      tpu.vector_store %arg13[%swap3A_3672, %swap3A_3673], %mul3A_3671 {strides = array<i32>} : memref<128x128xf32, #tpu.memory_space<vmem>>, vector<16xf32>,
      %mul3A_3675 = arith.mulf %scan3A_2935#3, %div3A_3643 : vector<16xf32>
      %swap3A_3676 = arith.index_cast %add3A_2804 : i32 to index
      %swap3A_3677 = arith.constant 48 : index
      %swap3A_3678 = tpu.vector_load %arg13[%swap3A_3676, %swap3A_3677] {strides = array<i32>} : memref<128x128xf32, #tpu.memory_space<vmem>>, vector<16xf32>,
      tpu.vector_store %arg13[%swap3A_3676, %swap3A_3677], %mul3A_3675 {strides = array<i32>} : memref<128x128xf32, #tpu.memory_space<vmem>>, vector<16xf32>,
      %mul3A_3679 = arith.mulf %add3A_3636, %div3A_3650 : vector<16xf32>
      %swap3A_3680 = arith.index_cast %add3A_2804 : i32 to index
      %swap3A_3681 = arith.constant 112 : index
      %swap3A_3682 = tpu.vector_load %arg13[%swap3A_3680, %swap3A_3681] {strides = array<i32>} : memref<128x128xf32, #tpu.memory_space<vmem>>, vector<16xf32>,
      tpu.vector_store %arg13[%swap3A_3680, %swap3A_3681], %mul3A_3679 {strides = array<i32>} : memref<128x128xf32, #tpu.memory_space<vmem>>, vector<16xf32>,
    }
    %scan3A_36 = arith.constant 32 : i32
    "tpu.region"() ({
      %run_scoped3A = tpu.sem_alloc : memref<!tpu.dma_semaphore, #tpu.memory_space<semaphore_mem>>
      %dma_start3A_37 = arith.constant 0 : i32
      %dma_start3A_38 = tpu.memref_slice %arg6[%mul3A_2, %dma_start3A_37] : memref<4096x128xf32, #tpu.memory_space<hbm>> -> memref<128x128xf32, #tpu.memory_space<hbm>>
      %dma_start3A_39 = arith.constant 0 : i32
      %dma_start3A_40 = tpu.memref_slice %arg6[%mul3A_2, %dma_start3A_39] : memref<4096x128xf32, #tpu.memory_space<hbm>> -> memref<128x128xf32, #tpu.memory_space<hbm>>
      tpu.enqueue_dma source(%arg13 : memref<128x128xf32, #tpu.memory_space<vmem>>) target(%dma_start3A_40 : memref<128x128xf32, #tpu.memory_space<hbm>>) target_semaphore(%run_scoped3A : memref<!tpu.dma_semaphore, #tpu.memory_space<semaphore_mem>>)
      %dma_wait3A = arith.constant 0 : i32
      %dma_wait3A_41 = tpu.memref_slice %arg6[%mul3A_2, %dma_wait3A] : memref<4096x128xf32, #tpu.memory_space<hbm>> -> memref<128x128xf32, #tpu.memory_space<hbm>>
      %dma_wait3A_42 = arith.constant 0 : i32
      %dma_wait3A_43 = tpu.memref_slice %arg6[%mul3A_2, %dma_wait3A_42] : memref<4096x128xf32, #tpu.memory_space<hbm>> -> memref<128x128xf32, #tpu.memory_space<hbm>>
      tpu.wait_dma2 semaphore(%run_scoped3A : memref<!tpu.dma_semaphore, #tpu.memory_space<semaphore_mem>>) src(%arg13 : memref<128x128xf32, #tpu.memory_space<vmem>>) dst(%dma_wait3A_43 : memref<128x128xf32, #tpu.memory_space<hbm>>)
      tpu.yield
    }) : () -> ()
    return
  }
}

module attributes {stable_mosaic.version = 14 : i64} {
  func.func @body(%arg0: i32, %arg1: memref<64x16384xf32, #tpu.memory_space<vmem>>, %arg2: memref<8192x128xf32, #tpu.memory_space<vmem>>) attributes {dimension_semantics = [#tpu.dimension_semantics<arbitrary>], iteration_bounds = array<i64: 62>, scalar_prefetch = 0 : i64, scratch_operands = 0 : i64, tpu.core_type = #tpu.core_type<tc>, window_params = [{transform_indices = @transform_0, window_bounds = array<i64: 64, 16384>}, {transform_indices = @transform_1, window_bounds = array<i64: 8192, 128>}]} {
    %get3A = arith.constant 0 : index
    %get3A_0 = arith.constant 0 : index
    %get3A_1 = vector.load %arg1[%get3A, %get3A_0] : memref<64x16384xf32, #tpu.memory_space<vmem>>, vector<64x16384xf32>
    %transpose3A = tpu.transpose %get3A_1, [1, 0] : vector<64x16384xf32> -> vector<16384x64xf32>
    %slice3A = vector.extract_strided_slice %transpose3A {offsets = [0, 0], sizes = [8192, 64], strides = [1, 1]} : vector<16384x64xf32> to vector<8192x64xf32>
    %slice3A_2 = vector.extract_strided_slice %transpose3A {offsets = [8192, 0], sizes = [8192, 64], strides = [1, 1]} : vector<16384x64xf32> to vector<8192x64xf32>
    %concatenate3A = tpu.concatenate %slice3A, %slice3A_2 in 1 : vector<8192x64xf32>, vector<8192x64xf32> -> vector<8192x128xf32>
    %swap3A = arith.constant 0 : index
    %swap3A_3 = arith.constant 0 : index
    %swap3A_4 = vector.load %arg2[%swap3A, %swap3A_3] : memref<8192x128xf32, #tpu.memory_space<vmem>>, vector<8192x128xf32>
    tpu.vector_store %arg2[%swap3A, %swap3A_3], %concatenate3A {strides = array<i32>} : memref<8192x128xf32, #tpu.memory_space<vmem>>, vector<8192x128xf32>,
    return
  }
  func.func @transform_0(%arg0: i32) -> (i32, i32) {
    %c0_i32 = arith.constant 0 : i32
    %c0_i32_0 = arith.constant 0 : i32
    return %c0_i32, %arg0 : i32, i32
  }
  func.func @transform_1(%arg0: i32) -> (i32, i32) {
    %c0_i32 = arith.constant 0 : i32
    %c0_i32_0 = arith.constant 0 : i32
    return %arg0, %c0_i32 : i32, i32
  }
}

module attributes {stable_mosaic.version = 14 : i64} {
  func.func @body(%arg0: memref<4096x128xf32, #tpu.memory_space<vmem>>, %arg1: memref<3x128xf32, #tpu.memory_space<vmem>>, %arg2: memref<1x3xf32, #tpu.memory_space<vmem>>, %arg3: memref<4096x3xf32, #tpu.memory_space<vmem>>) attributes {dimension_semantics = [], scalar_prefetch = 0 : i64, scratch_operands = 0 : i64, tpu.core_type = #tpu.core_type<tc>} {
    %get3A = arith.constant 0 : index
    %get3A_0 = arith.constant 0 : index
    %get3A_1 = vector.load %arg0[%get3A, %get3A_0] : memref<4096x128xf32, #tpu.memory_space<vmem>>, vector<4096x128xf32>
    %get3A_2 = arith.constant 0 : index
    %get3A_3 = arith.constant 0 : index
    %get3A_4 = vector.load %arg1[%get3A_2, %get3A_3] : memref<3x128xf32, #tpu.memory_space<vmem>>, vector<3x128xf32>
    %dot_general3A = arith.constant dense<0.000000e+00> : vector<4096x3xf32>
    %dot_general3A_5 = tpu.matmul %get3A_1, %get3A_4, %dot_general3A {dimension_numbers = #tpu.dot_dimension_numbers<[1], [1], [0], [0], [0, 0, 1, 0], [], []>, precision = #tpu.contract_precision<fp32>, transpose_lhs_hint = false} : vector<4096x128xf32>, vector<3x128xf32>, vector<4096x3xf32> -> vector<4096x3xf32>
    %get3A_6 = arith.constant 0 : index
    %get3A_7 = arith.constant 0 : index
    %get3A_8 = vector.load %arg2[%get3A_6, %get3A_7] : memref<1x3xf32, #tpu.memory_space<vmem>>, vector<1x3xf32>
    %add3A = vector.broadcast %get3A_8 : vector<1x3xf32> to vector<4096x3xf32>
    %add3A_9 = arith.addf %dot_general3A_5, %add3A : vector<4096x3xf32>
    %swap3A = arith.constant 0 : index
    %swap3A_10 = arith.constant 0 : index
    %swap3A_11 = vector.load %arg3[%swap3A, %swap3A_10] : memref<4096x3xf32, #tpu.memory_space<vmem>>, vector<4096x3xf32>
    tpu.vector_store %arg3[%swap3A, %swap3A_10], %add3A_9 {strides = array<i32>} : memref<4096x3xf32, #tpu.memory_space<vmem>>, vector<4096x3xf32>,
    return
  }
}

</mosaic_0001>

<sc_bundles>
// kernel: kernel.6.cloned.1.call-start
scs
__scs_entry_jumppad:
0x0: {  	(pc) =	sbr.rel $0x88, $3  }
0x1: {  	(tag) =	ssettag $0x0;
	lr =	simm.s32 $0x1  }
0x2: {  	[smem:$0x3F9B] =	sst lr;
	_ =	strace $0xD0000000  }
0x3: {  	_ = 	snop  }
0x4: {  	_ = 	snop  }
0x5: {  	_ = 	snop  }
0x6: {  	_ = 	snop  }
0x7: {  	_ = 	snop  }
__scs_overlays_trampoline_lowered:
0x8: {  	[smem:$0x3FAA] =	sst s0  }
0x9: {  	[smem:$0x3FAB] =	sst s1  }
0xa: {  	[smem:$0x3FAC] =	sst s2  }
0xb: {  	[smem:$0x3FAD] =	sst s3  }
0xc: {  	[smem:$0x3FAE] =	sst s4  }
0xd: {  	[smem:$0x3FAF] =	sst s5  }
0xe: {  	[smem:$0x3FB0] =	sst s6  }
0xf: {  	[smem:$0x3FB1] =	sst s7  }
0x10: {  	[smem:$0x3FB2] =	sst s8  }
0x11: {  	[smem:$0x3FB3] =	sst s9;
	s0 =	simm.s32 @!p0 $0x0  }
0x12: {  	s1 =	sld [smem:$0x3F99];
	s0 =	simm.s32 @p0 $0x1  }
0x13: {  	[smem:$0x3FB4] =	sst s0;
	s0 =	simm.s32 @!p1 $0x0  }
0x14: {  	s2 =	sld [smem:$0x3F98];
	s0 =	simm.s32 @p1 $0x1  }
0x15: {  	[smem:$0x3FB5] =	sst s0;
	s0 =	simm.s32 @!p2 $0x0  }
0x16: {  	s3 =	sld [smem:$0x3FDB];
	s0 =	simm.s32 @p2 $0x1  }
0x17: {  	s4 =	simm.s32 $0x1BF5;
	[smem:$0x3FB7] =	sst s0  }
0x18: {  	s0 =	sld [smem:$0x3F9A];
	_ =	swait.ge [sflag:s4], $0x0  }
0x19: {  	s7 =	sld [smem:$0x3F9B]  }
0x1a: {  	s8 =	sadd.s32 $0xFFFFE003, lr  }
0x1b: {  	s9 =	sadd.s32 $0xFFFFFEF7, lr;
	s5 =	simm.s32 $0xFFFFFFFF;
	p2 =	slt.u32 s8, $0xFFFFF086  }
0x1c: {  	p1 =	slt.u32 s9, $0xF7A;
	s5 =	simm.s32 @!p2 $0x0  }
0x1d: {  	s5 =	simm.s32 @p1 $0x1;
	p0 =	seq.s32 s7, s2  }
0x1e: {  	s7 =	smul.u32 @!p0 $0xF7A, s2;
	p2 =	seq.s32 @!p0 s5, $0x0  }
0x1f: {  	s9 =	smul.u32 $0xF7A, s1;
	s8 =	simm.s32 @!p0 $0x1BF5;
	p2 =	por !p2, p0  }
0x20: {  	[sflag:s8] =	ssyncset.s32 @!p0 $0xFFFFF086;
	s6 =	sadd.s32 @!p0 s3, s7;
	s7 =	simm.s32 @!p0 $0x108  }
0x21: {  	s3 =	sadd.s32 s3, s9;
	s6 =	sadd.s32 @!p0 $0x88, s6;
	s7 =	simm.s32 @p2 $0x1082  }
0x22: {  	[simem:s7], [sflag:s8] =	dma.local @!p0 [hbm:s6], $0xF7A  }
0x23: {  	s9 =	sor.u32 $0xD0000000, s2;
	s6 =	simm.s32 $0x108;
	_ =	swait.ge @!p0 [sflag:s8], $0x0  }
0x24: {  	s3 =	sadd.s32 $0x88, s3;
	s6 =	simm.s32 @!p1 $0x1082;
	[sflag:s4] =	ssyncset.s32 $0xFFFFF086  }
0x25: {  	[simem:s6], [sflag:s4] =	dma.local [hbm:s3], $0xF7A  }
0x26: {  	[smem:$0x3F9B] =	sst s1;
	(tag) =	ssettag s2;
	_ =	strace s9  }
0x27: {  	s1 =	sld [smem:$0x3FAB]  }
0x28: {  	s2 =	sld [smem:$0x3FAC]  }
0x29: {  	s4 =	sld [smem:$0x3FAE]  }
0x2a: {  	p0 =	seq.s32 s5, $0x0;
	s5 =	sld [smem:$0x3FAF]  }
0x2b: {  	s6 =	sld [smem:$0x3FB0]  }
0x2c: {  	s7 =	sld [smem:$0x3FB1]  }
0x2d: {  	s3 =	simm.s32 $0x108;
	s8 =	sld [smem:$0x3FB2]  }
0x2e: {  	s3 =	simm.s32 @!p0 $0x1082;
	s9 =	sld [smem:$0x3FB3]  }
0x2f: {  	lr =	sadd.s32 s0, s3;
	s0 =	sld [smem:$0x3FAA]  }
0x30: {  	s3 =	sld [smem:$0x3FAD]  }
0x31: {  	[smem:$0x3FB6] =	sst s10  }
0x32: {  	s10 =	sld [smem:$0x3FB4];
	_ =	sdelay $0x3  }
0x33: {  	p0 =	seq.s32 s10, $0x1;
	s10 =	sld [smem:$0x3FB6];
	_ =	sdelay $0x3  }
0x34: {  	[smem:$0x3FB6] =	sst s10  }
0x35: {  	s10 =	sld [smem:$0x3FB5];
	_ =	sdelay $0x3  }
0x36: {  	p1 =	seq.s32 s10, $0x1;
	s10 =	sld [smem:$0x3FB6];
	_ =	sdelay $0x3  }
0x37: {  	[smem:$0x3FB6] =	sst s10  }
0x38: {  	s10 =	sld [smem:$0x3FB7]  }
0x39: {  	_ = 	snop;
	(pc) =	sbr.ind lr, $3  }
0x3a: {  	_ = 	snop  }
0x3b: {  	_ = 	snop  }
0x3c: {  	p2 =	seq.s32 s10, $0x1;
	s10 =	sld [smem:$0x3FB6]  }
0x3d: {  	_ =	shalt  }
0x3e: {  	_ =	shalt  }
0x3f: {  	_ =	shalt  }
0x40: {  	_ =	shalt  }
0x41: {  	_ =	shalt  }
0x42: {  	_ =	shalt  }
0x43: {  	_ =	shalt  }
0x44: {  	_ =	shalt  }
0x45: {  	_ =	shalt  }
0x46: {  	_ =	shalt  }
0x47: {  	_ =	shalt  }
0x48: {  	_ =	shalt  }
0x49: {  	_ =	shalt  }
0x4a: {  	_ =	shalt  }
0x4b: {  	_ =	shalt  }
0x4c: {  	_ =	shalt  }
0x4d: {  	_ =	shalt  }
0x4e: {  	_ =	shalt  }
0x4f: {  	_ =	shalt  }
0x50: {  	_ =	shalt  }
0x51: {  	_ =	shalt  }
0x52: {  	_ =	shalt  }
0x53: {  	_ =	shalt  }
0x54: {  	_ =	shalt  }
0x55: {  	_ =	shalt  }
0x56: {  	_ =	shalt  }
0x57: {  	_ =	shalt  }
0x58: {  	_ =	shalt  }
0x59: {  	_ =	shalt  }
0x5a: {  	_ =	shalt  }
0x5b: {  	_ =	shalt  }
0x5c: {  	_ =	shalt  }
0x5d: {  	_ =	shalt  }
0x5e: {  	_ =	shalt  }
0x5f: {  	_ =	shalt  }
0x60: {  	_ =	shalt  }
0x61: {  	_ =	shalt  }
0x62: {  	_ =	shalt  }
0x63: {  	_ =	shalt  }
0x64: {  	_ =	shalt  }
0x65: {  	_ =	shalt  }
0x66: {  	_ =	shalt  }
0x67: {  	_ =	shalt  }
0x68: {  	_ =	shalt  }
0x69: {  	_ =	shalt  }
0x6a: {  	_ =	shalt  }
0x6b: {  	_ =	shalt  }
0x6c: {  	_ =	shalt  }
0x6d: {  	_ =	shalt  }
0x6e: {  	_ =	shalt  }
0x6f: {  	_ =	shalt  }
0x70: {  	_ =	shalt  }
0x71: {  	_ =	shalt  }
0x72: {  	_ =	shalt  }
0x73: {  	_ =	shalt  }
0x74: {  	_ =	shalt  }
0x75: {  	_ =	shalt  }
0x76: {  	_ =	shalt  }
0x77: {  	_ =	shalt  }
0x78: {  	_ =	shalt  }
0x79: {  	_ =	shalt  }
0x7a: {  	_ =	shalt  }
0x7b: {  	_ =	shalt  }
0x7c: {  	_ =	shalt  }
0x7d: {  	_ =	shalt  }
0x7e: {  	_ =	shalt  }
0x7f: {  	_ =	shalt  }
0x80: {  	_ =	shalt  }
0x81: {  	_ =	shalt  }
0x82: {  	_ =	shalt  }
0x83: {  	_ =	shalt  }
0x84: {  	_ =	shalt  }
0x85: {  	_ =	shalt  }
0x86: {  	_ =	shalt  }
0x87: {  	_ =	shalt  }
.Lfunc_end0:
.L_simem_size_0:
called_computation_lowered:
.L_overlay_start_0:
0x88: {  	s2 =	sld [smem:$0x3FD9]  }
0x89: {  	s3 =	sld [smem:$0x3FFE];
	_ =	sdelay $0x1  }
0x8a: {  	s1 =	srdreg.scid  }
0x8b: {  	s0 =	sand.u32 $0x1, s1  }
0x8c: {  	s16 =	sshll.u32 s0, $0xA;
	s2 =	sadd.s32 s3, s2  }
0x8d: {  	s2 =	sadd.s32 s2, s16  }
0x8e: {  	[smem:$0x3FC2] =	sst s2  }
0x8f: {  	_ = 	snop  }
0x90: {  	(tm) =	ssettm $0x1  }
0x91: {  	s17 =	sld [smem:$0x3FFB];
	_ =	sdelay $0x3  }
0x92: {  	_ =	strace s17  }
0x93: {  	s2 =	sld [smem:$0x3FFC];
	_ =	sdelay $0x3  }
0x94: {  	_ =	strace s2  }
0x95: {  	s2 =	sld [smem:$0x3FFD];
	_ =	sdelay $0x3  }
0x96: {  	_ =	strace s2  }
0x97: {  	_ =	strace $0x8FFFFFFF  }
0x98: {  	s18 =	sld [smem:$0x3FDB];
	_ =	sdelay $0x1  }
0x99: {  	s19 =	simm.s32 $_scs_section_size  }
0x9a: {  	s4 =	simm.s32 $_size__tile_overlayer_lowered;
	s5 =	simm.s32 $_tile_overlayer_lowered  }
0x9b: {  	s22 =	simm.s32 $0x1BFF;
	s21 =	sshll.u32 s5, $0x1;
	s2 =	sadd.s32 s19, s18  }
0x9c: {  	s6 =	simm.s32 $0x0;
	s20 =	sshll.u32 s4, $0x1;
	s4 =	sadd.s32 s21, s2  }
0x9d: {  	[timem:s6], [sflag:s22] =	dma.local [hbm:s4], s20  }
0x9e: {  	_ =	swait.ge [sflag:s22], s20  }
0x9f: {  	s3 =	ssub.s32 $0x0, s20;
	[sflag:s22] =	ssyncset.done $0x0  }
0xa0: {  	[sflag:s22] =	ssyncadd.s32 s3;
	_ =	sdelay $0x1  }
0xa1: {  	s23 =	simm.s32 $0x1B8B  }
0xa2: {  	_ =	swait.ge [sflag:s23], $0x1  }
0xa3: {  	[sflag:s23] =	ssyncset.done $0x0  }
0xa4: {  	s25 =	simm.s32 $0x1B8E;
	s24 =	sld [smem:$0x3FFE];
	[sflag:s23] =	ssyncadd.s32 $0xFFFFFFFF  }
0xa5: {  	s26 =	simm.s32 $execute0_lowered;
	[smem:$0x3FD2] =	sst s25  }
0xa6: {  	s4 =	sshll.u32 s26, $0x1;
	_ =	strace $0x80000046;
	[dreg:$0x1] =	wrdreg $0xFFFFFFFF  }
0xa7: {  	s28 =	simm.s32 $_size_execute0_lowered;
	s2 =	sadd.s32 s2, s4;
	[dreg:$0x0] =	wrdreg $0x0  }
0xa8: {  	s4 =	sshll.u32 s28, $0x1;
	[dreg:$0x2] =	wrdreg s2  }
0xa9: {  	[dreg:$0x3] =	wrdreg s4  }
0xaa: {  	[dreg:$0x4] =	wrdreg $0xC0  }
0xab: {  	_ =	task [dreg:s6], $0x5FFFF  }
0xac: {  	[dreg:$0x1] =	wrdreg $0xFFFFFFFF  }
0xad: {  	[dreg:$0x0] =	wrdreg $0x60  }
0xae: {  	[dreg:$0x2] =	wrdreg s24  }
0xaf: {  	[dreg:$0x3] =	wrdreg $0x9  }
0xb0: {  	_ =	task.clear_ibuf [dreg:s6], $0x4FFFF;
	_ =	strace $0x90000046  }
0xb1: {  	s29 =	simm.s32 $0x9;
	_ =	strace $0x80000048  }
0xb2: {  	_ =	swait.ge [sflag:s29], $0x1  }
0xb3: {  	[sflag:s29] =	ssyncadd.s32 $0xFFFFFFFF  }
0xb4: {  	_ =	strace $0x90000048  }
0xb5: {  	_ =	sfence  }
0xb6: {  	s30 =	sld [smem:$0x0];
	_ =	sdelay $0x2  }
0xb7: {  	s31 =	sshll.u32 s1, $0xD;
	s1 =	sshrl.u32 s1, $0x2  }
0xb8: {  	s3 =	sand.u32 $0x4000, s31;
	s1 =	sadd.s32 s1, s30  }
0xb9: {  	s0 =	sor.u32 s3, s0;
	s1 =	sshll.u32 s1, $0x11  }
0xba: {  	s0 =	sor.u32 s1, s0  }
0xbb: {  	s0 =	sadd.s32 $0x8F2B, s0  }
0xbc: {  	[sflag:s0] =	ssyncadd.remote.s32 $0x1  }
0xbd: {  	_ =	sfence.sel $0xFFFF  }
0xbe: {  	[dreg:$0x0] =	wrdreg $0xFFFFFFFF;
	(pc) =	sbr.abs _section_cstart, $3  }
0xbf: {  	[dreg:$0x1] =	wrdreg $0xFFFFFFFF  }
0xc0: {  	_ =	task.clear_ibuf [dreg:s6], $0x2FFFF;
	_ =	strace $0x9FFFFFFF  }
0xc1: {  	(tm) =	ssettm $0x7FFFFFFF  }
tec
execute0_lowered:
.L_overlay_start_1:
0x0: {  	(tag) =	ssettag $0x1  }
0x1: {  	s1 =	srdreg.scid  }
0x2: {  	s0 =	stileid.u32;
	s5 =	rddreg [dreg:$0x0];
	s2 =	simm.s32 $0x0  }
0x3: {  	s13 =	simm.s32 $0x28;
	s15 =	simm.s32 $0x1;
	s16 =	simm.s32 $0xD210  }
0x4: {  	s17 =	simm.s32 $0x14010;
	s18 =	simm.s32 $0x2;
	s19 =	simm.s32 $0x14A10  }
0x5: {  	s4 =	sand.u32 $0x1, s1;
	s31 =	sshll.u32 s0, $0x1;
	[smem:$0x7FF] =	sst s2  }
0x6: {  	s20 =	simm.s32 $0x0;
	s6 =	sor.u32 s4, s31;
	_ =	strace $0x80000047  }
0x7: {  	s9 =	ssub.s32 $0x2, s4;
	s4 =	sadd.s32 $0x7DC400, s5;
	s3 =	smul.u32 $0xC80, s6  }
0x8: {  	s7 =	smul.u32 $0x140, s6;
	s6 =	sshll.u32 s6, $0xB;
	s10 =	sshrl.u32 s9, $0x1  }
0x9: {  	s11 =	sadd.s32 s6, s5;
	s9 =	ssub.s32 s9, s10;
	s10 =	simm.s32 $0x6400  }
0xa: {  	s8 =	sadd.s32 s3, s5;
	s7 =	sadd.s32 s7, s5;
	s3 =	sadd.s32 $0x1C400, s5  }
0xb: {  	vm0 =	vmmov $0xf;
	s5 =	sadd.s32 $0x3400, s8;
	s6 =	sadd.s32 $0xC00, s7;
	s7 =	sadd.s32 $0xF9C400, s11  }
0xc: {  	vm1 =	vcmask $0x3F10;
	vm2 =	vmmov $0xff;
	vm3 =	vcmask $0x3F20;
	s8 =	smax.u32 s9, $0x1;
	s9 =	simm.s32 $0x3;
	s11 =	simm.s32 $0x190  }
.LBB2_1:
0xd: {  	[tilespmem:s2], [sflag:$0x3] =	stream.linear.gather [hbm4b:s5+s2], $0x6400, $0x38;
	[tilespmem:$0x18A10] =	vst v63  }
0xe: {  	_ =	swait.ge [sflag:s9], $0x6400  }
0xf: {  	[sflag:s9] =	ssyncset.done $0x0  }
0x10: {  	[sflag:s9] =	ssyncadd.s32 $0xFFFF9C00  }
0x11: {  	[tilespmem:s10], [sflag:$0x3] =	stream.linear.gather [hbm4b:s6+s2], $0xA00, $0x38;
	[tilespmem:$0x18A10] =	vst v63  }
0x12: {  	_ =	swait.ge [sflag:s9], $0xA00  }
0x13: {  	[sflag:s9] =	ssyncset.done $0x0  }
0x14: {  	s21 =	simm.s32 $0x0;
	s22 =	simm.s32 $0x40;
	[sflag:s9] =	ssyncadd.s32 $0xFFFFF600  }
.LBB2_2:
0x15: {  	p0 =	sne.s32 s22, $0x18FC0;
	v0 =	vld [tilespmem:s21+$0x0];
	_ =	sdelay $0x4  }
.Ltmp0:
0x16: {  	v1 =	vshll.u32 v0, $0x1;
	(pc) =	sbr.rel @p0 .LBB2_2-.Ltmp0, $4  }
0x17: {  	v2 =	vand.u32 $0xFFFFC000, v0;
	v0 =	vshrl.u32 v0, $0xD;
	v1 =	vand.u32 $0x3FFE, v1  }
0x18: {  	v0 =	vand.u32 $0x1, v0;
	v1 =	vor.u32 v2, v1  }
0x19: {  	v0 =	vor.u32 v0, v1  }
0x1a: {  	[tilespmem:s21+$0x0] =	vst v0;
	s21 =	sshra.s32 s22, $0x2;
	s22 =	sadd.s32 $0x40, s22  }
0x1b: {  	v0 =	vld [tilespmem:s21+$0x0];
	_ =	sdelay $0x4  }
0x1c: {  	v1 =	vshll.u32 v0, $0x1  }
0x1d: {  	v2 =	vand.u32 $0xFFFFC000, v0;
	v0 =	vshrl.u32 v0, $0xD;
	v1 =	vand.u32 $0x3FFE, v1  }
0x1e: {  	v0 =	vand.u32 $0x1, v0;
	v1 =	vor.u32 v2, v1  }
0x1f: {  	v0 =	vor.u32 v0, v1  }
0x20: {  	s22 =	simm.s32 $0x40;
	[tilespmem:s21+$0x0] =	vst v0;
	s21 =	simm.s32 $0x0  }
.LBB2_4:
0x21: {  	p0 =	sne.s32 s22, $0x27C0;
	v0 =	vld [tilespmem:s21+$0x6400];
	_ =	sdelay $0x4  }
.Ltmp1:
0x22: {  	v1 =	vshll.u32 v0, $0x1;
	(pc) =	sbr.rel @p0 .LBB2_4-.Ltmp1, $4  }
0x23: {  	v2 =	vand.u32 $0xFFFFC000, v0;
	v0 =	vshrl.u32 v0, $0xD;
	v1 =	vand.u32 $0x3FFE, v1  }
0x24: {  	v0 =	vand.u32 $0x1, v0;
	v1 =	vor.u32 v2, v1  }
0x25: {  	v0 =	vor.u32 v0, v1  }
0x26: {  	[tilespmem:s21+$0x6400] =	vst v0;
	s21 =	sshra.s32 s22, $0x2;
	s22 =	sadd.s32 $0x40, s22  }
0x27: {  	v0 =	vld [tilespmem:s21+$0x6400];
	_ =	sdelay $0x4  }
0x28: {  	v1 =	vshll.u32 v0, $0x1  }
0x29: {  	v2 =	vand.u32 $0xFFFFC000, v0;
	v0 =	vshrl.u32 v0, $0xD;
	v1 =	vand.u32 $0x3FFE, v1  }
0x2a: {  	v0 =	vand.u32 $0x1, v0;
	v1 =	vor.u32 v2, v1  }
0x2b: {  	v0 =	vor.u32 v0, v1  }
0x2c: {  	s0 =	simm.s32 $0x6E10;
	[tilespmem:s21+$0x6400] =	vst v0;
	s21 =	simm.s32 $0x0  }
0x2d: {  	[tilespmem:s0], [sflag:$0x1] =	stream.indirect.gather [hbm4b:s3+s11], $0x40, s21, s11, $0xb8;
	[tilespmem:$0x18A10] =	vst v63  }
0x2e: {  	s31 =	simm.s32 $0x13610  }
0x2f: {  	[tilespmem:s31], [sflag:$0x1] =	stream.indirect.gather [hbm4b:s4+s13], $0x40, s10, s13, $0xb8;
	[tilespmem:$0x18A10] =	vst v63  }
.LBB2_6:
0x30: {  	_ =	swait.ge [sflag:s15], $0x6400  }
0x31: {  	s22 =	sshllo.u32 s21, $0x1;
	[sflag:s15] =	ssyncset.done $0x0  }
0x32: {  	s23 =	smul.u32 $0x640, s22;
	[sflag:s15] =	ssyncadd.s32 $0xFFFF9C00  }
0x33: {  	s24 =	smul.u32 $0xA0, s22;
	_ =	swait.ge [sflag:s15], $0xA00  }
0x34: {  	s26 =	smul.u32 $0x140, s21;
	[sflag:s15] =	ssyncset.done $0x0  }
0x35: {  	s23 =	sshra.s32 s23, $0x2;
	s24 =	sshra.s32 s24, $0x2;
	[sflag:s15] =	ssyncadd.s32 $0xFFFFF600  }
0x36: {  	[tilespmem:s16], [sflag:$0x2] =	stream.indirect.gather [hbm4b:s3+s11], $0x40, s23, s11, $0xb8;
	[tilespmem:$0x18A10] =	vst v63  }
0x37: {  	s31 =	sshra.s32 s26, $0x2;
	s25 =	sadd.s32 $0x6400, s24  }
0x38: {  	[tilespmem:s17], [sflag:$0x2] =	stream.indirect.gather [hbm4b:s4+s13], $0x40, s25, s13, $0xb8;
	[tilespmem:$0x18A10] =	vst v63  }
0x39: {  	s0 =	smul.u32 $0xC80, s21;
	v0 =	vld [tilespmem:s31+$0x6400]  }
0x3a: {  	v1 =	vld [tilespmem:s31+$0x6410]  }
0x3b: {  	s1 =	sshra.s32 s0, $0x2;
	v2 =	vld [tilespmem:s31+$0x6420]  }
0x3c: {  	v3 =	vld [tilespmem:s1+$0x0]  }
0x3d: {  	v4 =	vld [tilespmem:s1+$0x10]  }
0x3e: {  	v5 =	vld [tilespmem:s1+$0x20]  }
0x3f: {  	v6 =	vld [tilespmem:s1+$0x30]  }
0x40: {  	v7 =	vld [tilespmem:s1+$0x40]  }
0x41: {  	v8 =	vld [tilespmem:s1+$0x50]  }
0x42: {  	v9 =	vld [tilespmem:s1+$0x60]  }
0x43: {  	v10 =	vld [tilespmem:s1+$0x70]  }
0x44: {  	v11 =	vld [tilespmem:s1+$0x80]  }
0x45: {  	v16 =	vimm.f32 $0.0e+00;
	v22 =	vimm.f32 $0.0e+00;
	v20 =	vimm.f32 $0.0e+00;
	s26 =	simm.s32 $0x6F10;
	v14 =	vld [tilespmem:s1+$0xB0]  }
0x46: {  	v19 =	vld [tilespmem:s26+$0x90];
	vm4 =	vne.s32 v0, $0x0;
	vm5 =	vne.s32 v3, $0x0;
	vm6 =	vne.s32 v4, $0x0  }
0x47: {  	v15 =	vld [tilespmem:s26+$0xFFFFFFD0];
	v4 =	vmpcnt.ones.xlane vm5;
	v12 =	vmpcnt.ones.xlane vm6;
	vm5 =	vne.s32 v5, $0x0  }
0x48: {  	v18 =	vld [tilespmem:s26+$0xFFFFFF80];
	v3 =	vmpcnt.ones.xlane vm4;
	vm4 =	vne.s32 v6, $0x0;
	v13 =	vmpcnt.ones.xlane vm5  }
0x49: {  	v0 =	vld [tilespmem:s1+$0x90];
	v6 =	vmpcnt.ones.xlane vm4;
	vm4 =	vne.s32 v7, $0x0;
	v4 =	vadd.s32 v4, v12  }
0x4a: {  	v7 =	vld [tilespmem:s1+$0xB8];
	v12 =	vmpcnt.ones.xlane vm4;
	vm4 =	vne.s32 v8, $0x0;
	v4 =	vadd.s32 v13, v4  }
0x4b: {  	v5 =	vld [tilespmem:s1+$0xA0];
	v4 =	vadd.s32 v6, v4;
	v6 =	vmpcnt.ones.xlane vm4;
	vm4 =	vne.s32 v9, $0x0  }
0x4c: {  	v17 =	vld [tilespmem:s26+$0xFFFFFF90];
	v4 =	vadd.s32 v12, v4;
	v12 =	vmpcnt.ones.xlane vm4;
	vm4 =	vne.s32 v10, $0x0  }
0x4d: {  	v21 =	vld [tilespmem:s26+$0xFFFFFF40];
	v4 =	vadd.s32 v6, v4;
	v6 =	vmpcnt.ones.xlane vm4;
	vm4 =	vne.s32 v11, $0x0  }
0x4e: {  	v23 =	vld [tilespmem:s26+$0xFFFFFF50];
	vm5 =	vne.s32 v1, $0x0;
	v1 =	vadd.s32 v12, v4;
	v4 =	vmpcnt.ones.xlane vm4  }
0x4f: {  	v24 =	vld [tilespmem:s26+$0xFFFFFF00];
	vm6 =	vne.s32 v0, $0x0;
	vm7 =	vne.s32 v7, $0x0;
	v1 =	vadd.s32 v6, v1  }
0x50: {  	v8 =	vld [tilespmem:s26+$0xC0];
	v0 =	vadd.s32 v4, v1;
	v1 =	vmpcnt.ones.xlane vm6;
	vm6 =	vne.s32 v5, $0x0  }
0x51: {  	v13 =	vld [tilespmem:s26+$0x10];
	vm4 =	vmand vm5, vm0;
	v4 =	vmpcnt.ones.xlane vm6;
	vm6 =	vne.s32 v14, $0x0  }
0x52: {  	v9 =	vld [tilespmem:s26+$0xD0];
	v0 =	vadd.s32 v1, v0;
	v1 =	vmpcnt.ones.xlane vm6;
	vm6 =	vmand vm7, vm3  }
0x53: {  	v10 =	vld [tilespmem:s26+$0x80];
	v5 =	vmpcnt.ones.xlane vm4;
	v0 =	vadd.s32 v4, v0;
	v4 =	vmpcnt.ones.xlane vm6  }
0x54: {  	v11 =	vld [tilespmem:s26+$0x40];
	vm4 =	vmand vm5, vm1;
	vm5 =	vne.s32 v2, $0x0;
	v1 =	vadd.s32 v1, v0  }
0x55: {  	s12 =	simm.s32 $0x7;
	s28 =	simm.s32 $0x4;
	v12 =	vld [tilespmem:s26+$0x0];
	v0 =	vmpcnt.ones.xlane vm4;
	vm4 =	vmand vm5, vm2;
	v2 =	vadd.s32 v4, v1  }
0x56: {  	s29 =	simm.s32 $0x5;
	s30 =	simm.s32 $0x6;
	s14 =	simm.s32 $0x1;
	v6 =	vld [tilespmem:s26+$0x50];
	v1 =	vmpcnt.ones.xlane vm4;
	vm4 =	vgt.s32 v2, s12;
	vm7 =	vgt.s32 v2, s28  }
0x57: {  	s31 =	simm.s32 $0x2;
	s1 =	simm.s32 $0x3;
	v14 =	vld [tilespmem:s26+$0xFFFFFFC0];
	vm6 =	vgt.s32 v2, s29;
	vm5 =	vgt.s32 v2, s30;
	s28 =	simm.s32 $0x0;
	vm10 =	vgt.s32 v2, s14  }
0x58: {  	v25 =	vld [tilespmem:s26+$0xFFFFFF10];
	vm9 =	vgt.s32 v2, s31;
	vm8 =	vgt.s32 v2, s1;
	vm11 =	vgt.s32 v2, s28  }
0x59: {  	v26 =	vld [tilespmem:s26+$0xFFFFFF20];
	v7 =	vnsel vm4, $0x0, v8;
	v8 =	vnsel vm4, $0x0, v9;
	v11 =	vnsel vm6, $0x0, v11  }
0x5a: {  	s25 =	sshll.u32 s21, $0x1;
	v27 =	vld [tilespmem:s26+$0xFFFFFF30];
	v10 =	vnsel vm5, $0x0, v10;
	v9 =	vnsel vm5, $0x0, v19;
	s28 =	simm.s32 $0xF;
	v19 =	vimm.f32 $0.0e+00  }
.LBB2_7:
0x5b: {  	p0 =	sne.s32 s28, $0xC7;
	v4 =	vld [tilespmem:s26+$0xFFFFFF60];
	v12 =	vnsel vm7, $0x0, v12;
	v13 =	vnsel vm7, $0x0, v13;
	v6 =	vnsel vm6, $0x0, v6  }
0x5c: {  	v18 =	vnsel vm9, $0x0, v18;
	v14 =	vnsel vm8, $0x0, v14;
	v15 =	vnsel vm8, $0x0, v15;
	v28 =	vld [tilespmem:s26+$0xFFFFFF70]  }
0x5d: {  	v21 =	vnsel vm10, $0x0, v21;
	v23 =	vnsel vm10, $0x0, v23;
	v17 =	vnsel vm9, $0x0, v17;
	v29 =	vld [tilespmem:s26+$0xFFFFFFA0]  }
0x5e: {  	v24 =	vnsel vm11, $0x0, v24;
	v25 =	vnsel vm11, $0x0, v25;
	v26 =	vnsel vm11, $0x0, v26;
	v30 =	vld [tilespmem:s26+$0xFFFFFFB0]  }
0x5f: {  	v16 =	vadd.f32 v24, v16;
	v22 =	vadd.f32 v25, v22;
	v24 =	vnsel vm11, $0x0, v27;
	v25 =	vld [tilespmem:s26+$0xFFFFFFE0]  }
0x60: {  	v20 =	vadd.f32 v26, v20;
	v19 =	vadd.f32 v24, v19;
	v4 =	vnsel vm10, $0x0, v4;
	v24 =	vld [tilespmem:s26+$0xFFFFFFF0]  }
0x61: {  	v16 =	vadd.f32 v21, v16;
	v21 =	vadd.f32 v23, v22;
	v22 =	vnsel vm10, $0x0, v28;
	v23 =	vld [tilespmem:s26+$0x20]  }
0x62: {  	v4 =	vadd.f32 v4, v20;
	v19 =	vadd.f32 v22, v19;
	v20 =	vnsel vm9, $0x0, v29;
	v22 =	vld [tilespmem:s26+$0x30]  }
0x63: {  	v16 =	vadd.f32 v18, v16;
	v17 =	vadd.f32 v17, v21;
	v18 =	vnsel vm9, $0x0, v30;
	v21 =	vld [tilespmem:s26+$0x60]  }
0x64: {  	v4 =	vadd.f32 v20, v4;
	v18 =	vadd.f32 v18, v19;
	v19 =	vnsel vm8, $0x0, v25;
	v20 =	vld [tilespmem:s26+$0x70]  }
0x65: {  	v14 =	vadd.f32 v14, v16;
	v15 =	vadd.f32 v15, v17;
	v16 =	vnsel vm8, $0x0, v24;
	v17 =	vld [tilespmem:s26+$0xA0]  }
0x66: {  	v4 =	vadd.f32 v19, v4;
	v16 =	vadd.f32 v16, v18;
	v18 =	vnsel vm7, $0x0, v23;
	v19 =	vld [tilespmem:s26+$0xB0]  }
0x67: {  	v12 =	vadd.f32 v12, v14;
	v13 =	vadd.f32 v13, v15;
	v14 =	vnsel vm7, $0x0, v22;
	v15 =	vld [tilespmem:s26+$0xE0]  }
0x68: {  	v4 =	vadd.f32 v18, v4;
	v14 =	vadd.f32 v14, v16;
	v16 =	vnsel vm6, $0x0, v21;
	v18 =	vld [tilespmem:s26+$0xF0];
	s26 =	sadd.s32 $0x200, s26  }
0x69: {  	v11 =	vadd.f32 v11, v12;
	v6 =	vadd.f32 v6, v13;
	v27 =	vld [tilespmem:s26+$0xC0];
	v12 =	vnsel vm6, $0x0, v20  }
0x6a: {  	v4 =	vadd.f32 v16, v4;
	v28 =	vld [tilespmem:s26+$0xD0];
	v12 =	vadd.f32 v12, v14;
	v13 =	vnsel vm5, $0x0, v17  }
0x6b: {  	v10 =	vadd.f32 v10, v11;
	v6 =	vadd.f32 v9, v6;
	v29 =	vld [tilespmem:s26+$0x80];
	v9 =	vnsel vm5, $0x0, v19  }
0x6c: {  	v4 =	vadd.f32 v13, v4;
	v30 =	vld [tilespmem:s26+$0x90];
	v9 =	vadd.f32 v9, v12;
	v11 =	vnsel vm4, $0x0, v15  }
0x6d: {  	v16 =	vadd.f32 v7, v10;
	v22 =	vadd.f32 v8, v6;
	v31 =	vld [tilespmem:s26+$0x40];
	v7 =	vnsel vm4, $0x0, v18  }
0x6e: {  	v20 =	vadd.f32 v11, v4;
	v6 =	vld [tilespmem:s26+$0x50];
	v19 =	vadd.f32 v7, v9  }
0x6f: {  	v12 =	vld [tilespmem:s26+$0x0]  }
0x70: {  	v13 =	vld [tilespmem:s26+$0x10]  }
0x71: {  	v14 =	vld [tilespmem:s26+$0xFFFFFFC0]  }
0x72: {  	v15 =	vld [tilespmem:s26+$0xFFFFFFD0]  }
0x73: {  	v18 =	vld [tilespmem:s26+$0xFFFFFF80]  }
0x74: {  	v17 =	vld [tilespmem:s26+$0xFFFFFF90]  }
0x75: {  	s1 =	sadd.s32 $0xFFFFFFFD, s28;
	v21 =	vld [tilespmem:s26+$0xFFFFFF40]  }
.Ltmp2:
0x76: {  	s29 =	sadd.s32 $0xFFFFFFFE, s28;
	s30 =	sadd.s32 $0xFFFFFFFF, s28;
	vm4 =	vgt.s32 v2, s28;
	v23 =	vld [tilespmem:s26+$0xFFFFFF50];
	(pc) =	sbr.rel @p0 .LBB2_7-.Ltmp2, $4  }
0x77: {  	s31 =	sadd.s32 $0xFFFFFFFA, s28;
	s0 =	sadd.s32 $0xFFFFFFFB, s28;
	s12 =	sadd.s32 $0xFFFFFFFC, s28;
	vm7 =	vgt.s32 v2, s1;
	vm6 =	vgt.s32 v2, s29;
	vm5 =	vgt.s32 v2, s30;
	v24 =	vld [tilespmem:s26+$0xFFFFFF00]  }
0x78: {  	vm10 =	vgt.s32 v2, s31;
	vm9 =	vgt.s32 v2, s0;
	vm8 =	vgt.s32 v2, s12;
	s1 =	sadd.s32 $0xFFFFFFF9, s28;
	v25 =	vld [tilespmem:s26+$0xFFFFFF10]  }
0x79: {  	vm11 =	vgt.s32 v2, s1;
	v7 =	vnsel vm4, $0x0, v27;
	v8 =	vnsel vm4, $0x0, v28;
	v26 =	vld [tilespmem:s26+$0xFFFFFF20]  }
0x7a: {  	s28 =	sadd.s32 $0x8, s28;
	v10 =	vnsel vm5, $0x0, v29;
	v9 =	vnsel vm5, $0x0, v30;
	v11 =	vnsel vm6, $0x0, v31;
	v27 =	vld [tilespmem:s26+$0xFFFFFF30]  }
0x7b: {  	v28 =	vld [tilespmem:s26+$0xFFFFFF60]  }
0x7c: {  	v29 =	vld [tilespmem:s26+$0xFFFFFF70]  }
0x7d: {  	v30 =	vld [tilespmem:s26+$0xFFFFFFA0]  }
0x7e: {  	v31 =	vld [tilespmem:s26+$0xFFFFFFB0]  }
0x7f: {  	v32 =	vld [tilespmem:s26+$0xFFFFFFE0]  }
0x80: {  	v33 =	vld [tilespmem:s26+$0xFFFFFFF0]  }
0x81: {  	v34 =	vld [tilespmem:s26+$0x20]  }
0x82: {  	v35 =	vld [tilespmem:s26+$0x30]  }
0x83: {  	v36 =	vld [tilespmem:s26+$0x60]  }
0x84: {  	v37 =	vld [tilespmem:s26+$0x70]  }
0x85: {  	v38 =	vld [tilespmem:s26+$0xA0]  }
0x86: {  	v39 =	vld [tilespmem:s26+$0xB0]  }
0x87: {  	v40 =	vld [tilespmem:s26+$0xE0]  }
0x88: {  	v4 =	vld [tilespmem:s26+$0xF0]  }
0x89: {  	v41 =	vld [tilespmem:$0x13610]  }
0x8a: {  	v42 =	vld [tilespmem:$0x13620]  }
0x8b: {  	v21 =	vnsel vm10, $0x0, v21;
	v23 =	vnsel vm10, $0x0, v23;
	v54 =	vld [tilespmem:$0x136E0]  }
0x8c: {  	v18 =	vnsel vm9, $0x0, v18;
	v17 =	vnsel vm9, $0x0, v17;
	v14 =	vnsel vm8, $0x0, v14;
	v56 =	vld [tilespmem:$0x13710]  }
0x8d: {  	v15 =	vnsel vm8, $0x0, v15;
	v12 =	vnsel vm7, $0x0, v12;
	v58 =	vld [tilespmem:$0x13730];
	v24 =	vnsel vm11, $0x0, v24  }
0x8e: {  	v13 =	vnsel vm7, $0x0, v13;
	v59 =	vld [tilespmem:$0x13770];
	v25 =	vnsel vm11, $0x0, v25;
	v16 =	vadd.f32 v24, v16  }
0x8f: {  	v3 =	vadd.s32 v3, v5;
	v60 =	vld [tilespmem:$0x13780];
	v24 =	vnsel vm11, $0x0, v26;
	v22 =	vadd.f32 v25, v22  }
0x90: {  	v25 =	vld [tilespmem:$0x13630];
	v26 =	vnsel vm11, $0x0, v27;
	v20 =	vadd.f32 v24, v20;
	v16 =	vadd.f32 v21, v16  }
0x91: {  	v61 =	vld [tilespmem:$0x13790];
	v19 =	vadd.f32 v26, v19;
	v22 =	vadd.f32 v23, v22;
	v23 =	vnsel vm10, $0x0, v28  }
0x92: {  	v63 =	vld [tilespmem:$0x13880];
	v26 =	vnsel vm10, $0x0, v29;
	v5 =	vadd.f32 $0.0e+00, v41;
	v20 =	vadd.f32 v23, v20  }
0x93: {  	v24 =	vld [tilespmem:$0x13640];
	v16 =	vadd.f32 v18, v16;
	v19 =	vadd.f32 v26, v19;
	v26 =	vnsel vm9, $0x0, v30  }
0x94: {  	v6 =	vnsel vm6, $0x0, v6;
	v21 =	vld [tilespmem:$0x13650];
	v17 =	vadd.f32 v17, v22;
	v20 =	vadd.f32 v26, v20  }
0x95: {  	v27 =	vld [tilespmem:$0x13660];
	v22 =	vnsel vm9, $0x0, v31;
	v14 =	vadd.f32 v14, v16;
	v25 =	vadd.f32 $0.0e+00, v25  }
0x96: {  	v23 =	vld [tilespmem:$0x13670];
	v16 =	vnsel vm8, $0x0, v32;
	v19 =	vadd.f32 v22, v19;
	v15 =	vadd.f32 v15, v17  }
0x97: {  	v52 =	vnsel vm8, $0x0, v33;
	v18 =	vld [tilespmem:$0x13680];
	v16 =	vadd.f32 v16, v20;
	v12 =	vadd.f32 v12, v14  }
0x98: {  	v26 =	vld [tilespmem:$0x13690];
	v19 =	vadd.f32 v52, v19;
	v13 =	vadd.f32 v13, v15;
	v15 =	vnsel vm7, $0x0, v34  }
0x99: {  	v53 =	vnsel vm7, $0x0, v35;
	v22 =	vld [tilespmem:$0x136A0];
	v24 =	vadd.f32 $0.0e+00, v24;
	v15 =	vadd.f32 v15, v16  }
0x9a: {  	v55 =	vnsel vm6, $0x0, v36;
	v17 =	vld [tilespmem:$0x136B0];
	v11 =	vadd.f32 v11, v12;
	v16 =	vadd.f32 v53, v19  }
0x9b: {  	v20 =	vld [tilespmem:$0x136C0];
	v6 =	vadd.f32 v6, v13;
	v13 =	vnsel vm6, $0x0, v37;
	vm6 =	vgt.s32 v3, $0x1  }
0x9c: {  	v14 =	vld [tilespmem:$0x136D0];
	v15 =	vadd.f32 v55, v15;
	v10 =	vadd.f32 v10, v11;
	v21 =	vnsel vm6, $0x0, v21  }
0x9d: {  	v12 =	vld [tilespmem:$0x13700];
	v18 =	vnsel vm6, $0x0, v18;
	v13 =	vadd.f32 v13, v16;
	v16 =	vnsel vm5, $0x0, v38  }
0x9e: {  	v19 =	vld [tilespmem:$0x136F0];
	v57 =	vadd.f32 v9, v6;
	v6 =	vnsel vm5, $0x0, v39;
	v15 =	vadd.f32 v16, v15  }
0x9f: {  	v11 =	vld [tilespmem:$0x13720];
	vm5 =	vgt.s32 v3, $0x0;
	v16 =	vnsel vm4, $0x0, v40;
	v9 =	vadd.f32 v7, v10  }
0xa0: {  	v10 =	vld [tilespmem:$0x13750];
	v5 =	vnsel vm5, $0x0, v5;
	v7 =	vadd.f32 v16, v15;
	v16 =	vadd.f32 $0.0e+00, v42  }
0xa1: {  	v25 =	vnsel vm5, $0x0, v25;
	v24 =	vnsel vm5, $0x0, v24;
	v6 =	vadd.f32 v6, v13;
	v13 =	vld [tilespmem:$0x13740]  }
0xa2: {  	v5 =	vadd.f32 v21, v5;
	v21 =	vnsel vm6, $0x0, v27;
	v27 =	vld [tilespmem:$0x137A0];
	v16 =	vnsel vm5, $0x0, v16  }
0xa3: {  	v18 =	vadd.f32 v18, v24;
	v24 =	vld [tilespmem:$0x137D0];
	vm5 =	vgt.s32 v3, $0x2;
	v16 =	vadd.f32 v21, v16  }
0xa4: {  	v15 =	vld [tilespmem:$0x13760];
	v21 =	vnsel vm6, $0x0, v23;
	v22 =	vnsel vm5, $0x0, v22;
	v17 =	vnsel vm5, $0x0, v17  }
0xa5: {  	v23 =	vld [tilespmem:$0x137B0];
	vm6 =	vgt.s32 v3, $0x3;
	v20 =	vnsel vm5, $0x0, v20;
	v21 =	vadd.f32 v21, v25  }
0xa6: {  	v25 =	vnsel vm5, $0x0, v26;
	v26 =	vld [tilespmem:$0x137C0];
	v14 =	vnsel vm6, $0x0, v14;
	v18 =	vadd.f32 v20, v18  }
0xa7: {  	v20 =	vld [tilespmem:$0x13800];
	vm5 =	vgt.s32 v3, $0x4;
	v12 =	vnsel vm6, $0x0, v12;
	v5 =	vadd.f32 v25, v5  }
0xa8: {  	v16 =	vadd.f32 v22, v16;
	v22 =	vld [tilespmem:$0x137E0];
	v11 =	vnsel vm5, $0x0, v11;
	v13 =	vnsel vm5, $0x0, v13  }
0xa9: {  	v25 =	vld [tilespmem:$0x13820];
	v17 =	vadd.f32 v17, v21;
	v5 =	vadd.f32 v14, v5;
	v14 =	vnsel vm6, $0x0, v54  }
0xaa: {  	v21 =	vld [tilespmem:$0x137F0];
	v12 =	vadd.f32 v12, v18;
	v14 =	vadd.f32 v14, v16;
	v16 =	vnsel vm6, $0x0, v19  }
0xab: {  	v18 =	vld [tilespmem:$0x13840];
	vm6 =	vgt.s32 v3, $0x5;
	v16 =	vadd.f32 v16, v17;
	v17 =	vnsel vm5, $0x0, v56  }
0xac: {  	v19 =	vld [tilespmem:$0x13810];
	v12 =	vadd.f32 v13, v12;
	v10 =	vnsel vm6, $0x0, v10;
	v5 =	vadd.f32 v17, v5  }
0xad: {  	v13 =	vld [tilespmem:$0x13860];
	v11 =	vadd.f32 v11, v14;
	v14 =	vnsel vm5, $0x0, v58;
	vm5 =	vgt.s32 v3, $0x6  }
0xae: {  	v17 =	vld [tilespmem:$0x13830];
	v14 =	vadd.f32 v14, v16;
	v5 =	vadd.f32 v10, v5;
	v10 =	vnsel vm6, $0x0, v15  }
0xaf: {  	v16 =	vld [tilespmem:$0x13850];
	v62 =	vnsel vm5, $0x0, v61;
	v10 =	vadd.f32 v10, v11;
	v11 =	vnsel vm6, $0x0, v59  }
0xb0: {  	v15 =	vld [tilespmem:$0x13870];
	v11 =	vadd.f32 v11, v14;
	v14 =	vnsel vm6, $0x0, v60;
	v5 =	vadd.f32 v62, v5  }
0xb1: {  	vm6 =	vgt.s32 v3, $0x7;
	v12 =	vadd.f32 v14, v12;
	v14 =	vnsel vm5, $0x0, v27;
	v27 =	vld [tilespmem:$0x13890]  }
0xb2: {  	v24 =	vnsel vm6, $0x0, v24;
	v10 =	vadd.f32 v14, v10;
	v14 =	vnsel vm5, $0x0, v23;
	v23 =	vld [tilespmem:$0x138A0]  }
0xb3: {  	v5 =	vadd.f32 v24, v5;
	v24 =	vld [tilespmem:$0x13940];
	v11 =	vadd.f32 v14, v11;
	v14 =	vnsel vm5, $0x0, v26  }
0xb4: {  	v26 =	vld [tilespmem:$0x138B0];
	vm5 =	vgt.s32 v3, $0x8;
	v12 =	vadd.f32 v14, v12;
	v14 =	vnsel vm6, $0x0, v22  }
0xb5: {  	v22 =	vld [tilespmem:$0x138C0];
	v19 =	vnsel vm5, $0x0, v19;
	v10 =	vadd.f32 v14, v10;
	v14 =	vnsel vm6, $0x0, v21  }
0xb6: {  	v21 =	vld [tilespmem:$0x138D0];
	v5 =	vadd.f32 v19, v5;
	v11 =	vadd.f32 v14, v11;
	v14 =	vnsel vm6, $0x0, v20  }
0xb7: {  	v19 =	vld [tilespmem:$0x138F0];
	vm6 =	vgt.s32 v3, $0x9;
	v12 =	vadd.f32 v14, v12;
	v14 =	vnsel vm5, $0x0, v25  }
0xb8: {  	v20 =	vld [tilespmem:$0x138E0];
	v16 =	vnsel vm6, $0x0, v16;
	v10 =	vadd.f32 v14, v10;
	v14 =	vnsel vm5, $0x0, v17  }
0xb9: {  	v13 =	vnsel vm6, $0x0, v13;
	v17 =	vld [tilespmem:$0x13900];
	v11 =	vadd.f32 v14, v11;
	v14 =	vnsel vm5, $0x0, v18  }
0xba: {  	v5 =	vadd.f32 v16, v5;
	v18 =	vld [tilespmem:$0x13910];
	vm5 =	vgt.s32 v3, $0xA;
	v12 =	vadd.f32 v14, v12  }
0xbb: {  	v14 =	vld [tilespmem:$0x13920];
	v10 =	vadd.f32 v13, v10;
	v13 =	vnsel vm6, $0x0, v15;
	v16 =	vnsel vm5, $0x0, v27  }
0xbc: {  	v15 =	vld [tilespmem:$0x13930];
	v11 =	vadd.f32 v13, v11;
	v13 =	vnsel vm6, $0x0, v63;
	v5 =	vadd.f32 v16, v5  }
0xbd: {  	v16 =	vld [tilespmem:$0x13950];
	vm6 =	vgt.s32 v3, $0xB;
	v12 =	vadd.f32 v13, v12;
	v13 =	vnsel vm5, $0x0, v23  }
0xbe: {  	v23 =	vld [tilespmem:$0x13960];
	v21 =	vnsel vm6, $0x0, v21;
	v10 =	vadd.f32 v13, v10;
	v13 =	vnsel vm5, $0x0, v26  }
0xbf: {  	v5 =	vadd.f32 v21, v5;
	v21 =	vld [tilespmem:$0x139F0];
	v11 =	vadd.f32 v13, v11;
	v13 =	vnsel vm5, $0x0, v22  }
0xc0: {  	v22 =	vld [tilespmem:$0x13970];
	v12 =	vadd.f32 v13, v12;
	v13 =	vnsel vm6, $0x0, v20  }
0xc1: {  	vm5 =	vgt.s32 v3, $0xC;
	v20 =	vld [tilespmem:$0x13980];
	v10 =	vadd.f32 v13, v10;
	v13 =	vnsel vm6, $0x0, v19  }
0xc2: {  	v19 =	vld [tilespmem:$0x13990];
	v11 =	vadd.f32 v13, v11;
	v13 =	vnsel vm6, $0x0, v17;
	v17 =	vnsel vm5, $0x0, v18  }
0xc3: {  	v18 =	vld [tilespmem:$0x139A0];
	vm6 =	vgt.s32 v3, $0xD;
	v12 =	vadd.f32 v13, v12;
	v13 =	vnsel vm5, $0x0, v14  }
0xc4: {  	v5 =	vadd.f32 v17, v5;
	v14 =	vld [tilespmem:$0x139B0];
	v10 =	vadd.f32 v13, v10;
	v13 =	vnsel vm5, $0x0, v15  }
0xc5: {  	v2 =	vcvt.s32.f32 v2;
	v16 =	vnsel vm6, $0x0, v16;
	v17 =	vld [tilespmem:$0x139D0];
	v11 =	vadd.f32 v13, v11  }
0xc6: {  	v15 =	vld [tilespmem:$0x139C0];
	v13 =	vnsel vm5, $0x0, v24;
	v5 =	vadd.f32 v16, v5;
	vm5 =	vgt.s32 v3, $0xE  }
0xc7: {  	v16 =	vld [tilespmem:$0x139E0];
	v12 =	vadd.f32 v13, v12;
	v13 =	vnsel vm6, $0x0, v23;
	v19 =	vnsel vm5, $0x0, v19  }
0xc8: {  	v10 =	vadd.f32 v13, v10;
	v13 =	vnsel vm6, $0x0, v22;
	v5 =	vadd.f32 v19, v5;
	v19 =	vld [tilespmem:$0x13A60]  }
0xc9: {  	v2 =	vmax.f32 v2, $1.000000000e+00;
	v11 =	vadd.f32 v13, v11;
	v13 =	vnsel vm6, $0x0, v20;
	v20 =	vld [tilespmem:$0x13A00]  }
0xca: {  	(erf) = vrcp.f32 v2;
	v12 =	vadd.f32 v13, v12;
	v13 =	vnsel vm5, $0x0, v18;
	v18 =	vld [tilespmem:$0x13A10]  }
0xcb: {  	vm6 =	vgt.s32 v3, $0xF;
	v10 =	vadd.f32 v13, v10;
	v13 =	vnsel vm5, $0x0, v14;
	v14 =	vld [tilespmem:$0x13A20]  }
0xcc: {  	v11 =	vadd.f32 v13, v11;
	v13 =	vnsel vm5, $0x0, v15;
	v15 =	vnsel vm6, $0x0, v17;
	v17 =	vld [tilespmem:$0x13A30]  }
0xcd: {  	v12 =	vadd.f32 v13, v12;
	v5 =	vadd.f32 v15, v5;
	v13 =	vnsel vm6, $0x0, v16;
	v15 =	vld [tilespmem:$0x13A40]  }
0xce: {  	vm5 =	vgt.s32 v3, $0x10;
	v16 =	vld [tilespmem:$0x13A50];
	v10 =	vadd.f32 v13, v10;
	v13 =	vnsel vm6, $0x0, v21  }
0xcf: {  	v21 =	vld [tilespmem:$0x13A80];
	v11 =	vadd.f32 v13, v11;
	v13 =	vnsel vm6, $0x0, v20;
	v20 =	vcvt.s32.f32 v3  }
0xd0: {  	v18 =	vnsel vm5, $0x0, v18;
	vm6 =	vgt.s32 v3, $0x11;
	v12 =	vadd.f32 v13, v12;
	v13 =	vld [tilespmem:$0x13A70]  }
0xd1: {  	v5 =	vadd.f32 v18, v5;
	v14 =	vnsel vm5, $0x0, v14;
	v18 =	vld [tilespmem:$0x13A90];
	v2 =	vmax.f32 v20, $1.000000000e+00  }
0xd2: {  	(erf) = vrcp.f32 v2;
	v2 =	vadd.f32 v14, v10;
	v10 =	vnsel vm5, $0x0, v17;
	v14 =	vld [tilespmem:$0x13AA0]  }
0xd3: {  	v10 =	vadd.f32 v10, v11;
	v11 =	vnsel vm5, $0x0, v15;
	v15 =	vnsel vm6, $0x0, v16;
	v16 =	vld [tilespmem:$0x13AD0]  }
0xd4: {  	v8 =	vadd.f32 v8, v57;
	v17 =	vld [tilespmem:$0x13AE0];
	vm5 =	vgt.s32 v3, $0x12;
	v11 =	vadd.f32 v11, v12  }
0xd5: {  	v5 =	vadd.f32 v15, v5;
	v12 =	vld [tilespmem:$0x13AB0];
	v15 =	vnsel vm6, $0x0, v19;
	v13 =	vnsel vm6, $0x0, v13  }
0xd6: {  	v2 =	vadd.f32 v15, v2;
	v15 =	vld [tilespmem:$0x13AC0];
	v10 =	vadd.f32 v13, v10;
	v13 =	vnsel vm5, $0x0, v18  }
0xd7: {  	v18 =	vnsel vm6, $0x0, v21;
	vm6 =	vgt.s32 v3, $0x13;
	v3 =	vld [tilespmem:$0x13AF0];
	v5 =	vadd.f32 v13, v5  }
0xd8: {  	v11 =	vadd.f32 v18, v11;
	v13 =	vnsel vm5, $0x0, v14;
	v14 =	vnsel vm6, $0x0, v16  }
0xd9: {  	v4 =	vnsel vm4, $0x0, v4;
	v16 =	vpop (erf);
	v2 =	vadd.f32 v13, v2;
	v13 =	vld [tilespmem:$0x13B00];
	v5 =	vadd.f32 v14, v5  }
0xda: {  	s0 =	sshll.u32 s21, $0x9;
	v12 =	vnsel vm5, $0x0, v12;
	v14 =	vnsel vm6, $0x0, v17;
	v9 =	vmul.f32 v9, v16  }
0xdb: {  	s0 =	sand.u32 $0x3FFFFE00, s0;
	v8 =	vmul.f32 v8, v16;
	v10 =	vadd.f32 v12, v10;
	v2 =	vadd.f32 v14, v2;
	v17 =	vpop (erf)  }
0xdc: {  	v12 =	vnsel vm5, $0x0, v15;
	v3 =	vnsel vm6, $0x0, v3;
	[tilespmem:s0+$0x14A10] =	vst v9;
	v5 =	vmul.f32 v5, v17  }
0xdd: {  	v9 =	vadd.f32 v12, v11;
	[tilespmem:s0+$0x14A20] =	vst v8;
	v3 =	vadd.f32 v3, v10;
	v2 =	vmul.f32 v2, v17  }
0xde: {  	v4 =	vadd.f32 v4, v6;
	v6 =	vmul.f32 v7, v16;
	[tilespmem:s0+$0x14A50] =	vst v5;
	v5 =	vnsel vm6, $0x0, v13  }
0xdf: {  	s1 =	sshll.u32 s21, $0x2;
	[tilespmem:s0+$0x14A60] =	vst v2;
	v2 =	vmul.f32 v3, v17;
	v5 =	vadd.f32 v5, v9  }
0xe0: {  	s26 =	sor.u32 $0x1, s1;
	[tilespmem:s0+$0x14A30] =	vst v6;
	v3 =	vmul.f32 v4, v16  }
0xe1: {  	s1 =	smul.u32 $0x320, s26;
	[tilespmem:s0+$0x14A70] =	vst v2;
	v2 =	vmul.f32 v5, v17  }
0xe2: {  	[tilespmem:s0+$0x14A40] =	vst v3  }
0xe3: {  	s31 =	sshra.s32 s1, $0x2;
	[tilespmem:s0+$0x14A80] =	vst v2  }
0xe4: {  	v2 =	vld [tilespmem:s31+$0x0]  }
0xe5: {  	v3 =	vld [tilespmem:s31+$0x10]  }
0xe6: {  	v4 =	vld [tilespmem:s31+$0x20]  }
0xe7: {  	v5 =	vld [tilespmem:s31+$0x30]  }
0xe8: {  	v6 =	vld [tilespmem:s31+$0x40]  }
0xe9: {  	v7 =	vld [tilespmem:s31+$0x50]  }
0xea: {  	v8 =	vld [tilespmem:s31+$0x60]  }
0xeb: {  	v9 =	vld [tilespmem:s31+$0x70]  }
0xec: {  	v10 =	vld [tilespmem:s31+$0x80]  }
0xed: {  	s28 =	simm.s32 $0xA200;
	v12 =	vld [tilespmem:s31+$0xA0];
	vm4 =	vne.s32 v2, $0x0;
	vm5 =	vne.s32 v3, $0x0  }
0xee: {  	v17 =	vld [tilespmem:s28+$0xFFFFFF90];
	v3 =	vmpcnt.ones.xlane vm4;
	v11 =	vmpcnt.ones.xlane vm5;
	vm4 =	vne.s32 v4, $0x0  }
0xef: {  	v18 =	vld [tilespmem:s28+$0xFFFFFFA0];
	v4 =	vmpcnt.ones.xlane vm4;
	vm4 =	vne.s32 v5, $0x0  }
0xf0: {  	v20 =	vld [tilespmem:s28+$0xFFFFFF50];
	v3 =	vadd.s32 v3, v11;
	v11 =	vmpcnt.ones.xlane vm4;
	vm4 =	vne.s32 v6, $0x0  }
0xf1: {  	v2 =	vld [tilespmem:s31+$0x90];
	v3 =	vadd.s32 v4, v3;
	v4 =	vmpcnt.ones.xlane vm4;
	vm4 =	vne.s32 v7, $0x0  }
0xf2: {  	v5 =	vld [tilespmem:s31+$0xB0];
	v3 =	vadd.s32 v11, v3;
	v11 =	vmpcnt.ones.xlane vm4;
	vm4 =	vne.s32 v8, $0x0  }
0xf3: {  	v6 =	vld [tilespmem:s31+$0xB8];
	v3 =	vadd.s32 v4, v3;
	v4 =	vmpcnt.ones.xlane vm4;
	vm4 =	vne.s32 v9, $0x0  }
0xf4: {  	v13 =	vld [tilespmem:s28+$0xFFFFFEE0];
	v3 =	vadd.s32 v11, v3;
	v9 =	vmpcnt.ones.xlane vm4;
	vm4 =	vne.s32 v10, $0x0  }
0xf5: {  	v16 =	vld [tilespmem:s28+$0xFFFFFE90];
	v3 =	vadd.s32 v4, v3;
	v10 =	vmpcnt.ones.xlane vm4  }
0xf6: {  	v15 =	vld [tilespmem:s28+$0xFFFFFEA0];
	vm4 =	vne.s32 v2, $0x0;
	v3 =	vadd.s32 v9, v3  }
0xf7: {  	v19 =	vld [tilespmem:s28+$0xFFFFFE50];
	v2 =	vadd.s32 v10, v3;
	v3 =	vmpcnt.ones.xlane vm4;
	vm4 =	vne.s32 v12, $0x0  }
0xf8: {  	v21 =	vld [tilespmem:s28+$0xFFFFFE60];
	vm5 =	vne.s32 v6, $0x0;
	v9 =	vmpcnt.ones.xlane vm4;
	vm4 =	vne.s32 v5, $0x0  }
0xf9: {  	v22 =	vld [tilespmem:s28+$0xFFFFFE10];
	v2 =	vadd.s32 v3, v2;
	v3 =	vmpcnt.ones.xlane vm4;
	vm4 =	vmand vm5, vm3  }
0xfa: {  	v7 =	vld [tilespmem:s28+$0xFFFFFFD0];
	v2 =	vadd.s32 v9, v2;
	v5 =	vmpcnt.ones.xlane vm4  }
0xfb: {  	v8 =	vld [tilespmem:s28+$0xFFFFFFE0];
	v2 =	vadd.s32 v3, v2  }
0xfc: {  	s1 =	simm.s32 $0x7;
	v11 =	vld [tilespmem:s28+$0xFFFFFF20];
	v2 =	vadd.s32 v5, v2  }
0xfd: {  	s14 =	simm.s32 $0x4;
	s12 =	simm.s32 $0x5;
	s29 =	simm.s32 $0x6;
	v14 =	vimm.f32 $0.0e+00;
	v4 =	vld [tilespmem:s28+$0xFFFFFF60];
	vm4 =	vgt.s32 v2, s1  }
0xfe: {  	s30 =	simm.s32 $0x2;
	s0 =	simm.s32 $0x1;
	s31 =	simm.s32 $0x3;
	v10 =	vld [tilespmem:s28+$0xFFFFFF10];
	vm7 =	vgt.s32 v2, s14;
	vm6 =	vgt.s32 v2, s12;
	vm5 =	vgt.s32 v2, s29  }
0xff: {  	v12 =	vld [tilespmem:s28+$0xFFFFFED0];
	s14 =	simm.s32 $0x0;
	vm10 =	vgt.s32 v2, s0;
	vm9 =	vgt.s32 v2, s30;
	vm8 =	vgt.s32 v2, s31  }
0x100: {  	v23 =	vld [tilespmem:s28+$0xFFFFFE20];
	vm11 =	vgt.s32 v2, s14;
	v5 =	vnsel vm4, $0x0, v7;
	v6 =	vnsel vm4, $0x0, v8  }
0x101: {  	v24 =	vld [tilespmem:s28+$0xFFFFFE30];
	v9 =	vnsel vm6, $0x0, v20;
	v8 =	vnsel vm5, $0x0, v17;
	v7 =	vnsel vm5, $0x0, v18  }
0x102: {  	v25 =	vld [tilespmem:s28+$0xFFFFFE40];
	s29 =	simm.s32 $0xF;
	v20 =	vimm.f32 $0.0e+00;
	v18 =	vimm.f32 $0.0e+00;
	v17 =	vimm.f32 $0.0e+00  }
.LBB2_9:
0x103: {  	p0 =	sne.s32 s29, $0xC7;
	v3 =	vld [tilespmem:s28+$0xFFFFFE70];
	v10 =	vnsel vm7, $0x0, v10;
	v11 =	vnsel vm7, $0x0, v11;
	v4 =	vnsel vm6, $0x0, v4  }
0x104: {  	v16 =	vnsel vm9, $0x0, v16;
	v12 =	vnsel vm8, $0x0, v12;
	v13 =	vnsel vm8, $0x0, v13;
	v26 =	vld [tilespmem:s28+$0xFFFFFE80]  }
0x105: {  	v19 =	vnsel vm10, $0x0, v19;
	v21 =	vnsel vm10, $0x0, v21;
	v15 =	vnsel vm9, $0x0, v15;
	v27 =	vld [tilespmem:s28+$0xFFFFFEB0]  }
0x106: {  	v22 =	vnsel vm11, $0x0, v22;
	v23 =	vnsel vm11, $0x0, v23;
	v24 =	vnsel vm11, $0x0, v24;
	v28 =	vld [tilespmem:s28+$0xFFFFFEC0]  }
0x107: {  	v14 =	vadd.f32 v22, v14;
	v20 =	vadd.f32 v23, v20;
	v22 =	vnsel vm11, $0x0, v25;
	v23 =	vld [tilespmem:s28+$0xFFFFFEF0]  }
0x108: {  	v18 =	vadd.f32 v24, v18;
	v17 =	vadd.f32 v22, v17;
	v3 =	vnsel vm10, $0x0, v3;
	v22 =	vld [tilespmem:s28+$0xFFFFFF00]  }
0x109: {  	v14 =	vadd.f32 v19, v14;
	v19 =	vadd.f32 v21, v20;
	v20 =	vnsel vm10, $0x0, v26;
	v21 =	vld [tilespmem:s28+$0xFFFFFF30]  }
0x10a: {  	v3 =	vadd.f32 v3, v18;
	v17 =	vadd.f32 v20, v17;
	v18 =	vnsel vm9, $0x0, v27;
	v20 =	vld [tilespmem:s28+$0xFFFFFF40]  }
0x10b: {  	v14 =	vadd.f32 v16, v14;
	v15 =	vadd.f32 v15, v19;
	v16 =	vnsel vm9, $0x0, v28;
	v19 =	vld [tilespmem:s28+$0xFFFFFF70]  }
0x10c: {  	v3 =	vadd.f32 v18, v3;
	v16 =	vadd.f32 v16, v17;
	v17 =	vnsel vm8, $0x0, v23;
	v18 =	vld [tilespmem:s28+$0xFFFFFF80]  }
0x10d: {  	v12 =	vadd.f32 v12, v14;
	v13 =	vadd.f32 v13, v15;
	v14 =	vnsel vm8, $0x0, v22;
	v15 =	vld [tilespmem:s28+$0xFFFFFFB0]  }
0x10e: {  	v3 =	vadd.f32 v17, v3;
	v14 =	vadd.f32 v14, v16;
	v16 =	vnsel vm7, $0x0, v21;
	v17 =	vld [tilespmem:s28+$0xFFFFFFC0]  }
0x10f: {  	v10 =	vadd.f32 v10, v12;
	v11 =	vadd.f32 v11, v13;
	v12 =	vnsel vm7, $0x0, v20;
	v13 =	vld [tilespmem:s28+$0xFFFFFFF0]  }
0x110: {  	v3 =	vadd.f32 v16, v3;
	v12 =	vadd.f32 v12, v14;
	v14 =	vnsel vm6, $0x0, v19;
	v16 =	vld [tilespmem:s28+$0x0];
	s28 =	sadd.s32 $0x200, s28  }
0x111: {  	v9 =	vadd.f32 v9, v10;
	v4 =	vadd.f32 v4, v11;
	v25 =	vld [tilespmem:s28+$0xFFFFFFD0];
	v10 =	vnsel vm6, $0x0, v18  }
0x112: {  	v3 =	vadd.f32 v14, v3;
	v26 =	vld [tilespmem:s28+$0xFFFFFFE0];
	v10 =	vadd.f32 v10, v12;
	v11 =	vnsel vm5, $0x0, v15  }
0x113: {  	v8 =	vadd.f32 v8, v9;
	v4 =	vadd.f32 v7, v4;
	v27 =	vld [tilespmem:s28+$0xFFFFFF90];
	v7 =	vnsel vm5, $0x0, v17  }
0x114: {  	v3 =	vadd.f32 v11, v3;
	v28 =	vld [tilespmem:s28+$0xFFFFFFA0];
	v7 =	vadd.f32 v7, v10;
	v9 =	vnsel vm4, $0x0, v13  }
0x115: {  	v14 =	vadd.f32 v5, v8;
	v20 =	vadd.f32 v6, v4;
	v29 =	vld [tilespmem:s28+$0xFFFFFF50];
	v5 =	vnsel vm4, $0x0, v16  }
0x116: {  	v18 =	vadd.f32 v9, v3;
	v4 =	vld [tilespmem:s28+$0xFFFFFF60];
	v17 =	vadd.f32 v5, v7  }
0x117: {  	v10 =	vld [tilespmem:s28+$0xFFFFFF10]  }
0x118: {  	v11 =	vld [tilespmem:s28+$0xFFFFFF20]  }
0x119: {  	v12 =	vld [tilespmem:s28+$0xFFFFFED0]  }
0x11a: {  	v13 =	vld [tilespmem:s28+$0xFFFFFEE0]  }
0x11b: {  	v16 =	vld [tilespmem:s28+$0xFFFFFE90]  }
0x11c: {  	v15 =	vld [tilespmem:s28+$0xFFFFFEA0]  }
0x11d: {  	s0 =	sadd.s32 $0xFFFFFFFD, s29;
	v19 =	vld [tilespmem:s28+$0xFFFFFE50]  }
.Ltmp3:
0x11e: {  	s1 =	sadd.s32 $0xFFFFFFFE, s29;
	s12 =	sadd.s32 $0xFFFFFFFF, s29;
	vm4 =	vgt.s32 v2, s29;
	v21 =	vld [tilespmem:s28+$0xFFFFFE60];
	(pc) =	sbr.rel @p0 .LBB2_9-.Ltmp3, $4  }
0x11f: {  	s30 =	sadd.s32 $0xFFFFFFFA, s29;
	s31 =	sadd.s32 $0xFFFFFFFB, s29;
	s14 =	sadd.s32 $0xFFFFFFFC, s29;
	vm7 =	vgt.s32 v2, s0;
	vm6 =	vgt.s32 v2, s1;
	vm5 =	vgt.s32 v2, s12;
	v22 =	vld [tilespmem:s28+$0xFFFFFE10]  }
0x120: {  	vm10 =	vgt.s32 v2, s30;
	vm9 =	vgt.s32 v2, s31;
	vm8 =	vgt.s32 v2, s14;
	s0 =	sadd.s32 $0xFFFFFFF9, s29;
	v23 =	vld [tilespmem:s28+$0xFFFFFE20]  }
0x121: {  	vm11 =	vgt.s32 v2, s0;
	v5 =	vnsel vm4, $0x0, v25;
	v6 =	vnsel vm4, $0x0, v26;
	v24 =	vld [tilespmem:s28+$0xFFFFFE30]  }
0x122: {  	s29 =	sadd.s32 $0x8, s29;
	v8 =	vnsel vm5, $0x0, v27;
	v7 =	vnsel vm5, $0x0, v28;
	v9 =	vnsel vm6, $0x0, v29;
	v25 =	vld [tilespmem:s28+$0xFFFFFE40]  }
0x123: {  	v26 =	vld [tilespmem:s28+$0xFFFFFE70]  }
0x124: {  	v27 =	vld [tilespmem:s28+$0xFFFFFE80]  }
0x125: {  	v28 =	vld [tilespmem:s28+$0xFFFFFEB0]  }
0x126: {  	v29 =	vld [tilespmem:s28+$0xFFFFFEC0]  }
0x127: {  	v30 =	vld [tilespmem:s28+$0xFFFFFEF0]  }
0x128: {  	v31 =	vld [tilespmem:s28+$0xFFFFFF00]  }
0x129: {  	v32 =	vld [tilespmem:s28+$0xFFFFFF30]  }
0x12a: {  	v33 =	vld [tilespmem:s28+$0xFFFFFF40]  }
0x12b: {  	v34 =	vld [tilespmem:s28+$0xFFFFFF70]  }
0x12c: {  	v35 =	vld [tilespmem:s28+$0xFFFFFF80]  }
0x12d: {  	v36 =	vld [tilespmem:s28+$0xFFFFFFB0]  }
0x12e: {  	v37 =	vld [tilespmem:s28+$0xFFFFFFC0]  }
0x12f: {  	v38 =	vld [tilespmem:s28+$0xFFFFFFF0]  }
0x130: {  	v3 =	vld [tilespmem:s28+$0x0]  }
0x131: {  	v39 =	vld [tilespmem:$0x13B10]  }
0x132: {  	v40 =	vld [tilespmem:$0x13B20];
	v19 =	vnsel vm10, $0x0, v19;
	v21 =	vnsel vm10, $0x0, v21  }
0x133: {  	v16 =	vnsel vm9, $0x0, v16;
	v15 =	vnsel vm9, $0x0, v15;
	v12 =	vnsel vm8, $0x0, v12;
	v62 =	vld [tilespmem:$0x13C80]  }
0x134: {  	v13 =	vnsel vm8, $0x0, v13;
	v63 =	vld [tilespmem:$0x13C90];
	v22 =	vnsel vm11, $0x0, v22;
	v23 =	vnsel vm11, $0x0, v23  }
0x135: {  	v14 =	vadd.f32 v22, v14;
	v22 =	vnsel vm11, $0x0, v24;
	v20 =	vadd.f32 v23, v20;
	v23 =	vld [tilespmem:$0x13B30]  }
0x136: {  	v10 =	vnsel vm7, $0x0, v10;
	v11 =	vnsel vm7, $0x0, v11;
	v18 =	vadd.f32 v22, v18;
	v22 =	vld [tilespmem:$0x13B40]  }
0x137: {  	v0 =	vadd.s32 v0, v1;
	v24 =	vnsel vm11, $0x0, v25;
	v14 =	vadd.f32 v19, v14;
	v19 =	vld [tilespmem:$0x13B50]  }
0x138: {  	v25 =	vld [tilespmem:$0x13B60];
	v17 =	vadd.f32 v24, v17;
	v20 =	vadd.f32 v21, v20;
	v21 =	vnsel vm10, $0x0, v26  }
0x139: {  	v24 =	vnsel vm10, $0x0, v27;
	v27 =	vld [tilespmem:$0x13BE0];
	v1 =	vadd.f32 $0.0e+00, v39;
	v18 =	vadd.f32 v21, v18  }
0x13a: {  	v21 =	vld [tilespmem:$0x13B70];
	v14 =	vadd.f32 v16, v14;
	v17 =	vadd.f32 v24, v17;
	v24 =	vnsel vm9, $0x0, v28  }
0x13b: {  	v4 =	vnsel vm6, $0x0, v4;
	v16 =	vld [tilespmem:$0x13B80];
	v15 =	vadd.f32 v15, v20;
	v18 =	vadd.f32 v24, v18  }
0x13c: {  	v20 =	vnsel vm9, $0x0, v29;
	v29 =	vld [tilespmem:$0x13C30];
	v12 =	vadd.f32 v12, v14;
	v23 =	vadd.f32 $0.0e+00, v23  }
0x13d: {  	v24 =	vld [tilespmem:$0x13B90];
	v14 =	vnsel vm8, $0x0, v30;
	v17 =	vadd.f32 v20, v17;
	v13 =	vadd.f32 v13, v15  }
0x13e: {  	v26 =	vnsel vm8, $0x0, v31;
	v20 =	vld [tilespmem:$0x13BA0];
	v14 =	vadd.f32 v14, v18;
	v10 =	vadd.f32 v10, v12  }
0x13f: {  	v15 =	vld [tilespmem:$0x13BB0];
	v17 =	vadd.f32 v26, v17;
	v11 =	vadd.f32 v11, v13;
	v13 =	vnsel vm7, $0x0, v32  }
0x140: {  	v22 =	vadd.f32 $0.0e+00, v22;
	v18 =	vld [tilespmem:$0x13BC0];
	v26 =	vnsel vm7, $0x0, v33;
	v13 =	vadd.f32 v13, v14  }
0x141: {  	v12 =	vld [tilespmem:$0x13BD0];
	v9 =	vadd.f32 v9, v10;
	v14 =	vadd.f32 v26, v17;
	v26 =	vnsel vm6, $0x0, v34  }
0x142: {  	v10 =	vld [tilespmem:$0x13C00];
	v4 =	vadd.f32 v4, v11;
	v11 =	vnsel vm6, $0x0, v35;
	vm6 =	vgt.s32 v0, $0x1  }
0x143: {  	v17 =	vld [tilespmem:$0x13BF0];
	v13 =	vadd.f32 v26, v13;
	v8 =	vadd.f32 v8, v9;
	v19 =	vnsel vm6, $0x0, v19  }
0x144: {  	v26 =	vld [tilespmem:$0x13C10];
	v16 =	vnsel vm6, $0x0, v16;
	v11 =	vadd.f32 v11, v14;
	v14 =	vnsel vm5, $0x0, v36  }
0x145: {  	v9 =	vld [tilespmem:$0x13C20];
	v28 =	vadd.f32 v7, v4;
	v4 =	vnsel vm5, $0x0, v37;
	vm5 =	vgt.s32 v0, $0x0  }
0x146: {  	v13 =	vadd.f32 v14, v13;
	v14 =	vnsel vm4, $0x0, v38;
	v7 =	vadd.f32 v5, v8;
	v8 =	vld [tilespmem:$0x13C50]  }
0x147: {  	v1 =	vnsel vm5, $0x0, v1;
	v4 =	vadd.f32 v4, v11;
	v11 =	vld [tilespmem:$0x13C40];
	v6 =	vadd.f32 v6, v28  }
0x148: {  	v23 =	vnsel vm5, $0x0, v23;
	v28 =	vld [tilespmem:$0x13C70];
	v5 =	vadd.f32 v14, v13;
	v14 =	vadd.f32 $0.0e+00, v40  }
0x149: {  	v22 =	vnsel vm5, $0x0, v22;
	v1 =	vadd.f32 v19, v1;
	v19 =	vnsel vm6, $0x0, v25;
	v25 =	vld [tilespmem:$0x13CA0]  }
0x14a: {  	v16 =	vadd.f32 v16, v22;
	v22 =	vld [tilespmem:$0x13CD0];
	v14 =	vnsel vm5, $0x0, v14;
	vm5 =	vgt.s32 v0, $0x2  }
0x14b: {  	v13 =	vld [tilespmem:$0x13C60];
	v14 =	vadd.f32 v19, v14;
	v19 =	vnsel vm6, $0x0, v21;
	v20 =	vnsel vm5, $0x0, v20  }
0x14c: {  	v21 =	vld [tilespmem:$0x13CB0];
	v15 =	vnsel vm5, $0x0, v15;
	vm6 =	vgt.s32 v0, $0x3;
	v18 =	vnsel vm5, $0x0, v18  }
0x14d: {  	v19 =	vadd.f32 v19, v23;
	v23 =	vnsel vm5, $0x0, v24;
	v24 =	vld [tilespmem:$0x13CC0];
	v12 =	vnsel vm6, $0x0, v12  }
0x14e: {  	v16 =	vadd.f32 v18, v16;
	v18 =	vld [tilespmem:$0x13D00];
	vm5 =	vgt.s32 v0, $0x4;
	v1 =	vadd.f32 v23, v1  }
0x14f: {  	v10 =	vnsel vm6, $0x0, v10;
	v14 =	vadd.f32 v20, v14;
	v20 =	vld [tilespmem:$0x13CE0];
	v9 =	vnsel vm5, $0x0, v9  }
0x150: {  	v23 =	vld [tilespmem:$0x13D20];
	v15 =	vadd.f32 v15, v19;
	v1 =	vadd.f32 v12, v1;
	v12 =	vnsel vm6, $0x0, v27  }
0x151: {  	v19 =	vld [tilespmem:$0x13CF0];
	v10 =	vadd.f32 v10, v16;
	v12 =	vadd.f32 v12, v14;
	v14 =	vnsel vm6, $0x0, v17  }
0x152: {  	v11 =	vnsel vm5, $0x0, v11;
	v16 =	vld [tilespmem:$0x13D40];
	v14 =	vadd.f32 v14, v15;
	v15 =	vnsel vm5, $0x0, v26  }
0x153: {  	v27 =	vld [tilespmem:$0x13D80];
	vm6 =	vgt.s32 v0, $0x5;
	v10 =	vadd.f32 v11, v10;
	v1 =	vadd.f32 v15, v1  }
0x154: {  	v17 =	vld [tilespmem:$0x13D10];
	v8 =	vnsel vm6, $0x0, v8;
	v9 =	vadd.f32 v9, v12;
	v12 =	vnsel vm5, $0x0, v29  }
0x155: {  	v11 =	vld [tilespmem:$0x13D60];
	v12 =	vadd.f32 v12, v14;
	v1 =	vadd.f32 v8, v1;
	v8 =	vnsel vm6, $0x0, v13  }
0x156: {  	v15 =	vld [tilespmem:$0x13D30];
	vm5 =	vgt.s32 v0, $0x6;
	v8 =	vadd.f32 v8, v9;
	v9 =	vnsel vm6, $0x0, v28  }
0x157: {  	v14 =	vld [tilespmem:$0x13D50];
	v26 =	vnsel vm5, $0x0, v63;
	v9 =	vadd.f32 v9, v12;
	v12 =	vnsel vm6, $0x0, v62  }
0x158: {  	v13 =	vld [tilespmem:$0x13D70];
	v1 =	vadd.f32 v26, v1;
	v10 =	vadd.f32 v12, v10;
	v12 =	vnsel vm5, $0x0, v25  }
0x159: {  	vm6 =	vgt.s32 v0, $0x7;
	v25 =	vld [tilespmem:$0x13D90];
	v8 =	vadd.f32 v12, v8;
	v12 =	vnsel vm5, $0x0, v21  }
0x15a: {  	v22 =	vnsel vm6, $0x0, v22;
	v21 =	vld [tilespmem:$0x13DA0];
	v9 =	vadd.f32 v12, v9;
	v12 =	vnsel vm5, $0x0, v24  }
0x15b: {  	v1 =	vadd.f32 v22, v1;
	v22 =	vld [tilespmem:$0x13E40];
	v10 =	vadd.f32 v12, v10;
	v12 =	vnsel vm6, $0x0, v20  }
0x15c: {  	v24 =	vld [tilespmem:$0x13DB0];
	vm5 =	vgt.s32 v0, $0x8;
	v8 =	vadd.f32 v12, v8;
	v12 =	vnsel vm6, $0x0, v19  }
0x15d: {  	v20 =	vld [tilespmem:$0x13DC0];
	v17 =	vnsel vm5, $0x0, v17;
	v9 =	vadd.f32 v12, v9;
	v12 =	vnsel vm6, $0x0, v18  }
0x15e: {  	v19 =	vld [tilespmem:$0x13DD0];
	v1 =	vadd.f32 v17, v1;
	vm6 =	vgt.s32 v0, $0x9;
	v10 =	vadd.f32 v12, v10  }
0x15f: {  	v17 =	vld [tilespmem:$0x13DF0];
	v12 =	vnsel vm5, $0x0, v23;
	v14 =	vnsel vm6, $0x0, v14;
	v11 =	vnsel vm6, $0x0, v11  }
0x160: {  	v18 =	vld [tilespmem:$0x13DE0];
	v8 =	vadd.f32 v12, v8;
	v12 =	vnsel vm5, $0x0, v15;
	v1 =	vadd.f32 v14, v1  }
0x161: {  	v15 =	vld [tilespmem:$0x13E00];
	v9 =	vadd.f32 v12, v9;
	v12 =	vnsel vm5, $0x0, v16;
	vm5 =	vgt.s32 v0, $0xA  }
0x162: {  	v16 =	vld [tilespmem:$0x13E10];
	v10 =	vadd.f32 v12, v10;
	v8 =	vadd.f32 v11, v8;
	v11 =	vnsel vm6, $0x0, v13  }
0x163: {  	v12 =	vld [tilespmem:$0x13E20];
	v14 =	vnsel vm5, $0x0, v25;
	v9 =	vadd.f32 v11, v9;
	v11 =	vnsel vm6, $0x0, v27  }
0x164: {  	v13 =	vld [tilespmem:$0x13E30];
	v1 =	vadd.f32 v14, v1;
	v10 =	vadd.f32 v11, v10;
	v11 =	vnsel vm5, $0x0, v21  }
0x165: {  	v14 =	vld [tilespmem:$0x13E50];
	vm6 =	vgt.s32 v0, $0xB;
	v8 =	vadd.f32 v11, v8;
	v11 =	vnsel vm5, $0x0, v24  }
0x166: {  	v21 =	vld [tilespmem:$0x13E60];
	v19 =	vnsel vm6, $0x0, v19;
	v9 =	vadd.f32 v11, v9;
	v11 =	vnsel vm5, $0x0, v20  }
0x167: {  	v1 =	vadd.f32 v19, v1;
	v19 =	vld [tilespmem:$0x13EF0];
	v10 =	vadd.f32 v11, v10;
	v11 =	vnsel vm6, $0x0, v18  }
0x168: {  	v20 =	vld [tilespmem:$0x13E70];
	v8 =	vadd.f32 v11, v8;
	v11 =	vnsel vm6, $0x0, v17  }
0x169: {  	v2 =	vcvt.s32.f32 v2;
	vm5 =	vgt.s32 v0, $0xC;
	v18 =	vld [tilespmem:$0x13E80];
	v9 =	vadd.f32 v11, v9  }
0x16a: {  	v17 =	vld [tilespmem:$0x13E90];
	v11 =	vnsel vm6, $0x0, v15;
	v15 =	vnsel vm5, $0x0, v16;
	vm6 =	vgt.s32 v0, $0xD  }
0x16b: {  	v16 =	vld [tilespmem:$0x13EA0];
	v10 =	vadd.f32 v11, v10;
	v1 =	vadd.f32 v15, v1;
	v11 =	vnsel vm5, $0x0, v12  }
0x16c: {  	v12 =	vld [tilespmem:$0x13EB0];
	v14 =	vnsel vm6, $0x0, v14;
	v8 =	vadd.f32 v11, v8;
	v11 =	vnsel vm5, $0x0, v13  }
0x16d: {  	v15 =	vld [tilespmem:$0x13ED0];
	v9 =	vadd.f32 v11, v9;
	v11 =	vnsel vm5, $0x0, v22;
	v1 =	vadd.f32 v14, v1  }
0x16e: {  	v13 =	vld [tilespmem:$0x13EC0];
	vm5 =	vgt.s32 v0, $0xE;
	v10 =	vadd.f32 v11, v10;
	v11 =	vnsel vm6, $0x0, v21  }
0x16f: {  	v14 =	vld [tilespmem:$0x13EE0];
	v17 =	vnsel vm5, $0x0, v17;
	v8 =	vadd.f32 v11, v8;
	v11 =	vnsel vm6, $0x0, v20  }
0x170: {  	v1 =	vadd.f32 v17, v1;
	v17 =	vld [tilespmem:$0x13F60];
	v9 =	vadd.f32 v11, v9;
	v11 =	vnsel vm6, $0x0, v18  }
0x171: {  	v18 =	vld [tilespmem:$0x13F00];
	v10 =	vadd.f32 v11, v10;
	v11 =	vnsel vm5, $0x0, v16  }
0x172: {  	v2 =	vmax.f32 v2, $1.000000000e+00;
	v16 =	vld [tilespmem:$0x13F10];
	v8 =	vadd.f32 v11, v8;
	v11 =	vnsel vm5, $0x0, v12  }
0x173: {  	vm6 =	vgt.s32 v0, $0xF;
	v12 =	vld [tilespmem:$0x13F20];
	v9 =	vadd.f32 v11, v9;
	v11 =	vnsel vm5, $0x0, v13  }
0x174: {  	v13 =	vnsel vm6, $0x0, v15;
	v15 =	vld [tilespmem:$0x13F30];
	v10 =	vadd.f32 v11, v10;
	v11 =	vnsel vm6, $0x0, v14  }
0x175: {  	v1 =	vadd.f32 v13, v1;
	v13 =	vld [tilespmem:$0x13F40];
	v8 =	vadd.f32 v11, v8;
	v11 =	vnsel vm6, $0x0, v19  }
0x176: {  	v14 =	vld [tilespmem:$0x13F50];
	v9 =	vadd.f32 v11, v9;
	v11 =	vnsel vm6, $0x0, v18;
	v18 =	vcvt.s32.f32 v0  }
0x177: {  	(erf) = vrcp.f32 v2;
	vm5 =	vgt.s32 v0, $0x10;
	v19 =	vld [tilespmem:$0x13F80]  }
0x178: {  	v16 =	vnsel vm5, $0x0, v16;
	v10 =	vadd.f32 v11, v10;
	v11 =	vld [tilespmem:$0x13F70];
	v2 =	vmax.f32 v18, $1.000000000e+00  }
0x179: {  	v1 =	vadd.f32 v16, v1;
	v12 =	vnsel vm5, $0x0, v12;
	v16 =	vld [tilespmem:$0x13F90];
	(erf) = vrcp.f32 v2  }
0x17a: {  	vm6 =	vgt.s32 v0, $0x11;
	v2 =	vadd.f32 v12, v8;
	v8 =	vnsel vm5, $0x0, v15;
	v12 =	vld [tilespmem:$0x13FA0]  }
0x17b: {  	v8 =	vadd.f32 v8, v9;
	v9 =	vnsel vm5, $0x0, v13;
	v13 =	vnsel vm6, $0x0, v14;
	v14 =	vld [tilespmem:$0x13FD0]  }
0x17c: {  	v15 =	vld [tilespmem:$0x13FE0];
	vm5 =	vgt.s32 v0, $0x12;
	v9 =	vadd.f32 v9, v10  }
0x17d: {  	v1 =	vadd.f32 v13, v1;
	v10 =	vld [tilespmem:$0x13FB0];
	v13 =	vnsel vm6, $0x0, v17;
	v11 =	vnsel vm6, $0x0, v11  }
0x17e: {  	v2 =	vadd.f32 v13, v2;
	v13 =	vld [tilespmem:$0x13FC0];
	v8 =	vadd.f32 v11, v8;
	v11 =	vnsel vm5, $0x0, v16  }
0x17f: {  	v16 =	vnsel vm6, $0x0, v19;
	vm6 =	vgt.s32 v0, $0x13;
	v0 =	vld [tilespmem:$0x13FF0];
	v1 =	vadd.f32 v11, v1  }
0x180: {  	v9 =	vadd.f32 v16, v9;
	v11 =	vnsel vm5, $0x0, v12;
	v12 =	vnsel vm6, $0x0, v14  }
0x181: {  	v3 =	vnsel vm4, $0x0, v3;
	v14 =	vpop (erf);
	v2 =	vadd.f32 v11, v2;
	v11 =	vld [tilespmem:$0x14000];
	v1 =	vadd.f32 v12, v1  }
0x182: {  	s0 =	sshll.u32 s26, $0x7;
	v10 =	vnsel vm5, $0x0, v10;
	v12 =	vnsel vm6, $0x0, v15;
	v7 =	vmul.f32 v7, v14;
	v15 =	vpop (erf)  }
0x183: {  	s0 =	sand.u32 $0x3FFFFF80, s0;
	v8 =	vadd.f32 v10, v8;
	v2 =	vadd.f32 v12, v2;
	v1 =	vmul.f32 v1, v15  }
0x184: {  	v6 =	vmul.f32 v6, v14;
	v10 =	vnsel vm5, $0x0, v13;
	v0 =	vnsel vm6, $0x0, v0;
	[tilespmem:s0+$0x14A10] =	vst v7  }
0x185: {  	v7 =	vadd.f32 v10, v9;
	v0 =	vadd.f32 v0, v8;
	[tilespmem:s0+$0x14A50] =	vst v1;
	v1 =	vmul.f32 v2, v15  }
0x186: {  	[tilespmem:s0+$0x14A20] =	vst v6;
	v2 =	vadd.f32 v3, v4;
	v3 =	vnsel vm6, $0x0, v11;
	v4 =	vmul.f32 v5, v14  }
0x187: {  	v0 =	vmul.f32 v0, v15;
	v3 =	vadd.f32 v3, v7;
	[tilespmem:s0+$0x14A60] =	vst v1  }
0x188: {  	[tilespmem:s0+$0x14A30] =	vst v4;
	v1 =	vmul.f32 v2, v14  }
0x189: {  	[tilespmem:s0+$0x14A70] =	vst v0;
	v0 =	vmul.f32 v3, v15  }
0x18a: {  	[tilespmem:s0+$0x14A40] =	vst v1  }
0x18b: {  	[tilespmem:s0+$0x14A80] =	vst v0  }
0x18c: {  	p0 =	seq.s32 s21, $0x1F;
	_ =	swait.ge [sflag:s18], $0x6400  }
0x18d: {  	s0 =	sadd.s32 @!p0 $0x2, s25;
	[sflag:s18] =	ssyncset.done $0x0  }
0x18e: {  	s1 =	smul.u32 @!p0 $0x640, s0;
	[sflag:s18] =	ssyncadd.s32 $0xFFFF9C00  }
0x18f: {  	s0 =	smul.u32 @!p0 $0xA0, s0;
	_ =	swait.ge [sflag:s18], $0xA00  }
0x190: {  	s12 =	simm.s32 @!p0 $0x190;
	s14 =	simm.s32 @!p0 $0x6E10;
	[sflag:s18] =	ssyncset.done $0x0  }
0x191: {  	s1 =	sshra.s32 @!p0 s1, $0x2;
	s0 =	sshra.s32 @!p0 s0, $0x2;
	[sflag:s18] =	ssyncadd.s32 $0xFFFFF600  }
0x192: {  	[tilespmem:s14], [sflag:$0x1] =	stream.indirect.gather @!p0 [hbm4b:s3+s12], $0x40, s1, s12, $0xb8;
	[tilespmem:$0x18A10] =	vst v63  }
0x193: {  	s0 =	sadd.s32 @!p0 $0x6400, s0;
	s1 =	simm.s32 @!p0 $0x28;
	s12 =	simm.s32 @!p0 $0x13610  }
0x194: {  	[tilespmem:s12], [sflag:$0x1] =	stream.indirect.gather @!p0 [hbm4b:s4+s1], $0x40, s0, s1, $0xb8;
	[tilespmem:$0x18A10] =	vst v63  }
0x195: {  	v0 =	vld [tilespmem:s24+$0x6400]  }
0x196: {  	v1 =	vld [tilespmem:s24+$0x6410]  }
0x197: {  	v2 =	vld [tilespmem:s24+$0x6420]  }
0x198: {  	v3 =	vld [tilespmem:s23+$0x0]  }
0x199: {  	v4 =	vld [tilespmem:s23+$0x10]  }
0x19a: {  	v5 =	vld [tilespmem:s23+$0x20]  }
0x19b: {  	v6 =	vld [tilespmem:s23+$0x30]  }
0x19c: {  	v7 =	vld [tilespmem:s23+$0x40]  }
0x19d: {  	v8 =	vld [tilespmem:s23+$0x50]  }
0x19e: {  	v9 =	vld [tilespmem:s23+$0x60]  }
0x19f: {  	v10 =	vld [tilespmem:s23+$0x70]  }
0x1a0: {  	v11 =	vld [tilespmem:s23+$0x80]  }
0x1a1: {  	v22 =	vimm.f32 $0.0e+00;
	v14 =	vld [tilespmem:s23+$0xB0];
	vm5 =	vne.s32 v3, $0x0;
	vm6 =	vne.s32 v4, $0x0  }
0x1a2: {  	vm4 =	vne.s32 v0, $0x0;
	v0 =	vld [tilespmem:s23+$0x90];
	v4 =	vmpcnt.ones.xlane vm5;
	v12 =	vmpcnt.ones.xlane vm6  }
0x1a3: {  	vm5 =	vne.s32 v5, $0x0;
	v5 =	vld [tilespmem:s23+$0xA0];
	v3 =	vmpcnt.ones.xlane vm4;
	vm4 =	vne.s32 v6, $0x0  }
0x1a4: {  	v13 =	vmpcnt.ones.xlane vm5;
	v6 =	vmpcnt.ones.xlane vm4;
	vm4 =	vne.s32 v7, $0x0;
	v7 =	vld [tilespmem:s23+$0xB8];
	s23 =	simm.s32 $0xD310  }
0x1a5: {  	v4 =	vadd.s32 v4, v12;
	v12 =	vmpcnt.ones.xlane vm4;
	vm4 =	vne.s32 v8, $0x0;
	v8 =	vld [tilespmem:s23+$0xC0]  }
0x1a6: {  	v20 =	vimm.f32 $0.0e+00;
	v16 =	vimm.f32 $0.0e+00;
	v19 =	vld [tilespmem:s23+$0x90];
	v4 =	vadd.s32 v13, v4  }
0x1a7: {  	v15 =	vld [tilespmem:s23+$0xFFFFFFD0];
	v4 =	vadd.s32 v6, v4;
	v6 =	vmpcnt.ones.xlane vm4;
	vm4 =	vne.s32 v9, $0x0  }
0x1a8: {  	v18 =	vld [tilespmem:s23+$0xFFFFFF80];
	v4 =	vadd.s32 v12, v4;
	v12 =	vmpcnt.ones.xlane vm4;
	vm4 =	vne.s32 v10, $0x0  }
0x1a9: {  	v17 =	vld [tilespmem:s23+$0xFFFFFF90];
	v4 =	vadd.s32 v6, v4;
	v6 =	vmpcnt.ones.xlane vm4;
	vm4 =	vne.s32 v11, $0x0  }
0x1aa: {  	vm5 =	vne.s32 v1, $0x0;
	v21 =	vld [tilespmem:s23+$0xFFFFFF40];
	v1 =	vadd.s32 v12, v4;
	v4 =	vmpcnt.ones.xlane vm4  }
0x1ab: {  	v23 =	vld [tilespmem:s23+$0xFFFFFF50];
	vm6 =	vne.s32 v0, $0x0;
	vm7 =	vne.s32 v7, $0x0;
	v1 =	vadd.s32 v6, v1  }
0x1ac: {  	v24 =	vld [tilespmem:s23+$0xFFFFFF00];
	v0 =	vadd.s32 v4, v1;
	v1 =	vmpcnt.ones.xlane vm6;
	vm6 =	vne.s32 v5, $0x0  }
0x1ad: {  	v13 =	vld [tilespmem:s23+$0x10];
	vm4 =	vmand vm5, vm0;
	v4 =	vmpcnt.ones.xlane vm6;
	vm6 =	vne.s32 v14, $0x0  }
0x1ae: {  	v9 =	vld [tilespmem:s23+$0xD0];
	v0 =	vadd.s32 v1, v0;
	v1 =	vmpcnt.ones.xlane vm6;
	vm6 =	vmand vm7, vm3  }
0x1af: {  	v10 =	vld [tilespmem:s23+$0x80];
	v5 =	vmpcnt.ones.xlane vm4;
	v0 =	vadd.s32 v4, v0;
	v4 =	vmpcnt.ones.xlane vm6  }
0x1b0: {  	v11 =	vld [tilespmem:s23+$0x40];
	vm4 =	vmand vm5, vm1;
	vm5 =	vne.s32 v2, $0x0;
	v1 =	vadd.s32 v1, v0  }
0x1b1: {  	s14 =	simm.s32 $0x7;
	s24 =	simm.s32 $0x4;
	v12 =	vld [tilespmem:s23+$0x0];
	v0 =	vmpcnt.ones.xlane vm4;
	vm4 =	vmand vm5, vm2;
	v2 =	vadd.s32 v4, v1  }
0x1b2: {  	s26 =	simm.s32 $0x6;
	s28 =	simm.s32 $0x1;
	s25 =	simm.s32 $0x5;
	v6 =	vld [tilespmem:s23+$0x50];
	v1 =	vmpcnt.ones.xlane vm4;
	vm4 =	vgt.s32 v2, s14;
	vm7 =	vgt.s32 v2, s24  }
0x1b3: {  	s29 =	simm.s32 $0x2;
	s30 =	simm.s32 $0x3;
	s31 =	simm.s32 $0x0;
	v14 =	vld [tilespmem:s23+$0xFFFFFFC0];
	vm6 =	vgt.s32 v2, s25;
	vm5 =	vgt.s32 v2, s26;
	vm10 =	vgt.s32 v2, s28  }
0x1b4: {  	v25 =	vld [tilespmem:s23+$0xFFFFFF10];
	vm9 =	vgt.s32 v2, s29;
	vm8 =	vgt.s32 v2, s30;
	vm11 =	vgt.s32 v2, s31  }
0x1b5: {  	v26 =	vld [tilespmem:s23+$0xFFFFFF20];
	v7 =	vnsel vm4, $0x0, v8;
	v8 =	vnsel vm4, $0x0, v9;
	v11 =	vnsel vm6, $0x0, v11  }
0x1b6: {  	v27 =	vld [tilespmem:s23+$0xFFFFFF30];
	s24 =	simm.s32 $0xF;
	v10 =	vnsel vm5, $0x0, v10;
	v9 =	vnsel vm5, $0x0, v19;
	v19 =	vimm.f32 $0.0e+00  }
.LBB2_11:
0x1b7: {  	p0 =	sne.s32 s24, $0xC7;
	v4 =	vld [tilespmem:s23+$0xFFFFFF60];
	v12 =	vnsel vm7, $0x0, v12;
	v13 =	vnsel vm7, $0x0, v13;
	v6 =	vnsel vm6, $0x0, v6  }
0x1b8: {  	v18 =	vnsel vm9, $0x0, v18;
	v14 =	vnsel vm8, $0x0, v14;
	v15 =	vnsel vm8, $0x0, v15;
	v28 =	vld [tilespmem:s23+$0xFFFFFF70]  }
0x1b9: {  	v21 =	vnsel vm10, $0x0, v21;
	v23 =	vnsel vm10, $0x0, v23;
	v17 =	vnsel vm9, $0x0, v17;
	v29 =	vld [tilespmem:s23+$0xFFFFFFA0]  }
0x1ba: {  	v24 =	vnsel vm11, $0x0, v24;
	v25 =	vnsel vm11, $0x0, v25;
	v26 =	vnsel vm11, $0x0, v26;
	v30 =	vld [tilespmem:s23+$0xFFFFFFB0]  }
0x1bb: {  	v16 =	vadd.f32 v24, v16;
	v22 =	vadd.f32 v25, v22;
	v24 =	vnsel vm11, $0x0, v27;
	v25 =	vld [tilespmem:s23+$0xFFFFFFE0]  }
0x1bc: {  	v20 =	vadd.f32 v26, v20;
	v19 =	vadd.f32 v24, v19;
	v4 =	vnsel vm10, $0x0, v4;
	v24 =	vld [tilespmem:s23+$0xFFFFFFF0]  }
0x1bd: {  	v16 =	vadd.f32 v21, v16;
	v21 =	vadd.f32 v23, v22;
	v22 =	vnsel vm10, $0x0, v28;
	v23 =	vld [tilespmem:s23+$0x20]  }
0x1be: {  	v4 =	vadd.f32 v4, v20;
	v19 =	vadd.f32 v22, v19;
	v20 =	vnsel vm9, $0x0, v29;
	v22 =	vld [tilespmem:s23+$0x30]  }
0x1bf: {  	v16 =	vadd.f32 v18, v16;
	v17 =	vadd.f32 v17, v21;
	v18 =	vnsel vm9, $0x0, v30;
	v21 =	vld [tilespmem:s23+$0x60]  }
0x1c0: {  	v4 =	vadd.f32 v20, v4;
	v18 =	vadd.f32 v18, v19;
	v19 =	vnsel vm8, $0x0, v25;
	v20 =	vld [tilespmem:s23+$0x70]  }
0x1c1: {  	v14 =	vadd.f32 v14, v16;
	v15 =	vadd.f32 v15, v17;
	v16 =	vnsel vm8, $0x0, v24;
	v17 =	vld [tilespmem:s23+$0xA0]  }
0x1c2: {  	v4 =	vadd.f32 v19, v4;
	v16 =	vadd.f32 v16, v18;
	v18 =	vnsel vm7, $0x0, v23;
	v19 =	vld [tilespmem:s23+$0xB0]  }
0x1c3: {  	v12 =	vadd.f32 v12, v14;
	v13 =	vadd.f32 v13, v15;
	v14 =	vnsel vm7, $0x0, v22;
	v15 =	vld [tilespmem:s23+$0xE0]  }
0x1c4: {  	v4 =	vadd.f32 v18, v4;
	v14 =	vadd.f32 v14, v16;
	v16 =	vnsel vm6, $0x0, v21;
	v18 =	vld [tilespmem:s23+$0xF0];
	s23 =	sadd.s32 $0x200, s23  }
0x1c5: {  	v11 =	vadd.f32 v11, v12;
	v6 =	vadd.f32 v6, v13;
	v27 =	vld [tilespmem:s23+$0xC0];
	v12 =	vnsel vm6, $0x0, v20  }
0x1c6: {  	v4 =	vadd.f32 v16, v4;
	v28 =	vld [tilespmem:s23+$0xD0];
	v12 =	vadd.f32 v12, v14;
	v13 =	vnsel vm5, $0x0, v17  }
0x1c7: {  	v10 =	vadd.f32 v10, v11;
	v6 =	vadd.f32 v9, v6;
	v29 =	vld [tilespmem:s23+$0x80];
	v9 =	vnsel vm5, $0x0, v19  }
0x1c8: {  	v4 =	vadd.f32 v13, v4;
	v30 =	vld [tilespmem:s23+$0x90];
	v9 =	vadd.f32 v9, v12;
	v11 =	vnsel vm4, $0x0, v15  }
0x1c9: {  	v16 =	vadd.f32 v7, v10;
	v22 =	vadd.f32 v8, v6;
	v31 =	vld [tilespmem:s23+$0x40];
	v7 =	vnsel vm4, $0x0, v18  }
0x1ca: {  	v20 =	vadd.f32 v11, v4;
	v6 =	vld [tilespmem:s23+$0x50];
	v19 =	vadd.f32 v7, v9  }
0x1cb: {  	v12 =	vld [tilespmem:s23+$0x0]  }
0x1cc: {  	v13 =	vld [tilespmem:s23+$0x10]  }
0x1cd: {  	v14 =	vld [tilespmem:s23+$0xFFFFFFC0]  }
0x1ce: {  	v15 =	vld [tilespmem:s23+$0xFFFFFFD0]  }
0x1cf: {  	v18 =	vld [tilespmem:s23+$0xFFFFFF80]  }
0x1d0: {  	v17 =	vld [tilespmem:s23+$0xFFFFFF90]  }
0x1d1: {  	s0 =	sadd.s32 $0xFFFFFFFD, s24;
	v21 =	vld [tilespmem:s23+$0xFFFFFF40]  }
.Ltmp4:
0x1d2: {  	s1 =	sadd.s32 $0xFFFFFFFE, s24;
	s12 =	sadd.s32 $0xFFFFFFFF, s24;
	vm4 =	vgt.s32 v2, s24;
	v23 =	vld [tilespmem:s23+$0xFFFFFF50];
	(pc) =	sbr.rel @p0 .LBB2_11-.Ltmp4, $4  }
0x1d3: {  	s14 =	sadd.s32 $0xFFFFFFFA, s24;
	s25 =	sadd.s32 $0xFFFFFFFB, s24;
	s26 =	sadd.s32 $0xFFFFFFFC, s24;
	vm7 =	vgt.s32 v2, s0;
	vm6 =	vgt.s32 v2, s1;
	vm5 =	vgt.s32 v2, s12;
	v24 =	vld [tilespmem:s23+$0xFFFFFF00]  }
0x1d4: {  	vm10 =	vgt.s32 v2, s14;
	vm9 =	vgt.s32 v2, s25;
	vm8 =	vgt.s32 v2, s26;
	s0 =	sadd.s32 $0xFFFFFFF9, s24;
	v25 =	vld [tilespmem:s23+$0xFFFFFF10]  }
0x1d5: {  	vm11 =	vgt.s32 v2, s0;
	v7 =	vnsel vm4, $0x0, v27;
	v8 =	vnsel vm4, $0x0, v28;
	v26 =	vld [tilespmem:s23+$0xFFFFFF20]  }
0x1d6: {  	s24 =	sadd.s32 $0x8, s24;
	v10 =	vnsel vm5, $0x0, v29;
	v9 =	vnsel vm5, $0x0, v30;
	v11 =	vnsel vm6, $0x0, v31;
	v27 =	vld [tilespmem:s23+$0xFFFFFF30]  }
0x1d7: {  	v28 =	vld [tilespmem:s23+$0xFFFFFF60]  }
0x1d8: {  	v29 =	vld [tilespmem:s23+$0xFFFFFF70]  }
0x1d9: {  	v30 =	vld [tilespmem:s23+$0xFFFFFFA0]  }
0x1da: {  	v31 =	vld [tilespmem:s23+$0xFFFFFFB0]  }
0x1db: {  	v32 =	vld [tilespmem:s23+$0xFFFFFFE0]  }
0x1dc: {  	v33 =	vld [tilespmem:s23+$0xFFFFFFF0]  }
0x1dd: {  	v34 =	vld [tilespmem:s23+$0x20]  }
0x1de: {  	v35 =	vld [tilespmem:s23+$0x30]  }
0x1df: {  	v36 =	vld [tilespmem:s23+$0x60]  }
0x1e0: {  	v37 =	vld [tilespmem:s23+$0x70]  }
0x1e1: {  	v38 =	vld [tilespmem:s23+$0xA0]  }
0x1e2: {  	v39 =	vld [tilespmem:s23+$0xB0]  }
0x1e3: {  	v40 =	vld [tilespmem:s23+$0xE0]  }
0x1e4: {  	v4 =	vld [tilespmem:s23+$0xF0]  }
0x1e5: {  	v41 =	vld [tilespmem:$0x14010]  }
0x1e6: {  	v42 =	vld [tilespmem:$0x14020]  }
0x1e7: {  	v21 =	vnsel vm10, $0x0, v21;
	v23 =	vnsel vm10, $0x0, v23;
	v54 =	vld [tilespmem:$0x140E0]  }
0x1e8: {  	v18 =	vnsel vm9, $0x0, v18;
	v17 =	vnsel vm9, $0x0, v17;
	v14 =	vnsel vm8, $0x0, v14;
	v56 =	vld [tilespmem:$0x14110]  }
0x1e9: {  	v15 =	vnsel vm8, $0x0, v15;
	v12 =	vnsel vm7, $0x0, v12;
	v58 =	vld [tilespmem:$0x14130];
	v24 =	vnsel vm11, $0x0, v24  }
0x1ea: {  	v13 =	vnsel vm7, $0x0, v13;
	v59 =	vld [tilespmem:$0x14170];
	v25 =	vnsel vm11, $0x0, v25;
	v16 =	vadd.f32 v24, v16  }
0x1eb: {  	v3 =	vadd.s32 v3, v5;
	v60 =	vld [tilespmem:$0x14180];
	v24 =	vnsel vm11, $0x0, v26;
	v22 =	vadd.f32 v25, v22  }
0x1ec: {  	v25 =	vld [tilespmem:$0x14030];
	v26 =	vnsel vm11, $0x0, v27;
	v20 =	vadd.f32 v24, v20;
	v16 =	vadd.f32 v21, v16  }
0x1ed: {  	v61 =	vld [tilespmem:$0x14190];
	v19 =	vadd.f32 v26, v19;
	v22 =	vadd.f32 v23, v22;
	v23 =	vnsel vm10, $0x0, v28  }
0x1ee: {  	v63 =	vld [tilespmem:$0x14280];
	v26 =	vnsel vm10, $0x0, v29;
	v5 =	vadd.f32 $0.0e+00, v41;
	v20 =	vadd.f32 v23, v20  }
0x1ef: {  	v24 =	vld [tilespmem:$0x14040];
	v16 =	vadd.f32 v18, v16;
	v19 =	vadd.f32 v26, v19;
	v26 =	vnsel vm9, $0x0, v30  }
0x1f0: {  	v6 =	vnsel vm6, $0x0, v6;
	v21 =	vld [tilespmem:$0x14050];
	v17 =	vadd.f32 v17, v22;
	v20 =	vadd.f32 v26, v20  }
0x1f1: {  	v27 =	vld [tilespmem:$0x14060];
	v22 =	vnsel vm9, $0x0, v31;
	v14 =	vadd.f32 v14, v16;
	v25 =	vadd.f32 $0.0e+00, v25  }
0x1f2: {  	v23 =	vld [tilespmem:$0x14070];
	v16 =	vnsel vm8, $0x0, v32;
	v19 =	vadd.f32 v22, v19;
	v15 =	vadd.f32 v15, v17  }
0x1f3: {  	v52 =	vnsel vm8, $0x0, v33;
	v18 =	vld [tilespmem:$0x14080];
	v16 =	vadd.f32 v16, v20;
	v12 =	vadd.f32 v12, v14  }
0x1f4: {  	v26 =	vld [tilespmem:$0x14090];
	v19 =	vadd.f32 v52, v19;
	v13 =	vadd.f32 v13, v15;
	v15 =	vnsel vm7, $0x0, v34  }
0x1f5: {  	v53 =	vnsel vm7, $0x0, v35;
	v22 =	vld [tilespmem:$0x140A0];
	v24 =	vadd.f32 $0.0e+00, v24;
	v15 =	vadd.f32 v15, v16  }
0x1f6: {  	v55 =	vnsel vm6, $0x0, v36;
	v17 =	vld [tilespmem:$0x140B0];
	v11 =	vadd.f32 v11, v12;
	v16 =	vadd.f32 v53, v19  }
0x1f7: {  	v20 =	vld [tilespmem:$0x140C0];
	v6 =	vadd.f32 v6, v13;
	v13 =	vnsel vm6, $0x0, v37;
	vm6 =	vgt.s32 v3, $0x1  }
0x1f8: {  	v14 =	vld [tilespmem:$0x140D0];
	v15 =	vadd.f32 v55, v15;
	v10 =	vadd.f32 v10, v11;
	v21 =	vnsel vm6, $0x0, v21  }
0x1f9: {  	v12 =	vld [tilespmem:$0x14100];
	v18 =	vnsel vm6, $0x0, v18;
	v13 =	vadd.f32 v13, v16;
	v16 =	vnsel vm5, $0x0, v38  }
0x1fa: {  	v19 =	vld [tilespmem:$0x140F0];
	v57 =	vadd.f32 v9, v6;
	v6 =	vnsel vm5, $0x0, v39;
	v15 =	vadd.f32 v16, v15  }
0x1fb: {  	v11 =	vld [tilespmem:$0x14120];
	vm5 =	vgt.s32 v3, $0x0;
	v16 =	vnsel vm4, $0x0, v40;
	v9 =	vadd.f32 v7, v10  }
0x1fc: {  	v10 =	vld [tilespmem:$0x14150];
	v5 =	vnsel vm5, $0x0, v5;
	v7 =	vadd.f32 v16, v15;
	v16 =	vadd.f32 $0.0e+00, v42  }
0x1fd: {  	v25 =	vnsel vm5, $0x0, v25;
	v24 =	vnsel vm5, $0x0, v24;
	v6 =	vadd.f32 v6, v13;
	v13 =	vld [tilespmem:$0x14140]  }
0x1fe: {  	v5 =	vadd.f32 v21, v5;
	v21 =	vnsel vm6, $0x0, v27;
	v27 =	vld [tilespmem:$0x141A0];
	v16 =	vnsel vm5, $0x0, v16  }
0x1ff: {  	v18 =	vadd.f32 v18, v24;
	v24 =	vld [tilespmem:$0x141D0];
	vm5 =	vgt.s32 v3, $0x2;
	v16 =	vadd.f32 v21, v16  }
0x200: {  	v15 =	vld [tilespmem:$0x14160];
	v21 =	vnsel vm6, $0x0, v23;
	v22 =	vnsel vm5, $0x0, v22;
	v17 =	vnsel vm5, $0x0, v17  }
0x201: {  	v23 =	vld [tilespmem:$0x141B0];
	vm6 =	vgt.s32 v3, $0x3;
	v20 =	vnsel vm5, $0x0, v20;
	v21 =	vadd.f32 v21, v25  }
0x202: {  	v25 =	vnsel vm5, $0x0, v26;
	v26 =	vld [tilespmem:$0x141C0];
	v14 =	vnsel vm6, $0x0, v14;
	v18 =	vadd.f32 v20, v18  }
0x203: {  	v20 =	vld [tilespmem:$0x14200];
	vm5 =	vgt.s32 v3, $0x4;
	v12 =	vnsel vm6, $0x0, v12;
	v5 =	vadd.f32 v25, v5  }
0x204: {  	v16 =	vadd.f32 v22, v16;
	v22 =	vld [tilespmem:$0x141E0];
	v11 =	vnsel vm5, $0x0, v11;
	v13 =	vnsel vm5, $0x0, v13  }
0x205: {  	v25 =	vld [tilespmem:$0x14220];
	v17 =	vadd.f32 v17, v21;
	v5 =	vadd.f32 v14, v5;
	v14 =	vnsel vm6, $0x0, v54  }
0x206: {  	v21 =	vld [tilespmem:$0x141F0];
	v12 =	vadd.f32 v12, v18;
	v14 =	vadd.f32 v14, v16;
	v16 =	vnsel vm6, $0x0, v19  }
0x207: {  	v18 =	vld [tilespmem:$0x14240];
	vm6 =	vgt.s32 v3, $0x5;
	v16 =	vadd.f32 v16, v17;
	v17 =	vnsel vm5, $0x0, v56  }
0x208: {  	v19 =	vld [tilespmem:$0x14210];
	v12 =	vadd.f32 v13, v12;
	v10 =	vnsel vm6, $0x0, v10;
	v5 =	vadd.f32 v17, v5  }
0x209: {  	v13 =	vld [tilespmem:$0x14260];
	v11 =	vadd.f32 v11, v14;
	v14 =	vnsel vm5, $0x0, v58;
	vm5 =	vgt.s32 v3, $0x6  }
0x20a: {  	v17 =	vld [tilespmem:$0x14230];
	v14 =	vadd.f32 v14, v16;
	v5 =	vadd.f32 v10, v5;
	v10 =	vnsel vm6, $0x0, v15  }
0x20b: {  	v16 =	vld [tilespmem:$0x14250];
	v62 =	vnsel vm5, $0x0, v61;
	v10 =	vadd.f32 v10, v11;
	v11 =	vnsel vm6, $0x0, v59  }
0x20c: {  	v15 =	vld [tilespmem:$0x14270];
	v11 =	vadd.f32 v11, v14;
	v14 =	vnsel vm6, $0x0, v60;
	v5 =	vadd.f32 v62, v5  }
0x20d: {  	vm6 =	vgt.s32 v3, $0x7;
	v12 =	vadd.f32 v14, v12;
	v14 =	vnsel vm5, $0x0, v27;
	v27 =	vld [tilespmem:$0x14290]  }
0x20e: {  	v24 =	vnsel vm6, $0x0, v24;
	v10 =	vadd.f32 v14, v10;
	v14 =	vnsel vm5, $0x0, v23;
	v23 =	vld [tilespmem:$0x142A0]  }
0x20f: {  	v5 =	vadd.f32 v24, v5;
	v24 =	vld [tilespmem:$0x14340];
	v11 =	vadd.f32 v14, v11;
	v14 =	vnsel vm5, $0x0, v26  }
0x210: {  	v26 =	vld [tilespmem:$0x142B0];
	vm5 =	vgt.s32 v3, $0x8;
	v12 =	vadd.f32 v14, v12;
	v14 =	vnsel vm6, $0x0, v22  }
0x211: {  	v22 =	vld [tilespmem:$0x142C0];
	v19 =	vnsel vm5, $0x0, v19;
	v10 =	vadd.f32 v14, v10;
	v14 =	vnsel vm6, $0x0, v21  }
0x212: {  	v21 =	vld [tilespmem:$0x142D0];
	v5 =	vadd.f32 v19, v5;
	v11 =	vadd.f32 v14, v11;
	v14 =	vnsel vm6, $0x0, v20  }
0x213: {  	v19 =	vld [tilespmem:$0x142F0];
	vm6 =	vgt.s32 v3, $0x9;
	v12 =	vadd.f32 v14, v12;
	v14 =	vnsel vm5, $0x0, v25  }
0x214: {  	v20 =	vld [tilespmem:$0x142E0];
	v16 =	vnsel vm6, $0x0, v16;
	v10 =	vadd.f32 v14, v10;
	v14 =	vnsel vm5, $0x0, v17  }
0x215: {  	v13 =	vnsel vm6, $0x0, v13;
	v17 =	vld [tilespmem:$0x14300];
	v11 =	vadd.f32 v14, v11;
	v14 =	vnsel vm5, $0x0, v18  }
0x216: {  	v5 =	vadd.f32 v16, v5;
	v18 =	vld [tilespmem:$0x14310];
	vm5 =	vgt.s32 v3, $0xA;
	v12 =	vadd.f32 v14, v12  }
0x217: {  	v14 =	vld [tilespmem:$0x14320];
	v10 =	vadd.f32 v13, v10;
	v13 =	vnsel vm6, $0x0, v15;
	v16 =	vnsel vm5, $0x0, v27  }
0x218: {  	v15 =	vld [tilespmem:$0x14330];
	v11 =	vadd.f32 v13, v11;
	v13 =	vnsel vm6, $0x0, v63;
	v5 =	vadd.f32 v16, v5  }
0x219: {  	v16 =	vld [tilespmem:$0x14350];
	vm6 =	vgt.s32 v3, $0xB;
	v12 =	vadd.f32 v13, v12;
	v13 =	vnsel vm5, $0x0, v23  }
0x21a: {  	v23 =	vld [tilespmem:$0x14360];
	v21 =	vnsel vm6, $0x0, v21;
	v10 =	vadd.f32 v13, v10;
	v13 =	vnsel vm5, $0x0, v26  }
0x21b: {  	v5 =	vadd.f32 v21, v5;
	v21 =	vld [tilespmem:$0x143F0];
	v11 =	vadd.f32 v13, v11;
	v13 =	vnsel vm5, $0x0, v22  }
0x21c: {  	v22 =	vld [tilespmem:$0x14370];
	v12 =	vadd.f32 v13, v12;
	v13 =	vnsel vm6, $0x0, v20  }
0x21d: {  	vm5 =	vgt.s32 v3, $0xC;
	v20 =	vld [tilespmem:$0x14380];
	v10 =	vadd.f32 v13, v10;
	v13 =	vnsel vm6, $0x0, v19  }
0x21e: {  	v19 =	vld [tilespmem:$0x14390];
	v11 =	vadd.f32 v13, v11;
	v13 =	vnsel vm6, $0x0, v17;
	v17 =	vnsel vm5, $0x0, v18  }
0x21f: {  	v18 =	vld [tilespmem:$0x143A0];
	vm6 =	vgt.s32 v3, $0xD;
	v12 =	vadd.f32 v13, v12;
	v13 =	vnsel vm5, $0x0, v14  }
0x220: {  	v5 =	vadd.f32 v17, v5;
	v14 =	vld [tilespmem:$0x143B0];
	v10 =	vadd.f32 v13, v10;
	v13 =	vnsel vm5, $0x0, v15  }
0x221: {  	v2 =	vcvt.s32.f32 v2;
	v16 =	vnsel vm6, $0x0, v16;
	v17 =	vld [tilespmem:$0x143D0];
	v11 =	vadd.f32 v13, v11  }
0x222: {  	v15 =	vld [tilespmem:$0x143C0];
	v13 =	vnsel vm5, $0x0, v24;
	v5 =	vadd.f32 v16, v5;
	vm5 =	vgt.s32 v3, $0xE  }
0x223: {  	v16 =	vld [tilespmem:$0x143E0];
	v12 =	vadd.f32 v13, v12;
	v13 =	vnsel vm6, $0x0, v23;
	v19 =	vnsel vm5, $0x0, v19  }
0x224: {  	v10 =	vadd.f32 v13, v10;
	v13 =	vnsel vm6, $0x0, v22;
	v5 =	vadd.f32 v19, v5;
	v19 =	vld [tilespmem:$0x14460]  }
0x225: {  	v2 =	vmax.f32 v2, $1.000000000e+00;
	v11 =	vadd.f32 v13, v11;
	v13 =	vnsel vm6, $0x0, v20;
	v20 =	vld [tilespmem:$0x14400]  }
0x226: {  	(erf) = vrcp.f32 v2;
	v12 =	vadd.f32 v13, v12;
	v13 =	vnsel vm5, $0x0, v18;
	v18 =	vld [tilespmem:$0x14410]  }
0x227: {  	vm6 =	vgt.s32 v3, $0xF;
	v10 =	vadd.f32 v13, v10;
	v13 =	vnsel vm5, $0x0, v14;
	v14 =	vld [tilespmem:$0x14420]  }
0x228: {  	v11 =	vadd.f32 v13, v11;
	v13 =	vnsel vm5, $0x0, v15;
	v15 =	vnsel vm6, $0x0, v17;
	v17 =	vld [tilespmem:$0x14430]  }
0x229: {  	v12 =	vadd.f32 v13, v12;
	v5 =	vadd.f32 v15, v5;
	v13 =	vnsel vm6, $0x0, v16;
	v15 =	vld [tilespmem:$0x14440]  }
0x22a: {  	vm5 =	vgt.s32 v3, $0x10;
	v16 =	vld [tilespmem:$0x14450];
	v10 =	vadd.f32 v13, v10;
	v13 =	vnsel vm6, $0x0, v21  }
0x22b: {  	v21 =	vld [tilespmem:$0x14480];
	v11 =	vadd.f32 v13, v11;
	v13 =	vnsel vm6, $0x0, v20;
	v20 =	vcvt.s32.f32 v3  }
0x22c: {  	v18 =	vnsel vm5, $0x0, v18;
	vm6 =	vgt.s32 v3, $0x11;
	v12 =	vadd.f32 v13, v12;
	v13 =	vld [tilespmem:$0x14470]  }
0x22d: {  	v5 =	vadd.f32 v18, v5;
	v14 =	vnsel vm5, $0x0, v14;
	v18 =	vld [tilespmem:$0x14490];
	v2 =	vmax.f32 v20, $1.000000000e+00  }
0x22e: {  	(erf) = vrcp.f32 v2;
	v2 =	vadd.f32 v14, v10;
	v10 =	vnsel vm5, $0x0, v17;
	v14 =	vld [tilespmem:$0x144A0]  }
0x22f: {  	v10 =	vadd.f32 v10, v11;
	v11 =	vnsel vm5, $0x0, v15;
	v15 =	vnsel vm6, $0x0, v16;
	v16 =	vld [tilespmem:$0x144D0]  }
0x230: {  	v8 =	vadd.f32 v8, v57;
	v17 =	vld [tilespmem:$0x144E0];
	vm5 =	vgt.s32 v3, $0x12;
	v11 =	vadd.f32 v11, v12  }
0x231: {  	v5 =	vadd.f32 v15, v5;
	v12 =	vld [tilespmem:$0x144B0];
	v15 =	vnsel vm6, $0x0, v19;
	v13 =	vnsel vm6, $0x0, v13  }
0x232: {  	v2 =	vadd.f32 v15, v2;
	v15 =	vld [tilespmem:$0x144C0];
	v10 =	vadd.f32 v13, v10;
	v13 =	vnsel vm5, $0x0, v18  }
0x233: {  	v18 =	vnsel vm6, $0x0, v21;
	vm6 =	vgt.s32 v3, $0x13;
	v3 =	vld [tilespmem:$0x144F0];
	v5 =	vadd.f32 v13, v5  }
0x234: {  	v11 =	vadd.f32 v18, v11;
	v13 =	vnsel vm5, $0x0, v14;
	v14 =	vnsel vm6, $0x0, v16  }
0x235: {  	v4 =	vnsel vm4, $0x0, v4;
	v16 =	vpop (erf);
	v2 =	vadd.f32 v13, v2;
	v13 =	vld [tilespmem:$0x14500];
	v5 =	vadd.f32 v14, v5  }
0x236: {  	s0 =	sshll.u32 s22, $0x8;
	v12 =	vnsel vm5, $0x0, v12;
	v14 =	vnsel vm6, $0x0, v17;
	v9 =	vmul.f32 v9, v16  }
0x237: {  	s0 =	sand.u32 $0x3FFFFF00, s0;
	v8 =	vmul.f32 v8, v16;
	v10 =	vadd.f32 v12, v10;
	v2 =	vadd.f32 v14, v2;
	v17 =	vpop (erf)  }
0x238: {  	v12 =	vnsel vm5, $0x0, v15;
	v3 =	vnsel vm6, $0x0, v3;
	[tilespmem:s0+$0x14A10] =	vst v9;
	v5 =	vmul.f32 v5, v17  }
0x239: {  	v9 =	vadd.f32 v12, v11;
	[tilespmem:s0+$0x14A20] =	vst v8;
	v3 =	vadd.f32 v3, v10;
	v2 =	vmul.f32 v2, v17  }
0x23a: {  	v4 =	vadd.f32 v4, v6;
	v6 =	vmul.f32 v7, v16;
	[tilespmem:s0+$0x14A50] =	vst v5;
	v5 =	vnsel vm6, $0x0, v13  }
0x23b: {  	[tilespmem:s0+$0x14A60] =	vst v2;
	v2 =	vmul.f32 v3, v17;
	v5 =	vadd.f32 v5, v9  }
0x23c: {  	s22 =	sshllo.u32 s22, $0x1;
	[tilespmem:s0+$0x14A30] =	vst v6;
	v3 =	vmul.f32 v4, v16  }
0x23d: {  	s1 =	smul.u32 $0x320, s22;
	[tilespmem:s0+$0x14A70] =	vst v2;
	v2 =	vmul.f32 v5, v17  }
0x23e: {  	[tilespmem:s0+$0x14A40] =	vst v3  }
0x23f: {  	s26 =	sshra.s32 s1, $0x2;
	[tilespmem:s0+$0x14A80] =	vst v2  }
0x240: {  	v2 =	vld [tilespmem:s26+$0x0]  }
0x241: {  	v3 =	vld [tilespmem:s26+$0x10]  }
0x242: {  	v4 =	vld [tilespmem:s26+$0x20]  }
0x243: {  	v5 =	vld [tilespmem:s26+$0x30]  }
0x244: {  	v6 =	vld [tilespmem:s26+$0x40]  }
0x245: {  	v7 =	vld [tilespmem:s26+$0x50]  }
0x246: {  	v8 =	vld [tilespmem:s26+$0x60]  }
0x247: {  	v9 =	vld [tilespmem:s26+$0x70]  }
0x248: {  	v10 =	vld [tilespmem:s26+$0x80]  }
0x249: {  	s23 =	simm.s32 $0x10600;
	v12 =	vld [tilespmem:s26+$0xA0];
	vm4 =	vne.s32 v2, $0x0;
	vm5 =	vne.s32 v3, $0x0  }
0x24a: {  	v17 =	vld [tilespmem:s23+$0xFFFFFF90];
	v3 =	vmpcnt.ones.xlane vm4;
	v11 =	vmpcnt.ones.xlane vm5;
	vm4 =	vne.s32 v4, $0x0  }
0x24b: {  	v18 =	vld [tilespmem:s23+$0xFFFFFFA0];
	v4 =	vmpcnt.ones.xlane vm4;
	vm4 =	vne.s32 v5, $0x0  }
0x24c: {  	v20 =	vld [tilespmem:s23+$0xFFFFFF50];
	v3 =	vadd.s32 v3, v11;
	v11 =	vmpcnt.ones.xlane vm4;
	vm4 =	vne.s32 v6, $0x0  }
0x24d: {  	v2 =	vld [tilespmem:s26+$0x90];
	v3 =	vadd.s32 v4, v3;
	v4 =	vmpcnt.ones.xlane vm4;
	vm4 =	vne.s32 v7, $0x0  }
0x24e: {  	v5 =	vld [tilespmem:s26+$0xB0];
	v3 =	vadd.s32 v11, v3;
	v11 =	vmpcnt.ones.xlane vm4;
	vm4 =	vne.s32 v8, $0x0  }
0x24f: {  	v6 =	vld [tilespmem:s26+$0xB8];
	v3 =	vadd.s32 v4, v3;
	v4 =	vmpcnt.ones.xlane vm4;
	vm4 =	vne.s32 v9, $0x0  }
0x250: {  	v13 =	vld [tilespmem:s23+$0xFFFFFEE0];
	v3 =	vadd.s32 v11, v3;
	v9 =	vmpcnt.ones.xlane vm4;
	vm4 =	vne.s32 v10, $0x0  }
0x251: {  	v16 =	vld [tilespmem:s23+$0xFFFFFE90];
	v3 =	vadd.s32 v4, v3;
	v10 =	vmpcnt.ones.xlane vm4  }
0x252: {  	v15 =	vld [tilespmem:s23+$0xFFFFFEA0];
	vm4 =	vne.s32 v2, $0x0;
	v3 =	vadd.s32 v9, v3  }
0x253: {  	v19 =	vld [tilespmem:s23+$0xFFFFFE50];
	v2 =	vadd.s32 v10, v3;
	v3 =	vmpcnt.ones.xlane vm4;
	vm4 =	vne.s32 v12, $0x0  }
0x254: {  	v21 =	vld [tilespmem:s23+$0xFFFFFE60];
	vm5 =	vne.s32 v6, $0x0;
	v9 =	vmpcnt.ones.xlane vm4;
	vm4 =	vne.s32 v5, $0x0  }
0x255: {  	v22 =	vld [tilespmem:s23+$0xFFFFFE10];
	v2 =	vadd.s32 v3, v2;
	v3 =	vmpcnt.ones.xlane vm4;
	vm4 =	vmand vm5, vm3  }
0x256: {  	v7 =	vld [tilespmem:s23+$0xFFFFFFD0];
	v2 =	vadd.s32 v9, v2;
	v5 =	vmpcnt.ones.xlane vm4  }
0x257: {  	v8 =	vld [tilespmem:s23+$0xFFFFFFE0];
	v2 =	vadd.s32 v3, v2  }
0x258: {  	s28 =	simm.s32 $0x7;
	v11 =	vld [tilespmem:s23+$0xFFFFFF20];
	v2 =	vadd.s32 v5, v2  }
0x259: {  	s29 =	simm.s32 $0x4;
	s12 =	simm.s32 $0x5;
	s14 =	simm.s32 $0x6;
	v14 =	vimm.f32 $0.0e+00;
	v4 =	vld [tilespmem:s23+$0xFFFFFF60];
	vm4 =	vgt.s32 v2, s28  }
0x25a: {  	s30 =	simm.s32 $0x1;
	s24 =	simm.s32 $0x2;
	s25 =	simm.s32 $0x3;
	v10 =	vld [tilespmem:s23+$0xFFFFFF10];
	vm7 =	vgt.s32 v2, s29;
	vm6 =	vgt.s32 v2, s12;
	vm5 =	vgt.s32 v2, s14  }
0x25b: {  	s31 =	simm.s32 $0x0;
	v12 =	vld [tilespmem:s23+$0xFFFFFED0];
	vm10 =	vgt.s32 v2, s30;
	vm9 =	vgt.s32 v2, s24;
	vm8 =	vgt.s32 v2, s25  }
0x25c: {  	v23 =	vld [tilespmem:s23+$0xFFFFFE20];
	vm11 =	vgt.s32 v2, s31;
	v5 =	vnsel vm4, $0x0, v7;
	v6 =	vnsel vm4, $0x0, v8  }
0x25d: {  	v24 =	vld [tilespmem:s23+$0xFFFFFE30];
	v9 =	vnsel vm6, $0x0, v20;
	v8 =	vnsel vm5, $0x0, v17;
	v7 =	vnsel vm5, $0x0, v18  }
0x25e: {  	v25 =	vld [tilespmem:s23+$0xFFFFFE40];
	s24 =	simm.s32 $0xF;
	v20 =	vimm.f32 $0.0e+00;
	v18 =	vimm.f32 $0.0e+00;
	v17 =	vimm.f32 $0.0e+00  }
.LBB2_13:
0x25f: {  	p0 =	sne.s32 s24, $0xC7;
	v3 =	vld [tilespmem:s23+$0xFFFFFE70];
	v10 =	vnsel vm7, $0x0, v10;
	v11 =	vnsel vm7, $0x0, v11;
	v4 =	vnsel vm6, $0x0, v4  }
0x260: {  	v16 =	vnsel vm9, $0x0, v16;
	v12 =	vnsel vm8, $0x0, v12;
	v13 =	vnsel vm8, $0x0, v13;
	v26 =	vld [tilespmem:s23+$0xFFFFFE80]  }
0x261: {  	v19 =	vnsel vm10, $0x0, v19;
	v21 =	vnsel vm10, $0x0, v21;
	v15 =	vnsel vm9, $0x0, v15;
	v27 =	vld [tilespmem:s23+$0xFFFFFEB0]  }
0x262: {  	v22 =	vnsel vm11, $0x0, v22;
	v23 =	vnsel vm11, $0x0, v23;
	v24 =	vnsel vm11, $0x0, v24;
	v28 =	vld [tilespmem:s23+$0xFFFFFEC0]  }
0x263: {  	v14 =	vadd.f32 v22, v14;
	v20 =	vadd.f32 v23, v20;
	v22 =	vnsel vm11, $0x0, v25;
	v23 =	vld [tilespmem:s23+$0xFFFFFEF0]  }
0x264: {  	v18 =	vadd.f32 v24, v18;
	v17 =	vadd.f32 v22, v17;
	v3 =	vnsel vm10, $0x0, v3;
	v22 =	vld [tilespmem:s23+$0xFFFFFF00]  }
0x265: {  	v14 =	vadd.f32 v19, v14;
	v19 =	vadd.f32 v21, v20;
	v20 =	vnsel vm10, $0x0, v26;
	v21 =	vld [tilespmem:s23+$0xFFFFFF30]  }
0x266: {  	v3 =	vadd.f32 v3, v18;
	v17 =	vadd.f32 v20, v17;
	v18 =	vnsel vm9, $0x0, v27;
	v20 =	vld [tilespmem:s23+$0xFFFFFF40]  }
0x267: {  	v14 =	vadd.f32 v16, v14;
	v15 =	vadd.f32 v15, v19;
	v16 =	vnsel vm9, $0x0, v28;
	v19 =	vld [tilespmem:s23+$0xFFFFFF70]  }
0x268: {  	v3 =	vadd.f32 v18, v3;
	v16 =	vadd.f32 v16, v17;
	v17 =	vnsel vm8, $0x0, v23;
	v18 =	vld [tilespmem:s23+$0xFFFFFF80]  }
0x269: {  	v12 =	vadd.f32 v12, v14;
	v13 =	vadd.f32 v13, v15;
	v14 =	vnsel vm8, $0x0, v22;
	v15 =	vld [tilespmem:s23+$0xFFFFFFB0]  }
0x26a: {  	v3 =	vadd.f32 v17, v3;
	v14 =	vadd.f32 v14, v16;
	v16 =	vnsel vm7, $0x0, v21;
	v17 =	vld [tilespmem:s23+$0xFFFFFFC0]  }
0x26b: {  	v10 =	vadd.f32 v10, v12;
	v11 =	vadd.f32 v11, v13;
	v12 =	vnsel vm7, $0x0, v20;
	v13 =	vld [tilespmem:s23+$0xFFFFFFF0]  }
0x26c: {  	v3 =	vadd.f32 v16, v3;
	v12 =	vadd.f32 v12, v14;
	v14 =	vnsel vm6, $0x0, v19;
	v16 =	vld [tilespmem:s23+$0x0];
	s23 =	sadd.s32 $0x200, s23  }
0x26d: {  	v9 =	vadd.f32 v9, v10;
	v4 =	vadd.f32 v4, v11;
	v25 =	vld [tilespmem:s23+$0xFFFFFFD0];
	v10 =	vnsel vm6, $0x0, v18  }
0x26e: {  	v3 =	vadd.f32 v14, v3;
	v26 =	vld [tilespmem:s23+$0xFFFFFFE0];
	v10 =	vadd.f32 v10, v12;
	v11 =	vnsel vm5, $0x0, v15  }
0x26f: {  	v8 =	vadd.f32 v8, v9;
	v4 =	vadd.f32 v7, v4;
	v27 =	vld [tilespmem:s23+$0xFFFFFF90];
	v7 =	vnsel vm5, $0x0, v17  }
0x270: {  	v3 =	vadd.f32 v11, v3;
	v28 =	vld [tilespmem:s23+$0xFFFFFFA0];
	v7 =	vadd.f32 v7, v10;
	v9 =	vnsel vm4, $0x0, v13  }
0x271: {  	v14 =	vadd.f32 v5, v8;
	v20 =	vadd.f32 v6, v4;
	v29 =	vld [tilespmem:s23+$0xFFFFFF50];
	v5 =	vnsel vm4, $0x0, v16  }
0x272: {  	v18 =	vadd.f32 v9, v3;
	v4 =	vld [tilespmem:s23+$0xFFFFFF60];
	v17 =	vadd.f32 v5, v7  }
0x273: {  	v10 =	vld [tilespmem:s23+$0xFFFFFF10]  }
0x274: {  	v11 =	vld [tilespmem:s23+$0xFFFFFF20]  }
0x275: {  	v12 =	vld [tilespmem:s23+$0xFFFFFED0]  }
0x276: {  	v13 =	vld [tilespmem:s23+$0xFFFFFEE0]  }
0x277: {  	v16 =	vld [tilespmem:s23+$0xFFFFFE90]  }
0x278: {  	v15 =	vld [tilespmem:s23+$0xFFFFFEA0]  }
0x279: {  	s0 =	sadd.s32 $0xFFFFFFFD, s24;
	v19 =	vld [tilespmem:s23+$0xFFFFFE50]  }
.Ltmp5:
0x27a: {  	s1 =	sadd.s32 $0xFFFFFFFE, s24;
	s12 =	sadd.s32 $0xFFFFFFFF, s24;
	vm4 =	vgt.s32 v2, s24;
	v21 =	vld [tilespmem:s23+$0xFFFFFE60];
	(pc) =	sbr.rel @p0 .LBB2_13-.Ltmp5, $4  }
0x27b: {  	s14 =	sadd.s32 $0xFFFFFFFA, s24;
	s25 =	sadd.s32 $0xFFFFFFFB, s24;
	s26 =	sadd.s32 $0xFFFFFFFC, s24;
	vm7 =	vgt.s32 v2, s0;
	vm6 =	vgt.s32 v2, s1;
	vm5 =	vgt.s32 v2, s12;
	v22 =	vld [tilespmem:s23+$0xFFFFFE10]  }
0x27c: {  	vm10 =	vgt.s32 v2, s14;
	vm9 =	vgt.s32 v2, s25;
	vm8 =	vgt.s32 v2, s26;
	s0 =	sadd.s32 $0xFFFFFFF9, s24;
	v23 =	vld [tilespmem:s23+$0xFFFFFE20]  }
0x27d: {  	vm11 =	vgt.s32 v2, s0;
	v5 =	vnsel vm4, $0x0, v25;
	v6 =	vnsel vm4, $0x0, v26;
	v24 =	vld [tilespmem:s23+$0xFFFFFE30]  }
0x27e: {  	s24 =	sadd.s32 $0x8, s24;
	v8 =	vnsel vm5, $0x0, v27;
	v7 =	vnsel vm5, $0x0, v28;
	v9 =	vnsel vm6, $0x0, v29;
	v25 =	vld [tilespmem:s23+$0xFFFFFE40]  }
0x27f: {  	v26 =	vld [tilespmem:s23+$0xFFFFFE70]  }
0x280: {  	v27 =	vld [tilespmem:s23+$0xFFFFFE80]  }
0x281: {  	v28 =	vld [tilespmem:s23+$0xFFFFFEB0]  }
0x282: {  	v29 =	vld [tilespmem:s23+$0xFFFFFEC0]  }
0x283: {  	v30 =	vld [tilespmem:s23+$0xFFFFFEF0]  }
0x284: {  	v31 =	vld [tilespmem:s23+$0xFFFFFF00]  }
0x285: {  	v32 =	vld [tilespmem:s23+$0xFFFFFF30]  }
0x286: {  	v33 =	vld [tilespmem:s23+$0xFFFFFF40]  }
0x287: {  	v34 =	vld [tilespmem:s23+$0xFFFFFF70]  }
0x288: {  	v35 =	vld [tilespmem:s23+$0xFFFFFF80]  }
0x289: {  	v36 =	vld [tilespmem:s23+$0xFFFFFFB0]  }
0x28a: {  	v37 =	vld [tilespmem:s23+$0xFFFFFFC0]  }
0x28b: {  	v38 =	vld [tilespmem:s23+$0xFFFFFFF0]  }
0x28c: {  	v3 =	vld [tilespmem:s23+$0x0]  }
0x28d: {  	v39 =	vld [tilespmem:$0x14510]  }
0x28e: {  	v40 =	vld [tilespmem:$0x14520]  }
0x28f: {  	v54 =	vld [tilespmem:$0x14540]  }
0x290: {  	v57 =	vld [tilespmem:$0x14560]  }
0x291: {  	v58 =	vld [tilespmem:$0x14570]  }
0x292: {  	v61 =	vld [tilespmem:$0x14590]  }
0x293: {  	v63 =	vld [tilespmem:$0x145B0]  }
0x294: {  	v41 =	vld [tilespmem:$0x14610]  }
0x295: {  	v42 =	vld [tilespmem:$0x14620]  }
0x296: {  	v19 =	vnsel vm10, $0x0, v19;
	v46 =	vld [tilespmem:$0x14630]  }
0x297: {  	v21 =	vnsel vm10, $0x0, v21;
	v16 =	vnsel vm9, $0x0, v16;
	v15 =	vnsel vm9, $0x0, v15;
	v47 =	vld [tilespmem:$0x14640]  }
0x298: {  	v12 =	vnsel vm8, $0x0, v12;
	v13 =	vnsel vm8, $0x0, v13;
	v49 =	vld [tilespmem:$0x14650];
	v22 =	vnsel vm11, $0x0, v22  }
0x299: {  	v10 =	vnsel vm7, $0x0, v10;
	v51 =	vld [tilespmem:$0x14660];
	v23 =	vnsel vm11, $0x0, v23;
	v14 =	vadd.f32 v22, v14  }
0x29a: {  	v11 =	vnsel vm7, $0x0, v11;
	v4 =	vnsel vm6, $0x0, v4;
	v20 =	vadd.f32 v23, v20;
	v23 =	vld [tilespmem:$0x14530]  }
0x29b: {  	v0 =	vadd.s32 v0, v1;
	v2 =	vcvt.s32.f32 v2;
	v14 =	vadd.f32 v19, v14;
	v19 =	vld [tilespmem:$0x14550]  }
0x29c: {  	vm13 =	vgt.s32 v0, $0x1;
	vm14 =	vgt.s32 v0, $0x3;
	v53 =	vnsel vm11, $0x0, v25;
	v25 =	vld [tilespmem:$0x14930]  }
0x29d: {  	vm15 =	vgt.s32 v0, $0x5;
	vm12 =	vgt.s32 v0, $0xD;
	v56 =	vnsel vm10, $0x0, v27;
	v27 =	vld [tilespmem:$0x145E0]  }
0x29e: {  	v2 =	vmax.f32 v2, $1.000000000e+00;
	v52 =	vnsel vm11, $0x0, v24;
	v17 =	vadd.f32 v53, v17;
	v53 =	vld [tilespmem:$0x14670]  }
0x29f: {  	(erf) = vrcp.f32 v2;
	v18 =	vadd.f32 v52, v18;
	v22 =	vadd.f32 $0.0e+00, v54;
	v54 =	vld [tilespmem:$0x14680]  }
0x2a0: {  	vm11 =	vgt.s32 v0, $0xB;
	v20 =	vadd.f32 v21, v20;
	v43 =	vnsel vm5, $0x0, v36;
	v36 =	vld [tilespmem:$0x14710]  }
0x2a1: {  	v55 =	vnsel vm10, $0x0, v26;
	v59 =	vnsel vm9, $0x0, v28;
	v48 =	vnsel vm4, $0x0, v38;
	v38 =	vld [tilespmem:$0x14720]  }
0x2a2: {  	v60 =	vnsel vm9, $0x0, v29;
	v62 =	vnsel vm8, $0x0, v30;
	v50 =	vadd.f32 $0.0e+00, v39;
	v39 =	vld [tilespmem:$0x14730]  }
0x2a3: {  	v30 =	vnsel vm8, $0x0, v31;
	v31 =	vnsel vm7, $0x0, v32;
	v32 =	vnsel vm7, $0x0, v33;
	v28 =	vld [tilespmem:$0x14800]  }
0x2a4: {  	v34 =	vnsel vm6, $0x0, v34;
	v35 =	vnsel vm6, $0x0, v35;
	v14 =	vadd.f32 v16, v14;
	v16 =	vld [tilespmem:$0x14580]  }
0x2a5: {  	v45 =	vnsel vm5, $0x0, v37;
	vm5 =	vgt.s32 v0, $0x0;
	v18 =	vadd.f32 v55, v18;
	v55 =	vld [tilespmem:$0x14690]  }
0x2a6: {  	v52 =	vadd.f32 $0.0e+00, v40;
	v58 =	vnsel vm13, $0x0, v58;
	v15 =	vadd.f32 v15, v20;
	v20 =	vld [tilespmem:$0x145A0]  }
0x2a7: {  	v17 =	vadd.f32 v56, v17;
	v56 =	vnsel vm13, $0x0, v57;
	v57 =	vld [tilespmem:$0x146A0];
	v18 =	vadd.f32 v59, v18  }
0x2a8: {  	vm9 =	vgt.s32 v0, $0x7;
	v12 =	vadd.f32 v12, v14;
	v23 =	vadd.f32 $0.0e+00, v23;
	v59 =	vld [tilespmem:$0x146B0]  }
0x2a9: {  	v1 =	vnsel vm5, $0x0, v50;
	v17 =	vadd.f32 v60, v17;
	v14 =	vadd.f32 v62, v18;
	v18 =	vld [tilespmem:$0x145C0]  }
0x2aa: {  	v13 =	vadd.f32 v13, v15;
	v19 =	vnsel vm13, $0x0, v19;
	v10 =	vadd.f32 v10, v12;
	v12 =	vld [tilespmem:$0x145D0]  }
0x2ab: {  	vm10 =	vgt.s32 v0, $0x9;
	v3 =	vnsel vm4, $0x0, v3;
	v1 =	vadd.f32 v19, v1;
	v62 =	vld [tilespmem:$0x146D0]  }
0x2ac: {  	v23 =	vnsel vm5, $0x0, v23;
	v17 =	vadd.f32 v30, v17;
	v11 =	vadd.f32 v11, v13;
	v30 =	vld [tilespmem:$0x14810]  }
0x2ad: {  	v22 =	vnsel vm5, $0x0, v22;
	v19 =	vadd.f32 v58, v23;
	v9 =	vadd.f32 v9, v10;
	v10 =	vld [tilespmem:$0x14600]  }
0x2ae: {  	v16 =	vnsel vm13, $0x0, v16;
	vm13 =	vgt.s32 v0, $0xF;
	v13 =	vadd.f32 v31, v14;
	v31 =	vld [tilespmem:$0x14820]  }
0x2af: {  	v14 =	vnsel vm5, $0x0, v52;
	vm5 =	vgt.s32 v0, $0x2;
	v33 =	vadd.f32 v32, v17;
	v17 =	vld [tilespmem:$0x145F0]  }
0x2b0: {  	v16 =	vadd.f32 v16, v22;
	v4 =	vadd.f32 v4, v11;
	v60 =	vnsel vm5, $0x0, v61;
	v61 =	vld [tilespmem:$0x146C0]  }
0x2b1: {  	v14 =	vadd.f32 v56, v14;
	v15 =	vnsel vm5, $0x0, v63;
	v63 =	vld [tilespmem:$0x146E0];
	v13 =	vadd.f32 v34, v13  }
0x2b2: {  	v20 =	vnsel vm5, $0x0, v20;
	v32 =	vld [tilespmem:$0x146F0];
	v8 =	vadd.f32 v8, v9;
	v1 =	vadd.f32 v60, v1  }
0x2b3: {  	v15 =	vadd.f32 v15, v19;
	v34 =	vld [tilespmem:$0x14700];
	v18 =	vnsel vm5, $0x0, v18;
	vm5 =	vgt.s32 v0, $0x4  }
0x2b4: {  	v11 =	vadd.f32 v35, v33;
	v44 =	vadd.f32 v7, v4;
	v37 =	vnsel vm5, $0x0, v41;
	v41 =	vld [tilespmem:$0x14740]  }
0x2b5: {  	v14 =	vadd.f32 v20, v14;
	v12 =	vnsel vm14, $0x0, v12;
	v9 =	vnsel vm5, $0x0, v42;
	v42 =	vld [tilespmem:$0x14750]  }
0x2b6: {  	v33 =	vnsel vm14, $0x0, v27;
	v13 =	vadd.f32 v43, v13;
	v40 =	vnsel vm5, $0x0, v46;
	v46 =	vld [tilespmem:$0x14770]  }
0x2b7: {  	v7 =	vadd.f32 v5, v8;
	v16 =	vadd.f32 v18, v16;
	v8 =	vnsel vm15, $0x0, v49;
	v49 =	vld [tilespmem:$0x14780]  }
0x2b8: {  	v1 =	vadd.f32 v12, v1;
	v43 =	vnsel vm15, $0x0, v51;
	v51 =	vld [tilespmem:$0x14790];
	v4 =	vadd.f32 v45, v11  }
0x2b9: {  	v22 =	vnsel vm9, $0x0, v62;
	v6 =	vadd.f32 v6, v44;
	v12 =	vadd.f32 v33, v14;
	v44 =	vld [tilespmem:$0x14760]  }
0x2ba: {  	v10 =	vnsel vm14, $0x0, v10;
	v11 =	vnsel vm5, $0x0, v47;
	v45 =	vnsel vm15, $0x0, v53;
	v53 =	vld [tilespmem:$0x147A0]  }
0x2bb: {  	vm5 =	vgt.s32 v0, $0x6;
	v47 =	vnsel vm15, $0x0, v54;
	v33 =	vld [tilespmem:$0x14830];
	vm15 =	vgt.s32 v0, $0x13  }
0x2bc: {  	v5 =	vadd.f32 v48, v13;
	v35 =	vnsel vm14, $0x0, v17;
	v48 =	vnsel vm5, $0x0, v55;
	v55 =	vld [tilespmem:$0x147B0]  }
0x2bd: {  	v10 =	vadd.f32 v10, v16;
	v1 =	vadd.f32 v37, v1;
	v50 =	vnsel vm5, $0x0, v57;
	v57 =	vld [tilespmem:$0x147C0]  }
0x2be: {  	v52 =	vnsel vm5, $0x0, v59;
	v54 =	vnsel vm5, $0x0, v61;
	v56 =	vnsel vm9, $0x0, v63;
	v59 =	vld [tilespmem:$0x147D0]  }
0x2bf: {  	v58 =	vnsel vm9, $0x0, v32;
	vm5 =	vgt.s32 v0, $0x8;
	v61 =	vld [tilespmem:$0x147E0];
	vm14 =	vgt.s32 v0, $0x11  }
0x2c0: {  	v63 =	vld [tilespmem:$0x147F0];
	v14 =	vadd.f32 v35, v15;
	v9 =	vadd.f32 v9, v12;
	v60 =	vnsel vm9, $0x0, v34  }
0x2c1: {  	v17 =	vnsel vm5, $0x0, v36;
	v62 =	vnsel vm5, $0x0, v38;
	v36 =	vld [tilespmem:$0x14840];
	v10 =	vadd.f32 v11, v10  }
0x2c2: {  	v26 =	vnsel vm5, $0x0, v39;
	v38 =	vld [tilespmem:$0x14850];
	v1 =	vadd.f32 v8, v1;
	v12 =	vadd.f32 v40, v14  }
0x2c3: {  	v8 =	vadd.f32 v43, v9;
	v29 =	vnsel vm5, $0x0, v41;
	v14 =	vnsel vm10, $0x0, v42;
	v40 =	vld [tilespmem:$0x14860]  }
0x2c4: {  	v32 =	vnsel vm10, $0x0, v46;
	vm5 =	vgt.s32 v0, $0xA;
	v34 =	vnsel vm10, $0x0, v49;
	v42 =	vld [tilespmem:$0x14870]  }
0x2c5: {  	v46 =	vld [tilespmem:$0x14890];
	v10 =	vadd.f32 v47, v10;
	v1 =	vadd.f32 v48, v1;
	v11 =	vnsel vm10, $0x0, v44  }
0x2c6: {  	v49 =	vld [tilespmem:$0x148A0];
	v35 =	vnsel vm5, $0x0, v51;
	v37 =	vnsel vm5, $0x0, v53;
	v47 =	vnsel vm11, $0x0, v28  }
0x2c7: {  	v44 =	vld [tilespmem:$0x14880];
	v9 =	vadd.f32 v45, v12;
	v8 =	vadd.f32 v50, v8;
	v39 =	vnsel vm5, $0x0, v55  }
0x2c8: {  	v51 =	vld [tilespmem:$0x148B0];
	v41 =	vnsel vm5, $0x0, v57;
	v19 =	vnsel vm11, $0x0, v59;
	v43 =	vnsel vm11, $0x0, v61  }
0x2c9: {  	v53 =	vld [tilespmem:$0x148C0];
	v45 =	vnsel vm11, $0x0, v63;
	vm5 =	vgt.s32 v0, $0xC;
	v10 =	vadd.f32 v54, v10  }
0x2ca: {  	v55 =	vld [tilespmem:$0x148D0];
	v1 =	vadd.f32 v22, v1;
	v48 =	vnsel vm5, $0x0, v30;
	v50 =	vnsel vm5, $0x0, v31  }
0x2cb: {  	v59 =	vld [tilespmem:$0x148F0];
	v54 =	vnsel vm5, $0x0, v36;
	v9 =	vadd.f32 v52, v9;
	v8 =	vadd.f32 v56, v8  }
0x2cc: {  	v61 =	vld [tilespmem:$0x14900];
	v52 =	vnsel vm5, $0x0, v33;
	vm5 =	vgt.s32 v0, $0xE;
	v10 =	vadd.f32 v60, v10  }
0x2cd: {  	v63 =	vld [tilespmem:$0x14910];
	v1 =	vadd.f32 v17, v1;
	v56 =	vnsel vm12, $0x0, v40;
	v17 =	vnsel vm5, $0x0, v46  }
0x2ce: {  	v27 =	vld [tilespmem:$0x14940];
	v9 =	vadd.f32 v58, v9;
	v8 =	vadd.f32 v62, v8;
	v58 =	vnsel vm12, $0x0, v42  }
0x2cf: {  	v57 =	vld [tilespmem:$0x148E0];
	v60 =	vnsel vm12, $0x0, v44;
	v62 =	vnsel vm5, $0x0, v49;
	v21 =	vnsel vm5, $0x0, v51  }
0x2d0: {  	v22 =	vld [tilespmem:$0x14920];
	v23 =	vnsel vm5, $0x0, v53;
	vm5 =	vgt.s32 v0, $0x10;
	v10 =	vadd.f32 v29, v10  }
0x2d1: {  	v31 =	vld [tilespmem:$0x14960];
	v1 =	vadd.f32 v14, v1;
	v14 =	vnsel vm12, $0x0, v38;
	v24 =	vnsel vm13, $0x0, v55  }
0x2d2: {  	v28 =	vnsel vm13, $0x0, v59;
	v30 =	vnsel vm13, $0x0, v61;
	v16 =	vnsel vm5, $0x0, v63  }
0x2d3: {  	v33 =	vld [tilespmem:$0x14970];
	v38 =	vnsel vm5, $0x0, v25;
	v40 =	vnsel vm5, $0x0, v27;
	v9 =	vadd.f32 v26, v9  }
0x2d4: {  	v36 =	vld [tilespmem:$0x14990];
	v59 =	vadd.f32 v3, v4;
	v8 =	vadd.f32 v11, v8;
	v26 =	vnsel vm13, $0x0, v57  }
0x2d5: {  	v12 =	vnsel vm5, $0x0, v22;
	v1 =	vadd.f32 v35, v1;
	v9 =	vadd.f32 v32, v9  }
0x2d6: {  	v42 =	vld [tilespmem:$0x149D0];
	v44 =	vnsel vm14, $0x0, v31;
	v10 =	vadd.f32 v34, v10;
	v8 =	vadd.f32 v37, v8  }
0x2d7: {  	v49 =	vld [tilespmem:$0x149F0];
	vm5 =	vgt.s32 v0, $0x12;
	v1 =	vadd.f32 v19, v1;
	v9 =	vadd.f32 v39, v9  }
0x2d8: {  	v11 =	vnsel vm14, $0x0, v33;
	v10 =	vadd.f32 v41, v10;
	v8 =	vadd.f32 v43, v8  }
0x2d9: {  	v29 =	vld [tilespmem:$0x14950];
	v46 =	vnsel vm5, $0x0, v36;
	v1 =	vadd.f32 v48, v1;
	v9 =	vadd.f32 v45, v9  }
0x2da: {  	v32 =	vcvt.s32.f32 v0;
	v10 =	vadd.f32 v47, v10;
	v8 =	vadd.f32 v50, v8  }
0x2db: {  	v34 =	vld [tilespmem:$0x14980];
	v51 =	vnsel vm15, $0x0, v42;
	v1 =	vadd.f32 v14, v1;
	v9 =	vadd.f32 v52, v9  }
0x2dc: {  	v0 =	vnsel vm15, $0x0, v49;
	v39 =	vld [tilespmem:$0x149A0];
	v10 =	vadd.f32 v54, v10;
	v8 =	vadd.f32 v56, v8  }
0x2dd: {  	v35 =	vmax.f32 v32, $1.000000000e+00;
	v1 =	vadd.f32 v17, v1;
	v9 =	vadd.f32 v58, v9  }
0x2de: {  	v41 =	vnsel vm14, $0x0, v29;
	v10 =	vadd.f32 v60, v10;
	v8 =	vadd.f32 v62, v8  }
0x2df: {  	(erf) = vrcp.f32 v35;
	v1 =	vadd.f32 v24, v1;
	v9 =	vadd.f32 v21, v9  }
0x2e0: {  	v47 =	vld [tilespmem:$0x149C0];
	v48 =	vnsel vm14, $0x0, v34;
	v10 =	vadd.f32 v23, v10;
	v8 =	vadd.f32 v26, v8  }
0x2e1: {  	v43 =	vld [tilespmem:$0x149B0];
	v52 =	vpop (erf);
	v50 =	vnsel vm5, $0x0, v39;
	v1 =	vadd.f32 v16, v1;
	v9 =	vadd.f32 v28, v9  }
0x2e2: {  	v45 =	vld [tilespmem:$0x149E0];
	v7 =	vmul.f32 v7, v52;
	v10 =	vadd.f32 v30, v10;
	v37 =	vadd.f32 v12, v8  }
0x2e3: {  	v6 =	vmul.f32 v6, v52;
	v1 =	vadd.f32 v41, v1;
	v8 =	vadd.f32 v38, v9  }
0x2e4: {  	v53 =	vld [tilespmem:$0x14A00];
	v61 =	vmul.f32 v5, v52;
	v9 =	vadd.f32 v40, v10;
	v2 =	vadd.f32 v44, v37  }
0x2e5: {  	s0 =	sshll.u32 s22, $0x7;
	v56 =	vnsel vm5, $0x0, v47;
	v1 =	vadd.f32 v46, v1;
	v8 =	vadd.f32 v11, v8  }
0x2e6: {  	s0 =	sand.u32 $0x3FFFFF80, s0;
	v10 =	vnsel vm5, $0x0, v43;
	v9 =	vadd.f32 v48, v9;
	v2 =	vadd.f32 v50, v2  }
0x2e7: {  	v54 =	vnsel vm15, $0x0, v45;
	[tilespmem:s0+$0x14A10] =	vst v7;
	v1 =	vadd.f32 v51, v1;
	v8 =	vadd.f32 v10, v8  }
0x2e8: {  	s21 =	sadd.s32 $0x1, s21;
	v62 =	vmul.f32 v59, v52;
	[tilespmem:s0+$0x14A20] =	vst v6;
	v55 =	vpop (erf);
	v2 =	vadd.f32 v54, v2;
	v57 =	vadd.f32 v56, v9  }
0x2e9: {  	p0 =	sne.s32 s21, $0x20;
	v60 =	vnsel vm15, $0x0, v53;
	[tilespmem:s0+$0x14A30] =	vst v61;
	v1 =	vmul.f32 v1, v55;
	v0 =	vadd.f32 v0, v8  }
.Ltmp6:
0x2ea: {  	[tilespmem:s0+$0x14A40] =	vst v62;
	v58 =	vmul.f32 v2, v55;
	v3 =	vadd.f32 v60, v57;
	(pc) =	sbr.rel @p0 .LBB2_6-.Ltmp6, $4  }
0x2eb: {  	[tilespmem:s0+$0x14A50] =	vst v1;
	v0 =	vmul.f32 v0, v55  }
0x2ec: {  	[tilespmem:s0+$0x14A60] =	vst v58;
	v63 =	vmul.f32 v3, v55  }
0x2ed: {  	[tilespmem:s0+$0x14A70] =	vst v0  }
0x2ee: {  	[tilespmem:s0+$0x14A80] =	vst v63  }
0x2ef: {  	s20 =	sadd.s32 $0x1, s20  }
0x2f0: {  	p0 =	sne.s32 s20, s8  }
.Ltmp7:
0x2f1: {  	_ = 	snop;
	(pc) =	sbr.rel @p0 .LBB2_1-.Ltmp7, $4  }
0x2f2: {  	[hbm4b:s7+s2] =	stream.linear.scatter [tilespmem:s19], [sflag:$0x3], $0x4000, $0x38;
	[tilespmem:$0x18A10] =	vst v63  }
0x2f3: {  	_ =	swait.ge [sflag:s9], $0x4000  }
0x2f4: {  	[sflag:s9] =	ssyncset.done $0x0  }
0x2f5: {  	[sflag:s9] =	ssyncadd.s32 $0xFFFFC000  }
0x2f6: {  	_ =	sfence.sel $0x180000  }
0x2f7: {  	[bflag:$0x0] =	sbarrier.arrive $0xFFFF  }
0x2f8: {  	_ =	strace $0x90000047  }
0x2f9: {  	s0 =	stileid.u32;
	[bflag:$0x2] =	sbarrier.arrive $0xFFFF  }
0x2fa: {  	p0 =	sne.s32 s0, $0x0;
	s0 =	rddreg [dreg:$0x1]  }
0x2fb: {  	s0 =	sadd.s32 @!p0 $0x100000, s0  }
0x2fc: {  	[sflag:s0] =	ssyncadd.tile.s32 @!p0 $0x1;
	_ =	shalt  }
.Lfunc_end2:
_tile_overlayer_lowered:
.L_overlay_start_2:
0x2fd: {  	(tag) =	ssettag $0x2  }
0x2fe: {  	s0 =	rddreg [dreg:$0x0];
	s2 =	stileid.u32  }
0x2ff: {  	s1 =	rddreg [dreg:$0x1];
	p0 =	sne.s32 s2, $0x0  }
0x300: {  	s3 =	rddreg [dreg:$0x2];
	[bflag:$0x3] =	sbarrier.arrive $0xFFFF;
	s2 =	simm.s32 @!p0 $0x1C03  }
0x301: {  	[timem:s3], [sflag:s2] =	dma.local @!p0 [hbm:s0], s1  }
0x302: {  	s0 =	simm.s32 @!p0 $0x3  }
0x303: {  	_ =	swait.ge @!p0 [sflag:s0], s1  }
0x304: {  	s1 =	ssub.s32 @!p0 $0x0, s1;
	[sflag:s0] =	ssyncset.done @!p0 $0x0  }
0x305: {  	[sflag:s0] =	ssyncadd.s32 @!p0 s1  }
0x306: {  	[bflag:$0x3] =	sbarrier.arrive $0xFFFF  }
0x307: {  	_ =	shalt  }

</sc_bundles>
